<compile_context>
chip_gen: v7x
topology: tpu7x:2x2x1
jax: 0.10.2.dev20260603
libtpu: 0.0.44.dev20260713+nightly
codegen_flags: <defaults>
</compile_context>

<pallas_src>
import functools

import jax
import jax.numpy as jnp
from jax import lax
from jax.experimental import pallas as pl
from jax.experimental.pallas import tpu as pltpu
from jax.experimental.pallas import tpu_sc as plsc

_N = 10000
_E = 320000
_D = 128
_C = 16

_NC = 2
_NS = 16
_NW = _NC * _NS
_K = 128
_CPT = 80
_EPAD = _NW * _CPT * _K
_NP = 10240
_TRASH = 10200
_RPT = _NP // _NS
_NBUF = 2
_J = 8
_NJ = _CPT // _J

_mesh = plsc.VectorSubcoreMesh(
    core_axis_name="c", subcore_axis_name="s", num_cores=_NC, num_subcores=_NS
)


def _load_block(src_hbm, dst_hbm, si2, di2, bsems, wid, j, sl):
    j0 = pl.multiple_of(j * _J, 8)
    pltpu.async_copy(src_hbm.at[wid].at[pl.ds(j0, _J)], si2.at[sl], bsems[sl])
    pltpu.async_copy(dst_hbm.at[wid].at[pl.ds(j0, _J)], di2.at[sl], bsems[sl])


def _wait_block(src_hbm, dst_hbm, si2, di2, bsems, wid, j, sl):
    j0 = pl.multiple_of(j * _J, 8)
    pltpu.make_async_copy(
        src_hbm.at[wid].at[pl.ds(j0, _J)], si2.at[sl], bsems[sl]).wait()
    pltpu.make_async_copy(
        dst_hbm.at[wid].at[pl.ds(j0, _J)], di2.at[sl], bsems[sl]).wait()


@functools.partial(
    pl.kernel,
    out_type=jax.ShapeDtypeStruct((_NC, _NP, _D), jnp.float32),
    mesh=_mesh,
    scratch_types=[
        pltpu.VMEM((2, _J, _K), jnp.int32),
        pltpu.VMEM((2, _J, _K), jnp.int32),
        pltpu.VMEM((_K, _D), jnp.float32),
        pltpu.VMEM((_K, _D), jnp.float32),
        pltpu.VMEM_SHARED((_NP, _D), jnp.float32),
        [pltpu.SemaphoreType.DMA] * 2,
        pltpu.SemaphoreType.DMA,
    ],
)
def _degree_kernel(src_hbm, dst_hbm, zeros_hbm, ones_s_hbm, ones_d_hbm,
                   out_hbm, si2, di2, ones_s, ones_d, acc, bsems, ssem):
    c = lax.axis_index("c")
    s = lax.axis_index("s")
    wid = c * _NS + s
    r0 = s * _RPT
    pltpu.sync_copy(ones_s_hbm, ones_s)
    pltpu.sync_copy(ones_d_hbm, ones_d)
    pltpu.sync_copy(zeros_hbm.at[pl.ds(r0, _RPT)], acc.at[pl.ds(r0, _RPT)])
    plsc.subcore_barrier()

    def emit_block(j, p, wait_next, load_next):
        for q in range(_J):
            pltpu.async_copy(ones_s, acc.at[si2.at[p].at[q]], ssem, add=True)
            pltpu.async_copy(ones_d, acc.at[di2.at[p].at[q]], ssem, add=True)
        for q in range(2 * _J):
            pltpu.make_async_copy(ones_s, acc.at[si2.at[p].at[0]],
                                  ssem).wait()
        if wait_next:
            _wait_block(src_hbm, dst_hbm, si2, di2, bsems, wid, j + 1, 1 - p)
        if load_next:
            _load_block(src_hbm, dst_hbm, si2, di2, bsems, wid, j + 2, p)

    _load_block(src_hbm, dst_hbm, si2, di2, bsems, wid, 0, 0)
    _load_block(src_hbm, dst_hbm, si2, di2, bsems, wid, 1, 1)
    _wait_block(src_hbm, dst_hbm, si2, di2, bsems, wid, 0, 0)

    def body(j0, carry):
        emit_block(j0 * 2, 0, True, True)
        emit_block(j0 * 2 + 1, 1, True, True)
        return carry

    lax.fori_loop(0, (_NJ - 2) // 2, body, 0)
    emit_block(_NJ - 2, 0, True, False)
    emit_block(_NJ - 1, 1, False, False)

    plsc.subcore_barrier()
    pltpu.sync_copy(acc.at[pl.ds(r0, _RPT)],
                    out_hbm.at[c].at[pl.ds(r0, _RPT)])


@functools.partial(
    pl.kernel,
    out_type=jax.ShapeDtypeStruct((_NC, _NP, _D), jnp.float32),
    mesh=_mesh,
    scratch_types=[
        pltpu.VMEM((_K,), jnp.int32),
        pltpu.VMEM((_K,), jnp.int32),
        pltpu.VMEM((1, _K), jnp.int32),
        pltpu.VMEM((1, _K), jnp.int32),
        pltpu.VMEM((_K, _D), jnp.float32),
        pltpu.VMEM((_K, _D), jnp.float32),
        pltpu.VMEM_SHARED((_NP, _D), jnp.float32),
        [pltpu.SemaphoreType.DMA] * 2,
    ],
)
def _agg_kernel(h_hbm, src_hbm, dst_hbm, zeros_hbm, out_hbm, si_a, si_b,
                di_a, di_b, rows_a, rows_b, acc_sh, gsems):
    c = lax.axis_index("c")
    s = lax.axis_index("s")
    wid = c * _NS + s
    r0 = s * _RPT
    pltpu.sync_copy(zeros_hbm.at[pl.ds(r0, _RPT)], acc_sh.at[pl.ds(r0, _RPT)])
    plsc.subcore_barrier()

    def body(i, carry):
        j = wid + i * _NW
        e = pl.multiple_of(j * _K, 8)
        pltpu.sync_copy(src_hbm.at[pl.ds(e, _K)], si_a)
        pltpu.async_copy(h_hbm.at[si_a], rows_a, gsems[0]).wait()
        pltpu.sync_copy(dst_hbm.at[pl.ds(e, _K)], di_a.at[0])
        pltpu.sync_copy(rows_a, acc_sh.at[di_a.at[0]], add=True)
        return carry

    nchunks = (_E // _K) // _NW + jnp.where(wid < (_E // _K) % _NW, 1, 0)
    lax.fori_loop(0, nchunks, body, 0)

    plsc.subcore_barrier()
    pltpu.sync_copy(acc_sh.at[pl.ds(r0, _RPT)],
                    out_hbm.at[c].at[pl.ds(r0, _RPT)])


_NB = 2000
_GRID = _N // _NB


def _norm_body(deg_ref, x_ref, ns_ref, nd_ref, h0_ref):
    p = deg_ref[...]
    ds = p[0, :, 0] + p[1, :, 0]
    di = p[0, :, 64] + p[1, :, 64]
    ns = jnp.where(ds > 0, lax.rsqrt(ds), 0.0)[:, None]
    nd = jnp.where(di > 0, lax.rsqrt(di), 0.0)[:, None]
    ns_ref[...] = ns
    nd_ref[...] = nd
    h0_ref[...] = x_ref[...] * ns


def _norm_stage(deg_parts, x):
    return pl.pallas_call(
        _norm_body,
        grid=(_GRID,),
        in_specs=[
            pl.BlockSpec((_NC, _NB, _D), lambda i: (0, i, 0)),
            pl.BlockSpec((_NB, _D), lambda i: (i, 0)),
        ],
        out_specs=[
            pl.BlockSpec((_NB, 1), lambda i: (i, 0)),
            pl.BlockSpec((_NB, 1), lambda i: (i, 0)),
            pl.BlockSpec((_NB, _D), lambda i: (i, 0)),
        ],
        out_shape=[
            jax.ShapeDtypeStruct((_N, 1), jnp.float32),
            jax.ShapeDtypeStruct((_N, 1), jnp.float32),
            jax.ShapeDtypeStruct((_N, _D), jnp.float32),
        ],
    )(deg_parts, x)


def _layer_body(p_ref, nd_ref, w_ref, b_ref, ns_ref, o_ref):
    a = (p_ref[0] + p_ref[1]) * nd_ref[...]
    y = jnp.dot(a, w_ref[...], preferred_element_type=jnp.float32) + b_ref[...]
    y = jnp.where(y > 0, y, 0.01 * y)
    o_ref[...] = y * ns_ref[...]


def _layer_stage(parts, nd, w, b, ns):
    return pl.pallas_call(
        _layer_body,
        grid=(_GRID,),
        in_specs=[
            pl.BlockSpec((_NC, _NB, _D), lambda i: (0, i, 0)),
            pl.BlockSpec((_NB, 1), lambda i: (i, 0)),
            pl.BlockSpec((_D, _D), lambda i: (0, 0)),
            pl.BlockSpec((1, _D), lambda i: (0, 0)),
            pl.BlockSpec((_NB, 1), lambda i: (i, 0)),
        ],
        out_specs=pl.BlockSpec((_NB, _D), lambda i: (i, 0)),
        out_shape=jax.ShapeDtypeStruct((_N, _D), jnp.float32),
    )(parts, nd, w, b, ns)


def _final_body(p_ref, nd_ref, w_ref, b_ref, wl_ref, bl_ref, o_ref):
    a = (p_ref[0] + p_ref[1]) * nd_ref[...]
    y = jnp.dot(a, w_ref[...], preferred_element_type=jnp.float32) + b_ref[...]
    y = jnp.where(y > 0, y, 0.01 * y)
    o_ref[...] = (
        jnp.dot(y, wl_ref[...], preferred_element_type=jnp.float32) + bl_ref[...]
    )


def _final_stage(parts, nd, w, b, wl, bl):
    return pl.pallas_call(
        _final_body,
        grid=(_GRID,),
        in_specs=[
            pl.BlockSpec((_NC, _NB, _D), lambda i: (0, i, 0)),
            pl.BlockSpec((_NB, 1), lambda i: (i, 0)),
            pl.BlockSpec((_D, _D), lambda i: (0, 0)),
            pl.BlockSpec((1, _D), lambda i: (0, 0)),
            pl.BlockSpec((_D, _C), lambda i: (0, 0)),
            pl.BlockSpec((1, _C), lambda i: (0, 0)),
        ],
        out_specs=pl.BlockSpec((_NB, _C), lambda i: (i, 0)),
        out_shape=jax.ShapeDtypeStruct((_N, _C), jnp.float32),
    )(parts, nd, w, b, wl, bl)


def kernel(in_feat, edge_index, W1, b1, W2, b2, W3, b3, W4, b4, W5, b5, Wl, bl):
    src = edge_index[0]
    dst = edge_index[1]
    npad = _EPAD - _E
    pad0 = jnp.zeros((npad,), jnp.int32)
    padt = _N + (jnp.arange(npad, dtype=jnp.int32) % (_NP - _N))
    src_agg = jnp.concatenate([src, pad0])
    src_deg = jnp.concatenate([src, padt]).reshape(_NW, _CPT, _K)
    dst_pad = jnp.concatenate([dst, padt])
    dst_deg = dst_pad.reshape(_NW, _CPT, _K)
    zeros_big = jnp.zeros((_NP, _D), jnp.float32)
    lanes = jnp.arange(_D) < 64
    ones_s = jnp.broadcast_to(lanes.astype(jnp.float32), (_K, _D))
    ones_d = jnp.broadcast_to((~lanes).astype(jnp.float32), (_K, _D))

    deg_parts = _degree_kernel(src_deg, dst_deg, zeros_big, ones_s, ones_d)
    ns, nd, h = _norm_stage(deg_parts, in_feat)
    for w, b in ((W1, b1), (W2, b2), (W3, b3), (W4, b4)):
        parts = _agg_kernel(h, src_agg, dst_pad, zeros_big)
        h = _layer_stage(parts, nd, w, b.reshape(1, _D), ns)
    parts = _agg_kernel(h, src_agg, dst_pad, zeros_big)
    return _final_stage(parts, nd, W5, b5.reshape(1, _D), Wl, bl.reshape(1, _C))

# --- scband reference (transcript-rebuilt; emitter-appended) ---
"""Pipeline reference for scband-gcn-13975823581721 (READ-ONLY COPY).

The authoritative reference and input builder live on the scoring server;
editing this copy changes nothing except your own understanding.
"""

import jax, jax.numpy as jnp
import numpy as np

N = 10000
E = 320000
D = 128
C = 16

def setup_inputs(seed: int = 0) -> dict:
    key = jax.random.key(seed)
    ks = jax.random.split(key, 16)
    in_feat = jax.random.normal(ks[0], (N, D), dtype=jnp.float32)
    edge_index = jax.random.randint(ks[1], (2, E), 0, N, dtype=jnp.int32)
    s = 1.0 / np.sqrt(D)
    inp = {"in_feat": in_feat, "edge_index": edge_index}
    for i in range(5):
        inp[f"W{i+1}"] = jax.random.normal(ks[2 + i], (D, D), dtype=jnp.float32) * s
        inp[f"b{i+1}"] = jnp.zeros((D,), dtype=jnp.float32)
    inp["Wl"] = jax.random.normal(ks[8], (D, C), dtype=jnp.float32) * s
    inp["bl"] = jnp.zeros((C,), dtype=jnp.float32)
    return inp

def _graph_conv(x, src, dst, W, b):
    # DGL GraphConv with norm='both': h_i = sum_j 1/sqrt(d_out(j) d_in(i)) x_j W + b
    deg_out = jnp.bincount(src, length=N).astype(jnp.float32)
    deg_in = jnp.bincount(dst, length=N).astype(jnp.float32)
    norm_src = jnp.where(deg_out > 0, 1.0 / jnp.sqrt(deg_out), 0.0)
    norm_dst = jnp.where(deg_in > 0, 1.0 / jnp.sqrt(deg_in), 0.0)
    h = x * norm_src[:, None]
    m = jnp.take(h, src, axis=0)
    agg = jax.ops.segment_sum(m, dst, num_segments=N)
    agg = agg * norm_dst[:, None]
    return agg @ W + b

def _leaky_relu(h):
    return jnp.where(h > 0, h, 0.01 * h)

def reference(in_feat, edge_index, W1, b1, W2, b2, W3, b3, W4, b4, W5, b5, Wl, bl):
    src = edge_index[0]
    dst = edge_index[1]
    h = _leaky_relu(_graph_conv(in_feat, src, dst, W1, b1))
    h = _leaky_relu(_graph_conv(h, src, dst, W2, b2))
    h = _leaky_relu(_graph_conv(h, src, dst, W3, b3))
    h = _leaky_relu(_graph_conv(h, src, dst, W4, b4))
    h = _leaky_relu(_graph_conv(h, src, dst, W5, b5))
    h = h @ Wl + bl
    return h

if __name__ == "__main__":
    import jax
    _d = setup_inputs()
    print(jax.jit(kernel)(*tuple(_d.values())))

</pallas_src>

<mosaic_0001>
#map = affine_map<(d0, d1) -> (0, 0)>
#map1 = affine_map<(d0, d1) -> (0)>
#map2 = affine_map<(d0, d1) -> (0, 0, 0)>
module attributes {stable_mosaic.version = 14 : i64} {
  func.func @_agg_kernel(%arg0: i32, %arg1: i32, %arg2: memref<10000x128xf32, #tpu.memory_space<hbm>>, %arg3: memref<327680xi32, #tpu.memory_space<hbm>>, %arg4: memref<327680xi32, #tpu.memory_space<hbm>>, %arg5: memref<10240x128xf32, #tpu.memory_space<hbm>>, %arg6: memref<2x10240x128xf32, #tpu.memory_space<hbm>>, %arg7: memref<128xi32, #tpu.memory_space<vmem>>, %arg8: memref<128xi32, #tpu.memory_space<vmem>>, %arg9: memref<1x128xi32, #tpu.memory_space<vmem>>, %arg10: memref<1x128xi32, #tpu.memory_space<vmem>>, %arg11: memref<128x128xf32, #tpu.memory_space<vmem>>, %arg12: memref<128x128xf32, #tpu.memory_space<vmem>>, %arg13: memref<10240x128xf32, #tpu.memory_space<vmem_shared>>, %arg14: memref<!tpu.dma_semaphore, #tpu.memory_space<semaphore_mem>>, %arg15: memref<!tpu.dma_semaphore, #tpu.memory_space<semaphore_mem>>) attributes {dimension_semantics = [#tpu.dimension_semantics<core_parallel>, #tpu.dimension_semantics<subcore_parallel>], iteration_bounds = array<i64: 2, 16>, scalar_prefetch = 0 : i64, scratch_operands = 9 : i64, tpu.core_type = #tpu.core_type<sc_vector_subcore>, window_params = [{transform_indices = #map}, {transform_indices = #map1}, {transform_indices = #map1}, {transform_indices = #map}, {transform_indices = #map2}]} {
    %mul3A = arith.constant 16 : i32
    %mul3A_0 = arith.muli %arg0, %mul3A : i32
    %add3A = arith.addi %mul3A_0, %arg1 : i32
    %mul3A_1 = arith.constant 640 : i32
    %mul3A_2 = arith.muli %arg1, %mul3A_1 : i32
    "tpu.region"() ({
      %run_scoped3A = tpu.sem_alloc : memref<!tpu.dma_semaphore, #tpu.memory_space<semaphore_mem>>
      %dma_start3A = arith.constant 0 : i32
      %dma_start3A_17 = tpu.memref_slice %arg13[%mul3A_2, %dma_start3A] : memref<10240x128xf32, #tpu.memory_space<vmem_shared>> -> memref<640x128xf32, #tpu.memory_space<vmem_shared>>
      %dma_start3A_18 = arith.constant 0 : i32
      %dma_start3A_19 = tpu.memref_slice %arg5[%mul3A_2, %dma_start3A_18] : memref<10240x128xf32, #tpu.memory_space<hbm>> -> memref<640x128xf32, #tpu.memory_space<hbm>>
      tpu.enqueue_dma source(%dma_start3A_19 : memref<640x128xf32, #tpu.memory_space<hbm>>) target(%dma_start3A_17 : memref<640x128xf32, #tpu.memory_space<vmem_shared>>) target_semaphore(%run_scoped3A : memref<!tpu.dma_semaphore, #tpu.memory_space<semaphore_mem>>)
      %dma_wait3A = arith.constant 0 : i32
      %dma_wait3A_20 = tpu.memref_slice %arg13[%mul3A_2, %dma_wait3A] : memref<10240x128xf32, #tpu.memory_space<vmem_shared>> -> memref<640x128xf32, #tpu.memory_space<vmem_shared>>
      %dma_wait3A_21 = arith.constant 0 : i32
      %dma_wait3A_22 = tpu.memref_slice %arg5[%mul3A_2, %dma_wait3A_21] : memref<10240x128xf32, #tpu.memory_space<hbm>> -> memref<640x128xf32, #tpu.memory_space<hbm>>
      tpu.wait_dma2 semaphore(%run_scoped3A : memref<!tpu.dma_semaphore, #tpu.memory_space<semaphore_mem>>) src(%dma_wait3A_22 : memref<640x128xf32, #tpu.memory_space<hbm>>) dst(%dma_wait3A_20 : memref<640x128xf32, #tpu.memory_space<vmem_shared>>)
      tpu.yield
    }) : () -> ()
    %barrier3A = arith.constant 0 : index
    tpu.barrier barrier_id(%barrier3A)
    %lt3A = arith.constant 4 : i32
    %lt3A_3 = arith.cmpi slt, %add3A, %lt3A : i32
    %jit3A = arith.constant 1 : i32
    %jit3A_4 = arith.constant 0 : i32
    %select_n3A = arith.select %lt3A_3, %jit3A, %jit3A_4 : i32
    %add3A_5 = arith.constant 78 : i32
    %add3A_6 = arith.addi %add3A_5, %select_n3A : i32
    %while3A = arith.constant 0 : i32
    %while3A_7 = arith.constant 0 : i32
    %while3A_8 = arith.subi %add3A_6, %while3A_7 : i32
    %while3A_9 = arith.addi %while3A_7, %while3A_8 : i32
    %while3A_10 = arith.constant 1 : i32
    %while3A_11 = arith.divsi %while3A_8, %while3A_10 : i32
    %while3A_12 = arith.muli %while3A_11, %while3A_10 : i32
    %while3A_13 = arith.addi %while3A_7, %while3A_12 : i32
    %while3A_14 = arith.constant 1 : i32
    scf.for %while3A_17 = %while3A_7 to %while3A_13 step %while3A_14  : i32 {
      %mul3A_18 = arith.constant 32 : i32
      %mul3A_19 = arith.muli %while3A_17, %mul3A_18 : i32
      %add3A_20 = arith.addi %add3A, %mul3A_19 : i32
      %mul3A_21 = arith.constant 128 : i32
      %mul3A_22 = arith.muli %add3A_20, %mul3A_21 : i32
      %multiple_of3A = tpu.assume_multiple %mul3A_22, 8 : i32
      "tpu.region"() ({
        %run_scoped3A_28 = tpu.sem_alloc : memref<!tpu.dma_semaphore, #tpu.memory_space<semaphore_mem>>
        %dma_start3A_29 = tpu.memref_slice %arg3[%multiple_of3A] : memref<327680xi32, #tpu.memory_space<hbm>> -> memref<128xi32, #tpu.memory_space<hbm>>
        %dma_start3A_30 = tpu.memref_slice %arg3[%multiple_of3A] : memref<327680xi32, #tpu.memory_space<hbm>> -> memref<128xi32, #tpu.memory_space<hbm>>
        tpu.enqueue_dma source(%dma_start3A_30 : memref<128xi32, #tpu.memory_space<hbm>>) target(%arg7 : memref<128xi32, #tpu.memory_space<vmem>>) target_semaphore(%run_scoped3A_28 : memref<!tpu.dma_semaphore, #tpu.memory_space<semaphore_mem>>)
        %dma_wait3A_31 = tpu.memref_slice %arg3[%multiple_of3A] : memref<327680xi32, #tpu.memory_space<hbm>> -> memref<128xi32, #tpu.memory_space<hbm>>
        %dma_wait3A_32 = tpu.memref_slice %arg3[%multiple_of3A] : memref<327680xi32, #tpu.memory_space<hbm>> -> memref<128xi32, #tpu.memory_space<hbm>>
        tpu.wait_dma2 semaphore(%run_scoped3A_28 : memref<!tpu.dma_semaphore, #tpu.memory_space<semaphore_mem>>) src(%dma_wait3A_32 : memref<128xi32, #tpu.memory_space<hbm>>) dst(%arg7 : memref<128xi32, #tpu.memory_space<vmem>>)
        tpu.yield
      }) : () -> ()
      %dma_start3A = arith.constant 0 : i32
      %dma_start3A_23 = arith.constant 0 : i32
      %dma_start3A_24 = tpu.memref_slice %arg2[%dma_start3A, %dma_start3A_23] : memref<10000x128xf32, #tpu.memory_space<hbm>> -> memref<10000x128xf32, #tpu.memory_space<hbm>>
      tpu.enqueue_indirect_dma source(%dma_start3A_24 : memref<10000x128xf32, #tpu.memory_space<hbm>>) target(%arg11 : memref<128x128xf32, #tpu.memory_space<vmem>>) offsets(%arg7 : memref<128xi32, #tpu.memory_space<vmem>>) semaphore(%arg14 : memref<!tpu.dma_semaphore, #tpu.memory_space<semaphore_mem>>)
      %dma_wait3A = arith.constant 0 : i32
      %dma_wait3A_25 = arith.constant 0 : i32
      %dma_wait3A_26 = tpu.memref_slice %arg2[%dma_wait3A, %dma_wait3A_25] : memref<10000x128xf32, #tpu.memory_space<hbm>> -> memref<10000x128xf32, #tpu.memory_space<hbm>>
      tpu.wait_indirect_dma semaphore(%arg14 : memref<!tpu.dma_semaphore, #tpu.memory_space<semaphore_mem>>) src(%dma_wait3A_26 : memref<10000x128xf32, #tpu.memory_space<hbm>>) dst(%arg11 : memref<128x128xf32, #tpu.memory_space<vmem>>)
      %run_scoped3A = arith.constant 0 : i32
      "tpu.region"() ({
        %run_scoped3A_28 = tpu.sem_alloc : memref<!tpu.dma_semaphore, #tpu.memory_space<semaphore_mem>>
        %dma_start3A_29 = arith.constant 0 : i32
        %dma_start3A_30 = tpu.memref_slice %arg9[%run_scoped3A, %dma_start3A_29] : memref<1x128xi32, #tpu.memory_space<vmem>> -> memref<1x128xi32, #tpu.memory_space<vmem>>
        %dma_start3A_31 = tpu.memref_squeeze %dma_start3A_30 : memref<1x128xi32, #tpu.memory_space<vmem>> -> memref<128xi32, #tpu.memory_space<vmem>>
        %dma_start3A_32 = tpu.memref_slice %arg4[%multiple_of3A] : memref<327680xi32, #tpu.memory_space<hbm>> -> memref<128xi32, #tpu.memory_space<hbm>>
        %dma_start3A_33 = arith.constant 0 : i32
        %dma_start3A_34 = tpu.memref_slice %arg9[%run_scoped3A, %dma_start3A_33] : memref<1x128xi32, #tpu.memory_space<vmem>> -> memref<1x128xi32, #tpu.memory_space<vmem>>
        %dma_start3A_35 = tpu.memref_squeeze %dma_start3A_34 : memref<1x128xi32, #tpu.memory_space<vmem>> -> memref<128xi32, #tpu.memory_space<vmem>>
        %dma_start3A_36 = tpu.memref_slice %arg4[%multiple_of3A] : memref<327680xi32, #tpu.memory_space<hbm>> -> memref<128xi32, #tpu.memory_space<hbm>>
        tpu.enqueue_dma source(%dma_start3A_36 : memref<128xi32, #tpu.memory_space<hbm>>) target(%dma_start3A_35 : memref<128xi32, #tpu.memory_space<vmem>>) target_semaphore(%run_scoped3A_28 : memref<!tpu.dma_semaphore, #tpu.memory_space<semaphore_mem>>)
        %dma_wait3A_37 = arith.constant 0 : i32
        %dma_wait3A_38 = tpu.memref_slice %arg9[%run_scoped3A, %dma_wait3A_37] : memref<1x128xi32, #tpu.memory_space<vmem>> -> memref<1x128xi32, #tpu.memory_space<vmem>>
        %dma_wait3A_39 = tpu.memref_squeeze %dma_wait3A_38 : memref<1x128xi32, #tpu.memory_space<vmem>> -> memref<128xi32, #tpu.memory_space<vmem>>
        %dma_wait3A_40 = tpu.memref_slice %arg4[%multiple_of3A] : memref<327680xi32, #tpu.memory_space<hbm>> -> memref<128xi32, #tpu.memory_space<hbm>>
        %dma_wait3A_41 = arith.constant 0 : i32
        %dma_wait3A_42 = tpu.memref_slice %arg9[%run_scoped3A, %dma_wait3A_41] : memref<1x128xi32, #tpu.memory_space<vmem>> -> memref<1x128xi32, #tpu.memory_space<vmem>>
        %dma_wait3A_43 = tpu.memref_squeeze %dma_wait3A_42 : memref<1x128xi32, #tpu.memory_space<vmem>> -> memref<128xi32, #tpu.memory_space<vmem>>
        %dma_wait3A_44 = tpu.memref_slice %arg4[%multiple_of3A] : memref<327680xi32, #tpu.memory_space<hbm>> -> memref<128xi32, #tpu.memory_space<hbm>>
        tpu.wait_dma2 semaphore(%run_scoped3A_28 : memref<!tpu.dma_semaphore, #tpu.memory_space<semaphore_mem>>) src(%dma_wait3A_44 : memref<128xi32, #tpu.memory_space<hbm>>) dst(%dma_wait3A_43 : memref<128xi32, #tpu.memory_space<vmem>>)
        tpu.yield
      }) : () -> ()
      %run_scoped3A_27 = arith.constant 0 : i32
      "tpu.region"() ({
        %run_scoped3A_28 = tpu.sem_alloc : memref<!tpu.dma_semaphore, #tpu.memory_space<semaphore_mem>>
        %dma_start3A_29 = arith.constant 0 : i32
        %dma_start3A_30 = tpu.memref_slice %arg9[%run_scoped3A_27, %dma_start3A_29] : memref<1x128xi32, #tpu.memory_space<vmem>> -> memref<1x128xi32, #tpu.memory_space<vmem>>
        %dma_start3A_31 = tpu.memref_squeeze %dma_start3A_30 : memref<1x128xi32, #tpu.memory_space<vmem>> -> memref<128xi32, #tpu.memory_space<vmem>>
        %dma_start3A_32 = arith.constant 0 : i32
        %dma_start3A_33 = arith.constant 0 : i32
        %dma_start3A_34 = tpu.memref_slice %arg13[%dma_start3A_32, %dma_start3A_33] : memref<10240x128xf32, #tpu.memory_space<vmem_shared>> -> memref<10240x128xf32, #tpu.memory_space<vmem_shared>>
        tpu.enqueue_indirect_dma source(%arg11 : memref<128x128xf32, #tpu.memory_space<vmem>>) target(%dma_start3A_34 : memref<10240x128xf32, #tpu.memory_space<vmem_shared>>) offsets(%dma_start3A_31 : memref<128xi32, #tpu.memory_space<vmem>>) semaphore(%run_scoped3A_28 : memref<!tpu.dma_semaphore, #tpu.memory_space<semaphore_mem>>) {add = true}
        %dma_wait3A_35 = arith.constant 0 : i32
        %dma_wait3A_36 = tpu.memref_slice %arg9[%run_scoped3A_27, %dma_wait3A_35] : memref<1x128xi32, #tpu.memory_space<vmem>> -> memref<1x128xi32, #tpu.memory_space<vmem>>
        %dma_wait3A_37 = tpu.memref_squeeze %dma_wait3A_36 : memref<1x128xi32, #tpu.memory_space<vmem>> -> memref<128xi32, #tpu.memory_space<vmem>>
        %dma_wait3A_38 = arith.constant 0 : i32
        %dma_wait3A_39 = arith.constant 0 : i32
        %dma_wait3A_40 = tpu.memref_slice %arg13[%dma_wait3A_38, %dma_wait3A_39] : memref<10240x128xf32, #tpu.memory_space<vmem_shared>> -> memref<10240x128xf32, #tpu.memory_space<vmem_shared>>
        tpu.wait_indirect_dma semaphore(%run_scoped3A_28 : memref<!tpu.dma_semaphore, #tpu.memory_space<semaphore_mem>>) src(%arg11 : memref<128x128xf32, #tpu.memory_space<vmem>>) dst(%dma_wait3A_40 : memref<10240x128xf32, #tpu.memory_space<vmem_shared>>)
        tpu.yield
      }) : () -> ()
    }
    %while3A_15 = arith.constant 1 : i32
    scf.for %while3A_17 = %while3A_13 to %while3A_9 step %while3A_15  : i32 {
      %mul3A_18 = arith.constant 32 : i32
      %mul3A_19 = arith.muli %while3A_17, %mul3A_18 : i32
      %add3A_20 = arith.addi %add3A, %mul3A_19 : i32
      %mul3A_21 = arith.constant 128 : i32
      %mul3A_22 = arith.muli %add3A_20, %mul3A_21 : i32
      %multiple_of3A = tpu.assume_multiple %mul3A_22, 8 : i32
      "tpu.region"() ({
        %run_scoped3A_28 = tpu.sem_alloc : memref<!tpu.dma_semaphore, #tpu.memory_space<semaphore_mem>>
        %dma_start3A_29 = tpu.memref_slice %arg3[%multiple_of3A] : memref<327680xi32, #tpu.memory_space<hbm>> -> memref<128xi32, #tpu.memory_space<hbm>>
        %dma_start3A_30 = tpu.memref_slice %arg3[%multiple_of3A] : memref<327680xi32, #tpu.memory_space<hbm>> -> memref<128xi32, #tpu.memory_space<hbm>>
        tpu.enqueue_dma source(%dma_start3A_30 : memref<128xi32, #tpu.memory_space<hbm>>) target(%arg7 : memref<128xi32, #tpu.memory_space<vmem>>) target_semaphore(%run_scoped3A_28 : memref<!tpu.dma_semaphore, #tpu.memory_space<semaphore_mem>>)
        %dma_wait3A_31 = tpu.memref_slice %arg3[%multiple_of3A] : memref<327680xi32, #tpu.memory_space<hbm>> -> memref<128xi32, #tpu.memory_space<hbm>>
        %dma_wait3A_32 = tpu.memref_slice %arg3[%multiple_of3A] : memref<327680xi32, #tpu.memory_space<hbm>> -> memref<128xi32, #tpu.memory_space<hbm>>
        tpu.wait_dma2 semaphore(%run_scoped3A_28 : memref<!tpu.dma_semaphore, #tpu.memory_space<semaphore_mem>>) src(%dma_wait3A_32 : memref<128xi32, #tpu.memory_space<hbm>>) dst(%arg7 : memref<128xi32, #tpu.memory_space<vmem>>)
        tpu.yield
      }) : () -> ()
      %dma_start3A = arith.constant 0 : i32
      %dma_start3A_23 = arith.constant 0 : i32
      %dma_start3A_24 = tpu.memref_slice %arg2[%dma_start3A, %dma_start3A_23] : memref<10000x128xf32, #tpu.memory_space<hbm>> -> memref<10000x128xf32, #tpu.memory_space<hbm>>
      tpu.enqueue_indirect_dma source(%dma_start3A_24 : memref<10000x128xf32, #tpu.memory_space<hbm>>) target(%arg11 : memref<128x128xf32, #tpu.memory_space<vmem>>) offsets(%arg7 : memref<128xi32, #tpu.memory_space<vmem>>) semaphore(%arg14 : memref<!tpu.dma_semaphore, #tpu.memory_space<semaphore_mem>>)
      %dma_wait3A = arith.constant 0 : i32
      %dma_wait3A_25 = arith.constant 0 : i32
      %dma_wait3A_26 = tpu.memref_slice %arg2[%dma_wait3A, %dma_wait3A_25] : memref<10000x128xf32, #tpu.memory_space<hbm>> -> memref<10000x128xf32, #tpu.memory_space<hbm>>
      tpu.wait_indirect_dma semaphore(%arg14 : memref<!tpu.dma_semaphore, #tpu.memory_space<semaphore_mem>>) src(%dma_wait3A_26 : memref<10000x128xf32, #tpu.memory_space<hbm>>) dst(%arg11 : memref<128x128xf32, #tpu.memory_space<vmem>>)
      %run_scoped3A = arith.constant 0 : i32
      "tpu.region"() ({
        %run_scoped3A_28 = tpu.sem_alloc : memref<!tpu.dma_semaphore, #tpu.memory_space<semaphore_mem>>
        %dma_start3A_29 = arith.constant 0 : i32
        %dma_start3A_30 = tpu.memref_slice %arg9[%run_scoped3A, %dma_start3A_29] : memref<1x128xi32, #tpu.memory_space<vmem>> -> memref<1x128xi32, #tpu.memory_space<vmem>>
        %dma_start3A_31 = tpu.memref_squeeze %dma_start3A_30 : memref<1x128xi32, #tpu.memory_space<vmem>> -> memref<128xi32, #tpu.memory_space<vmem>>
        %dma_start3A_32 = tpu.memref_slice %arg4[%multiple_of3A] : memref<327680xi32, #tpu.memory_space<hbm>> -> memref<128xi32, #tpu.memory_space<hbm>>
        %dma_start3A_33 = arith.constant 0 : i32
        %dma_start3A_34 = tpu.memref_slice %arg9[%run_scoped3A, %dma_start3A_33] : memref<1x128xi32, #tpu.memory_space<vmem>> -> memref<1x128xi32, #tpu.memory_space<vmem>>
        %dma_start3A_35 = tpu.memref_squeeze %dma_start3A_34 : memref<1x128xi32, #tpu.memory_space<vmem>> -> memref<128xi32, #tpu.memory_space<vmem>>
        %dma_start3A_36 = tpu.memref_slice %arg4[%multiple_of3A] : memref<327680xi32, #tpu.memory_space<hbm>> -> memref<128xi32, #tpu.memory_space<hbm>>
        tpu.enqueue_dma source(%dma_start3A_36 : memref<128xi32, #tpu.memory_space<hbm>>) target(%dma_start3A_35 : memref<128xi32, #tpu.memory_space<vmem>>) target_semaphore(%run_scoped3A_28 : memref<!tpu.dma_semaphore, #tpu.memory_space<semaphore_mem>>)
        %dma_wait3A_37 = arith.constant 0 : i32
        %dma_wait3A_38 = tpu.memref_slice %arg9[%run_scoped3A, %dma_wait3A_37] : memref<1x128xi32, #tpu.memory_space<vmem>> -> memref<1x128xi32, #tpu.memory_space<vmem>>
        %dma_wait3A_39 = tpu.memref_squeeze %dma_wait3A_38 : memref<1x128xi32, #tpu.memory_space<vmem>> -> memref<128xi32, #tpu.memory_space<vmem>>
        %dma_wait3A_40 = tpu.memref_slice %arg4[%multiple_of3A] : memref<327680xi32, #tpu.memory_space<hbm>> -> memref<128xi32, #tpu.memory_space<hbm>>
        %dma_wait3A_41 = arith.constant 0 : i32
        %dma_wait3A_42 = tpu.memref_slice %arg9[%run_scoped3A, %dma_wait3A_41] : memref<1x128xi32, #tpu.memory_space<vmem>> -> memref<1x128xi32, #tpu.memory_space<vmem>>
        %dma_wait3A_43 = tpu.memref_squeeze %dma_wait3A_42 : memref<1x128xi32, #tpu.memory_space<vmem>> -> memref<128xi32, #tpu.memory_space<vmem>>
        %dma_wait3A_44 = tpu.memref_slice %arg4[%multiple_of3A] : memref<327680xi32, #tpu.memory_space<hbm>> -> memref<128xi32, #tpu.memory_space<hbm>>
        tpu.wait_dma2 semaphore(%run_scoped3A_28 : memref<!tpu.dma_semaphore, #tpu.memory_space<semaphore_mem>>) src(%dma_wait3A_44 : memref<128xi32, #tpu.memory_space<hbm>>) dst(%dma_wait3A_43 : memref<128xi32, #tpu.memory_space<vmem>>)
        tpu.yield
      }) : () -> ()
      %run_scoped3A_27 = arith.constant 0 : i32
      "tpu.region"() ({
        %run_scoped3A_28 = tpu.sem_alloc : memref<!tpu.dma_semaphore, #tpu.memory_space<semaphore_mem>>
        %dma_start3A_29 = arith.constant 0 : i32
        %dma_start3A_30 = tpu.memref_slice %arg9[%run_scoped3A_27, %dma_start3A_29] : memref<1x128xi32, #tpu.memory_space<vmem>> -> memref<1x128xi32, #tpu.memory_space<vmem>>
        %dma_start3A_31 = tpu.memref_squeeze %dma_start3A_30 : memref<1x128xi32, #tpu.memory_space<vmem>> -> memref<128xi32, #tpu.memory_space<vmem>>
        %dma_start3A_32 = arith.constant 0 : i32
        %dma_start3A_33 = arith.constant 0 : i32
        %dma_start3A_34 = tpu.memref_slice %arg13[%dma_start3A_32, %dma_start3A_33] : memref<10240x128xf32, #tpu.memory_space<vmem_shared>> -> memref<10240x128xf32, #tpu.memory_space<vmem_shared>>
        tpu.enqueue_indirect_dma source(%arg11 : memref<128x128xf32, #tpu.memory_space<vmem>>) target(%dma_start3A_34 : memref<10240x128xf32, #tpu.memory_space<vmem_shared>>) offsets(%dma_start3A_31 : memref<128xi32, #tpu.memory_space<vmem>>) semaphore(%run_scoped3A_28 : memref<!tpu.dma_semaphore, #tpu.memory_space<semaphore_mem>>) {add = true}
        %dma_wait3A_35 = arith.constant 0 : i32
        %dma_wait3A_36 = tpu.memref_slice %arg9[%run_scoped3A_27, %dma_wait3A_35] : memref<1x128xi32, #tpu.memory_space<vmem>> -> memref<1x128xi32, #tpu.memory_space<vmem>>
        %dma_wait3A_37 = tpu.memref_squeeze %dma_wait3A_36 : memref<1x128xi32, #tpu.memory_space<vmem>> -> memref<128xi32, #tpu.memory_space<vmem>>
        %dma_wait3A_38 = arith.constant 0 : i32
        %dma_wait3A_39 = arith.constant 0 : i32
        %dma_wait3A_40 = tpu.memref_slice %arg13[%dma_wait3A_38, %dma_wait3A_39] : memref<10240x128xf32, #tpu.memory_space<vmem_shared>> -> memref<10240x128xf32, #tpu.memory_space<vmem_shared>>
        tpu.wait_indirect_dma semaphore(%run_scoped3A_28 : memref<!tpu.dma_semaphore, #tpu.memory_space<semaphore_mem>>) src(%arg11 : memref<128x128xf32, #tpu.memory_space<vmem>>) dst(%dma_wait3A_40 : memref<10240x128xf32, #tpu.memory_space<vmem_shared>>)
        tpu.yield
      }) : () -> ()
    }
    %barrier3A_16 = arith.constant 0 : index
    tpu.barrier barrier_id(%barrier3A_16)
    "tpu.region"() ({
      %run_scoped3A = tpu.sem_alloc : memref<!tpu.dma_semaphore, #tpu.memory_space<semaphore_mem>>
      %dma_start3A = arith.constant 0 : i32
      %dma_start3A_17 = arith.constant 0 : i32
      %dma_start3A_18 = tpu.memref_slice %arg6[%arg0, %dma_start3A, %dma_start3A_17] : memref<2x10240x128xf32, #tpu.memory_space<hbm>> -> memref<1x10240x128xf32, #tpu.memory_space<hbm>>
      %dma_start3A_19 = tpu.memref_squeeze %dma_start3A_18 : memref<1x10240x128xf32, #tpu.memory_space<hbm>> -> memref<10240x128xf32, #tpu.memory_space<hbm>>
      %dma_start3A_20 = arith.constant 0 : i32
      %dma_start3A_21 = tpu.memref_slice %dma_start3A_19[%mul3A_2, %dma_start3A_20] : memref<10240x128xf32, #tpu.memory_space<hbm>> -> memref<640x128xf32, #tpu.memory_space<hbm>>
      %dma_start3A_22 = arith.constant 0 : i32
      %dma_start3A_23 = tpu.memref_slice %arg13[%mul3A_2, %dma_start3A_22] : memref<10240x128xf32, #tpu.memory_space<vmem_shared>> -> memref<640x128xf32, #tpu.memory_space<vmem_shared>>
      tpu.enqueue_dma source(%dma_start3A_23 : memref<640x128xf32, #tpu.memory_space<vmem_shared>>) target(%dma_start3A_21 : memref<640x128xf32, #tpu.memory_space<hbm>>) target_semaphore(%run_scoped3A : memref<!tpu.dma_semaphore, #tpu.memory_space<semaphore_mem>>)
      %dma_wait3A = arith.constant 0 : i32
      %dma_wait3A_24 = arith.constant 0 : i32
      %dma_wait3A_25 = tpu.memref_slice %arg6[%arg0, %dma_wait3A, %dma_wait3A_24] : memref<2x10240x128xf32, #tpu.memory_space<hbm>> -> memref<1x10240x128xf32, #tpu.memory_space<hbm>>
      %dma_wait3A_26 = tpu.memref_squeeze %dma_wait3A_25 : memref<1x10240x128xf32, #tpu.memory_space<hbm>> -> memref<10240x128xf32, #tpu.memory_space<hbm>>
      %dma_wait3A_27 = arith.constant 0 : i32
      %dma_wait3A_28 = tpu.memref_slice %dma_wait3A_26[%mul3A_2, %dma_wait3A_27] : memref<10240x128xf32, #tpu.memory_space<hbm>> -> memref<640x128xf32, #tpu.memory_space<hbm>>
      %dma_wait3A_29 = arith.constant 0 : i32
      %dma_wait3A_30 = tpu.memref_slice %arg13[%mul3A_2, %dma_wait3A_29] : memref<10240x128xf32, #tpu.memory_space<vmem_shared>> -> memref<640x128xf32, #tpu.memory_space<vmem_shared>>
      tpu.wait_dma2 semaphore(%run_scoped3A : memref<!tpu.dma_semaphore, #tpu.memory_space<semaphore_mem>>) src(%dma_wait3A_30 : memref<640x128xf32, #tpu.memory_space<vmem_shared>>) dst(%dma_wait3A_28 : memref<640x128xf32, #tpu.memory_space<hbm>>)
      tpu.yield
    }) : () -> ()
    return
  }
}

#map = affine_map<(d0, d1) -> (0, 0, 0)>
#map1 = affine_map<(d0, d1) -> (0, 0)>
module attributes {stable_mosaic.version = 14 : i64} {
  func.func @_degree_kernel(%arg0: i32, %arg1: i32, %arg2: memref<32x80x128xi32, #tpu.memory_space<hbm>>, %arg3: memref<32x80x128xi32, #tpu.memory_space<hbm>>, %arg4: memref<10240x128xf32, #tpu.memory_space<hbm>>, %arg5: memref<128x128xf32, #tpu.memory_space<hbm>>, %arg6: memref<128x128xf32, #tpu.memory_space<hbm>>, %arg7: memref<2x10240x128xf32, #tpu.memory_space<hbm>>, %arg8: memref<2x8x128xi32, #tpu.memory_space<vmem>>, %arg9: memref<2x8x128xi32, #tpu.memory_space<vmem>>, %arg10: memref<128x128xf32, #tpu.memory_space<vmem>>, %arg11: memref<128x128xf32, #tpu.memory_space<vmem>>, %arg12: memref<10240x128xf32, #tpu.memory_space<vmem_shared>>, %arg13: memref<!tpu.dma_semaphore, #tpu.memory_space<semaphore_mem>>, %arg14: memref<!tpu.dma_semaphore, #tpu.memory_space<semaphore_mem>>, %arg15: memref<!tpu.dma_semaphore, #tpu.memory_space<semaphore_mem>>) attributes {dimension_semantics = [#tpu.dimension_semantics<core_parallel>, #tpu.dimension_semantics<subcore_parallel>], iteration_bounds = array<i64: 2, 16>, scalar_prefetch = 0 : i64, scratch_operands = 8 : i64, tpu.core_type = #tpu.core_type<sc_vector_subcore>, window_params = [{transform_indices = #map}, {transform_indices = #map}, {transform_indices = #map1}, {transform_indices = #map1}, {transform_indices = #map1}, {transform_indices = #map}]} {
    %mul3A = arith.constant 16 : i32
    %mul3A_0 = arith.muli %arg0, %mul3A : i32
    %add3A = arith.addi %mul3A_0, %arg1 : i32
    %mul3A_1 = arith.constant 640 : i32
    %mul3A_2 = arith.muli %arg1, %mul3A_1 : i32
    "tpu.region"() ({
      %run_scoped3A = tpu.sem_alloc : memref<!tpu.dma_semaphore, #tpu.memory_space<semaphore_mem>>
      tpu.enqueue_dma source(%arg5 : memref<128x128xf32, #tpu.memory_space<hbm>>) target(%arg10 : memref<128x128xf32, #tpu.memory_space<vmem>>) target_semaphore(%run_scoped3A : memref<!tpu.dma_semaphore, #tpu.memory_space<semaphore_mem>>)
      tpu.wait_dma2 semaphore(%run_scoped3A : memref<!tpu.dma_semaphore, #tpu.memory_space<semaphore_mem>>) src(%arg5 : memref<128x128xf32, #tpu.memory_space<hbm>>) dst(%arg10 : memref<128x128xf32, #tpu.memory_space<vmem>>)
      tpu.yield
    }) : () -> ()
    "tpu.region"() ({
      %run_scoped3A = tpu.sem_alloc : memref<!tpu.dma_semaphore, #tpu.memory_space<semaphore_mem>>
      tpu.enqueue_dma source(%arg6 : memref<128x128xf32, #tpu.memory_space<hbm>>) target(%arg11 : memref<128x128xf32, #tpu.memory_space<vmem>>) target_semaphore(%run_scoped3A : memref<!tpu.dma_semaphore, #tpu.memory_space<semaphore_mem>>)
      tpu.wait_dma2 semaphore(%run_scoped3A : memref<!tpu.dma_semaphore, #tpu.memory_space<semaphore_mem>>) src(%arg6 : memref<128x128xf32, #tpu.memory_space<hbm>>) dst(%arg11 : memref<128x128xf32, #tpu.memory_space<vmem>>)
      tpu.yield
    }) : () -> ()
    "tpu.region"() ({
      %run_scoped3A = tpu.sem_alloc : memref<!tpu.dma_semaphore, #tpu.memory_space<semaphore_mem>>
      %dma_start3A_950 = arith.constant 0 : i32
      %dma_start3A_951 = tpu.memref_slice %arg12[%mul3A_2, %dma_start3A_950] : memref<10240x128xf32, #tpu.memory_space<vmem_shared>> -> memref<640x128xf32, #tpu.memory_space<vmem_shared>>
      %dma_start3A_952 = arith.constant 0 : i32
      %dma_start3A_953 = tpu.memref_slice %arg4[%mul3A_2, %dma_start3A_952] : memref<10240x128xf32, #tpu.memory_space<hbm>> -> memref<640x128xf32, #tpu.memory_space<hbm>>
      tpu.enqueue_dma source(%dma_start3A_953 : memref<640x128xf32, #tpu.memory_space<hbm>>) target(%dma_start3A_951 : memref<640x128xf32, #tpu.memory_space<vmem_shared>>) target_semaphore(%run_scoped3A : memref<!tpu.dma_semaphore, #tpu.memory_space<semaphore_mem>>)
      %dma_wait3A_954 = arith.constant 0 : i32
      %dma_wait3A_955 = tpu.memref_slice %arg12[%mul3A_2, %dma_wait3A_954] : memref<10240x128xf32, #tpu.memory_space<vmem_shared>> -> memref<640x128xf32, #tpu.memory_space<vmem_shared>>
      %dma_wait3A_956 = arith.constant 0 : i32
      %dma_wait3A_957 = tpu.memref_slice %arg4[%mul3A_2, %dma_wait3A_956] : memref<10240x128xf32, #tpu.memory_space<hbm>> -> memref<640x128xf32, #tpu.memory_space<hbm>>
      tpu.wait_dma2 semaphore(%run_scoped3A : memref<!tpu.dma_semaphore, #tpu.memory_space<semaphore_mem>>) src(%dma_wait3A_957 : memref<640x128xf32, #tpu.memory_space<hbm>>) dst(%dma_wait3A_955 : memref<640x128xf32, #tpu.memory_space<vmem_shared>>)
      tpu.yield
    }) : () -> ()
    %barrier3A = arith.constant 0 : index
    tpu.barrier barrier_id(%barrier3A)
    %multiple_of3A = arith.constant 0 : i32
    %multiple_of3A_3 = tpu.assume_multiple %multiple_of3A, 8 : i32
    %dma_start3A = arith.constant 0 : i32
    %dma_start3A_4 = arith.constant 0 : i32
    %dma_start3A_5 = arith.constant 0 : i32
    %dma_start3A_6 = tpu.memref_slice %arg8[%dma_start3A, %dma_start3A_4, %dma_start3A_5] : memref<2x8x128xi32, #tpu.memory_space<vmem>> -> memref<1x8x128xi32, #tpu.memory_space<vmem>>
    %dma_start3A_7 = tpu.memref_squeeze %dma_start3A_6 : memref<1x8x128xi32, #tpu.memory_space<vmem>> -> memref<8x128xi32, #tpu.memory_space<vmem>>
    %dma_start3A_8 = arith.constant 0 : i32
    %dma_start3A_9 = arith.constant 0 : i32
    %dma_start3A_10 = tpu.memref_slice %arg2[%add3A, %dma_start3A_8, %dma_start3A_9] : memref<32x80x128xi32, #tpu.memory_space<hbm>> -> memref<1x80x128xi32, #tpu.memory_space<hbm>>
    %dma_start3A_11 = tpu.memref_squeeze %dma_start3A_10 : memref<1x80x128xi32, #tpu.memory_space<hbm>> -> memref<80x128xi32, #tpu.memory_space<hbm>>
    %dma_start3A_12 = arith.constant 0 : i32
    %dma_start3A_13 = tpu.memref_slice %dma_start3A_11[%multiple_of3A_3, %dma_start3A_12] : memref<80x128xi32, #tpu.memory_space<hbm>> -> memref<8x128xi32, #tpu.memory_space<hbm>>
    %dma_start3A_14 = arith.constant 0 : i32
    %dma_start3A_15 = arith.constant 0 : i32
    %dma_start3A_16 = tpu.memref_slice %arg8[%dma_start3A, %dma_start3A_14, %dma_start3A_15] : memref<2x8x128xi32, #tpu.memory_space<vmem>> -> memref<1x8x128xi32, #tpu.memory_space<vmem>>
    %dma_start3A_17 = tpu.memref_squeeze %dma_start3A_16 : memref<1x8x128xi32, #tpu.memory_space<vmem>> -> memref<8x128xi32, #tpu.memory_space<vmem>>
    %dma_start3A_18 = arith.constant 0 : i32
    %dma_start3A_19 = arith.constant 0 : i32
    %dma_start3A_20 = tpu.memref_slice %arg2[%add3A, %dma_start3A_18, %dma_start3A_19] : memref<32x80x128xi32, #tpu.memory_space<hbm>> -> memref<1x80x128xi32, #tpu.memory_space<hbm>>
    %dma_start3A_21 = tpu.memref_squeeze %dma_start3A_20 : memref<1x80x128xi32, #tpu.memory_space<hbm>> -> memref<80x128xi32, #tpu.memory_space<hbm>>
    %dma_start3A_22 = arith.constant 0 : i32
    %dma_start3A_23 = tpu.memref_slice %dma_start3A_21[%multiple_of3A_3, %dma_start3A_22] : memref<80x128xi32, #tpu.memory_space<hbm>> -> memref<8x128xi32, #tpu.memory_space<hbm>>
    tpu.enqueue_dma source(%dma_start3A_23 : memref<8x128xi32, #tpu.memory_space<hbm>>) target(%dma_start3A_17 : memref<8x128xi32, #tpu.memory_space<vmem>>) target_semaphore(%arg13 : memref<!tpu.dma_semaphore, #tpu.memory_space<semaphore_mem>>)
    %dma_start3A_24 = arith.constant 0 : i32
    %dma_start3A_25 = arith.constant 0 : i32
    %dma_start3A_26 = arith.constant 0 : i32
    %dma_start3A_27 = tpu.memref_slice %arg9[%dma_start3A_24, %dma_start3A_25, %dma_start3A_26] : memref<2x8x128xi32, #tpu.memory_space<vmem>> -> memref<1x8x128xi32, #tpu.memory_space<vmem>>
    %dma_start3A_28 = tpu.memref_squeeze %dma_start3A_27 : memref<1x8x128xi32, #tpu.memory_space<vmem>> -> memref<8x128xi32, #tpu.memory_space<vmem>>
    %dma_start3A_29 = arith.constant 0 : i32
    %dma_start3A_30 = arith.constant 0 : i32
    %dma_start3A_31 = tpu.memref_slice %arg3[%add3A, %dma_start3A_29, %dma_start3A_30] : memref<32x80x128xi32, #tpu.memory_space<hbm>> -> memref<1x80x128xi32, #tpu.memory_space<hbm>>
    %dma_start3A_32 = tpu.memref_squeeze %dma_start3A_31 : memref<1x80x128xi32, #tpu.memory_space<hbm>> -> memref<80x128xi32, #tpu.memory_space<hbm>>
    %dma_start3A_33 = arith.constant 0 : i32
    %dma_start3A_34 = tpu.memref_slice %dma_start3A_32[%multiple_of3A_3, %dma_start3A_33] : memref<80x128xi32, #tpu.memory_space<hbm>> -> memref<8x128xi32, #tpu.memory_space<hbm>>
    %dma_start3A_35 = arith.constant 0 : i32
    %dma_start3A_36 = arith.constant 0 : i32
    %dma_start3A_37 = tpu.memref_slice %arg9[%dma_start3A_24, %dma_start3A_35, %dma_start3A_36] : memref<2x8x128xi32, #tpu.memory_space<vmem>> -> memref<1x8x128xi32, #tpu.memory_space<vmem>>
    %dma_start3A_38 = tpu.memref_squeeze %dma_start3A_37 : memref<1x8x128xi32, #tpu.memory_space<vmem>> -> memref<8x128xi32, #tpu.memory_space<vmem>>
    %dma_start3A_39 = arith.constant 0 : i32
    %dma_start3A_40 = arith.constant 0 : i32
    %dma_start3A_41 = tpu.memref_slice %arg3[%add3A, %dma_start3A_39, %dma_start3A_40] : memref<32x80x128xi32, #tpu.memory_space<hbm>> -> memref<1x80x128xi32, #tpu.memory_space<hbm>>
    %dma_start3A_42 = tpu.memref_squeeze %dma_start3A_41 : memref<1x80x128xi32, #tpu.memory_space<hbm>> -> memref<80x128xi32, #tpu.memory_space<hbm>>
    %dma_start3A_43 = arith.constant 0 : i32
    %dma_start3A_44 = tpu.memref_slice %dma_start3A_42[%multiple_of3A_3, %dma_start3A_43] : memref<80x128xi32, #tpu.memory_space<hbm>> -> memref<8x128xi32, #tpu.memory_space<hbm>>
    tpu.enqueue_dma source(%dma_start3A_44 : memref<8x128xi32, #tpu.memory_space<hbm>>) target(%dma_start3A_38 : memref<8x128xi32, #tpu.memory_space<vmem>>) target_semaphore(%arg13 : memref<!tpu.dma_semaphore, #tpu.memory_space<semaphore_mem>>)
    %multiple_of3A_45 = arith.constant 8 : i32
    %multiple_of3A_46 = tpu.assume_multiple %multiple_of3A_45, 8 : i32
    %dma_start3A_47 = arith.constant 1 : i32
    %dma_start3A_48 = arith.constant 0 : i32
    %dma_start3A_49 = arith.constant 0 : i32
    %dma_start3A_50 = tpu.memref_slice %arg8[%dma_start3A_47, %dma_start3A_48, %dma_start3A_49] : memref<2x8x128xi32, #tpu.memory_space<vmem>> -> memref<1x8x128xi32, #tpu.memory_space<vmem>>
    %dma_start3A_51 = tpu.memref_squeeze %dma_start3A_50 : memref<1x8x128xi32, #tpu.memory_space<vmem>> -> memref<8x128xi32, #tpu.memory_space<vmem>>
    %dma_start3A_52 = arith.constant 0 : i32
    %dma_start3A_53 = arith.constant 0 : i32
    %dma_start3A_54 = tpu.memref_slice %arg2[%add3A, %dma_start3A_52, %dma_start3A_53] : memref<32x80x128xi32, #tpu.memory_space<hbm>> -> memref<1x80x128xi32, #tpu.memory_space<hbm>>
    %dma_start3A_55 = tpu.memref_squeeze %dma_start3A_54 : memref<1x80x128xi32, #tpu.memory_space<hbm>> -> memref<80x128xi32, #tpu.memory_space<hbm>>
    %dma_start3A_56 = arith.constant 0 : i32
    %dma_start3A_57 = tpu.memref_slice %dma_start3A_55[%multiple_of3A_46, %dma_start3A_56] : memref<80x128xi32, #tpu.memory_space<hbm>> -> memref<8x128xi32, #tpu.memory_space<hbm>>
    %dma_start3A_58 = arith.constant 0 : i32
    %dma_start3A_59 = arith.constant 0 : i32
    %dma_start3A_60 = tpu.memref_slice %arg8[%dma_start3A_47, %dma_start3A_58, %dma_start3A_59] : memref<2x8x128xi32, #tpu.memory_space<vmem>> -> memref<1x8x128xi32, #tpu.memory_space<vmem>>
    %dma_start3A_61 = tpu.memref_squeeze %dma_start3A_60 : memref<1x8x128xi32, #tpu.memory_space<vmem>> -> memref<8x128xi32, #tpu.memory_space<vmem>>
    %dma_start3A_62 = arith.constant 0 : i32
    %dma_start3A_63 = arith.constant 0 : i32
    %dma_start3A_64 = tpu.memref_slice %arg2[%add3A, %dma_start3A_62, %dma_start3A_63] : memref<32x80x128xi32, #tpu.memory_space<hbm>> -> memref<1x80x128xi32, #tpu.memory_space<hbm>>
    %dma_start3A_65 = tpu.memref_squeeze %dma_start3A_64 : memref<1x80x128xi32, #tpu.memory_space<hbm>> -> memref<80x128xi32, #tpu.memory_space<hbm>>
    %dma_start3A_66 = arith.constant 0 : i32
    %dma_start3A_67 = tpu.memref_slice %dma_start3A_65[%multiple_of3A_46, %dma_start3A_66] : memref<80x128xi32, #tpu.memory_space<hbm>> -> memref<8x128xi32, #tpu.memory_space<hbm>>
    tpu.enqueue_dma source(%dma_start3A_67 : memref<8x128xi32, #tpu.memory_space<hbm>>) target(%dma_start3A_61 : memref<8x128xi32, #tpu.memory_space<vmem>>) target_semaphore(%arg14 : memref<!tpu.dma_semaphore, #tpu.memory_space<semaphore_mem>>)
    %dma_start3A_68 = arith.constant 1 : i32
    %dma_start3A_69 = arith.constant 0 : i32
    %dma_start3A_70 = arith.constant 0 : i32
    %dma_start3A_71 = tpu.memref_slice %arg9[%dma_start3A_68, %dma_start3A_69, %dma_start3A_70] : memref<2x8x128xi32, #tpu.memory_space<vmem>> -> memref<1x8x128xi32, #tpu.memory_space<vmem>>
    %dma_start3A_72 = tpu.memref_squeeze %dma_start3A_71 : memref<1x8x128xi32, #tpu.memory_space<vmem>> -> memref<8x128xi32, #tpu.memory_space<vmem>>
    %dma_start3A_73 = arith.constant 0 : i32
    %dma_start3A_74 = arith.constant 0 : i32
    %dma_start3A_75 = tpu.memref_slice %arg3[%add3A, %dma_start3A_73, %dma_start3A_74] : memref<32x80x128xi32, #tpu.memory_space<hbm>> -> memref<1x80x128xi32, #tpu.memory_space<hbm>>
    %dma_start3A_76 = tpu.memref_squeeze %dma_start3A_75 : memref<1x80x128xi32, #tpu.memory_space<hbm>> -> memref<80x128xi32, #tpu.memory_space<hbm>>
    %dma_start3A_77 = arith.constant 0 : i32
    %dma_start3A_78 = tpu.memref_slice %dma_start3A_76[%multiple_of3A_46, %dma_start3A_77] : memref<80x128xi32, #tpu.memory_space<hbm>> -> memref<8x128xi32, #tpu.memory_space<hbm>>
    %dma_start3A_79 = arith.constant 0 : i32
    %dma_start3A_80 = arith.constant 0 : i32
    %dma_start3A_81 = tpu.memref_slice %arg9[%dma_start3A_68, %dma_start3A_79, %dma_start3A_80] : memref<2x8x128xi32, #tpu.memory_space<vmem>> -> memref<1x8x128xi32, #tpu.memory_space<vmem>>
    %dma_start3A_82 = tpu.memref_squeeze %dma_start3A_81 : memref<1x8x128xi32, #tpu.memory_space<vmem>> -> memref<8x128xi32, #tpu.memory_space<vmem>>
    %dma_start3A_83 = arith.constant 0 : i32
    %dma_start3A_84 = arith.constant 0 : i32
    %dma_start3A_85 = tpu.memref_slice %arg3[%add3A, %dma_start3A_83, %dma_start3A_84] : memref<32x80x128xi32, #tpu.memory_space<hbm>> -> memref<1x80x128xi32, #tpu.memory_space<hbm>>
    %dma_start3A_86 = tpu.memref_squeeze %dma_start3A_85 : memref<1x80x128xi32, #tpu.memory_space<hbm>> -> memref<80x128xi32, #tpu.memory_space<hbm>>
    %dma_start3A_87 = arith.constant 0 : i32
    %dma_start3A_88 = tpu.memref_slice %dma_start3A_86[%multiple_of3A_46, %dma_start3A_87] : memref<80x128xi32, #tpu.memory_space<hbm>> -> memref<8x128xi32, #tpu.memory_space<hbm>>
    tpu.enqueue_dma source(%dma_start3A_88 : memref<8x128xi32, #tpu.memory_space<hbm>>) target(%dma_start3A_82 : memref<8x128xi32, #tpu.memory_space<vmem>>) target_semaphore(%arg14 : memref<!tpu.dma_semaphore, #tpu.memory_space<semaphore_mem>>)
    %multiple_of3A_89 = arith.constant 0 : i32
    %multiple_of3A_90 = tpu.assume_multiple %multiple_of3A_89, 8 : i32
    %dma_wait3A = arith.constant 0 : i32
    %dma_wait3A_91 = arith.constant 0 : i32
    %dma_wait3A_92 = arith.constant 0 : i32
    %dma_wait3A_93 = tpu.memref_slice %arg8[%dma_wait3A, %dma_wait3A_91, %dma_wait3A_92] : memref<2x8x128xi32, #tpu.memory_space<vmem>> -> memref<1x8x128xi32, #tpu.memory_space<vmem>>
    %dma_wait3A_94 = tpu.memref_squeeze %dma_wait3A_93 : memref<1x8x128xi32, #tpu.memory_space<vmem>> -> memref<8x128xi32, #tpu.memory_space<vmem>>
    %dma_wait3A_95 = arith.constant 0 : i32
    %dma_wait3A_96 = arith.constant 0 : i32
    %dma_wait3A_97 = tpu.memref_slice %arg2[%add3A, %dma_wait3A_95, %dma_wait3A_96] : memref<32x80x128xi32, #tpu.memory_space<hbm>> -> memref<1x80x128xi32, #tpu.memory_space<hbm>>
    %dma_wait3A_98 = tpu.memref_squeeze %dma_wait3A_97 : memref<1x80x128xi32, #tpu.memory_space<hbm>> -> memref<80x128xi32, #tpu.memory_space<hbm>>
    %dma_wait3A_99 = arith.constant 0 : i32
    %dma_wait3A_100 = tpu.memref_slice %dma_wait3A_98[%multiple_of3A_90, %dma_wait3A_99] : memref<80x128xi32, #tpu.memory_space<hbm>> -> memref<8x128xi32, #tpu.memory_space<hbm>>
    %dma_wait3A_101 = arith.constant 0 : i32
    %dma_wait3A_102 = arith.constant 0 : i32
    %dma_wait3A_103 = tpu.memref_slice %arg8[%dma_wait3A, %dma_wait3A_101, %dma_wait3A_102] : memref<2x8x128xi32, #tpu.memory_space<vmem>> -> memref<1x8x128xi32, #tpu.memory_space<vmem>>
    %dma_wait3A_104 = tpu.memref_squeeze %dma_wait3A_103 : memref<1x8x128xi32, #tpu.memory_space<vmem>> -> memref<8x128xi32, #tpu.memory_space<vmem>>
    %dma_wait3A_105 = arith.constant 0 : i32
    %dma_wait3A_106 = arith.constant 0 : i32
    %dma_wait3A_107 = tpu.memref_slice %arg2[%add3A, %dma_wait3A_105, %dma_wait3A_106] : memref<32x80x128xi32, #tpu.memory_space<hbm>> -> memref<1x80x128xi32, #tpu.memory_space<hbm>>
    %dma_wait3A_108 = tpu.memref_squeeze %dma_wait3A_107 : memref<1x80x128xi32, #tpu.memory_space<hbm>> -> memref<80x128xi32, #tpu.memory_space<hbm>>
    %dma_wait3A_109 = arith.constant 0 : i32
    %dma_wait3A_110 = tpu.memref_slice %dma_wait3A_108[%multiple_of3A_90, %dma_wait3A_109] : memref<80x128xi32, #tpu.memory_space<hbm>> -> memref<8x128xi32, #tpu.memory_space<hbm>>
    tpu.wait_dma2 semaphore(%arg13 : memref<!tpu.dma_semaphore, #tpu.memory_space<semaphore_mem>>) src(%dma_wait3A_110 : memref<8x128xi32, #tpu.memory_space<hbm>>) dst(%dma_wait3A_104 : memref<8x128xi32, #tpu.memory_space<vmem>>)
    %dma_wait3A_111 = arith.constant 0 : i32
    %dma_wait3A_112 = arith.constant 0 : i32
    %dma_wait3A_113 = arith.constant 0 : i32
    %dma_wait3A_114 = tpu.memref_slice %arg9[%dma_wait3A_111, %dma_wait3A_112, %dma_wait3A_113] : memref<2x8x128xi32, #tpu.memory_space<vmem>> -> memref<1x8x128xi32, #tpu.memory_space<vmem>>
    %dma_wait3A_115 = tpu.memref_squeeze %dma_wait3A_114 : memref<1x8x128xi32, #tpu.memory_space<vmem>> -> memref<8x128xi32, #tpu.memory_space<vmem>>
    %dma_wait3A_116 = arith.constant 0 : i32
    %dma_wait3A_117 = arith.constant 0 : i32
    %dma_wait3A_118 = tpu.memref_slice %arg3[%add3A, %dma_wait3A_116, %dma_wait3A_117] : memref<32x80x128xi32, #tpu.memory_space<hbm>> -> memref<1x80x128xi32, #tpu.memory_space<hbm>>
    %dma_wait3A_119 = tpu.memref_squeeze %dma_wait3A_118 : memref<1x80x128xi32, #tpu.memory_space<hbm>> -> memref<80x128xi32, #tpu.memory_space<hbm>>
    %dma_wait3A_120 = arith.constant 0 : i32
    %dma_wait3A_121 = tpu.memref_slice %dma_wait3A_119[%multiple_of3A_90, %dma_wait3A_120] : memref<80x128xi32, #tpu.memory_space<hbm>> -> memref<8x128xi32, #tpu.memory_space<hbm>>
    %dma_wait3A_122 = arith.constant 0 : i32
    %dma_wait3A_123 = arith.constant 0 : i32
    %dma_wait3A_124 = tpu.memref_slice %arg9[%dma_wait3A_111, %dma_wait3A_122, %dma_wait3A_123] : memref<2x8x128xi32, #tpu.memory_space<vmem>> -> memref<1x8x128xi32, #tpu.memory_space<vmem>>
    %dma_wait3A_125 = tpu.memref_squeeze %dma_wait3A_124 : memref<1x8x128xi32, #tpu.memory_space<vmem>> -> memref<8x128xi32, #tpu.memory_space<vmem>>
    %dma_wait3A_126 = arith.constant 0 : i32
    %dma_wait3A_127 = arith.constant 0 : i32
    %dma_wait3A_128 = tpu.memref_slice %arg3[%add3A, %dma_wait3A_126, %dma_wait3A_127] : memref<32x80x128xi32, #tpu.memory_space<hbm>> -> memref<1x80x128xi32, #tpu.memory_space<hbm>>
    %dma_wait3A_129 = tpu.memref_squeeze %dma_wait3A_128 : memref<1x80x128xi32, #tpu.memory_space<hbm>> -> memref<80x128xi32, #tpu.memory_space<hbm>>
    %dma_wait3A_130 = arith.constant 0 : i32
    %dma_wait3A_131 = tpu.memref_slice %dma_wait3A_129[%multiple_of3A_90, %dma_wait3A_130] : memref<80x128xi32, #tpu.memory_space<hbm>> -> memref<8x128xi32, #tpu.memory_space<hbm>>
    tpu.wait_dma2 semaphore(%arg13 : memref<!tpu.dma_semaphore, #tpu.memory_space<semaphore_mem>>) src(%dma_wait3A_131 : memref<8x128xi32, #tpu.memory_space<hbm>>) dst(%dma_wait3A_125 : memref<8x128xi32, #tpu.memory_space<vmem>>)
    %scan3A = arith.constant 0 : i32
    %scan3A_132 = arith.constant 0 : i32
    %scan3A_133 = arith.constant 4 : i32
    %scan3A_134 = arith.addi %scan3A_132, %scan3A_133 : i32
    %scan3A_135 = arith.constant 1 : i32
    scf.for %scan3A_950 = %scan3A_132 to %scan3A_134 step %scan3A_135  : i32 {
      %mul3A_951 = arith.constant 2 : i32
      %mul3A_952 = arith.muli %scan3A_950, %mul3A_951 : i32
      %dma_start3A_953 = arith.constant 0 : i32
      %dma_start3A_954 = arith.constant 0 : i32
      %dma_start3A_955 = arith.constant 0 : i32
      %dma_start3A_956 = arith.constant 0 : i32
      %dma_start3A_957 = tpu.memref_slice %arg8[%dma_start3A_953, %dma_start3A_955, %dma_start3A_956] : memref<2x8x128xi32, #tpu.memory_space<vmem>> -> memref<1x8x128xi32, #tpu.memory_space<vmem>>
      %dma_start3A_958 = tpu.memref_squeeze %dma_start3A_957 : memref<1x8x128xi32, #tpu.memory_space<vmem>> -> memref<8x128xi32, #tpu.memory_space<vmem>>
      %dma_start3A_959 = arith.constant 0 : i32
      %dma_start3A_960 = tpu.memref_slice %dma_start3A_958[%dma_start3A_954, %dma_start3A_959] : memref<8x128xi32, #tpu.memory_space<vmem>> -> memref<1x128xi32, #tpu.memory_space<vmem>>
      %dma_start3A_961 = tpu.memref_squeeze %dma_start3A_960 : memref<1x128xi32, #tpu.memory_space<vmem>> -> memref<128xi32, #tpu.memory_space<vmem>>
      %dma_start3A_962 = arith.constant 0 : i32
      %dma_start3A_963 = arith.constant 0 : i32
      %dma_start3A_964 = tpu.memref_slice %arg12[%dma_start3A_962, %dma_start3A_963] : memref<10240x128xf32, #tpu.memory_space<vmem_shared>> -> memref<10240x128xf32, #tpu.memory_space<vmem_shared>>
      tpu.enqueue_indirect_dma source(%arg10 : memref<128x128xf32, #tpu.memory_space<vmem>>) target(%dma_start3A_964 : memref<10240x128xf32, #tpu.memory_space<vmem_shared>>) offsets(%dma_start3A_961 : memref<128xi32, #tpu.memory_space<vmem>>) semaphore(%arg15 : memref<!tpu.dma_semaphore, #tpu.memory_space<semaphore_mem>>) {add = true}
      %dma_start3A_965 = arith.constant 0 : i32
      %dma_start3A_966 = arith.constant 0 : i32
      %dma_start3A_967 = arith.constant 0 : i32
      %dma_start3A_968 = arith.constant 0 : i32
      %dma_start3A_969 = tpu.memref_slice %arg9[%dma_start3A_965, %dma_start3A_967, %dma_start3A_968] : memref<2x8x128xi32, #tpu.memory_space<vmem>> -> memref<1x8x128xi32, #tpu.memory_space<vmem>>
      %dma_start3A_970 = tpu.memref_squeeze %dma_start3A_969 : memref<1x8x128xi32, #tpu.memory_space<vmem>> -> memref<8x128xi32, #tpu.memory_space<vmem>>
      %dma_start3A_971 = arith.constant 0 : i32
      %dma_start3A_972 = tpu.memref_slice %dma_start3A_970[%dma_start3A_966, %dma_start3A_971] : memref<8x128xi32, #tpu.memory_space<vmem>> -> memref<1x128xi32, #tpu.memory_space<vmem>>
      %dma_start3A_973 = tpu.memref_squeeze %dma_start3A_972 : memref<1x128xi32, #tpu.memory_space<vmem>> -> memref<128xi32, #tpu.memory_space<vmem>>
      %dma_start3A_974 = arith.constant 0 : i32
      %dma_start3A_975 = arith.constant 0 : i32
      %dma_start3A_976 = tpu.memref_slice %arg12[%dma_start3A_974, %dma_start3A_975] : memref<10240x128xf32, #tpu.memory_space<vmem_shared>> -> memref<10240x128xf32, #tpu.memory_space<vmem_shared>>
      tpu.enqueue_indirect_dma source(%arg11 : memref<128x128xf32, #tpu.memory_space<vmem>>) target(%dma_start3A_976 : memref<10240x128xf32, #tpu.memory_space<vmem_shared>>) offsets(%dma_start3A_973 : memref<128xi32, #tpu.memory_space<vmem>>) semaphore(%arg15 : memref<!tpu.dma_semaphore, #tpu.memory_space<semaphore_mem>>) {add = true}
      %dma_start3A_977 = arith.constant 0 : i32
      %dma_start3A_978 = arith.constant 1 : i32
      %dma_start3A_979 = arith.constant 0 : i32
      %dma_start3A_980 = arith.constant 0 : i32
      %dma_start3A_981 = tpu.memref_slice %arg8[%dma_start3A_977, %dma_start3A_979, %dma_start3A_980] : memref<2x8x128xi32, #tpu.memory_space<vmem>> -> memref<1x8x128xi32, #tpu.memory_space<vmem>>
      %dma_start3A_982 = tpu.memref_squeeze %dma_start3A_981 : memref<1x8x128xi32, #tpu.memory_space<vmem>> -> memref<8x128xi32, #tpu.memory_space<vmem>>
      %dma_start3A_983 = arith.constant 0 : i32
      %dma_start3A_984 = tpu.memref_slice %dma_start3A_982[%dma_start3A_978, %dma_start3A_983] : memref<8x128xi32, #tpu.memory_space<vmem>> -> memref<1x128xi32, #tpu.memory_space<vmem>>
      %dma_start3A_985 = tpu.memref_squeeze %dma_start3A_984 : memref<1x128xi32, #tpu.memory_space<vmem>> -> memref<128xi32, #tpu.memory_space<vmem>>
      %dma_start3A_986 = arith.constant 0 : i32
      %dma_start3A_987 = arith.constant 0 : i32
      %dma_start3A_988 = tpu.memref_slice %arg12[%dma_start3A_986, %dma_start3A_987] : memref<10240x128xf32, #tpu.memory_space<vmem_shared>> -> memref<10240x128xf32, #tpu.memory_space<vmem_shared>>
      tpu.enqueue_indirect_dma source(%arg10 : memref<128x128xf32, #tpu.memory_space<vmem>>) target(%dma_start3A_988 : memref<10240x128xf32, #tpu.memory_space<vmem_shared>>) offsets(%dma_start3A_985 : memref<128xi32, #tpu.memory_space<vmem>>) semaphore(%arg15 : memref<!tpu.dma_semaphore, #tpu.memory_space<semaphore_mem>>) {add = true}
      %dma_start3A_989 = arith.constant 0 : i32
      %dma_start3A_990 = arith.constant 1 : i32
      %dma_start3A_991 = arith.constant 0 : i32
      %dma_start3A_992 = arith.constant 0 : i32
      %dma_start3A_993 = tpu.memref_slice %arg9[%dma_start3A_989, %dma_start3A_991, %dma_start3A_992] : memref<2x8x128xi32, #tpu.memory_space<vmem>> -> memref<1x8x128xi32, #tpu.memory_space<vmem>>
      %dma_start3A_994 = tpu.memref_squeeze %dma_start3A_993 : memref<1x8x128xi32, #tpu.memory_space<vmem>> -> memref<8x128xi32, #tpu.memory_space<vmem>>
      %dma_start3A_995 = arith.constant 0 : i32
      %dma_start3A_996 = tpu.memref_slice %dma_start3A_994[%dma_start3A_990, %dma_start3A_995] : memref<8x128xi32, #tpu.memory_space<vmem>> -> memref<1x128xi32, #tpu.memory_space<vmem>>
      %dma_start3A_997 = tpu.memref_squeeze %dma_start3A_996 : memref<1x128xi32, #tpu.memory_space<vmem>> -> memref<128xi32, #tpu.memory_space<vmem>>
      %dma_start3A_998 = arith.constant 0 : i32
      %dma_start3A_999 = arith.constant 0 : i32
      %dma_start3A_1000 = tpu.memref_slice %arg12[%dma_start3A_998, %dma_start3A_999] : memref<10240x128xf32, #tpu.memory_space<vmem_shared>> -> memref<10240x128xf32, #tpu.memory_space<vmem_shared>>
      tpu.enqueue_indirect_dma source(%arg11 : memref<128x128xf32, #tpu.memory_space<vmem>>) target(%dma_start3A_1000 : memref<10240x128xf32, #tpu.memory_space<vmem_shared>>) offsets(%dma_start3A_997 : memref<128xi32, #tpu.memory_space<vmem>>) semaphore(%arg15 : memref<!tpu.dma_semaphore, #tpu.memory_space<semaphore_mem>>) {add = true}
      %dma_start3A_1001 = arith.constant 0 : i32
      %dma_start3A_1002 = arith.constant 2 : i32
      %dma_start3A_1003 = arith.constant 0 : i32
      %dma_start3A_1004 = arith.constant 0 : i32
      %dma_start3A_1005 = tpu.memref_slice %arg8[%dma_start3A_1001, %dma_start3A_1003, %dma_start3A_1004] : memref<2x8x128xi32, #tpu.memory_space<vmem>> -> memref<1x8x128xi32, #tpu.memory_space<vmem>>
      %dma_start3A_1006 = tpu.memref_squeeze %dma_start3A_1005 : memref<1x8x128xi32, #tpu.memory_space<vmem>> -> memref<8x128xi32, #tpu.memory_space<vmem>>
      %dma_start3A_1007 = arith.constant 0 : i32
      %dma_start3A_1008 = tpu.memref_slice %dma_start3A_1006[%dma_start3A_1002, %dma_start3A_1007] : memref<8x128xi32, #tpu.memory_space<vmem>> -> memref<1x128xi32, #tpu.memory_space<vmem>>
      %dma_start3A_1009 = tpu.memref_squeeze %dma_start3A_1008 : memref<1x128xi32, #tpu.memory_space<vmem>> -> memref<128xi32, #tpu.memory_space<vmem>>
      %dma_start3A_1010 = arith.constant 0 : i32
      %dma_start3A_1011 = arith.constant 0 : i32
      %dma_start3A_1012 = tpu.memref_slice %arg12[%dma_start3A_1010, %dma_start3A_1011] : memref<10240x128xf32, #tpu.memory_space<vmem_shared>> -> memref<10240x128xf32, #tpu.memory_space<vmem_shared>>
      tpu.enqueue_indirect_dma source(%arg10 : memref<128x128xf32, #tpu.memory_space<vmem>>) target(%dma_start3A_1012 : memref<10240x128xf32, #tpu.memory_space<vmem_shared>>) offsets(%dma_start3A_1009 : memref<128xi32, #tpu.memory_space<vmem>>) semaphore(%arg15 : memref<!tpu.dma_semaphore, #tpu.memory_space<semaphore_mem>>) {add = true}
      %dma_start3A_1013 = arith.constant 0 : i32
      %dma_start3A_1014 = arith.constant 2 : i32
      %dma_start3A_1015 = arith.constant 0 : i32
      %dma_start3A_1016 = arith.constant 0 : i32
      %dma_start3A_1017 = tpu.memref_slice %arg9[%dma_start3A_1013, %dma_start3A_1015, %dma_start3A_1016] : memref<2x8x128xi32, #tpu.memory_space<vmem>> -> memref<1x8x128xi32, #tpu.memory_space<vmem>>
      %dma_start3A_1018 = tpu.memref_squeeze %dma_start3A_1017 : memref<1x8x128xi32, #tpu.memory_space<vmem>> -> memref<8x128xi32, #tpu.memory_space<vmem>>
      %dma_start3A_1019 = arith.constant 0 : i32
      %dma_start3A_1020 = tpu.memref_slice %dma_start3A_1018[%dma_start3A_1014, %dma_start3A_1019] : memref<8x128xi32, #tpu.memory_space<vmem>> -> memref<1x128xi32, #tpu.memory_space<vmem>>
      %dma_start3A_1021 = tpu.memref_squeeze %dma_start3A_1020 : memref<1x128xi32, #tpu.memory_space<vmem>> -> memref<128xi32, #tpu.memory_space<vmem>>
      %dma_start3A_1022 = arith.constant 0 : i32
      %dma_start3A_1023 = arith.constant 0 : i32
      %dma_start3A_1024 = tpu.memref_slice %arg12[%dma_start3A_1022, %dma_start3A_1023] : memref<10240x128xf32, #tpu.memory_space<vmem_shared>> -> memref<10240x128xf32, #tpu.memory_space<vmem_shared>>
      tpu.enqueue_indirect_dma source(%arg11 : memref<128x128xf32, #tpu.memory_space<vmem>>) target(%dma_start3A_1024 : memref<10240x128xf32, #tpu.memory_space<vmem_shared>>) offsets(%dma_start3A_1021 : memref<128xi32, #tpu.memory_space<vmem>>) semaphore(%arg15 : memref<!tpu.dma_semaphore, #tpu.memory_space<semaphore_mem>>) {add = true}
      %dma_start3A_1025 = arith.constant 0 : i32
      %dma_start3A_1026 = arith.constant 3 : i32
      %dma_start3A_1027 = arith.constant 0 : i32
      %dma_start3A_1028 = arith.constant 0 : i32
      %dma_start3A_1029 = tpu.memref_slice %arg8[%dma_start3A_1025, %dma_start3A_1027, %dma_start3A_1028] : memref<2x8x128xi32, #tpu.memory_space<vmem>> -> memref<1x8x128xi32, #tpu.memory_space<vmem>>
      %dma_start3A_1030 = tpu.memref_squeeze %dma_start3A_1029 : memref<1x8x128xi32, #tpu.memory_space<vmem>> -> memref<8x128xi32, #tpu.memory_space<vmem>>
      %dma_start3A_1031 = arith.constant 0 : i32
      %dma_start3A_1032 = tpu.memref_slice %dma_start3A_1030[%dma_start3A_1026, %dma_start3A_1031] : memref<8x128xi32, #tpu.memory_space<vmem>> -> memref<1x128xi32, #tpu.memory_space<vmem>>
      %dma_start3A_1033 = tpu.memref_squeeze %dma_start3A_1032 : memref<1x128xi32, #tpu.memory_space<vmem>> -> memref<128xi32, #tpu.memory_space<vmem>>
      %dma_start3A_1034 = arith.constant 0 : i32
      %dma_start3A_1035 = arith.constant 0 : i32
      %dma_start3A_1036 = tpu.memref_slice %arg12[%dma_start3A_1034, %dma_start3A_1035] : memref<10240x128xf32, #tpu.memory_space<vmem_shared>> -> memref<10240x128xf32, #tpu.memory_space<vmem_shared>>
      tpu.enqueue_indirect_dma source(%arg10 : memref<128x128xf32, #tpu.memory_space<vmem>>) target(%dma_start3A_1036 : memref<10240x128xf32, #tpu.memory_space<vmem_shared>>) offsets(%dma_start3A_1033 : memref<128xi32, #tpu.memory_space<vmem>>) semaphore(%arg15 : memref<!tpu.dma_semaphore, #tpu.memory_space<semaphore_mem>>) {add = true}
      %dma_start3A_1037 = arith.constant 0 : i32
      %dma_start3A_1038 = arith.constant 3 : i32
      %dma_start3A_1039 = arith.constant 0 : i32
      %dma_start3A_1040 = arith.constant 0 : i32
      %dma_start3A_1041 = tpu.memref_slice %arg9[%dma_start3A_1037, %dma_start3A_1039, %dma_start3A_1040] : memref<2x8x128xi32, #tpu.memory_space<vmem>> -> memref<1x8x128xi32, #tpu.memory_space<vmem>>
      %dma_start3A_1042 = tpu.memref_squeeze %dma_start3A_1041 : memref<1x8x128xi32, #tpu.memory_space<vmem>> -> memref<8x128xi32, #tpu.memory_space<vmem>>
      %dma_start3A_1043 = arith.constant 0 : i32
      %dma_start3A_1044 = tpu.memref_slice %dma_start3A_1042[%dma_start3A_1038, %dma_start3A_1043] : memref<8x128xi32, #tpu.memory_space<vmem>> -> memref<1x128xi32, #tpu.memory_space<vmem>>
      %dma_start3A_1045 = tpu.memref_squeeze %dma_start3A_1044 : memref<1x128xi32, #tpu.memory_space<vmem>> -> memref<128xi32, #tpu.memory_space<vmem>>
      %dma_start3A_1046 = arith.constant 0 : i32
      %dma_start3A_1047 = arith.constant 0 : i32
      %dma_start3A_1048 = tpu.memref_slice %arg12[%dma_start3A_1046, %dma_start3A_1047] : memref<10240x128xf32, #tpu.memory_space<vmem_shared>> -> memref<10240x128xf32, #tpu.memory_space<vmem_shared>>
      tpu.enqueue_indirect_dma source(%arg11 : memref<128x128xf32, #tpu.memory_space<vmem>>) target(%dma_start3A_1048 : memref<10240x128xf32, #tpu.memory_space<vmem_shared>>) offsets(%dma_start3A_1045 : memref<128xi32, #tpu.memory_space<vmem>>) semaphore(%arg15 : memref<!tpu.dma_semaphore, #tpu.memory_space<semaphore_mem>>) {add = true}
      %dma_start3A_1049 = arith.constant 0 : i32
      %dma_start3A_1050 = arith.constant 4 : i32
      %dma_start3A_1051 = arith.constant 0 : i32
      %dma_start3A_1052 = arith.constant 0 : i32
      %dma_start3A_1053 = tpu.memref_slice %arg8[%dma_start3A_1049, %dma_start3A_1051, %dma_start3A_1052] : memref<2x8x128xi32, #tpu.memory_space<vmem>> -> memref<1x8x128xi32, #tpu.memory_space<vmem>>
      %dma_start3A_1054 = tpu.memref_squeeze %dma_start3A_1053 : memref<1x8x128xi32, #tpu.memory_space<vmem>> -> memref<8x128xi32, #tpu.memory_space<vmem>>
      %dma_start3A_1055 = arith.constant 0 : i32
      %dma_start3A_1056 = tpu.memref_slice %dma_start3A_1054[%dma_start3A_1050, %dma_start3A_1055] : memref<8x128xi32, #tpu.memory_space<vmem>> -> memref<1x128xi32, #tpu.memory_space<vmem>>
      %dma_start3A_1057 = tpu.memref_squeeze %dma_start3A_1056 : memref<1x128xi32, #tpu.memory_space<vmem>> -> memref<128xi32, #tpu.memory_space<vmem>>
      %dma_start3A_1058 = arith.constant 0 : i32
      %dma_start3A_1059 = arith.constant 0 : i32
      %dma_start3A_1060 = tpu.memref_slice %arg12[%dma_start3A_1058, %dma_start3A_1059] : memref<10240x128xf32, #tpu.memory_space<vmem_shared>> -> memref<10240x128xf32, #tpu.memory_space<vmem_shared>>
      tpu.enqueue_indirect_dma source(%arg10 : memref<128x128xf32, #tpu.memory_space<vmem>>) target(%dma_start3A_1060 : memref<10240x128xf32, #tpu.memory_space<vmem_shared>>) offsets(%dma_start3A_1057 : memref<128xi32, #tpu.memory_space<vmem>>) semaphore(%arg15 : memref<!tpu.dma_semaphore, #tpu.memory_space<semaphore_mem>>) {add = true}
      %dma_start3A_1061 = arith.constant 0 : i32
      %dma_start3A_1062 = arith.constant 4 : i32
      %dma_start3A_1063 = arith.constant 0 : i32
      %dma_start3A_1064 = arith.constant 0 : i32
      %dma_start3A_1065 = tpu.memref_slice %arg9[%dma_start3A_1061, %dma_start3A_1063, %dma_start3A_1064] : memref<2x8x128xi32, #tpu.memory_space<vmem>> -> memref<1x8x128xi32, #tpu.memory_space<vmem>>
      %dma_start3A_1066 = tpu.memref_squeeze %dma_start3A_1065 : memref<1x8x128xi32, #tpu.memory_space<vmem>> -> memref<8x128xi32, #tpu.memory_space<vmem>>
      %dma_start3A_1067 = arith.constant 0 : i32
      %dma_start3A_1068 = tpu.memref_slice %dma_start3A_1066[%dma_start3A_1062, %dma_start3A_1067] : memref<8x128xi32, #tpu.memory_space<vmem>> -> memref<1x128xi32, #tpu.memory_space<vmem>>
      %dma_start3A_1069 = tpu.memref_squeeze %dma_start3A_1068 : memref<1x128xi32, #tpu.memory_space<vmem>> -> memref<128xi32, #tpu.memory_space<vmem>>
      %dma_start3A_1070 = arith.constant 0 : i32
      %dma_start3A_1071 = arith.constant 0 : i32
      %dma_start3A_1072 = tpu.memref_slice %arg12[%dma_start3A_1070, %dma_start3A_1071] : memref<10240x128xf32, #tpu.memory_space<vmem_shared>> -> memref<10240x128xf32, #tpu.memory_space<vmem_shared>>
      tpu.enqueue_indirect_dma source(%arg11 : memref<128x128xf32, #tpu.memory_space<vmem>>) target(%dma_start3A_1072 : memref<10240x128xf32, #tpu.memory_space<vmem_shared>>) offsets(%dma_start3A_1069 : memref<128xi32, #tpu.memory_space<vmem>>) semaphore(%arg15 : memref<!tpu.dma_semaphore, #tpu.memory_space<semaphore_mem>>) {add = true}
      %dma_start3A_1073 = arith.constant 0 : i32
      %dma_start3A_1074 = arith.constant 5 : i32
      %dma_start3A_1075 = arith.constant 0 : i32
      %dma_start3A_1076 = arith.constant 0 : i32
      %dma_start3A_1077 = tpu.memref_slice %arg8[%dma_start3A_1073, %dma_start3A_1075, %dma_start3A_1076] : memref<2x8x128xi32, #tpu.memory_space<vmem>> -> memref<1x8x128xi32, #tpu.memory_space<vmem>>
      %dma_start3A_1078 = tpu.memref_squeeze %dma_start3A_1077 : memref<1x8x128xi32, #tpu.memory_space<vmem>> -> memref<8x128xi32, #tpu.memory_space<vmem>>
      %dma_start3A_1079 = arith.constant 0 : i32
      %dma_start3A_1080 = tpu.memref_slice %dma_start3A_1078[%dma_start3A_1074, %dma_start3A_1079] : memref<8x128xi32, #tpu.memory_space<vmem>> -> memref<1x128xi32, #tpu.memory_space<vmem>>
      %dma_start3A_1081 = tpu.memref_squeeze %dma_start3A_1080 : memref<1x128xi32, #tpu.memory_space<vmem>> -> memref<128xi32, #tpu.memory_space<vmem>>
      %dma_start3A_1082 = arith.constant 0 : i32
      %dma_start3A_1083 = arith.constant 0 : i32
      %dma_start3A_1084 = tpu.memref_slice %arg12[%dma_start3A_1082, %dma_start3A_1083] : memref<10240x128xf32, #tpu.memory_space<vmem_shared>> -> memref<10240x128xf32, #tpu.memory_space<vmem_shared>>
      tpu.enqueue_indirect_dma source(%arg10 : memref<128x128xf32, #tpu.memory_space<vmem>>) target(%dma_start3A_1084 : memref<10240x128xf32, #tpu.memory_space<vmem_shared>>) offsets(%dma_start3A_1081 : memref<128xi32, #tpu.memory_space<vmem>>) semaphore(%arg15 : memref<!tpu.dma_semaphore, #tpu.memory_space<semaphore_mem>>) {add = true}
      %dma_start3A_1085 = arith.constant 0 : i32
      %dma_start3A_1086 = arith.constant 5 : i32
      %dma_start3A_1087 = arith.constant 0 : i32
      %dma_start3A_1088 = arith.constant 0 : i32
      %dma_start3A_1089 = tpu.memref_slice %arg9[%dma_start3A_1085, %dma_start3A_1087, %dma_start3A_1088] : memref<2x8x128xi32, #tpu.memory_space<vmem>> -> memref<1x8x128xi32, #tpu.memory_space<vmem>>
      %dma_start3A_1090 = tpu.memref_squeeze %dma_start3A_1089 : memref<1x8x128xi32, #tpu.memory_space<vmem>> -> memref<8x128xi32, #tpu.memory_space<vmem>>
      %dma_start3A_1091 = arith.constant 0 : i32
      %dma_start3A_1092 = tpu.memref_slice %dma_start3A_1090[%dma_start3A_1086, %dma_start3A_1091] : memref<8x128xi32, #tpu.memory_space<vmem>> -> memref<1x128xi32, #tpu.memory_space<vmem>>
      %dma_start3A_1093 = tpu.memref_squeeze %dma_start3A_1092 : memref<1x128xi32, #tpu.memory_space<vmem>> -> memref<128xi32, #tpu.memory_space<vmem>>
      %dma_start3A_1094 = arith.constant 0 : i32
      %dma_start3A_1095 = arith.constant 0 : i32
      %dma_start3A_1096 = tpu.memref_slice %arg12[%dma_start3A_1094, %dma_start3A_1095] : memref<10240x128xf32, #tpu.memory_space<vmem_shared>> -> memref<10240x128xf32, #tpu.memory_space<vmem_shared>>
      tpu.enqueue_indirect_dma source(%arg11 : memref<128x128xf32, #tpu.memory_space<vmem>>) target(%dma_start3A_1096 : memref<10240x128xf32, #tpu.memory_space<vmem_shared>>) offsets(%dma_start3A_1093 : memref<128xi32, #tpu.memory_space<vmem>>) semaphore(%arg15 : memref<!tpu.dma_semaphore, #tpu.memory_space<semaphore_mem>>) {add = true}
      %dma_start3A_1097 = arith.constant 0 : i32
      %dma_start3A_1098 = arith.constant 6 : i32
      %dma_start3A_1099 = arith.constant 0 : i32
      %dma_start3A_1100 = arith.constant 0 : i32
      %dma_start3A_1101 = tpu.memref_slice %arg8[%dma_start3A_1097, %dma_start3A_1099, %dma_start3A_1100] : memref<2x8x128xi32, #tpu.memory_space<vmem>> -> memref<1x8x128xi32, #tpu.memory_space<vmem>>
      %dma_start3A_1102 = tpu.memref_squeeze %dma_start3A_1101 : memref<1x8x128xi32, #tpu.memory_space<vmem>> -> memref<8x128xi32, #tpu.memory_space<vmem>>
      %dma_start3A_1103 = arith.constant 0 : i32
      %dma_start3A_1104 = tpu.memref_slice %dma_start3A_1102[%dma_start3A_1098, %dma_start3A_1103] : memref<8x128xi32, #tpu.memory_space<vmem>> -> memref<1x128xi32, #tpu.memory_space<vmem>>
      %dma_start3A_1105 = tpu.memref_squeeze %dma_start3A_1104 : memref<1x128xi32, #tpu.memory_space<vmem>> -> memref<128xi32, #tpu.memory_space<vmem>>
      %dma_start3A_1106 = arith.constant 0 : i32
      %dma_start3A_1107 = arith.constant 0 : i32
      %dma_start3A_1108 = tpu.memref_slice %arg12[%dma_start3A_1106, %dma_start3A_1107] : memref<10240x128xf32, #tpu.memory_space<vmem_shared>> -> memref<10240x128xf32, #tpu.memory_space<vmem_shared>>
      tpu.enqueue_indirect_dma source(%arg10 : memref<128x128xf32, #tpu.memory_space<vmem>>) target(%dma_start3A_1108 : memref<10240x128xf32, #tpu.memory_space<vmem_shared>>) offsets(%dma_start3A_1105 : memref<128xi32, #tpu.memory_space<vmem>>) semaphore(%arg15 : memref<!tpu.dma_semaphore, #tpu.memory_space<semaphore_mem>>) {add = true}
      %dma_start3A_1109 = arith.constant 0 : i32
      %dma_start3A_1110 = arith.constant 6 : i32
      %dma_start3A_1111 = arith.constant 0 : i32
      %dma_start3A_1112 = arith.constant 0 : i32
      %dma_start3A_1113 = tpu.memref_slice %arg9[%dma_start3A_1109, %dma_start3A_1111, %dma_start3A_1112] : memref<2x8x128xi32, #tpu.memory_space<vmem>> -> memref<1x8x128xi32, #tpu.memory_space<vmem>>
      %dma_start3A_1114 = tpu.memref_squeeze %dma_start3A_1113 : memref<1x8x128xi32, #tpu.memory_space<vmem>> -> memref<8x128xi32, #tpu.memory_space<vmem>>
      %dma_start3A_1115 = arith.constant 0 : i32
      %dma_start3A_1116 = tpu.memref_slice %dma_start3A_1114[%dma_start3A_1110, %dma_start3A_1115] : memref<8x128xi32, #tpu.memory_space<vmem>> -> memref<1x128xi32, #tpu.memory_space<vmem>>
      %dma_start3A_1117 = tpu.memref_squeeze %dma_start3A_1116 : memref<1x128xi32, #tpu.memory_space<vmem>> -> memref<128xi32, #tpu.memory_space<vmem>>
      %dma_start3A_1118 = arith.constant 0 : i32
      %dma_start3A_1119 = arith.constant 0 : i32
      %dma_start3A_1120 = tpu.memref_slice %arg12[%dma_start3A_1118, %dma_start3A_1119] : memref<10240x128xf32, #tpu.memory_space<vmem_shared>> -> memref<10240x128xf32, #tpu.memory_space<vmem_shared>>
      tpu.enqueue_indirect_dma source(%arg11 : memref<128x128xf32, #tpu.memory_space<vmem>>) target(%dma_start3A_1120 : memref<10240x128xf32, #tpu.memory_space<vmem_shared>>) offsets(%dma_start3A_1117 : memref<128xi32, #tpu.memory_space<vmem>>) semaphore(%arg15 : memref<!tpu.dma_semaphore, #tpu.memory_space<semaphore_mem>>) {add = true}
      %dma_start3A_1121 = arith.constant 0 : i32
      %dma_start3A_1122 = arith.constant 7 : i32
      %dma_start3A_1123 = arith.constant 0 : i32
      %dma_start3A_1124 = arith.constant 0 : i32
      %dma_start3A_1125 = tpu.memref_slice %arg8[%dma_start3A_1121, %dma_start3A_1123, %dma_start3A_1124] : memref<2x8x128xi32, #tpu.memory_space<vmem>> -> memref<1x8x128xi32, #tpu.memory_space<vmem>>
      %dma_start3A_1126 = tpu.memref_squeeze %dma_start3A_1125 : memref<1x8x128xi32, #tpu.memory_space<vmem>> -> memref<8x128xi32, #tpu.memory_space<vmem>>
      %dma_start3A_1127 = arith.constant 0 : i32
      %dma_start3A_1128 = tpu.memref_slice %dma_start3A_1126[%dma_start3A_1122, %dma_start3A_1127] : memref<8x128xi32, #tpu.memory_space<vmem>> -> memref<1x128xi32, #tpu.memory_space<vmem>>
      %dma_start3A_1129 = tpu.memref_squeeze %dma_start3A_1128 : memref<1x128xi32, #tpu.memory_space<vmem>> -> memref<128xi32, #tpu.memory_space<vmem>>
      %dma_start3A_1130 = arith.constant 0 : i32
      %dma_start3A_1131 = arith.constant 0 : i32
      %dma_start3A_1132 = tpu.memref_slice %arg12[%dma_start3A_1130, %dma_start3A_1131] : memref<10240x128xf32, #tpu.memory_space<vmem_shared>> -> memref<10240x128xf32, #tpu.memory_space<vmem_shared>>
      tpu.enqueue_indirect_dma source(%arg10 : memref<128x128xf32, #tpu.memory_space<vmem>>) target(%dma_start3A_1132 : memref<10240x128xf32, #tpu.memory_space<vmem_shared>>) offsets(%dma_start3A_1129 : memref<128xi32, #tpu.memory_space<vmem>>) semaphore(%arg15 : memref<!tpu.dma_semaphore, #tpu.memory_space<semaphore_mem>>) {add = true}
      %dma_start3A_1133 = arith.constant 0 : i32
      %dma_start3A_1134 = arith.constant 7 : i32
      %dma_start3A_1135 = arith.constant 0 : i32
      %dma_start3A_1136 = arith.constant 0 : i32
      %dma_start3A_1137 = tpu.memref_slice %arg9[%dma_start3A_1133, %dma_start3A_1135, %dma_start3A_1136] : memref<2x8x128xi32, #tpu.memory_space<vmem>> -> memref<1x8x128xi32, #tpu.memory_space<vmem>>
      %dma_start3A_1138 = tpu.memref_squeeze %dma_start3A_1137 : memref<1x8x128xi32, #tpu.memory_space<vmem>> -> memref<8x128xi32, #tpu.memory_space<vmem>>
      %dma_start3A_1139 = arith.constant 0 : i32
      %dma_start3A_1140 = tpu.memref_slice %dma_start3A_1138[%dma_start3A_1134, %dma_start3A_1139] : memref<8x128xi32, #tpu.memory_space<vmem>> -> memref<1x128xi32, #tpu.memory_space<vmem>>
      %dma_start3A_1141 = tpu.memref_squeeze %dma_start3A_1140 : memref<1x128xi32, #tpu.memory_space<vmem>> -> memref<128xi32, #tpu.memory_space<vmem>>
      %dma_start3A_1142 = arith.constant 0 : i32
      %dma_start3A_1143 = arith.constant 0 : i32
      %dma_start3A_1144 = tpu.memref_slice %arg12[%dma_start3A_1142, %dma_start3A_1143] : memref<10240x128xf32, #tpu.memory_space<vmem_shared>> -> memref<10240x128xf32, #tpu.memory_space<vmem_shared>>
      tpu.enqueue_indirect_dma source(%arg11 : memref<128x128xf32, #tpu.memory_space<vmem>>) target(%dma_start3A_1144 : memref<10240x128xf32, #tpu.memory_space<vmem_shared>>) offsets(%dma_start3A_1141 : memref<128xi32, #tpu.memory_space<vmem>>) semaphore(%arg15 : memref<!tpu.dma_semaphore, #tpu.memory_space<semaphore_mem>>) {add = true}
      %dma_wait3A_1145 = arith.constant 0 : i32
      %dma_wait3A_1146 = arith.constant 0 : i32
      %dma_wait3A_1147 = arith.constant 0 : i32
      %dma_wait3A_1148 = arith.constant 0 : i32
      %dma_wait3A_1149 = tpu.memref_slice %arg8[%dma_wait3A_1145, %dma_wait3A_1147, %dma_wait3A_1148] : memref<2x8x128xi32, #tpu.memory_space<vmem>> -> memref<1x8x128xi32, #tpu.memory_space<vmem>>
      %dma_wait3A_1150 = tpu.memref_squeeze %dma_wait3A_1149 : memref<1x8x128xi32, #tpu.memory_space<vmem>> -> memref<8x128xi32, #tpu.memory_space<vmem>>
      %dma_wait3A_1151 = arith.constant 0 : i32
      %dma_wait3A_1152 = tpu.memref_slice %dma_wait3A_1150[%dma_wait3A_1146, %dma_wait3A_1151] : memref<8x128xi32, #tpu.memory_space<vmem>> -> memref<1x128xi32, #tpu.memory_space<vmem>>
      %dma_wait3A_1153 = tpu.memref_squeeze %dma_wait3A_1152 : memref<1x128xi32, #tpu.memory_space<vmem>> -> memref<128xi32, #tpu.memory_space<vmem>>
      %dma_wait3A_1154 = arith.constant 0 : i32
      %dma_wait3A_1155 = arith.constant 0 : i32
      %dma_wait3A_1156 = tpu.memref_slice %arg12[%dma_wait3A_1154, %dma_wait3A_1155] : memref<10240x128xf32, #tpu.memory_space<vmem_shared>> -> memref<10240x128xf32, #tpu.memory_space<vmem_shared>>
      tpu.wait_indirect_dma semaphore(%arg15 : memref<!tpu.dma_semaphore, #tpu.memory_space<semaphore_mem>>) src(%arg10 : memref<128x128xf32, #tpu.memory_space<vmem>>) dst(%dma_wait3A_1156 : memref<10240x128xf32, #tpu.memory_space<vmem_shared>>)
      %dma_wait3A_1157 = arith.constant 0 : i32
      %dma_wait3A_1158 = arith.constant 0 : i32
      %dma_wait3A_1159 = arith.constant 0 : i32
      %dma_wait3A_1160 = arith.constant 0 : i32
      %dma_wait3A_1161 = tpu.memref_slice %arg8[%dma_wait3A_1157, %dma_wait3A_1159, %dma_wait3A_1160] : memref<2x8x128xi32, #tpu.memory_space<vmem>> -> memref<1x8x128xi32, #tpu.memory_space<vmem>>
      %dma_wait3A_1162 = tpu.memref_squeeze %dma_wait3A_1161 : memref<1x8x128xi32, #tpu.memory_space<vmem>> -> memref<8x128xi32, #tpu.memory_space<vmem>>
      %dma_wait3A_1163 = arith.constant 0 : i32
      %dma_wait3A_1164 = tpu.memref_slice %dma_wait3A_1162[%dma_wait3A_1158, %dma_wait3A_1163] : memref<8x128xi32, #tpu.memory_space<vmem>> -> memref<1x128xi32, #tpu.memory_space<vmem>>
      %dma_wait3A_1165 = tpu.memref_squeeze %dma_wait3A_1164 : memref<1x128xi32, #tpu.memory_space<vmem>> -> memref<128xi32, #tpu.memory_space<vmem>>
      %dma_wait3A_1166 = arith.constant 0 : i32
      %dma_wait3A_1167 = arith.constant 0 : i32
      %dma_wait3A_1168 = tpu.memref_slice %arg12[%dma_wait3A_1166, %dma_wait3A_1167] : memref<10240x128xf32, #tpu.memory_space<vmem_shared>> -> memref<10240x128xf32, #tpu.memory_space<vmem_shared>>
      tpu.wait_indirect_dma semaphore(%arg15 : memref<!tpu.dma_semaphore, #tpu.memory_space<semaphore_mem>>) src(%arg10 : memref<128x128xf32, #tpu.memory_space<vmem>>) dst(%dma_wait3A_1168 : memref<10240x128xf32, #tpu.memory_space<vmem_shared>>)
      %dma_wait3A_1169 = arith.constant 0 : i32
      %dma_wait3A_1170 = arith.constant 0 : i32
      %dma_wait3A_1171 = arith.constant 0 : i32
      %dma_wait3A_1172 = arith.constant 0 : i32
      %dma_wait3A_1173 = tpu.memref_slice %arg8[%dma_wait3A_1169, %dma_wait3A_1171, %dma_wait3A_1172] : memref<2x8x128xi32, #tpu.memory_space<vmem>> -> memref<1x8x128xi32, #tpu.memory_space<vmem>>
      %dma_wait3A_1174 = tpu.memref_squeeze %dma_wait3A_1173 : memref<1x8x128xi32, #tpu.memory_space<vmem>> -> memref<8x128xi32, #tpu.memory_space<vmem>>
      %dma_wait3A_1175 = arith.constant 0 : i32
      %dma_wait3A_1176 = tpu.memref_slice %dma_wait3A_1174[%dma_wait3A_1170, %dma_wait3A_1175] : memref<8x128xi32, #tpu.memory_space<vmem>> -> memref<1x128xi32, #tpu.memory_space<vmem>>
      %dma_wait3A_1177 = tpu.memref_squeeze %dma_wait3A_1176 : memref<1x128xi32, #tpu.memory_space<vmem>> -> memref<128xi32, #tpu.memory_space<vmem>>
      %dma_wait3A_1178 = arith.constant 0 : i32
      %dma_wait3A_1179 = arith.constant 0 : i32
      %dma_wait3A_1180 = tpu.memref_slice %arg12[%dma_wait3A_1178, %dma_wait3A_1179] : memref<10240x128xf32, #tpu.memory_space<vmem_shared>> -> memref<10240x128xf32, #tpu.memory_space<vmem_shared>>
      tpu.wait_indirect_dma semaphore(%arg15 : memref<!tpu.dma_semaphore, #tpu.memory_space<semaphore_mem>>) src(%arg10 : memref<128x128xf32, #tpu.memory_space<vmem>>) dst(%dma_wait3A_1180 : memref<10240x128xf32, #tpu.memory_space<vmem_shared>>)
      %dma_wait3A_1181 = arith.constant 0 : i32
      %dma_wait3A_1182 = arith.constant 0 : i32
      %dma_wait3A_1183 = arith.constant 0 : i32
      %dma_wait3A_1184 = arith.constant 0 : i32
      %dma_wait3A_1185 = tpu.memref_slice %arg8[%dma_wait3A_1181, %dma_wait3A_1183, %dma_wait3A_1184] : memref<2x8x128xi32, #tpu.memory_space<vmem>> -> memref<1x8x128xi32, #tpu.memory_space<vmem>>
      %dma_wait3A_1186 = tpu.memref_squeeze %dma_wait3A_1185 : memref<1x8x128xi32, #tpu.memory_space<vmem>> -> memref<8x128xi32, #tpu.memory_space<vmem>>
      %dma_wait3A_1187 = arith.constant 0 : i32
      %dma_wait3A_1188 = tpu.memref_slice %dma_wait3A_1186[%dma_wait3A_1182, %dma_wait3A_1187] : memref<8x128xi32, #tpu.memory_space<vmem>> -> memref<1x128xi32, #tpu.memory_space<vmem>>
      %dma_wait3A_1189 = tpu.memref_squeeze %dma_wait3A_1188 : memref<1x128xi32, #tpu.memory_space<vmem>> -> memref<128xi32, #tpu.memory_space<vmem>>
      %dma_wait3A_1190 = arith.constant 0 : i32
      %dma_wait3A_1191 = arith.constant 0 : i32
      %dma_wait3A_1192 = tpu.memref_slice %arg12[%dma_wait3A_1190, %dma_wait3A_1191] : memref<10240x128xf32, #tpu.memory_space<vmem_shared>> -> memref<10240x128xf32, #tpu.memory_space<vmem_shared>>
      tpu.wait_indirect_dma semaphore(%arg15 : memref<!tpu.dma_semaphore, #tpu.memory_space<semaphore_mem>>) src(%arg10 : memref<128x128xf32, #tpu.memory_space<vmem>>) dst(%dma_wait3A_1192 : memref<10240x128xf32, #tpu.memory_space<vmem_shared>>)
      %dma_wait3A_1193 = arith.constant 0 : i32
      %dma_wait3A_1194 = arith.constant 0 : i32
      %dma_wait3A_1195 = arith.constant 0 : i32
      %dma_wait3A_1196 = arith.constant 0 : i32
      %dma_wait3A_1197 = tpu.memref_slice %arg8[%dma_wait3A_1193, %dma_wait3A_1195, %dma_wait3A_1196] : memref<2x8x128xi32, #tpu.memory_space<vmem>> -> memref<1x8x128xi32, #tpu.memory_space<vmem>>
      %dma_wait3A_1198 = tpu.memref_squeeze %dma_wait3A_1197 : memref<1x8x128xi32, #tpu.memory_space<vmem>> -> memref<8x128xi32, #tpu.memory_space<vmem>>
      %dma_wait3A_1199 = arith.constant 0 : i32
      %dma_wait3A_1200 = tpu.memref_slice %dma_wait3A_1198[%dma_wait3A_1194, %dma_wait3A_1199] : memref<8x128xi32, #tpu.memory_space<vmem>> -> memref<1x128xi32, #tpu.memory_space<vmem>>
      %dma_wait3A_1201 = tpu.memref_squeeze %dma_wait3A_1200 : memref<1x128xi32, #tpu.memory_space<vmem>> -> memref<128xi32, #tpu.memory_space<vmem>>
      %dma_wait3A_1202 = arith.constant 0 : i32
      %dma_wait3A_1203 = arith.constant 0 : i32
      %dma_wait3A_1204 = tpu.memref_slice %arg12[%dma_wait3A_1202, %dma_wait3A_1203] : memref<10240x128xf32, #tpu.memory_space<vmem_shared>> -> memref<10240x128xf32, #tpu.memory_space<vmem_shared>>
      tpu.wait_indirect_dma semaphore(%arg15 : memref<!tpu.dma_semaphore, #tpu.memory_space<semaphore_mem>>) src(%arg10 : memref<128x128xf32, #tpu.memory_space<vmem>>) dst(%dma_wait3A_1204 : memref<10240x128xf32, #tpu.memory_space<vmem_shared>>)
      %dma_wait3A_1205 = arith.constant 0 : i32
      %dma_wait3A_1206 = arith.constant 0 : i32
      %dma_wait3A_1207 = arith.constant 0 : i32
      %dma_wait3A_1208 = arith.constant 0 : i32
      %dma_wait3A_1209 = tpu.memref_slice %arg8[%dma_wait3A_1205, %dma_wait3A_1207, %dma_wait3A_1208] : memref<2x8x128xi32, #tpu.memory_space<vmem>> -> memref<1x8x128xi32, #tpu.memory_space<vmem>>
      %dma_wait3A_1210 = tpu.memref_squeeze %dma_wait3A_1209 : memref<1x8x128xi32, #tpu.memory_space<vmem>> -> memref<8x128xi32, #tpu.memory_space<vmem>>
      %dma_wait3A_1211 = arith.constant 0 : i32
      %dma_wait3A_1212 = tpu.memref_slice %dma_wait3A_1210[%dma_wait3A_1206, %dma_wait3A_1211] : memref<8x128xi32, #tpu.memory_space<vmem>> -> memref<1x128xi32, #tpu.memory_space<vmem>>
      %dma_wait3A_1213 = tpu.memref_squeeze %dma_wait3A_1212 : memref<1x128xi32, #tpu.memory_space<vmem>> -> memref<128xi32, #tpu.memory_space<vmem>>
      %dma_wait3A_1214 = arith.constant 0 : i32
      %dma_wait3A_1215 = arith.constant 0 : i32
      %dma_wait3A_1216 = tpu.memref_slice %arg12[%dma_wait3A_1214, %dma_wait3A_1215] : memref<10240x128xf32, #tpu.memory_space<vmem_shared>> -> memref<10240x128xf32, #tpu.memory_space<vmem_shared>>
      tpu.wait_indirect_dma semaphore(%arg15 : memref<!tpu.dma_semaphore, #tpu.memory_space<semaphore_mem>>) src(%arg10 : memref<128x128xf32, #tpu.memory_space<vmem>>) dst(%dma_wait3A_1216 : memref<10240x128xf32, #tpu.memory_space<vmem_shared>>)
      %dma_wait3A_1217 = arith.constant 0 : i32
      %dma_wait3A_1218 = arith.constant 0 : i32
      %dma_wait3A_1219 = arith.constant 0 : i32
      %dma_wait3A_1220 = arith.constant 0 : i32
      %dma_wait3A_1221 = tpu.memref_slice %arg8[%dma_wait3A_1217, %dma_wait3A_1219, %dma_wait3A_1220] : memref<2x8x128xi32, #tpu.memory_space<vmem>> -> memref<1x8x128xi32, #tpu.memory_space<vmem>>
      %dma_wait3A_1222 = tpu.memref_squeeze %dma_wait3A_1221 : memref<1x8x128xi32, #tpu.memory_space<vmem>> -> memref<8x128xi32, #tpu.memory_space<vmem>>
      %dma_wait3A_1223 = arith.constant 0 : i32
      %dma_wait3A_1224 = tpu.memref_slice %dma_wait3A_1222[%dma_wait3A_1218, %dma_wait3A_1223] : memref<8x128xi32, #tpu.memory_space<vmem>> -> memref<1x128xi32, #tpu.memory_space<vmem>>
      %dma_wait3A_1225 = tpu.memref_squeeze %dma_wait3A_1224 : memref<1x128xi32, #tpu.memory_space<vmem>> -> memref<128xi32, #tpu.memory_space<vmem>>
      %dma_wait3A_1226 = arith.constant 0 : i32
      %dma_wait3A_1227 = arith.constant 0 : i32
      %dma_wait3A_1228 = tpu.memref_slice %arg12[%dma_wait3A_1226, %dma_wait3A_1227] : memref<10240x128xf32, #tpu.memory_space<vmem_shared>> -> memref<10240x128xf32, #tpu.memory_space<vmem_shared>>
      tpu.wait_indirect_dma semaphore(%arg15 : memref<!tpu.dma_semaphore, #tpu.memory_space<semaphore_mem>>) src(%arg10 : memref<128x128xf32, #tpu.memory_space<vmem>>) dst(%dma_wait3A_1228 : memref<10240x128xf32, #tpu.memory_space<vmem_shared>>)
      %dma_wait3A_1229 = arith.constant 0 : i32
      %dma_wait3A_1230 = arith.constant 0 : i32
      %dma_wait3A_1231 = arith.constant 0 : i32
      %dma_wait3A_1232 = arith.constant 0 : i32
      %dma_wait3A_1233 = tpu.memref_slice %arg8[%dma_wait3A_1229, %dma_wait3A_1231, %dma_wait3A_1232] : memref<2x8x128xi32, #tpu.memory_space<vmem>> -> memref<1x8x128xi32, #tpu.memory_space<vmem>>
      %dma_wait3A_1234 = tpu.memref_squeeze %dma_wait3A_1233 : memref<1x8x128xi32, #tpu.memory_space<vmem>> -> memref<8x128xi32, #tpu.memory_space<vmem>>
      %dma_wait3A_1235 = arith.constant 0 : i32
      %dma_wait3A_1236 = tpu.memref_slice %dma_wait3A_1234[%dma_wait3A_1230, %dma_wait3A_1235] : memref<8x128xi32, #tpu.memory_space<vmem>> -> memref<1x128xi32, #tpu.memory_space<vmem>>
      %dma_wait3A_1237 = tpu.memref_squeeze %dma_wait3A_1236 : memref<1x128xi32, #tpu.memory_space<vmem>> -> memref<128xi32, #tpu.memory_space<vmem>>
      %dma_wait3A_1238 = arith.constant 0 : i32
      %dma_wait3A_1239 = arith.constant 0 : i32
      %dma_wait3A_1240 = tpu.memref_slice %arg12[%dma_wait3A_1238, %dma_wait3A_1239] : memref<10240x128xf32, #tpu.memory_space<vmem_shared>> -> memref<10240x128xf32, #tpu.memory_space<vmem_shared>>
      tpu.wait_indirect_dma semaphore(%arg15 : memref<!tpu.dma_semaphore, #tpu.memory_space<semaphore_mem>>) src(%arg10 : memref<128x128xf32, #tpu.memory_space<vmem>>) dst(%dma_wait3A_1240 : memref<10240x128xf32, #tpu.memory_space<vmem_shared>>)
      %dma_wait3A_1241 = arith.constant 0 : i32
      %dma_wait3A_1242 = arith.constant 0 : i32
      %dma_wait3A_1243 = arith.constant 0 : i32
      %dma_wait3A_1244 = arith.constant 0 : i32
      %dma_wait3A_1245 = tpu.memref_slice %arg8[%dma_wait3A_1241, %dma_wait3A_1243, %dma_wait3A_1244] : memref<2x8x128xi32, #tpu.memory_space<vmem>> -> memref<1x8x128xi32, #tpu.memory_space<vmem>>
      %dma_wait3A_1246 = tpu.memref_squeeze %dma_wait3A_1245 : memref<1x8x128xi32, #tpu.memory_space<vmem>> -> memref<8x128xi32, #tpu.memory_space<vmem>>
      %dma_wait3A_1247 = arith.constant 0 : i32
      %dma_wait3A_1248 = tpu.memref_slice %dma_wait3A_1246[%dma_wait3A_1242, %dma_wait3A_1247] : memref<8x128xi32, #tpu.memory_space<vmem>> -> memref<1x128xi32, #tpu.memory_space<vmem>>
      %dma_wait3A_1249 = tpu.memref_squeeze %dma_wait3A_1248 : memref<1x128xi32, #tpu.memory_space<vmem>> -> memref<128xi32, #tpu.memory_space<vmem>>
      %dma_wait3A_1250 = arith.constant 0 : i32
      %dma_wait3A_1251 = arith.constant 0 : i32
      %dma_wait3A_1252 = tpu.memref_slice %arg12[%dma_wait3A_1250, %dma_wait3A_1251] : memref<10240x128xf32, #tpu.memory_space<vmem_shared>> -> memref<10240x128xf32, #tpu.memory_space<vmem_shared>>
      tpu.wait_indirect_dma semaphore(%arg15 : memref<!tpu.dma_semaphore, #tpu.memory_space<semaphore_mem>>) src(%arg10 : memref<128x128xf32, #tpu.memory_space<vmem>>) dst(%dma_wait3A_1252 : memref<10240x128xf32, #tpu.memory_space<vmem_shared>>)
      %dma_wait3A_1253 = arith.constant 0 : i32
      %dma_wait3A_1254 = arith.constant 0 : i32
      %dma_wait3A_1255 = arith.constant 0 : i32
      %dma_wait3A_1256 = arith.constant 0 : i32
      %dma_wait3A_1257 = tpu.memref_slice %arg8[%dma_wait3A_1253, %dma_wait3A_1255, %dma_wait3A_1256] : memref<2x8x128xi32, #tpu.memory_space<vmem>> -> memref<1x8x128xi32, #tpu.memory_space<vmem>>
      %dma_wait3A_1258 = tpu.memref_squeeze %dma_wait3A_1257 : memref<1x8x128xi32, #tpu.memory_space<vmem>> -> memref<8x128xi32, #tpu.memory_space<vmem>>
      %dma_wait3A_1259 = arith.constant 0 : i32
      %dma_wait3A_1260 = tpu.memref_slice %dma_wait3A_1258[%dma_wait3A_1254, %dma_wait3A_1259] : memref<8x128xi32, #tpu.memory_space<vmem>> -> memref<1x128xi32, #tpu.memory_space<vmem>>
      %dma_wait3A_1261 = tpu.memref_squeeze %dma_wait3A_1260 : memref<1x128xi32, #tpu.memory_space<vmem>> -> memref<128xi32, #tpu.memory_space<vmem>>
      %dma_wait3A_1262 = arith.constant 0 : i32
      %dma_wait3A_1263 = arith.constant 0 : i32
      %dma_wait3A_1264 = tpu.memref_slice %arg12[%dma_wait3A_1262, %dma_wait3A_1263] : memref<10240x128xf32, #tpu.memory_space<vmem_shared>> -> memref<10240x128xf32, #tpu.memory_space<vmem_shared>>
      tpu.wait_indirect_dma semaphore(%arg15 : memref<!tpu.dma_semaphore, #tpu.memory_space<semaphore_mem>>) src(%arg10 : memref<128x128xf32, #tpu.memory_space<vmem>>) dst(%dma_wait3A_1264 : memref<10240x128xf32, #tpu.memory_space<vmem_shared>>)
      %dma_wait3A_1265 = arith.constant 0 : i32
      %dma_wait3A_1266 = arith.constant 0 : i32
      %dma_wait3A_1267 = arith.constant 0 : i32
      %dma_wait3A_1268 = arith.constant 0 : i32
      %dma_wait3A_1269 = tpu.memref_slice %arg8[%dma_wait3A_1265, %dma_wait3A_1267, %dma_wait3A_1268] : memref<2x8x128xi32, #tpu.memory_space<vmem>> -> memref<1x8x128xi32, #tpu.memory_space<vmem>>
      %dma_wait3A_1270 = tpu.memref_squeeze %dma_wait3A_1269 : memref<1x8x128xi32, #tpu.memory_space<vmem>> -> memref<8x128xi32, #tpu.memory_space<vmem>>
      %dma_wait3A_1271 = arith.constant 0 : i32
      %dma_wait3A_1272 = tpu.memref_slice %dma_wait3A_1270[%dma_wait3A_1266, %dma_wait3A_1271] : memref<8x128xi32, #tpu.memory_space<vmem>> -> memref<1x128xi32, #tpu.memory_space<vmem>>
      %dma_wait3A_1273 = tpu.memref_squeeze %dma_wait3A_1272 : memref<1x128xi32, #tpu.memory_space<vmem>> -> memref<128xi32, #tpu.memory_space<vmem>>
      %dma_wait3A_1274 = arith.constant 0 : i32
      %dma_wait3A_1275 = arith.constant 0 : i32
      %dma_wait3A_1276 = tpu.memref_slice %arg12[%dma_wait3A_1274, %dma_wait3A_1275] : memref<10240x128xf32, #tpu.memory_space<vmem_shared>> -> memref<10240x128xf32, #tpu.memory_space<vmem_shared>>
      tpu.wait_indirect_dma semaphore(%arg15 : memref<!tpu.dma_semaphore, #tpu.memory_space<semaphore_mem>>) src(%arg10 : memref<128x128xf32, #tpu.memory_space<vmem>>) dst(%dma_wait3A_1276 : memref<10240x128xf32, #tpu.memory_space<vmem_shared>>)
      %dma_wait3A_1277 = arith.constant 0 : i32
      %dma_wait3A_1278 = arith.constant 0 : i32
      %dma_wait3A_1279 = arith.constant 0 : i32
      %dma_wait3A_1280 = arith.constant 0 : i32
      %dma_wait3A_1281 = tpu.memref_slice %arg8[%dma_wait3A_1277, %dma_wait3A_1279, %dma_wait3A_1280] : memref<2x8x128xi32, #tpu.memory_space<vmem>> -> memref<1x8x128xi32, #tpu.memory_space<vmem>>
      %dma_wait3A_1282 = tpu.memref_squeeze %dma_wait3A_1281 : memref<1x8x128xi32, #tpu.memory_space<vmem>> -> memref<8x128xi32, #tpu.memory_space<vmem>>
      %dma_wait3A_1283 = arith.constant 0 : i32
      %dma_wait3A_1284 = tpu.memref_slice %dma_wait3A_1282[%dma_wait3A_1278, %dma_wait3A_1283] : memref<8x128xi32, #tpu.memory_space<vmem>> -> memref<1x128xi32, #tpu.memory_space<vmem>>
      %dma_wait3A_1285 = tpu.memref_squeeze %dma_wait3A_1284 : memref<1x128xi32, #tpu.memory_space<vmem>> -> memref<128xi32, #tpu.memory_space<vmem>>
      %dma_wait3A_1286 = arith.constant 0 : i32
      %dma_wait3A_1287 = arith.constant 0 : i32
      %dma_wait3A_1288 = tpu.memref_slice %arg12[%dma_wait3A_1286, %dma_wait3A_1287] : memref<10240x128xf32, #tpu.memory_space<vmem_shared>> -> memref<10240x128xf32, #tpu.memory_space<vmem_shared>>
      tpu.wait_indirect_dma semaphore(%arg15 : memref<!tpu.dma_semaphore, #tpu.memory_space<semaphore_mem>>) src(%arg10 : memref<128x128xf32, #tpu.memory_space<vmem>>) dst(%dma_wait3A_1288 : memref<10240x128xf32, #tpu.memory_space<vmem_shared>>)
      %dma_wait3A_1289 = arith.constant 0 : i32
      %dma_wait3A_1290 = arith.constant 0 : i32
      %dma_wait3A_1291 = arith.constant 0 : i32
      %dma_wait3A_1292 = arith.constant 0 : i32
      %dma_wait3A_1293 = tpu.memref_slice %arg8[%dma_wait3A_1289, %dma_wait3A_1291, %dma_wait3A_1292] : memref<2x8x128xi32, #tpu.memory_space<vmem>> -> memref<1x8x128xi32, #tpu.memory_space<vmem>>
      %dma_wait3A_1294 = tpu.memref_squeeze %dma_wait3A_1293 : memref<1x8x128xi32, #tpu.memory_space<vmem>> -> memref<8x128xi32, #tpu.memory_space<vmem>>
      %dma_wait3A_1295 = arith.constant 0 : i32
      %dma_wait3A_1296 = tpu.memref_slice %dma_wait3A_1294[%dma_wait3A_1290, %dma_wait3A_1295] : memref<8x128xi32, #tpu.memory_space<vmem>> -> memref<1x128xi32, #tpu.memory_space<vmem>>
      %dma_wait3A_1297 = tpu.memref_squeeze %dma_wait3A_1296 : memref<1x128xi32, #tpu.memory_space<vmem>> -> memref<128xi32, #tpu.memory_space<vmem>>
      %dma_wait3A_1298 = arith.constant 0 : i32
      %dma_wait3A_1299 = arith.constant 0 : i32
      %dma_wait3A_1300 = tpu.memref_slice %arg12[%dma_wait3A_1298, %dma_wait3A_1299] : memref<10240x128xf32, #tpu.memory_space<vmem_shared>> -> memref<10240x128xf32, #tpu.memory_space<vmem_shared>>
      tpu.wait_indirect_dma semaphore(%arg15 : memref<!tpu.dma_semaphore, #tpu.memory_space<semaphore_mem>>) src(%arg10 : memref<128x128xf32, #tpu.memory_space<vmem>>) dst(%dma_wait3A_1300 : memref<10240x128xf32, #tpu.memory_space<vmem_shared>>)
      %dma_wait3A_1301 = arith.constant 0 : i32
      %dma_wait3A_1302 = arith.constant 0 : i32
      %dma_wait3A_1303 = arith.constant 0 : i32
      %dma_wait3A_1304 = arith.constant 0 : i32
      %dma_wait3A_1305 = tpu.memref_slice %arg8[%dma_wait3A_1301, %dma_wait3A_1303, %dma_wait3A_1304] : memref<2x8x128xi32, #tpu.memory_space<vmem>> -> memref<1x8x128xi32, #tpu.memory_space<vmem>>
      %dma_wait3A_1306 = tpu.memref_squeeze %dma_wait3A_1305 : memref<1x8x128xi32, #tpu.memory_space<vmem>> -> memref<8x128xi32, #tpu.memory_space<vmem>>
      %dma_wait3A_1307 = arith.constant 0 : i32
      %dma_wait3A_1308 = tpu.memref_slice %dma_wait3A_1306[%dma_wait3A_1302, %dma_wait3A_1307] : memref<8x128xi32, #tpu.memory_space<vmem>> -> memref<1x128xi32, #tpu.memory_space<vmem>>
      %dma_wait3A_1309 = tpu.memref_squeeze %dma_wait3A_1308 : memref<1x128xi32, #tpu.memory_space<vmem>> -> memref<128xi32, #tpu.memory_space<vmem>>
      %dma_wait3A_1310 = arith.constant 0 : i32
      %dma_wait3A_1311 = arith.constant 0 : i32
      %dma_wait3A_1312 = tpu.memref_slice %arg12[%dma_wait3A_1310, %dma_wait3A_1311] : memref<10240x128xf32, #tpu.memory_space<vmem_shared>> -> memref<10240x128xf32, #tpu.memory_space<vmem_shared>>
      tpu.wait_indirect_dma semaphore(%arg15 : memref<!tpu.dma_semaphore, #tpu.memory_space<semaphore_mem>>) src(%arg10 : memref<128x128xf32, #tpu.memory_space<vmem>>) dst(%dma_wait3A_1312 : memref<10240x128xf32, #tpu.memory_space<vmem_shared>>)
      %dma_wait3A_1313 = arith.constant 0 : i32
      %dma_wait3A_1314 = arith.constant 0 : i32
      %dma_wait3A_1315 = arith.constant 0 : i32
      %dma_wait3A_1316 = arith.constant 0 : i32
      %dma_wait3A_1317 = tpu.memref_slice %arg8[%dma_wait3A_1313, %dma_wait3A_1315, %dma_wait3A_1316] : memref<2x8x128xi32, #tpu.memory_space<vmem>> -> memref<1x8x128xi32, #tpu.memory_space<vmem>>
      %dma_wait3A_1318 = tpu.memref_squeeze %dma_wait3A_1317 : memref<1x8x128xi32, #tpu.memory_space<vmem>> -> memref<8x128xi32, #tpu.memory_space<vmem>>
      %dma_wait3A_1319 = arith.constant 0 : i32
      %dma_wait3A_1320 = tpu.memref_slice %dma_wait3A_1318[%dma_wait3A_1314, %dma_wait3A_1319] : memref<8x128xi32, #tpu.memory_space<vmem>> -> memref<1x128xi32, #tpu.memory_space<vmem>>
      %dma_wait3A_1321 = tpu.memref_squeeze %dma_wait3A_1320 : memref<1x128xi32, #tpu.memory_space<vmem>> -> memref<128xi32, #tpu.memory_space<vmem>>
      %dma_wait3A_1322 = arith.constant 0 : i32
      %dma_wait3A_1323 = arith.constant 0 : i32
      %dma_wait3A_1324 = tpu.memref_slice %arg12[%dma_wait3A_1322, %dma_wait3A_1323] : memref<10240x128xf32, #tpu.memory_space<vmem_shared>> -> memref<10240x128xf32, #tpu.memory_space<vmem_shared>>
      tpu.wait_indirect_dma semaphore(%arg15 : memref<!tpu.dma_semaphore, #tpu.memory_space<semaphore_mem>>) src(%arg10 : memref<128x128xf32, #tpu.memory_space<vmem>>) dst(%dma_wait3A_1324 : memref<10240x128xf32, #tpu.memory_space<vmem_shared>>)
      %dma_wait3A_1325 = arith.constant 0 : i32
      %dma_wait3A_1326 = arith.constant 0 : i32
      %dma_wait3A_1327 = arith.constant 0 : i32
      %dma_wait3A_1328 = arith.constant 0 : i32
      %dma_wait3A_1329 = tpu.memref_slice %arg8[%dma_wait3A_1325, %dma_wait3A_1327, %dma_wait3A_1328] : memref<2x8x128xi32, #tpu.memory_space<vmem>> -> memref<1x8x128xi32, #tpu.memory_space<vmem>>
      %dma_wait3A_1330 = tpu.memref_squeeze %dma_wait3A_1329 : memref<1x8x128xi32, #tpu.memory_space<vmem>> -> memref<8x128xi32, #tpu.memory_space<vmem>>
      %dma_wait3A_1331 = arith.constant 0 : i32
      %dma_wait3A_1332 = tpu.memref_slice %dma_wait3A_1330[%dma_wait3A_1326, %dma_wait3A_1331] : memref<8x128xi32, #tpu.memory_space<vmem>> -> memref<1x128xi32, #tpu.memory_space<vmem>>
      %dma_wait3A_1333 = tpu.memref_squeeze %dma_wait3A_1332 : memref<1x128xi32, #tpu.memory_space<vmem>> -> memref<128xi32, #tpu.memory_space<vmem>>
      %dma_wait3A_1334 = arith.constant 0 : i32
      %dma_wait3A_1335 = arith.constant 0 : i32
      %dma_wait3A_1336 = tpu.memref_slice %arg12[%dma_wait3A_1334, %dma_wait3A_1335] : memref<10240x128xf32, #tpu.memory_space<vmem_shared>> -> memref<10240x128xf32, #tpu.memory_space<vmem_shared>>
      tpu.wait_indirect_dma semaphore(%arg15 : memref<!tpu.dma_semaphore, #tpu.memory_space<semaphore_mem>>) src(%arg10 : memref<128x128xf32, #tpu.memory_space<vmem>>) dst(%dma_wait3A_1336 : memref<10240x128xf32, #tpu.memory_space<vmem_shared>>)
      %add3A_1337 = arith.constant 1 : i32
      %add3A_1338 = arith.addi %mul3A_952, %add3A_1337 : i32
      %mul3A_1339 = arith.constant 8 : i32
      %mul3A_1340 = arith.muli %add3A_1338, %mul3A_1339 : i32
      %multiple_of3A_1341 = tpu.assume_multiple %mul3A_1340, 8 : i32
      %dma_wait3A_1342 = arith.constant 1 : i32
      %dma_wait3A_1343 = arith.constant 0 : i32
      %dma_wait3A_1344 = arith.constant 0 : i32
      %dma_wait3A_1345 = tpu.memref_slice %arg8[%dma_wait3A_1342, %dma_wait3A_1343, %dma_wait3A_1344] : memref<2x8x128xi32, #tpu.memory_space<vmem>> -> memref<1x8x128xi32, #tpu.memory_space<vmem>>
      %dma_wait3A_1346 = tpu.memref_squeeze %dma_wait3A_1345 : memref<1x8x128xi32, #tpu.memory_space<vmem>> -> memref<8x128xi32, #tpu.memory_space<vmem>>
      %dma_wait3A_1347 = arith.constant 0 : i32
      %dma_wait3A_1348 = arith.constant 0 : i32
      %dma_wait3A_1349 = tpu.memref_slice %arg2[%add3A, %dma_wait3A_1347, %dma_wait3A_1348] : memref<32x80x128xi32, #tpu.memory_space<hbm>> -> memref<1x80x128xi32, #tpu.memory_space<hbm>>
      %dma_wait3A_1350 = tpu.memref_squeeze %dma_wait3A_1349 : memref<1x80x128xi32, #tpu.memory_space<hbm>> -> memref<80x128xi32, #tpu.memory_space<hbm>>
      %dma_wait3A_1351 = arith.constant 0 : i32
      %dma_wait3A_1352 = tpu.memref_slice %dma_wait3A_1350[%multiple_of3A_1341, %dma_wait3A_1351] : memref<80x128xi32, #tpu.memory_space<hbm>> -> memref<8x128xi32, #tpu.memory_space<hbm>>
      %dma_wait3A_1353 = arith.constant 0 : i32
      %dma_wait3A_1354 = arith.constant 0 : i32
      %dma_wait3A_1355 = tpu.memref_slice %arg8[%dma_wait3A_1342, %dma_wait3A_1353, %dma_wait3A_1354] : memref<2x8x128xi32, #tpu.memory_space<vmem>> -> memref<1x8x128xi32, #tpu.memory_space<vmem>>
      %dma_wait3A_1356 = tpu.memref_squeeze %dma_wait3A_1355 : memref<1x8x128xi32, #tpu.memory_space<vmem>> -> memref<8x128xi32, #tpu.memory_space<vmem>>
      %dma_wait3A_1357 = arith.constant 0 : i32
      %dma_wait3A_1358 = arith.constant 0 : i32
      %dma_wait3A_1359 = tpu.memref_slice %arg2[%add3A, %dma_wait3A_1357, %dma_wait3A_1358] : memref<32x80x128xi32, #tpu.memory_space<hbm>> -> memref<1x80x128xi32, #tpu.memory_space<hbm>>
      %dma_wait3A_1360 = tpu.memref_squeeze %dma_wait3A_1359 : memref<1x80x128xi32, #tpu.memory_space<hbm>> -> memref<80x128xi32, #tpu.memory_space<hbm>>
      %dma_wait3A_1361 = arith.constant 0 : i32
      %dma_wait3A_1362 = tpu.memref_slice %dma_wait3A_1360[%multiple_of3A_1341, %dma_wait3A_1361] : memref<80x128xi32, #tpu.memory_space<hbm>> -> memref<8x128xi32, #tpu.memory_space<hbm>>
      tpu.wait_dma2 semaphore(%arg14 : memref<!tpu.dma_semaphore, #tpu.memory_space<semaphore_mem>>) src(%dma_wait3A_1362 : memref<8x128xi32, #tpu.memory_space<hbm>>) dst(%dma_wait3A_1356 : memref<8x128xi32, #tpu.memory_space<vmem>>)
      %dma_wait3A_1363 = arith.constant 1 : i32
      %dma_wait3A_1364 = arith.constant 0 : i32
      %dma_wait3A_1365 = arith.constant 0 : i32
      %dma_wait3A_1366 = tpu.memref_slice %arg9[%dma_wait3A_1363, %dma_wait3A_1364, %dma_wait3A_1365] : memref<2x8x128xi32, #tpu.memory_space<vmem>> -> memref<1x8x128xi32, #tpu.memory_space<vmem>>
      %dma_wait3A_1367 = tpu.memref_squeeze %dma_wait3A_1366 : memref<1x8x128xi32, #tpu.memory_space<vmem>> -> memref<8x128xi32, #tpu.memory_space<vmem>>
      %dma_wait3A_1368 = arith.constant 0 : i32
      %dma_wait3A_1369 = arith.constant 0 : i32
      %dma_wait3A_1370 = tpu.memref_slice %arg3[%add3A, %dma_wait3A_1368, %dma_wait3A_1369] : memref<32x80x128xi32, #tpu.memory_space<hbm>> -> memref<1x80x128xi32, #tpu.memory_space<hbm>>
      %dma_wait3A_1371 = tpu.memref_squeeze %dma_wait3A_1370 : memref<1x80x128xi32, #tpu.memory_space<hbm>> -> memref<80x128xi32, #tpu.memory_space<hbm>>
      %dma_wait3A_1372 = arith.constant 0 : i32
      %dma_wait3A_1373 = tpu.memref_slice %dma_wait3A_1371[%multiple_of3A_1341, %dma_wait3A_1372] : memref<80x128xi32, #tpu.memory_space<hbm>> -> memref<8x128xi32, #tpu.memory_space<hbm>>
      %dma_wait3A_1374 = arith.constant 0 : i32
      %dma_wait3A_1375 = arith.constant 0 : i32
      %dma_wait3A_1376 = tpu.memref_slice %arg9[%dma_wait3A_1363, %dma_wait3A_1374, %dma_wait3A_1375] : memref<2x8x128xi32, #tpu.memory_space<vmem>> -> memref<1x8x128xi32, #tpu.memory_space<vmem>>
      %dma_wait3A_1377 = tpu.memref_squeeze %dma_wait3A_1376 : memref<1x8x128xi32, #tpu.memory_space<vmem>> -> memref<8x128xi32, #tpu.memory_space<vmem>>
      %dma_wait3A_1378 = arith.constant 0 : i32
      %dma_wait3A_1379 = arith.constant 0 : i32
      %dma_wait3A_1380 = tpu.memref_slice %arg3[%add3A, %dma_wait3A_1378, %dma_wait3A_1379] : memref<32x80x128xi32, #tpu.memory_space<hbm>> -> memref<1x80x128xi32, #tpu.memory_space<hbm>>
      %dma_wait3A_1381 = tpu.memref_squeeze %dma_wait3A_1380 : memref<1x80x128xi32, #tpu.memory_space<hbm>> -> memref<80x128xi32, #tpu.memory_space<hbm>>
      %dma_wait3A_1382 = arith.constant 0 : i32
      %dma_wait3A_1383 = tpu.memref_slice %dma_wait3A_1381[%multiple_of3A_1341, %dma_wait3A_1382] : memref<80x128xi32, #tpu.memory_space<hbm>> -> memref<8x128xi32, #tpu.memory_space<hbm>>
      tpu.wait_dma2 semaphore(%arg14 : memref<!tpu.dma_semaphore, #tpu.memory_space<semaphore_mem>>) src(%dma_wait3A_1383 : memref<8x128xi32, #tpu.memory_space<hbm>>) dst(%dma_wait3A_1377 : memref<8x128xi32, #tpu.memory_space<vmem>>)
      %add3A_1384 = arith.constant 2 : i32
      %add3A_1385 = arith.addi %mul3A_952, %add3A_1384 : i32
      %mul3A_1386 = arith.constant 8 : i32
      %mul3A_1387 = arith.muli %add3A_1385, %mul3A_1386 : i32
      %multiple_of3A_1388 = tpu.assume_multiple %mul3A_1387, 8 : i32
      %dma_start3A_1389 = arith.constant 0 : i32
      %dma_start3A_1390 = arith.constant 0 : i32
      %dma_start3A_1391 = arith.constant 0 : i32
      %dma_start3A_1392 = tpu.memref_slice %arg8[%dma_start3A_1389, %dma_start3A_1390, %dma_start3A_1391] : memref<2x8x128xi32, #tpu.memory_space<vmem>> -> memref<1x8x128xi32, #tpu.memory_space<vmem>>
      %dma_start3A_1393 = tpu.memref_squeeze %dma_start3A_1392 : memref<1x8x128xi32, #tpu.memory_space<vmem>> -> memref<8x128xi32, #tpu.memory_space<vmem>>
      %dma_start3A_1394 = arith.constant 0 : i32
      %dma_start3A_1395 = arith.constant 0 : i32
      %dma_start3A_1396 = tpu.memref_slice %arg2[%add3A, %dma_start3A_1394, %dma_start3A_1395] : memref<32x80x128xi32, #tpu.memory_space<hbm>> -> memref<1x80x128xi32, #tpu.memory_space<hbm>>
      %dma_start3A_1397 = tpu.memref_squeeze %dma_start3A_1396 : memref<1x80x128xi32, #tpu.memory_space<hbm>> -> memref<80x128xi32, #tpu.memory_space<hbm>>
      %dma_start3A_1398 = arith.constant 0 : i32
      %dma_start3A_1399 = tpu.memref_slice %dma_start3A_1397[%multiple_of3A_1388, %dma_start3A_1398] : memref<80x128xi32, #tpu.memory_space<hbm>> -> memref<8x128xi32, #tpu.memory_space<hbm>>
      %dma_start3A_1400 = arith.constant 0 : i32
      %dma_start3A_1401 = arith.constant 0 : i32
      %dma_start3A_1402 = tpu.memref_slice %arg8[%dma_start3A_1389, %dma_start3A_1400, %dma_start3A_1401] : memref<2x8x128xi32, #tpu.memory_space<vmem>> -> memref<1x8x128xi32, #tpu.memory_space<vmem>>
      %dma_start3A_1403 = tpu.memref_squeeze %dma_start3A_1402 : memref<1x8x128xi32, #tpu.memory_space<vmem>> -> memref<8x128xi32, #tpu.memory_space<vmem>>
      %dma_start3A_1404 = arith.constant 0 : i32
      %dma_start3A_1405 = arith.constant 0 : i32
      %dma_start3A_1406 = tpu.memref_slice %arg2[%add3A, %dma_start3A_1404, %dma_start3A_1405] : memref<32x80x128xi32, #tpu.memory_space<hbm>> -> memref<1x80x128xi32, #tpu.memory_space<hbm>>
      %dma_start3A_1407 = tpu.memref_squeeze %dma_start3A_1406 : memref<1x80x128xi32, #tpu.memory_space<hbm>> -> memref<80x128xi32, #tpu.memory_space<hbm>>
      %dma_start3A_1408 = arith.constant 0 : i32
      %dma_start3A_1409 = tpu.memref_slice %dma_start3A_1407[%multiple_of3A_1388, %dma_start3A_1408] : memref<80x128xi32, #tpu.memory_space<hbm>> -> memref<8x128xi32, #tpu.memory_space<hbm>>
      tpu.enqueue_dma source(%dma_start3A_1409 : memref<8x128xi32, #tpu.memory_space<hbm>>) target(%dma_start3A_1403 : memref<8x128xi32, #tpu.memory_space<vmem>>) target_semaphore(%arg13 : memref<!tpu.dma_semaphore, #tpu.memory_space<semaphore_mem>>)
      %dma_start3A_1410 = arith.constant 0 : i32
      %dma_start3A_1411 = arith.constant 0 : i32
      %dma_start3A_1412 = arith.constant 0 : i32
      %dma_start3A_1413 = tpu.memref_slice %arg9[%dma_start3A_1410, %dma_start3A_1411, %dma_start3A_1412] : memref<2x8x128xi32, #tpu.memory_space<vmem>> -> memref<1x8x128xi32, #tpu.memory_space<vmem>>
      %dma_start3A_1414 = tpu.memref_squeeze %dma_start3A_1413 : memref<1x8x128xi32, #tpu.memory_space<vmem>> -> memref<8x128xi32, #tpu.memory_space<vmem>>
      %dma_start3A_1415 = arith.constant 0 : i32
      %dma_start3A_1416 = arith.constant 0 : i32
      %dma_start3A_1417 = tpu.memref_slice %arg3[%add3A, %dma_start3A_1415, %dma_start3A_1416] : memref<32x80x128xi32, #tpu.memory_space<hbm>> -> memref<1x80x128xi32, #tpu.memory_space<hbm>>
      %dma_start3A_1418 = tpu.memref_squeeze %dma_start3A_1417 : memref<1x80x128xi32, #tpu.memory_space<hbm>> -> memref<80x128xi32, #tpu.memory_space<hbm>>
      %dma_start3A_1419 = arith.constant 0 : i32
      %dma_start3A_1420 = tpu.memref_slice %dma_start3A_1418[%multiple_of3A_1388, %dma_start3A_1419] : memref<80x128xi32, #tpu.memory_space<hbm>> -> memref<8x128xi32, #tpu.memory_space<hbm>>
      %dma_start3A_1421 = arith.constant 0 : i32
      %dma_start3A_1422 = arith.constant 0 : i32
      %dma_start3A_1423 = tpu.memref_slice %arg9[%dma_start3A_1410, %dma_start3A_1421, %dma_start3A_1422] : memref<2x8x128xi32, #tpu.memory_space<vmem>> -> memref<1x8x128xi32, #tpu.memory_space<vmem>>
      %dma_start3A_1424 = tpu.memref_squeeze %dma_start3A_1423 : memref<1x8x128xi32, #tpu.memory_space<vmem>> -> memref<8x128xi32, #tpu.memory_space<vmem>>
      %dma_start3A_1425 = arith.constant 0 : i32
      %dma_start3A_1426 = arith.constant 0 : i32
      %dma_start3A_1427 = tpu.memref_slice %arg3[%add3A, %dma_start3A_1425, %dma_start3A_1426] : memref<32x80x128xi32, #tpu.memory_space<hbm>> -> memref<1x80x128xi32, #tpu.memory_space<hbm>>
      %dma_start3A_1428 = tpu.memref_squeeze %dma_start3A_1427 : memref<1x80x128xi32, #tpu.memory_space<hbm>> -> memref<80x128xi32, #tpu.memory_space<hbm>>
      %dma_start3A_1429 = arith.constant 0 : i32
      %dma_start3A_1430 = tpu.memref_slice %dma_start3A_1428[%multiple_of3A_1388, %dma_start3A_1429] : memref<80x128xi32, #tpu.memory_space<hbm>> -> memref<8x128xi32, #tpu.memory_space<hbm>>
      tpu.enqueue_dma source(%dma_start3A_1430 : memref<8x128xi32, #tpu.memory_space<hbm>>) target(%dma_start3A_1424 : memref<8x128xi32, #tpu.memory_space<vmem>>) target_semaphore(%arg13 : memref<!tpu.dma_semaphore, #tpu.memory_space<semaphore_mem>>)
      %mul3A_1431 = arith.constant 2 : i32
      %mul3A_1432 = arith.muli %scan3A_950, %mul3A_1431 : i32
      %add3A_1433 = arith.constant 1 : i32
      %add3A_1434 = arith.addi %mul3A_1432, %add3A_1433 : i32
      %dma_start3A_1435 = arith.constant 1 : i32
      %dma_start3A_1436 = arith.constant 0 : i32
      %dma_start3A_1437 = arith.constant 0 : i32
      %dma_start3A_1438 = arith.constant 0 : i32
      %dma_start3A_1439 = tpu.memref_slice %arg8[%dma_start3A_1435, %dma_start3A_1437, %dma_start3A_1438] : memref<2x8x128xi32, #tpu.memory_space<vmem>> -> memref<1x8x128xi32, #tpu.memory_space<vmem>>
      %dma_start3A_1440 = tpu.memref_squeeze %dma_start3A_1439 : memref<1x8x128xi32, #tpu.memory_space<vmem>> -> memref<8x128xi32, #tpu.memory_space<vmem>>
      %dma_start3A_1441 = arith.constant 0 : i32
      %dma_start3A_1442 = tpu.memref_slice %dma_start3A_1440[%dma_start3A_1436, %dma_start3A_1441] : memref<8x128xi32, #tpu.memory_space<vmem>> -> memref<1x128xi32, #tpu.memory_space<vmem>>
      %dma_start3A_1443 = tpu.memref_squeeze %dma_start3A_1442 : memref<1x128xi32, #tpu.memory_space<vmem>> -> memref<128xi32, #tpu.memory_space<vmem>>
      %dma_start3A_1444 = arith.constant 0 : i32
      %dma_start3A_1445 = arith.constant 0 : i32
      %dma_start3A_1446 = tpu.memref_slice %arg12[%dma_start3A_1444, %dma_start3A_1445] : memref<10240x128xf32, #tpu.memory_space<vmem_shared>> -> memref<10240x128xf32, #tpu.memory_space<vmem_shared>>
      tpu.enqueue_indirect_dma source(%arg10 : memref<128x128xf32, #tpu.memory_space<vmem>>) target(%dma_start3A_1446 : memref<10240x128xf32, #tpu.memory_space<vmem_shared>>) offsets(%dma_start3A_1443 : memref<128xi32, #tpu.memory_space<vmem>>) semaphore(%arg15 : memref<!tpu.dma_semaphore, #tpu.memory_space<semaphore_mem>>) {add = true}
      %dma_start3A_1447 = arith.constant 1 : i32
      %dma_start3A_1448 = arith.constant 0 : i32
      %dma_start3A_1449 = arith.constant 0 : i32
      %dma_start3A_1450 = arith.constant 0 : i32
      %dma_start3A_1451 = tpu.memref_slice %arg9[%dma_start3A_1447, %dma_start3A_1449, %dma_start3A_1450] : memref<2x8x128xi32, #tpu.memory_space<vmem>> -> memref<1x8x128xi32, #tpu.memory_space<vmem>>
      %dma_start3A_1452 = tpu.memref_squeeze %dma_start3A_1451 : memref<1x8x128xi32, #tpu.memory_space<vmem>> -> memref<8x128xi32, #tpu.memory_space<vmem>>
      %dma_start3A_1453 = arith.constant 0 : i32
      %dma_start3A_1454 = tpu.memref_slice %dma_start3A_1452[%dma_start3A_1448, %dma_start3A_1453] : memref<8x128xi32, #tpu.memory_space<vmem>> -> memref<1x128xi32, #tpu.memory_space<vmem>>
      %dma_start3A_1455 = tpu.memref_squeeze %dma_start3A_1454 : memref<1x128xi32, #tpu.memory_space<vmem>> -> memref<128xi32, #tpu.memory_space<vmem>>
      %dma_start3A_1456 = arith.constant 0 : i32
      %dma_start3A_1457 = arith.constant 0 : i32
      %dma_start3A_1458 = tpu.memref_slice %arg12[%dma_start3A_1456, %dma_start3A_1457] : memref<10240x128xf32, #tpu.memory_space<vmem_shared>> -> memref<10240x128xf32, #tpu.memory_space<vmem_shared>>
      tpu.enqueue_indirect_dma source(%arg11 : memref<128x128xf32, #tpu.memory_space<vmem>>) target(%dma_start3A_1458 : memref<10240x128xf32, #tpu.memory_space<vmem_shared>>) offsets(%dma_start3A_1455 : memref<128xi32, #tpu.memory_space<vmem>>) semaphore(%arg15 : memref<!tpu.dma_semaphore, #tpu.memory_space<semaphore_mem>>) {add = true}
      %dma_start3A_1459 = arith.constant 1 : i32
      %dma_start3A_1460 = arith.constant 1 : i32
      %dma_start3A_1461 = arith.constant 0 : i32
      %dma_start3A_1462 = arith.constant 0 : i32
      %dma_start3A_1463 = tpu.memref_slice %arg8[%dma_start3A_1459, %dma_start3A_1461, %dma_start3A_1462] : memref<2x8x128xi32, #tpu.memory_space<vmem>> -> memref<1x8x128xi32, #tpu.memory_space<vmem>>
      %dma_start3A_1464 = tpu.memref_squeeze %dma_start3A_1463 : memref<1x8x128xi32, #tpu.memory_space<vmem>> -> memref<8x128xi32, #tpu.memory_space<vmem>>
      %dma_start3A_1465 = arith.constant 0 : i32
      %dma_start3A_1466 = tpu.memref_slice %dma_start3A_1464[%dma_start3A_1460, %dma_start3A_1465] : memref<8x128xi32, #tpu.memory_space<vmem>> -> memref<1x128xi32, #tpu.memory_space<vmem>>
      %dma_start3A_1467 = tpu.memref_squeeze %dma_start3A_1466 : memref<1x128xi32, #tpu.memory_space<vmem>> -> memref<128xi32, #tpu.memory_space<vmem>>
      %dma_start3A_1468 = arith.constant 0 : i32
      %dma_start3A_1469 = arith.constant 0 : i32
      %dma_start3A_1470 = tpu.memref_slice %arg12[%dma_start3A_1468, %dma_start3A_1469] : memref<10240x128xf32, #tpu.memory_space<vmem_shared>> -> memref<10240x128xf32, #tpu.memory_space<vmem_shared>>
      tpu.enqueue_indirect_dma source(%arg10 : memref<128x128xf32, #tpu.memory_space<vmem>>) target(%dma_start3A_1470 : memref<10240x128xf32, #tpu.memory_space<vmem_shared>>) offsets(%dma_start3A_1467 : memref<128xi32, #tpu.memory_space<vmem>>) semaphore(%arg15 : memref<!tpu.dma_semaphore, #tpu.memory_space<semaphore_mem>>) {add = true}
      %dma_start3A_1471 = arith.constant 1 : i32
      %dma_start3A_1472 = arith.constant 1 : i32
      %dma_start3A_1473 = arith.constant 0 : i32
      %dma_start3A_1474 = arith.constant 0 : i32
      %dma_start3A_1475 = tpu.memref_slice %arg9[%dma_start3A_1471, %dma_start3A_1473, %dma_start3A_1474] : memref<2x8x128xi32, #tpu.memory_space<vmem>> -> memref<1x8x128xi32, #tpu.memory_space<vmem>>
      %dma_start3A_1476 = tpu.memref_squeeze %dma_start3A_1475 : memref<1x8x128xi32, #tpu.memory_space<vmem>> -> memref<8x128xi32, #tpu.memory_space<vmem>>
      %dma_start3A_1477 = arith.constant 0 : i32
      %dma_start3A_1478 = tpu.memref_slice %dma_start3A_1476[%dma_start3A_1472, %dma_start3A_1477] : memref<8x128xi32, #tpu.memory_space<vmem>> -> memref<1x128xi32, #tpu.memory_space<vmem>>
      %dma_start3A_1479 = tpu.memref_squeeze %dma_start3A_1478 : memref<1x128xi32, #tpu.memory_space<vmem>> -> memref<128xi32, #tpu.memory_space<vmem>>
      %dma_start3A_1480 = arith.constant 0 : i32
      %dma_start3A_1481 = arith.constant 0 : i32
      %dma_start3A_1482 = tpu.memref_slice %arg12[%dma_start3A_1480, %dma_start3A_1481] : memref<10240x128xf32, #tpu.memory_space<vmem_shared>> -> memref<10240x128xf32, #tpu.memory_space<vmem_shared>>
      tpu.enqueue_indirect_dma source(%arg11 : memref<128x128xf32, #tpu.memory_space<vmem>>) target(%dma_start3A_1482 : memref<10240x128xf32, #tpu.memory_space<vmem_shared>>) offsets(%dma_start3A_1479 : memref<128xi32, #tpu.memory_space<vmem>>) semaphore(%arg15 : memref<!tpu.dma_semaphore, #tpu.memory_space<semaphore_mem>>) {add = true}
      %dma_start3A_1483 = arith.constant 1 : i32
      %dma_start3A_1484 = arith.constant 2 : i32
      %dma_start3A_1485 = arith.constant 0 : i32
      %dma_start3A_1486 = arith.constant 0 : i32
      %dma_start3A_1487 = tpu.memref_slice %arg8[%dma_start3A_1483, %dma_start3A_1485, %dma_start3A_1486] : memref<2x8x128xi32, #tpu.memory_space<vmem>> -> memref<1x8x128xi32, #tpu.memory_space<vmem>>
      %dma_start3A_1488 = tpu.memref_squeeze %dma_start3A_1487 : memref<1x8x128xi32, #tpu.memory_space<vmem>> -> memref<8x128xi32, #tpu.memory_space<vmem>>
      %dma_start3A_1489 = arith.constant 0 : i32
      %dma_start3A_1490 = tpu.memref_slice %dma_start3A_1488[%dma_start3A_1484, %dma_start3A_1489] : memref<8x128xi32, #tpu.memory_space<vmem>> -> memref<1x128xi32, #tpu.memory_space<vmem>>
      %dma_start3A_1491 = tpu.memref_squeeze %dma_start3A_1490 : memref<1x128xi32, #tpu.memory_space<vmem>> -> memref<128xi32, #tpu.memory_space<vmem>>
      %dma_start3A_1492 = arith.constant 0 : i32
      %dma_start3A_1493 = arith.constant 0 : i32
      %dma_start3A_1494 = tpu.memref_slice %arg12[%dma_start3A_1492, %dma_start3A_1493] : memref<10240x128xf32, #tpu.memory_space<vmem_shared>> -> memref<10240x128xf32, #tpu.memory_space<vmem_shared>>
      tpu.enqueue_indirect_dma source(%arg10 : memref<128x128xf32, #tpu.memory_space<vmem>>) target(%dma_start3A_1494 : memref<10240x128xf32, #tpu.memory_space<vmem_shared>>) offsets(%dma_start3A_1491 : memref<128xi32, #tpu.memory_space<vmem>>) semaphore(%arg15 : memref<!tpu.dma_semaphore, #tpu.memory_space<semaphore_mem>>) {add = true}
      %dma_start3A_1495 = arith.constant 1 : i32
      %dma_start3A_1496 = arith.constant 2 : i32
      %dma_start3A_1497 = arith.constant 0 : i32
      %dma_start3A_1498 = arith.constant 0 : i32
      %dma_start3A_1499 = tpu.memref_slice %arg9[%dma_start3A_1495, %dma_start3A_1497, %dma_start3A_1498] : memref<2x8x128xi32, #tpu.memory_space<vmem>> -> memref<1x8x128xi32, #tpu.memory_space<vmem>>
      %dma_start3A_1500 = tpu.memref_squeeze %dma_start3A_1499 : memref<1x8x128xi32, #tpu.memory_space<vmem>> -> memref<8x128xi32, #tpu.memory_space<vmem>>
      %dma_start3A_1501 = arith.constant 0 : i32
      %dma_start3A_1502 = tpu.memref_slice %dma_start3A_1500[%dma_start3A_1496, %dma_start3A_1501] : memref<8x128xi32, #tpu.memory_space<vmem>> -> memref<1x128xi32, #tpu.memory_space<vmem>>
      %dma_start3A_1503 = tpu.memref_squeeze %dma_start3A_1502 : memref<1x128xi32, #tpu.memory_space<vmem>> -> memref<128xi32, #tpu.memory_space<vmem>>
      %dma_start3A_1504 = arith.constant 0 : i32
      %dma_start3A_1505 = arith.constant 0 : i32
      %dma_start3A_1506 = tpu.memref_slice %arg12[%dma_start3A_1504, %dma_start3A_1505] : memref<10240x128xf32, #tpu.memory_space<vmem_shared>> -> memref<10240x128xf32, #tpu.memory_space<vmem_shared>>
      tpu.enqueue_indirect_dma source(%arg11 : memref<128x128xf32, #tpu.memory_space<vmem>>) target(%dma_start3A_1506 : memref<10240x128xf32, #tpu.memory_space<vmem_shared>>) offsets(%dma_start3A_1503 : memref<128xi32, #tpu.memory_space<vmem>>) semaphore(%arg15 : memref<!tpu.dma_semaphore, #tpu.memory_space<semaphore_mem>>) {add = true}
      %dma_start3A_1507 = arith.constant 1 : i32
      %dma_start3A_1508 = arith.constant 3 : i32
      %dma_start3A_1509 = arith.constant 0 : i32
      %dma_start3A_1510 = arith.constant 0 : i32
      %dma_start3A_1511 = tpu.memref_slice %arg8[%dma_start3A_1507, %dma_start3A_1509, %dma_start3A_1510] : memref<2x8x128xi32, #tpu.memory_space<vmem>> -> memref<1x8x128xi32, #tpu.memory_space<vmem>>
      %dma_start3A_1512 = tpu.memref_squeeze %dma_start3A_1511 : memref<1x8x128xi32, #tpu.memory_space<vmem>> -> memref<8x128xi32, #tpu.memory_space<vmem>>
      %dma_start3A_1513 = arith.constant 0 : i32
      %dma_start3A_1514 = tpu.memref_slice %dma_start3A_1512[%dma_start3A_1508, %dma_start3A_1513] : memref<8x128xi32, #tpu.memory_space<vmem>> -> memref<1x128xi32, #tpu.memory_space<vmem>>
      %dma_start3A_1515 = tpu.memref_squeeze %dma_start3A_1514 : memref<1x128xi32, #tpu.memory_space<vmem>> -> memref<128xi32, #tpu.memory_space<vmem>>
      %dma_start3A_1516 = arith.constant 0 : i32
      %dma_start3A_1517 = arith.constant 0 : i32
      %dma_start3A_1518 = tpu.memref_slice %arg12[%dma_start3A_1516, %dma_start3A_1517] : memref<10240x128xf32, #tpu.memory_space<vmem_shared>> -> memref<10240x128xf32, #tpu.memory_space<vmem_shared>>
      tpu.enqueue_indirect_dma source(%arg10 : memref<128x128xf32, #tpu.memory_space<vmem>>) target(%dma_start3A_1518 : memref<10240x128xf32, #tpu.memory_space<vmem_shared>>) offsets(%dma_start3A_1515 : memref<128xi32, #tpu.memory_space<vmem>>) semaphore(%arg15 : memref<!tpu.dma_semaphore, #tpu.memory_space<semaphore_mem>>) {add = true}
      %dma_start3A_1519 = arith.constant 1 : i32
      %dma_start3A_1520 = arith.constant 3 : i32
      %dma_start3A_1521 = arith.constant 0 : i32
      %dma_start3A_1522 = arith.constant 0 : i32
      %dma_start3A_1523 = tpu.memref_slice %arg9[%dma_start3A_1519, %dma_start3A_1521, %dma_start3A_1522] : memref<2x8x128xi32, #tpu.memory_space<vmem>> -> memref<1x8x128xi32, #tpu.memory_space<vmem>>
      %dma_start3A_1524 = tpu.memref_squeeze %dma_start3A_1523 : memref<1x8x128xi32, #tpu.memory_space<vmem>> -> memref<8x128xi32, #tpu.memory_space<vmem>>
      %dma_start3A_1525 = arith.constant 0 : i32
      %dma_start3A_1526 = tpu.memref_slice %dma_start3A_1524[%dma_start3A_1520, %dma_start3A_1525] : memref<8x128xi32, #tpu.memory_space<vmem>> -> memref<1x128xi32, #tpu.memory_space<vmem>>
      %dma_start3A_1527 = tpu.memref_squeeze %dma_start3A_1526 : memref<1x128xi32, #tpu.memory_space<vmem>> -> memref<128xi32, #tpu.memory_space<vmem>>
      %dma_start3A_1528 = arith.constant 0 : i32
      %dma_start3A_1529 = arith.constant 0 : i32
      %dma_start3A_1530 = tpu.memref_slice %arg12[%dma_start3A_1528, %dma_start3A_1529] : memref<10240x128xf32, #tpu.memory_space<vmem_shared>> -> memref<10240x128xf32, #tpu.memory_space<vmem_shared>>
      tpu.enqueue_indirect_dma source(%arg11 : memref<128x128xf32, #tpu.memory_space<vmem>>) target(%dma_start3A_1530 : memref<10240x128xf32, #tpu.memory_space<vmem_shared>>) offsets(%dma_start3A_1527 : memref<128xi32, #tpu.memory_space<vmem>>) semaphore(%arg15 : memref<!tpu.dma_semaphore, #tpu.memory_space<semaphore_mem>>) {add = true}
      %dma_start3A_1531 = arith.constant 1 : i32
      %dma_start3A_1532 = arith.constant 4 : i32
      %dma_start3A_1533 = arith.constant 0 : i32
      %dma_start3A_1534 = arith.constant 0 : i32
      %dma_start3A_1535 = tpu.memref_slice %arg8[%dma_start3A_1531, %dma_start3A_1533, %dma_start3A_1534] : memref<2x8x128xi32, #tpu.memory_space<vmem>> -> memref<1x8x128xi32, #tpu.memory_space<vmem>>
      %dma_start3A_1536 = tpu.memref_squeeze %dma_start3A_1535 : memref<1x8x128xi32, #tpu.memory_space<vmem>> -> memref<8x128xi32, #tpu.memory_space<vmem>>
      %dma_start3A_1537 = arith.constant 0 : i32
      %dma_start3A_1538 = tpu.memref_slice %dma_start3A_1536[%dma_start3A_1532, %dma_start3A_1537] : memref<8x128xi32, #tpu.memory_space<vmem>> -> memref<1x128xi32, #tpu.memory_space<vmem>>
      %dma_start3A_1539 = tpu.memref_squeeze %dma_start3A_1538 : memref<1x128xi32, #tpu.memory_space<vmem>> -> memref<128xi32, #tpu.memory_space<vmem>>
      %dma_start3A_1540 = arith.constant 0 : i32
      %dma_start3A_1541 = arith.constant 0 : i32
      %dma_start3A_1542 = tpu.memref_slice %arg12[%dma_start3A_1540, %dma_start3A_1541] : memref<10240x128xf32, #tpu.memory_space<vmem_shared>> -> memref<10240x128xf32, #tpu.memory_space<vmem_shared>>
      tpu.enqueue_indirect_dma source(%arg10 : memref<128x128xf32, #tpu.memory_space<vmem>>) target(%dma_start3A_1542 : memref<10240x128xf32, #tpu.memory_space<vmem_shared>>) offsets(%dma_start3A_1539 : memref<128xi32, #tpu.memory_space<vmem>>) semaphore(%arg15 : memref<!tpu.dma_semaphore, #tpu.memory_space<semaphore_mem>>) {add = true}
      %dma_start3A_1543 = arith.constant 1 : i32
      %dma_start3A_1544 = arith.constant 4 : i32
      %dma_start3A_1545 = arith.constant 0 : i32
      %dma_start3A_1546 = arith.constant 0 : i32
      %dma_start3A_1547 = tpu.memref_slice %arg9[%dma_start3A_1543, %dma_start3A_1545, %dma_start3A_1546] : memref<2x8x128xi32, #tpu.memory_space<vmem>> -> memref<1x8x128xi32, #tpu.memory_space<vmem>>
      %dma_start3A_1548 = tpu.memref_squeeze %dma_start3A_1547 : memref<1x8x128xi32, #tpu.memory_space<vmem>> -> memref<8x128xi32, #tpu.memory_space<vmem>>
      %dma_start3A_1549 = arith.constant 0 : i32
      %dma_start3A_1550 = tpu.memref_slice %dma_start3A_1548[%dma_start3A_1544, %dma_start3A_1549] : memref<8x128xi32, #tpu.memory_space<vmem>> -> memref<1x128xi32, #tpu.memory_space<vmem>>
      %dma_start3A_1551 = tpu.memref_squeeze %dma_start3A_1550 : memref<1x128xi32, #tpu.memory_space<vmem>> -> memref<128xi32, #tpu.memory_space<vmem>>
      %dma_start3A_1552 = arith.constant 0 : i32
      %dma_start3A_1553 = arith.constant 0 : i32
      %dma_start3A_1554 = tpu.memref_slice %arg12[%dma_start3A_1552, %dma_start3A_1553] : memref<10240x128xf32, #tpu.memory_space<vmem_shared>> -> memref<10240x128xf32, #tpu.memory_space<vmem_shared>>
      tpu.enqueue_indirect_dma source(%arg11 : memref<128x128xf32, #tpu.memory_space<vmem>>) target(%dma_start3A_1554 : memref<10240x128xf32, #tpu.memory_space<vmem_shared>>) offsets(%dma_start3A_1551 : memref<128xi32, #tpu.memory_space<vmem>>) semaphore(%arg15 : memref<!tpu.dma_semaphore, #tpu.memory_space<semaphore_mem>>) {add = true}
      %dma_start3A_1555 = arith.constant 1 : i32
      %dma_start3A_1556 = arith.constant 5 : i32
      %dma_start3A_1557 = arith.constant 0 : i32
      %dma_start3A_1558 = arith.constant 0 : i32
      %dma_start3A_1559 = tpu.memref_slice %arg8[%dma_start3A_1555, %dma_start3A_1557, %dma_start3A_1558] : memref<2x8x128xi32, #tpu.memory_space<vmem>> -> memref<1x8x128xi32, #tpu.memory_space<vmem>>
      %dma_start3A_1560 = tpu.memref_squeeze %dma_start3A_1559 : memref<1x8x128xi32, #tpu.memory_space<vmem>> -> memref<8x128xi32, #tpu.memory_space<vmem>>
      %dma_start3A_1561 = arith.constant 0 : i32
      %dma_start3A_1562 = tpu.memref_slice %dma_start3A_1560[%dma_start3A_1556, %dma_start3A_1561] : memref<8x128xi32, #tpu.memory_space<vmem>> -> memref<1x128xi32, #tpu.memory_space<vmem>>
      %dma_start3A_1563 = tpu.memref_squeeze %dma_start3A_1562 : memref<1x128xi32, #tpu.memory_space<vmem>> -> memref<128xi32, #tpu.memory_space<vmem>>
      %dma_start3A_1564 = arith.constant 0 : i32
      %dma_start3A_1565 = arith.constant 0 : i32
      %dma_start3A_1566 = tpu.memref_slice %arg12[%dma_start3A_1564, %dma_start3A_1565] : memref<10240x128xf32, #tpu.memory_space<vmem_shared>> -> memref<10240x128xf32, #tpu.memory_space<vmem_shared>>
      tpu.enqueue_indirect_dma source(%arg10 : memref<128x128xf32, #tpu.memory_space<vmem>>) target(%dma_start3A_1566 : memref<10240x128xf32, #tpu.memory_space<vmem_shared>>) offsets(%dma_start3A_1563 : memref<128xi32, #tpu.memory_space<vmem>>) semaphore(%arg15 : memref<!tpu.dma_semaphore, #tpu.memory_space<semaphore_mem>>) {add = true}
      %dma_start3A_1567 = arith.constant 1 : i32
      %dma_start3A_1568 = arith.constant 5 : i32
      %dma_start3A_1569 = arith.constant 0 : i32
      %dma_start3A_1570 = arith.constant 0 : i32
      %dma_start3A_1571 = tpu.memref_slice %arg9[%dma_start3A_1567, %dma_start3A_1569, %dma_start3A_1570] : memref<2x8x128xi32, #tpu.memory_space<vmem>> -> memref<1x8x128xi32, #tpu.memory_space<vmem>>
      %dma_start3A_1572 = tpu.memref_squeeze %dma_start3A_1571 : memref<1x8x128xi32, #tpu.memory_space<vmem>> -> memref<8x128xi32, #tpu.memory_space<vmem>>
      %dma_start3A_1573 = arith.constant 0 : i32
      %dma_start3A_1574 = tpu.memref_slice %dma_start3A_1572[%dma_start3A_1568, %dma_start3A_1573] : memref<8x128xi32, #tpu.memory_space<vmem>> -> memref<1x128xi32, #tpu.memory_space<vmem>>
      %dma_start3A_1575 = tpu.memref_squeeze %dma_start3A_1574 : memref<1x128xi32, #tpu.memory_space<vmem>> -> memref<128xi32, #tpu.memory_space<vmem>>
      %dma_start3A_1576 = arith.constant 0 : i32
      %dma_start3A_1577 = arith.constant 0 : i32
      %dma_start3A_1578 = tpu.memref_slice %arg12[%dma_start3A_1576, %dma_start3A_1577] : memref<10240x128xf32, #tpu.memory_space<vmem_shared>> -> memref<10240x128xf32, #tpu.memory_space<vmem_shared>>
      tpu.enqueue_indirect_dma source(%arg11 : memref<128x128xf32, #tpu.memory_space<vmem>>) target(%dma_start3A_1578 : memref<10240x128xf32, #tpu.memory_space<vmem_shared>>) offsets(%dma_start3A_1575 : memref<128xi32, #tpu.memory_space<vmem>>) semaphore(%arg15 : memref<!tpu.dma_semaphore, #tpu.memory_space<semaphore_mem>>) {add = true}
      %dma_start3A_1579 = arith.constant 1 : i32
      %dma_start3A_1580 = arith.constant 6 : i32
      %dma_start3A_1581 = arith.constant 0 : i32
      %dma_start3A_1582 = arith.constant 0 : i32
      %dma_start3A_1583 = tpu.memref_slice %arg8[%dma_start3A_1579, %dma_start3A_1581, %dma_start3A_1582] : memref<2x8x128xi32, #tpu.memory_space<vmem>> -> memref<1x8x128xi32, #tpu.memory_space<vmem>>
      %dma_start3A_1584 = tpu.memref_squeeze %dma_start3A_1583 : memref<1x8x128xi32, #tpu.memory_space<vmem>> -> memref<8x128xi32, #tpu.memory_space<vmem>>
      %dma_start3A_1585 = arith.constant 0 : i32
      %dma_start3A_1586 = tpu.memref_slice %dma_start3A_1584[%dma_start3A_1580, %dma_start3A_1585] : memref<8x128xi32, #tpu.memory_space<vmem>> -> memref<1x128xi32, #tpu.memory_space<vmem>>
      %dma_start3A_1587 = tpu.memref_squeeze %dma_start3A_1586 : memref<1x128xi32, #tpu.memory_space<vmem>> -> memref<128xi32, #tpu.memory_space<vmem>>
      %dma_start3A_1588 = arith.constant 0 : i32
      %dma_start3A_1589 = arith.constant 0 : i32
      %dma_start3A_1590 = tpu.memref_slice %arg12[%dma_start3A_1588, %dma_start3A_1589] : memref<10240x128xf32, #tpu.memory_space<vmem_shared>> -> memref<10240x128xf32, #tpu.memory_space<vmem_shared>>
      tpu.enqueue_indirect_dma source(%arg10 : memref<128x128xf32, #tpu.memory_space<vmem>>) target(%dma_start3A_1590 : memref<10240x128xf32, #tpu.memory_space<vmem_shared>>) offsets(%dma_start3A_1587 : memref<128xi32, #tpu.memory_space<vmem>>) semaphore(%arg15 : memref<!tpu.dma_semaphore, #tpu.memory_space<semaphore_mem>>) {add = true}
      %dma_start3A_1591 = arith.constant 1 : i32
      %dma_start3A_1592 = arith.constant 6 : i32
      %dma_start3A_1593 = arith.constant 0 : i32
      %dma_start3A_1594 = arith.constant 0 : i32
      %dma_start3A_1595 = tpu.memref_slice %arg9[%dma_start3A_1591, %dma_start3A_1593, %dma_start3A_1594] : memref<2x8x128xi32, #tpu.memory_space<vmem>> -> memref<1x8x128xi32, #tpu.memory_space<vmem>>
      %dma_start3A_1596 = tpu.memref_squeeze %dma_start3A_1595 : memref<1x8x128xi32, #tpu.memory_space<vmem>> -> memref<8x128xi32, #tpu.memory_space<vmem>>
      %dma_start3A_1597 = arith.constant 0 : i32
      %dma_start3A_1598 = tpu.memref_slice %dma_start3A_1596[%dma_start3A_1592, %dma_start3A_1597] : memref<8x128xi32, #tpu.memory_space<vmem>> -> memref<1x128xi32, #tpu.memory_space<vmem>>
      %dma_start3A_1599 = tpu.memref_squeeze %dma_start3A_1598 : memref<1x128xi32, #tpu.memory_space<vmem>> -> memref<128xi32, #tpu.memory_space<vmem>>
      %dma_start3A_1600 = arith.constant 0 : i32
      %dma_start3A_1601 = arith.constant 0 : i32
      %dma_start3A_1602 = tpu.memref_slice %arg12[%dma_start3A_1600, %dma_start3A_1601] : memref<10240x128xf32, #tpu.memory_space<vmem_shared>> -> memref<10240x128xf32, #tpu.memory_space<vmem_shared>>
      tpu.enqueue_indirect_dma source(%arg11 : memref<128x128xf32, #tpu.memory_space<vmem>>) target(%dma_start3A_1602 : memref<10240x128xf32, #tpu.memory_space<vmem_shared>>) offsets(%dma_start3A_1599 : memref<128xi32, #tpu.memory_space<vmem>>) semaphore(%arg15 : memref<!tpu.dma_semaphore, #tpu.memory_space<semaphore_mem>>) {add = true}
      %dma_start3A_1603 = arith.constant 1 : i32
      %dma_start3A_1604 = arith.constant 7 : i32
      %dma_start3A_1605 = arith.constant 0 : i32
      %dma_start3A_1606 = arith.constant 0 : i32
      %dma_start3A_1607 = tpu.memref_slice %arg8[%dma_start3A_1603, %dma_start3A_1605, %dma_start3A_1606] : memref<2x8x128xi32, #tpu.memory_space<vmem>> -> memref<1x8x128xi32, #tpu.memory_space<vmem>>
      %dma_start3A_1608 = tpu.memref_squeeze %dma_start3A_1607 : memref<1x8x128xi32, #tpu.memory_space<vmem>> -> memref<8x128xi32, #tpu.memory_space<vmem>>
      %dma_start3A_1609 = arith.constant 0 : i32
      %dma_start3A_1610 = tpu.memref_slice %dma_start3A_1608[%dma_start3A_1604, %dma_start3A_1609] : memref<8x128xi32, #tpu.memory_space<vmem>> -> memref<1x128xi32, #tpu.memory_space<vmem>>
      %dma_start3A_1611 = tpu.memref_squeeze %dma_start3A_1610 : memref<1x128xi32, #tpu.memory_space<vmem>> -> memref<128xi32, #tpu.memory_space<vmem>>
      %dma_start3A_1612 = arith.constant 0 : i32
      %dma_start3A_1613 = arith.constant 0 : i32
      %dma_start3A_1614 = tpu.memref_slice %arg12[%dma_start3A_1612, %dma_start3A_1613] : memref<10240x128xf32, #tpu.memory_space<vmem_shared>> -> memref<10240x128xf32, #tpu.memory_space<vmem_shared>>
      tpu.enqueue_indirect_dma source(%arg10 : memref<128x128xf32, #tpu.memory_space<vmem>>) target(%dma_start3A_1614 : memref<10240x128xf32, #tpu.memory_space<vmem_shared>>) offsets(%dma_start3A_1611 : memref<128xi32, #tpu.memory_space<vmem>>) semaphore(%arg15 : memref<!tpu.dma_semaphore, #tpu.memory_space<semaphore_mem>>) {add = true}
      %dma_start3A_1615 = arith.constant 1 : i32
      %dma_start3A_1616 = arith.constant 7 : i32
      %dma_start3A_1617 = arith.constant 0 : i32
      %dma_start3A_1618 = arith.constant 0 : i32
      %dma_start3A_1619 = tpu.memref_slice %arg9[%dma_start3A_1615, %dma_start3A_1617, %dma_start3A_1618] : memref<2x8x128xi32, #tpu.memory_space<vmem>> -> memref<1x8x128xi32, #tpu.memory_space<vmem>>
      %dma_start3A_1620 = tpu.memref_squeeze %dma_start3A_1619 : memref<1x8x128xi32, #tpu.memory_space<vmem>> -> memref<8x128xi32, #tpu.memory_space<vmem>>
      %dma_start3A_1621 = arith.constant 0 : i32
      %dma_start3A_1622 = tpu.memref_slice %dma_start3A_1620[%dma_start3A_1616, %dma_start3A_1621] : memref<8x128xi32, #tpu.memory_space<vmem>> -> memref<1x128xi32, #tpu.memory_space<vmem>>
      %dma_start3A_1623 = tpu.memref_squeeze %dma_start3A_1622 : memref<1x128xi32, #tpu.memory_space<vmem>> -> memref<128xi32, #tpu.memory_space<vmem>>
      %dma_start3A_1624 = arith.constant 0 : i32
      %dma_start3A_1625 = arith.constant 0 : i32
      %dma_start3A_1626 = tpu.memref_slice %arg12[%dma_start3A_1624, %dma_start3A_1625] : memref<10240x128xf32, #tpu.memory_space<vmem_shared>> -> memref<10240x128xf32, #tpu.memory_space<vmem_shared>>
      tpu.enqueue_indirect_dma source(%arg11 : memref<128x128xf32, #tpu.memory_space<vmem>>) target(%dma_start3A_1626 : memref<10240x128xf32, #tpu.memory_space<vmem_shared>>) offsets(%dma_start3A_1623 : memref<128xi32, #tpu.memory_space<vmem>>) semaphore(%arg15 : memref<!tpu.dma_semaphore, #tpu.memory_space<semaphore_mem>>) {add = true}
      %dma_wait3A_1627 = arith.constant 1 : i32
      %dma_wait3A_1628 = arith.constant 0 : i32
      %dma_wait3A_1629 = arith.constant 0 : i32
      %dma_wait3A_1630 = arith.constant 0 : i32
      %dma_wait3A_1631 = tpu.memref_slice %arg8[%dma_wait3A_1627, %dma_wait3A_1629, %dma_wait3A_1630] : memref<2x8x128xi32, #tpu.memory_space<vmem>> -> memref<1x8x128xi32, #tpu.memory_space<vmem>>
      %dma_wait3A_1632 = tpu.memref_squeeze %dma_wait3A_1631 : memref<1x8x128xi32, #tpu.memory_space<vmem>> -> memref<8x128xi32, #tpu.memory_space<vmem>>
      %dma_wait3A_1633 = arith.constant 0 : i32
      %dma_wait3A_1634 = tpu.memref_slice %dma_wait3A_1632[%dma_wait3A_1628, %dma_wait3A_1633] : memref<8x128xi32, #tpu.memory_space<vmem>> -> memref<1x128xi32, #tpu.memory_space<vmem>>
      %dma_wait3A_1635 = tpu.memref_squeeze %dma_wait3A_1634 : memref<1x128xi32, #tpu.memory_space<vmem>> -> memref<128xi32, #tpu.memory_space<vmem>>
      %dma_wait3A_1636 = arith.constant 0 : i32
      %dma_wait3A_1637 = arith.constant 0 : i32
      %dma_wait3A_1638 = tpu.memref_slice %arg12[%dma_wait3A_1636, %dma_wait3A_1637] : memref<10240x128xf32, #tpu.memory_space<vmem_shared>> -> memref<10240x128xf32, #tpu.memory_space<vmem_shared>>
      tpu.wait_indirect_dma semaphore(%arg15 : memref<!tpu.dma_semaphore, #tpu.memory_space<semaphore_mem>>) src(%arg10 : memref<128x128xf32, #tpu.memory_space<vmem>>) dst(%dma_wait3A_1638 : memref<10240x128xf32, #tpu.memory_space<vmem_shared>>)
      %dma_wait3A_1639 = arith.constant 1 : i32
      %dma_wait3A_1640 = arith.constant 0 : i32
      %dma_wait3A_1641 = arith.constant 0 : i32
      %dma_wait3A_1642 = arith.constant 0 : i32
      %dma_wait3A_1643 = tpu.memref_slice %arg8[%dma_wait3A_1639, %dma_wait3A_1641, %dma_wait3A_1642] : memref<2x8x128xi32, #tpu.memory_space<vmem>> -> memref<1x8x128xi32, #tpu.memory_space<vmem>>
      %dma_wait3A_1644 = tpu.memref_squeeze %dma_wait3A_1643 : memref<1x8x128xi32, #tpu.memory_space<vmem>> -> memref<8x128xi32, #tpu.memory_space<vmem>>
      %dma_wait3A_1645 = arith.constant 0 : i32
      %dma_wait3A_1646 = tpu.memref_slice %dma_wait3A_1644[%dma_wait3A_1640, %dma_wait3A_1645] : memref<8x128xi32, #tpu.memory_space<vmem>> -> memref<1x128xi32, #tpu.memory_space<vmem>>
      %dma_wait3A_1647 = tpu.memref_squeeze %dma_wait3A_1646 : memref<1x128xi32, #tpu.memory_space<vmem>> -> memref<128xi32, #tpu.memory_space<vmem>>
      %dma_wait3A_1648 = arith.constant 0 : i32
      %dma_wait3A_1649 = arith.constant 0 : i32
      %dma_wait3A_1650 = tpu.memref_slice %arg12[%dma_wait3A_1648, %dma_wait3A_1649] : memref<10240x128xf32, #tpu.memory_space<vmem_shared>> -> memref<10240x128xf32, #tpu.memory_space<vmem_shared>>
      tpu.wait_indirect_dma semaphore(%arg15 : memref<!tpu.dma_semaphore, #tpu.memory_space<semaphore_mem>>) src(%arg10 : memref<128x128xf32, #tpu.memory_space<vmem>>) dst(%dma_wait3A_1650 : memref<10240x128xf32, #tpu.memory_space<vmem_shared>>)
      %dma_wait3A_1651 = arith.constant 1 : i32
      %dma_wait3A_1652 = arith.constant 0 : i32
      %dma_wait3A_1653 = arith.constant 0 : i32
      %dma_wait3A_1654 = arith.constant 0 : i32
      %dma_wait3A_1655 = tpu.memref_slice %arg8[%dma_wait3A_1651, %dma_wait3A_1653, %dma_wait3A_1654] : memref<2x8x128xi32, #tpu.memory_space<vmem>> -> memref<1x8x128xi32, #tpu.memory_space<vmem>>
      %dma_wait3A_1656 = tpu.memref_squeeze %dma_wait3A_1655 : memref<1x8x128xi32, #tpu.memory_space<vmem>> -> memref<8x128xi32, #tpu.memory_space<vmem>>
      %dma_wait3A_1657 = arith.constant 0 : i32
      %dma_wait3A_1658 = tpu.memref_slice %dma_wait3A_1656[%dma_wait3A_1652, %dma_wait3A_1657] : memref<8x128xi32, #tpu.memory_space<vmem>> -> memref<1x128xi32, #tpu.memory_space<vmem>>
      %dma_wait3A_1659 = tpu.memref_squeeze %dma_wait3A_1658 : memref<1x128xi32, #tpu.memory_space<vmem>> -> memref<128xi32, #tpu.memory_space<vmem>>
      %dma_wait3A_1660 = arith.constant 0 : i32
      %dma_wait3A_1661 = arith.constant 0 : i32
      %dma_wait3A_1662 = tpu.memref_slice %arg12[%dma_wait3A_1660, %dma_wait3A_1661] : memref<10240x128xf32, #tpu.memory_space<vmem_shared>> -> memref<10240x128xf32, #tpu.memory_space<vmem_shared>>
      tpu.wait_indirect_dma semaphore(%arg15 : memref<!tpu.dma_semaphore, #tpu.memory_space<semaphore_mem>>) src(%arg10 : memref<128x128xf32, #tpu.memory_space<vmem>>) dst(%dma_wait3A_1662 : memref<10240x128xf32, #tpu.memory_space<vmem_shared>>)
      %dma_wait3A_1663 = arith.constant 1 : i32
      %dma_wait3A_1664 = arith.constant 0 : i32
      %dma_wait3A_1665 = arith.constant 0 : i32
      %dma_wait3A_1666 = arith.constant 0 : i32
      %dma_wait3A_1667 = tpu.memref_slice %arg8[%dma_wait3A_1663, %dma_wait3A_1665, %dma_wait3A_1666] : memref<2x8x128xi32, #tpu.memory_space<vmem>> -> memref<1x8x128xi32, #tpu.memory_space<vmem>>
      %dma_wait3A_1668 = tpu.memref_squeeze %dma_wait3A_1667 : memref<1x8x128xi32, #tpu.memory_space<vmem>> -> memref<8x128xi32, #tpu.memory_space<vmem>>
      %dma_wait3A_1669 = arith.constant 0 : i32
      %dma_wait3A_1670 = tpu.memref_slice %dma_wait3A_1668[%dma_wait3A_1664, %dma_wait3A_1669] : memref<8x128xi32, #tpu.memory_space<vmem>> -> memref<1x128xi32, #tpu.memory_space<vmem>>
      %dma_wait3A_1671 = tpu.memref_squeeze %dma_wait3A_1670 : memref<1x128xi32, #tpu.memory_space<vmem>> -> memref<128xi32, #tpu.memory_space<vmem>>
      %dma_wait3A_1672 = arith.constant 0 : i32
      %dma_wait3A_1673 = arith.constant 0 : i32
      %dma_wait3A_1674 = tpu.memref_slice %arg12[%dma_wait3A_1672, %dma_wait3A_1673] : memref<10240x128xf32, #tpu.memory_space<vmem_shared>> -> memref<10240x128xf32, #tpu.memory_space<vmem_shared>>
      tpu.wait_indirect_dma semaphore(%arg15 : memref<!tpu.dma_semaphore, #tpu.memory_space<semaphore_mem>>) src(%arg10 : memref<128x128xf32, #tpu.memory_space<vmem>>) dst(%dma_wait3A_1674 : memref<10240x128xf32, #tpu.memory_space<vmem_shared>>)
      %dma_wait3A_1675 = arith.constant 1 : i32
      %dma_wait3A_1676 = arith.constant 0 : i32
      %dma_wait3A_1677 = arith.constant 0 : i32
      %dma_wait3A_1678 = arith.constant 0 : i32
      %dma_wait3A_1679 = tpu.memref_slice %arg8[%dma_wait3A_1675, %dma_wait3A_1677, %dma_wait3A_1678] : memref<2x8x128xi32, #tpu.memory_space<vmem>> -> memref<1x8x128xi32, #tpu.memory_space<vmem>>
      %dma_wait3A_1680 = tpu.memref_squeeze %dma_wait3A_1679 : memref<1x8x128xi32, #tpu.memory_space<vmem>> -> memref<8x128xi32, #tpu.memory_space<vmem>>
      %dma_wait3A_1681 = arith.constant 0 : i32
      %dma_wait3A_1682 = tpu.memref_slice %dma_wait3A_1680[%dma_wait3A_1676, %dma_wait3A_1681] : memref<8x128xi32, #tpu.memory_space<vmem>> -> memref<1x128xi32, #tpu.memory_space<vmem>>
      %dma_wait3A_1683 = tpu.memref_squeeze %dma_wait3A_1682 : memref<1x128xi32, #tpu.memory_space<vmem>> -> memref<128xi32, #tpu.memory_space<vmem>>
      %dma_wait3A_1684 = arith.constant 0 : i32
      %dma_wait3A_1685 = arith.constant 0 : i32
      %dma_wait3A_1686 = tpu.memref_slice %arg12[%dma_wait3A_1684, %dma_wait3A_1685] : memref<10240x128xf32, #tpu.memory_space<vmem_shared>> -> memref<10240x128xf32, #tpu.memory_space<vmem_shared>>
      tpu.wait_indirect_dma semaphore(%arg15 : memref<!tpu.dma_semaphore, #tpu.memory_space<semaphore_mem>>) src(%arg10 : memref<128x128xf32, #tpu.memory_space<vmem>>) dst(%dma_wait3A_1686 : memref<10240x128xf32, #tpu.memory_space<vmem_shared>>)
      %dma_wait3A_1687 = arith.constant 1 : i32
      %dma_wait3A_1688 = arith.constant 0 : i32
      %dma_wait3A_1689 = arith.constant 0 : i32
      %dma_wait3A_1690 = arith.constant 0 : i32
      %dma_wait3A_1691 = tpu.memref_slice %arg8[%dma_wait3A_1687, %dma_wait3A_1689, %dma_wait3A_1690] : memref<2x8x128xi32, #tpu.memory_space<vmem>> -> memref<1x8x128xi32, #tpu.memory_space<vmem>>
      %dma_wait3A_1692 = tpu.memref_squeeze %dma_wait3A_1691 : memref<1x8x128xi32, #tpu.memory_space<vmem>> -> memref<8x128xi32, #tpu.memory_space<vmem>>
      %dma_wait3A_1693 = arith.constant 0 : i32
      %dma_wait3A_1694 = tpu.memref_slice %dma_wait3A_1692[%dma_wait3A_1688, %dma_wait3A_1693] : memref<8x128xi32, #tpu.memory_space<vmem>> -> memref<1x128xi32, #tpu.memory_space<vmem>>
      %dma_wait3A_1695 = tpu.memref_squeeze %dma_wait3A_1694 : memref<1x128xi32, #tpu.memory_space<vmem>> -> memref<128xi32, #tpu.memory_space<vmem>>
      %dma_wait3A_1696 = arith.constant 0 : i32
      %dma_wait3A_1697 = arith.constant 0 : i32
      %dma_wait3A_1698 = tpu.memref_slice %arg12[%dma_wait3A_1696, %dma_wait3A_1697] : memref<10240x128xf32, #tpu.memory_space<vmem_shared>> -> memref<10240x128xf32, #tpu.memory_space<vmem_shared>>
      tpu.wait_indirect_dma semaphore(%arg15 : memref<!tpu.dma_semaphore, #tpu.memory_space<semaphore_mem>>) src(%arg10 : memref<128x128xf32, #tpu.memory_space<vmem>>) dst(%dma_wait3A_1698 : memref<10240x128xf32, #tpu.memory_space<vmem_shared>>)
      %dma_wait3A_1699 = arith.constant 1 : i32
      %dma_wait3A_1700 = arith.constant 0 : i32
      %dma_wait3A_1701 = arith.constant 0 : i32
      %dma_wait3A_1702 = arith.constant 0 : i32
      %dma_wait3A_1703 = tpu.memref_slice %arg8[%dma_wait3A_1699, %dma_wait3A_1701, %dma_wait3A_1702] : memref<2x8x128xi32, #tpu.memory_space<vmem>> -> memref<1x8x128xi32, #tpu.memory_space<vmem>>
      %dma_wait3A_1704 = tpu.memref_squeeze %dma_wait3A_1703 : memref<1x8x128xi32, #tpu.memory_space<vmem>> -> memref<8x128xi32, #tpu.memory_space<vmem>>
      %dma_wait3A_1705 = arith.constant 0 : i32
      %dma_wait3A_1706 = tpu.memref_slice %dma_wait3A_1704[%dma_wait3A_1700, %dma_wait3A_1705] : memref<8x128xi32, #tpu.memory_space<vmem>> -> memref<1x128xi32, #tpu.memory_space<vmem>>
      %dma_wait3A_1707 = tpu.memref_squeeze %dma_wait3A_1706 : memref<1x128xi32, #tpu.memory_space<vmem>> -> memref<128xi32, #tpu.memory_space<vmem>>
      %dma_wait3A_1708 = arith.constant 0 : i32
      %dma_wait3A_1709 = arith.constant 0 : i32
      %dma_wait3A_1710 = tpu.memref_slice %arg12[%dma_wait3A_1708, %dma_wait3A_1709] : memref<10240x128xf32, #tpu.memory_space<vmem_shared>> -> memref<10240x128xf32, #tpu.memory_space<vmem_shared>>
      tpu.wait_indirect_dma semaphore(%arg15 : memref<!tpu.dma_semaphore, #tpu.memory_space<semaphore_mem>>) src(%arg10 : memref<128x128xf32, #tpu.memory_space<vmem>>) dst(%dma_wait3A_1710 : memref<10240x128xf32, #tpu.memory_space<vmem_shared>>)
      %dma_wait3A_1711 = arith.constant 1 : i32
      %dma_wait3A_1712 = arith.constant 0 : i32
      %dma_wait3A_1713 = arith.constant 0 : i32
      %dma_wait3A_1714 = arith.constant 0 : i32
      %dma_wait3A_1715 = tpu.memref_slice %arg8[%dma_wait3A_1711, %dma_wait3A_1713, %dma_wait3A_1714] : memref<2x8x128xi32, #tpu.memory_space<vmem>> -> memref<1x8x128xi32, #tpu.memory_space<vmem>>
      %dma_wait3A_1716 = tpu.memref_squeeze %dma_wait3A_1715 : memref<1x8x128xi32, #tpu.memory_space<vmem>> -> memref<8x128xi32, #tpu.memory_space<vmem>>
      %dma_wait3A_1717 = arith.constant 0 : i32
      %dma_wait3A_1718 = tpu.memref_slice %dma_wait3A_1716[%dma_wait3A_1712, %dma_wait3A_1717] : memref<8x128xi32, #tpu.memory_space<vmem>> -> memref<1x128xi32, #tpu.memory_space<vmem>>
      %dma_wait3A_1719 = tpu.memref_squeeze %dma_wait3A_1718 : memref<1x128xi32, #tpu.memory_space<vmem>> -> memref<128xi32, #tpu.memory_space<vmem>>
      %dma_wait3A_1720 = arith.constant 0 : i32
      %dma_wait3A_1721 = arith.constant 0 : i32
      %dma_wait3A_1722 = tpu.memref_slice %arg12[%dma_wait3A_1720, %dma_wait3A_1721] : memref<10240x128xf32, #tpu.memory_space<vmem_shared>> -> memref<10240x128xf32, #tpu.memory_space<vmem_shared>>
      tpu.wait_indirect_dma semaphore(%arg15 : memref<!tpu.dma_semaphore, #tpu.memory_space<semaphore_mem>>) src(%arg10 : memref<128x128xf32, #tpu.memory_space<vmem>>) dst(%dma_wait3A_1722 : memref<10240x128xf32, #tpu.memory_space<vmem_shared>>)
      %dma_wait3A_1723 = arith.constant 1 : i32
      %dma_wait3A_1724 = arith.constant 0 : i32
      %dma_wait3A_1725 = arith.constant 0 : i32
      %dma_wait3A_1726 = arith.constant 0 : i32
      %dma_wait3A_1727 = tpu.memref_slice %arg8[%dma_wait3A_1723, %dma_wait3A_1725, %dma_wait3A_1726] : memref<2x8x128xi32, #tpu.memory_space<vmem>> -> memref<1x8x128xi32, #tpu.memory_space<vmem>>
      %dma_wait3A_1728 = tpu.memref_squeeze %dma_wait3A_1727 : memref<1x8x128xi32, #tpu.memory_space<vmem>> -> memref<8x128xi32, #tpu.memory_space<vmem>>
      %dma_wait3A_1729 = arith.constant 0 : i32
      %dma_wait3A_1730 = tpu.memref_slice %dma_wait3A_1728[%dma_wait3A_1724, %dma_wait3A_1729] : memref<8x128xi32, #tpu.memory_space<vmem>> -> memref<1x128xi32, #tpu.memory_space<vmem>>
      %dma_wait3A_1731 = tpu.memref_squeeze %dma_wait3A_1730 : memref<1x128xi32, #tpu.memory_space<vmem>> -> memref<128xi32, #tpu.memory_space<vmem>>
      %dma_wait3A_1732 = arith.constant 0 : i32
      %dma_wait3A_1733 = arith.constant 0 : i32
      %dma_wait3A_1734 = tpu.memref_slice %arg12[%dma_wait3A_1732, %dma_wait3A_1733] : memref<10240x128xf32, #tpu.memory_space<vmem_shared>> -> memref<10240x128xf32, #tpu.memory_space<vmem_shared>>
      tpu.wait_indirect_dma semaphore(%arg15 : memref<!tpu.dma_semaphore, #tpu.memory_space<semaphore_mem>>) src(%arg10 : memref<128x128xf32, #tpu.memory_space<vmem>>) dst(%dma_wait3A_1734 : memref<10240x128xf32, #tpu.memory_space<vmem_shared>>)
      %dma_wait3A_1735 = arith.constant 1 : i32
      %dma_wait3A_1736 = arith.constant 0 : i32
      %dma_wait3A_1737 = arith.constant 0 : i32
      %dma_wait3A_1738 = arith.constant 0 : i32
      %dma_wait3A_1739 = tpu.memref_slice %arg8[%dma_wait3A_1735, %dma_wait3A_1737, %dma_wait3A_1738] : memref<2x8x128xi32, #tpu.memory_space<vmem>> -> memref<1x8x128xi32, #tpu.memory_space<vmem>>
      %dma_wait3A_1740 = tpu.memref_squeeze %dma_wait3A_1739 : memref<1x8x128xi32, #tpu.memory_space<vmem>> -> memref<8x128xi32, #tpu.memory_space<vmem>>
      %dma_wait3A_1741 = arith.constant 0 : i32
      %dma_wait3A_1742 = tpu.memref_slice %dma_wait3A_1740[%dma_wait3A_1736, %dma_wait3A_1741] : memref<8x128xi32, #tpu.memory_space<vmem>> -> memref<1x128xi32, #tpu.memory_space<vmem>>
      %dma_wait3A_1743 = tpu.memref_squeeze %dma_wait3A_1742 : memref<1x128xi32, #tpu.memory_space<vmem>> -> memref<128xi32, #tpu.memory_space<vmem>>
      %dma_wait3A_1744 = arith.constant 0 : i32
      %dma_wait3A_1745 = arith.constant 0 : i32
      %dma_wait3A_1746 = tpu.memref_slice %arg12[%dma_wait3A_1744, %dma_wait3A_1745] : memref<10240x128xf32, #tpu.memory_space<vmem_shared>> -> memref<10240x128xf32, #tpu.memory_space<vmem_shared>>
      tpu.wait_indirect_dma semaphore(%arg15 : memref<!tpu.dma_semaphore, #tpu.memory_space<semaphore_mem>>) src(%arg10 : memref<128x128xf32, #tpu.memory_space<vmem>>) dst(%dma_wait3A_1746 : memref<10240x128xf32, #tpu.memory_space<vmem_shared>>)
      %dma_wait3A_1747 = arith.constant 1 : i32
      %dma_wait3A_1748 = arith.constant 0 : i32
      %dma_wait3A_1749 = arith.constant 0 : i32
      %dma_wait3A_1750 = arith.constant 0 : i32
      %dma_wait3A_1751 = tpu.memref_slice %arg8[%dma_wait3A_1747, %dma_wait3A_1749, %dma_wait3A_1750] : memref<2x8x128xi32, #tpu.memory_space<vmem>> -> memref<1x8x128xi32, #tpu.memory_space<vmem>>
      %dma_wait3A_1752 = tpu.memref_squeeze %dma_wait3A_1751 : memref<1x8x128xi32, #tpu.memory_space<vmem>> -> memref<8x128xi32, #tpu.memory_space<vmem>>
      %dma_wait3A_1753 = arith.constant 0 : i32
      %dma_wait3A_1754 = tpu.memref_slice %dma_wait3A_1752[%dma_wait3A_1748, %dma_wait3A_1753] : memref<8x128xi32, #tpu.memory_space<vmem>> -> memref<1x128xi32, #tpu.memory_space<vmem>>
      %dma_wait3A_1755 = tpu.memref_squeeze %dma_wait3A_1754 : memref<1x128xi32, #tpu.memory_space<vmem>> -> memref<128xi32, #tpu.memory_space<vmem>>
      %dma_wait3A_1756 = arith.constant 0 : i32
      %dma_wait3A_1757 = arith.constant 0 : i32
      %dma_wait3A_1758 = tpu.memref_slice %arg12[%dma_wait3A_1756, %dma_wait3A_1757] : memref<10240x128xf32, #tpu.memory_space<vmem_shared>> -> memref<10240x128xf32, #tpu.memory_space<vmem_shared>>
      tpu.wait_indirect_dma semaphore(%arg15 : memref<!tpu.dma_semaphore, #tpu.memory_space<semaphore_mem>>) src(%arg10 : memref<128x128xf32, #tpu.memory_space<vmem>>) dst(%dma_wait3A_1758 : memref<10240x128xf32, #tpu.memory_space<vmem_shared>>)
      %dma_wait3A_1759 = arith.constant 1 : i32
      %dma_wait3A_1760 = arith.constant 0 : i32
      %dma_wait3A_1761 = arith.constant 0 : i32
      %dma_wait3A_1762 = arith.constant 0 : i32
      %dma_wait3A_1763 = tpu.memref_slice %arg8[%dma_wait3A_1759, %dma_wait3A_1761, %dma_wait3A_1762] : memref<2x8x128xi32, #tpu.memory_space<vmem>> -> memref<1x8x128xi32, #tpu.memory_space<vmem>>
      %dma_wait3A_1764 = tpu.memref_squeeze %dma_wait3A_1763 : memref<1x8x128xi32, #tpu.memory_space<vmem>> -> memref<8x128xi32, #tpu.memory_space<vmem>>
      %dma_wait3A_1765 = arith.constant 0 : i32
      %dma_wait3A_1766 = tpu.memref_slice %dma_wait3A_1764[%dma_wait3A_1760, %dma_wait3A_1765] : memref<8x128xi32, #tpu.memory_space<vmem>> -> memref<1x128xi32, #tpu.memory_space<vmem>>
      %dma_wait3A_1767 = tpu.memref_squeeze %dma_wait3A_1766 : memref<1x128xi32, #tpu.memory_space<vmem>> -> memref<128xi32, #tpu.memory_space<vmem>>
      %dma_wait3A_1768 = arith.constant 0 : i32
      %dma_wait3A_1769 = arith.constant 0 : i32
      %dma_wait3A_1770 = tpu.memref_slice %arg12[%dma_wait3A_1768, %dma_wait3A_1769] : memref<10240x128xf32, #tpu.memory_space<vmem_shared>> -> memref<10240x128xf32, #tpu.memory_space<vmem_shared>>
      tpu.wait_indirect_dma semaphore(%arg15 : memref<!tpu.dma_semaphore, #tpu.memory_space<semaphore_mem>>) src(%arg10 : memref<128x128xf32, #tpu.memory_space<vmem>>) dst(%dma_wait3A_1770 : memref<10240x128xf32, #tpu.memory_space<vmem_shared>>)
      %dma_wait3A_1771 = arith.constant 1 : i32
      %dma_wait3A_1772 = arith.constant 0 : i32
      %dma_wait3A_1773 = arith.constant 0 : i32
      %dma_wait3A_1774 = arith.constant 0 : i32
      %dma_wait3A_1775 = tpu.memref_slice %arg8[%dma_wait3A_1771, %dma_wait3A_1773, %dma_wait3A_1774] : memref<2x8x128xi32, #tpu.memory_space<vmem>> -> memref<1x8x128xi32, #tpu.memory_space<vmem>>
      %dma_wait3A_1776 = tpu.memref_squeeze %dma_wait3A_1775 : memref<1x8x128xi32, #tpu.memory_space<vmem>> -> memref<8x128xi32, #tpu.memory_space<vmem>>
      %dma_wait3A_1777 = arith.constant 0 : i32
      %dma_wait3A_1778 = tpu.memref_slice %dma_wait3A_1776[%dma_wait3A_1772, %dma_wait3A_1777] : memref<8x128xi32, #tpu.memory_space<vmem>> -> memref<1x128xi32, #tpu.memory_space<vmem>>
      %dma_wait3A_1779 = tpu.memref_squeeze %dma_wait3A_1778 : memref<1x128xi32, #tpu.memory_space<vmem>> -> memref<128xi32, #tpu.memory_space<vmem>>
      %dma_wait3A_1780 = arith.constant 0 : i32
      %dma_wait3A_1781 = arith.constant 0 : i32
      %dma_wait3A_1782 = tpu.memref_slice %arg12[%dma_wait3A_1780, %dma_wait3A_1781] : memref<10240x128xf32, #tpu.memory_space<vmem_shared>> -> memref<10240x128xf32, #tpu.memory_space<vmem_shared>>
      tpu.wait_indirect_dma semaphore(%arg15 : memref<!tpu.dma_semaphore, #tpu.memory_space<semaphore_mem>>) src(%arg10 : memref<128x128xf32, #tpu.memory_space<vmem>>) dst(%dma_wait3A_1782 : memref<10240x128xf32, #tpu.memory_space<vmem_shared>>)
      %dma_wait3A_1783 = arith.constant 1 : i32
      %dma_wait3A_1784 = arith.constant 0 : i32
      %dma_wait3A_1785 = arith.constant 0 : i32
      %dma_wait3A_1786 = arith.constant 0 : i32
      %dma_wait3A_1787 = tpu.memref_slice %arg8[%dma_wait3A_1783, %dma_wait3A_1785, %dma_wait3A_1786] : memref<2x8x128xi32, #tpu.memory_space<vmem>> -> memref<1x8x128xi32, #tpu.memory_space<vmem>>
      %dma_wait3A_1788 = tpu.memref_squeeze %dma_wait3A_1787 : memref<1x8x128xi32, #tpu.memory_space<vmem>> -> memref<8x128xi32, #tpu.memory_space<vmem>>
      %dma_wait3A_1789 = arith.constant 0 : i32
      %dma_wait3A_1790 = tpu.memref_slice %dma_wait3A_1788[%dma_wait3A_1784, %dma_wait3A_1789] : memref<8x128xi32, #tpu.memory_space<vmem>> -> memref<1x128xi32, #tpu.memory_space<vmem>>
      %dma_wait3A_1791 = tpu.memref_squeeze %dma_wait3A_1790 : memref<1x128xi32, #tpu.memory_space<vmem>> -> memref<128xi32, #tpu.memory_space<vmem>>
      %dma_wait3A_1792 = arith.constant 0 : i32
      %dma_wait3A_1793 = arith.constant 0 : i32
      %dma_wait3A_1794 = tpu.memref_slice %arg12[%dma_wait3A_1792, %dma_wait3A_1793] : memref<10240x128xf32, #tpu.memory_space<vmem_shared>> -> memref<10240x128xf32, #tpu.memory_space<vmem_shared>>
      tpu.wait_indirect_dma semaphore(%arg15 : memref<!tpu.dma_semaphore, #tpu.memory_space<semaphore_mem>>) src(%arg10 : memref<128x128xf32, #tpu.memory_space<vmem>>) dst(%dma_wait3A_1794 : memref<10240x128xf32, #tpu.memory_space<vmem_shared>>)
      %dma_wait3A_1795 = arith.constant 1 : i32
      %dma_wait3A_1796 = arith.constant 0 : i32
      %dma_wait3A_1797 = arith.constant 0 : i32
      %dma_wait3A_1798 = arith.constant 0 : i32
      %dma_wait3A_1799 = tpu.memref_slice %arg8[%dma_wait3A_1795, %dma_wait3A_1797, %dma_wait3A_1798] : memref<2x8x128xi32, #tpu.memory_space<vmem>> -> memref<1x8x128xi32, #tpu.memory_space<vmem>>
      %dma_wait3A_1800 = tpu.memref_squeeze %dma_wait3A_1799 : memref<1x8x128xi32, #tpu.memory_space<vmem>> -> memref<8x128xi32, #tpu.memory_space<vmem>>
      %dma_wait3A_1801 = arith.constant 0 : i32
      %dma_wait3A_1802 = tpu.memref_slice %dma_wait3A_1800[%dma_wait3A_1796, %dma_wait3A_1801] : memref<8x128xi32, #tpu.memory_space<vmem>> -> memref<1x128xi32, #tpu.memory_space<vmem>>
      %dma_wait3A_1803 = tpu.memref_squeeze %dma_wait3A_1802 : memref<1x128xi32, #tpu.memory_space<vmem>> -> memref<128xi32, #tpu.memory_space<vmem>>
      %dma_wait3A_1804 = arith.constant 0 : i32
      %dma_wait3A_1805 = arith.constant 0 : i32
      %dma_wait3A_1806 = tpu.memref_slice %arg12[%dma_wait3A_1804, %dma_wait3A_1805] : memref<10240x128xf32, #tpu.memory_space<vmem_shared>> -> memref<10240x128xf32, #tpu.memory_space<vmem_shared>>
      tpu.wait_indirect_dma semaphore(%arg15 : memref<!tpu.dma_semaphore, #tpu.memory_space<semaphore_mem>>) src(%arg10 : memref<128x128xf32, #tpu.memory_space<vmem>>) dst(%dma_wait3A_1806 : memref<10240x128xf32, #tpu.memory_space<vmem_shared>>)
      %dma_wait3A_1807 = arith.constant 1 : i32
      %dma_wait3A_1808 = arith.constant 0 : i32
      %dma_wait3A_1809 = arith.constant 0 : i32
      %dma_wait3A_1810 = arith.constant 0 : i32
      %dma_wait3A_1811 = tpu.memref_slice %arg8[%dma_wait3A_1807, %dma_wait3A_1809, %dma_wait3A_1810] : memref<2x8x128xi32, #tpu.memory_space<vmem>> -> memref<1x8x128xi32, #tpu.memory_space<vmem>>
      %dma_wait3A_1812 = tpu.memref_squeeze %dma_wait3A_1811 : memref<1x8x128xi32, #tpu.memory_space<vmem>> -> memref<8x128xi32, #tpu.memory_space<vmem>>
      %dma_wait3A_1813 = arith.constant 0 : i32
      %dma_wait3A_1814 = tpu.memref_slice %dma_wait3A_1812[%dma_wait3A_1808, %dma_wait3A_1813] : memref<8x128xi32, #tpu.memory_space<vmem>> -> memref<1x128xi32, #tpu.memory_space<vmem>>
      %dma_wait3A_1815 = tpu.memref_squeeze %dma_wait3A_1814 : memref<1x128xi32, #tpu.memory_space<vmem>> -> memref<128xi32, #tpu.memory_space<vmem>>
      %dma_wait3A_1816 = arith.constant 0 : i32
      %dma_wait3A_1817 = arith.constant 0 : i32
      %dma_wait3A_1818 = tpu.memref_slice %arg12[%dma_wait3A_1816, %dma_wait3A_1817] : memref<10240x128xf32, #tpu.memory_space<vmem_shared>> -> memref<10240x128xf32, #tpu.memory_space<vmem_shared>>
      tpu.wait_indirect_dma semaphore(%arg15 : memref<!tpu.dma_semaphore, #tpu.memory_space<semaphore_mem>>) src(%arg10 : memref<128x128xf32, #tpu.memory_space<vmem>>) dst(%dma_wait3A_1818 : memref<10240x128xf32, #tpu.memory_space<vmem_shared>>)
      %add3A_1819 = arith.constant 1 : i32
      %add3A_1820 = arith.addi %add3A_1434, %add3A_1819 : i32
      %mul3A_1821 = arith.constant 8 : i32
      %mul3A_1822 = arith.muli %add3A_1820, %mul3A_1821 : i32
      %multiple_of3A_1823 = tpu.assume_multiple %mul3A_1822, 8 : i32
      %dma_wait3A_1824 = arith.constant 0 : i32
      %dma_wait3A_1825 = arith.constant 0 : i32
      %dma_wait3A_1826 = arith.constant 0 : i32
      %dma_wait3A_1827 = tpu.memref_slice %arg8[%dma_wait3A_1824, %dma_wait3A_1825, %dma_wait3A_1826] : memref<2x8x128xi32, #tpu.memory_space<vmem>> -> memref<1x8x128xi32, #tpu.memory_space<vmem>>
      %dma_wait3A_1828 = tpu.memref_squeeze %dma_wait3A_1827 : memref<1x8x128xi32, #tpu.memory_space<vmem>> -> memref<8x128xi32, #tpu.memory_space<vmem>>
      %dma_wait3A_1829 = arith.constant 0 : i32
      %dma_wait3A_1830 = arith.constant 0 : i32
      %dma_wait3A_1831 = tpu.memref_slice %arg2[%add3A, %dma_wait3A_1829, %dma_wait3A_1830] : memref<32x80x128xi32, #tpu.memory_space<hbm>> -> memref<1x80x128xi32, #tpu.memory_space<hbm>>
      %dma_wait3A_1832 = tpu.memref_squeeze %dma_wait3A_1831 : memref<1x80x128xi32, #tpu.memory_space<hbm>> -> memref<80x128xi32, #tpu.memory_space<hbm>>
      %dma_wait3A_1833 = arith.constant 0 : i32
      %dma_wait3A_1834 = tpu.memref_slice %dma_wait3A_1832[%multiple_of3A_1823, %dma_wait3A_1833] : memref<80x128xi32, #tpu.memory_space<hbm>> -> memref<8x128xi32, #tpu.memory_space<hbm>>
      %dma_wait3A_1835 = arith.constant 0 : i32
      %dma_wait3A_1836 = arith.constant 0 : i32
      %dma_wait3A_1837 = tpu.memref_slice %arg8[%dma_wait3A_1824, %dma_wait3A_1835, %dma_wait3A_1836] : memref<2x8x128xi32, #tpu.memory_space<vmem>> -> memref<1x8x128xi32, #tpu.memory_space<vmem>>
      %dma_wait3A_1838 = tpu.memref_squeeze %dma_wait3A_1837 : memref<1x8x128xi32, #tpu.memory_space<vmem>> -> memref<8x128xi32, #tpu.memory_space<vmem>>
      %dma_wait3A_1839 = arith.constant 0 : i32
      %dma_wait3A_1840 = arith.constant 0 : i32
      %dma_wait3A_1841 = tpu.memref_slice %arg2[%add3A, %dma_wait3A_1839, %dma_wait3A_1840] : memref<32x80x128xi32, #tpu.memory_space<hbm>> -> memref<1x80x128xi32, #tpu.memory_space<hbm>>
      %dma_wait3A_1842 = tpu.memref_squeeze %dma_wait3A_1841 : memref<1x80x128xi32, #tpu.memory_space<hbm>> -> memref<80x128xi32, #tpu.memory_space<hbm>>
      %dma_wait3A_1843 = arith.constant 0 : i32
      %dma_wait3A_1844 = tpu.memref_slice %dma_wait3A_1842[%multiple_of3A_1823, %dma_wait3A_1843] : memref<80x128xi32, #tpu.memory_space<hbm>> -> memref<8x128xi32, #tpu.memory_space<hbm>>
      tpu.wait_dma2 semaphore(%arg13 : memref<!tpu.dma_semaphore, #tpu.memory_space<semaphore_mem>>) src(%dma_wait3A_1844 : memref<8x128xi32, #tpu.memory_space<hbm>>) dst(%dma_wait3A_1838 : memref<8x128xi32, #tpu.memory_space<vmem>>)
      %dma_wait3A_1845 = arith.constant 0 : i32
      %dma_wait3A_1846 = arith.constant 0 : i32
      %dma_wait3A_1847 = arith.constant 0 : i32
      %dma_wait3A_1848 = tpu.memref_slice %arg9[%dma_wait3A_1845, %dma_wait3A_1846, %dma_wait3A_1847] : memref<2x8x128xi32, #tpu.memory_space<vmem>> -> memref<1x8x128xi32, #tpu.memory_space<vmem>>
      %dma_wait3A_1849 = tpu.memref_squeeze %dma_wait3A_1848 : memref<1x8x128xi32, #tpu.memory_space<vmem>> -> memref<8x128xi32, #tpu.memory_space<vmem>>
      %dma_wait3A_1850 = arith.constant 0 : i32
      %dma_wait3A_1851 = arith.constant 0 : i32
      %dma_wait3A_1852 = tpu.memref_slice %arg3[%add3A, %dma_wait3A_1850, %dma_wait3A_1851] : memref<32x80x128xi32, #tpu.memory_space<hbm>> -> memref<1x80x128xi32, #tpu.memory_space<hbm>>
      %dma_wait3A_1853 = tpu.memref_squeeze %dma_wait3A_1852 : memref<1x80x128xi32, #tpu.memory_space<hbm>> -> memref<80x128xi32, #tpu.memory_space<hbm>>
      %dma_wait3A_1854 = arith.constant 0 : i32
      %dma_wait3A_1855 = tpu.memref_slice %dma_wait3A_1853[%multiple_of3A_1823, %dma_wait3A_1854] : memref<80x128xi32, #tpu.memory_space<hbm>> -> memref<8x128xi32, #tpu.memory_space<hbm>>
      %dma_wait3A_1856 = arith.constant 0 : i32
      %dma_wait3A_1857 = arith.constant 0 : i32
      %dma_wait3A_1858 = tpu.memref_slice %arg9[%dma_wait3A_1845, %dma_wait3A_1856, %dma_wait3A_1857] : memref<2x8x128xi32, #tpu.memory_space<vmem>> -> memref<1x8x128xi32, #tpu.memory_space<vmem>>
      %dma_wait3A_1859 = tpu.memref_squeeze %dma_wait3A_1858 : memref<1x8x128xi32, #tpu.memory_space<vmem>> -> memref<8x128xi32, #tpu.memory_space<vmem>>
      %dma_wait3A_1860 = arith.constant 0 : i32
      %dma_wait3A_1861 = arith.constant 0 : i32
      %dma_wait3A_1862 = tpu.memref_slice %arg3[%add3A, %dma_wait3A_1860, %dma_wait3A_1861] : memref<32x80x128xi32, #tpu.memory_space<hbm>> -> memref<1x80x128xi32, #tpu.memory_space<hbm>>
      %dma_wait3A_1863 = tpu.memref_squeeze %dma_wait3A_1862 : memref<1x80x128xi32, #tpu.memory_space<hbm>> -> memref<80x128xi32, #tpu.memory_space<hbm>>
      %dma_wait3A_1864 = arith.constant 0 : i32
      %dma_wait3A_1865 = tpu.memref_slice %dma_wait3A_1863[%multiple_of3A_1823, %dma_wait3A_1864] : memref<80x128xi32, #tpu.memory_space<hbm>> -> memref<8x128xi32, #tpu.memory_space<hbm>>
      tpu.wait_dma2 semaphore(%arg13 : memref<!tpu.dma_semaphore, #tpu.memory_space<semaphore_mem>>) src(%dma_wait3A_1865 : memref<8x128xi32, #tpu.memory_space<hbm>>) dst(%dma_wait3A_1859 : memref<8x128xi32, #tpu.memory_space<vmem>>)
      %add3A_1866 = arith.constant 2 : i32
      %add3A_1867 = arith.addi %add3A_1434, %add3A_1866 : i32
      %mul3A_1868 = arith.constant 8 : i32
      %mul3A_1869 = arith.muli %add3A_1867, %mul3A_1868 : i32
      %multiple_of3A_1870 = tpu.assume_multiple %mul3A_1869, 8 : i32
      %dma_start3A_1871 = arith.constant 1 : i32
      %dma_start3A_1872 = arith.constant 0 : i32
      %dma_start3A_1873 = arith.constant 0 : i32
      %dma_start3A_1874 = tpu.memref_slice %arg8[%dma_start3A_1871, %dma_start3A_1872, %dma_start3A_1873] : memref<2x8x128xi32, #tpu.memory_space<vmem>> -> memref<1x8x128xi32, #tpu.memory_space<vmem>>
      %dma_start3A_1875 = tpu.memref_squeeze %dma_start3A_1874 : memref<1x8x128xi32, #tpu.memory_space<vmem>> -> memref<8x128xi32, #tpu.memory_space<vmem>>
      %dma_start3A_1876 = arith.constant 0 : i32
      %dma_start3A_1877 = arith.constant 0 : i32
      %dma_start3A_1878 = tpu.memref_slice %arg2[%add3A, %dma_start3A_1876, %dma_start3A_1877] : memref<32x80x128xi32, #tpu.memory_space<hbm>> -> memref<1x80x128xi32, #tpu.memory_space<hbm>>
      %dma_start3A_1879 = tpu.memref_squeeze %dma_start3A_1878 : memref<1x80x128xi32, #tpu.memory_space<hbm>> -> memref<80x128xi32, #tpu.memory_space<hbm>>
      %dma_start3A_1880 = arith.constant 0 : i32
      %dma_start3A_1881 = tpu.memref_slice %dma_start3A_1879[%multiple_of3A_1870, %dma_start3A_1880] : memref<80x128xi32, #tpu.memory_space<hbm>> -> memref<8x128xi32, #tpu.memory_space<hbm>>
      %dma_start3A_1882 = arith.constant 0 : i32
      %dma_start3A_1883 = arith.constant 0 : i32
      %dma_start3A_1884 = tpu.memref_slice %arg8[%dma_start3A_1871, %dma_start3A_1882, %dma_start3A_1883] : memref<2x8x128xi32, #tpu.memory_space<vmem>> -> memref<1x8x128xi32, #tpu.memory_space<vmem>>
      %dma_start3A_1885 = tpu.memref_squeeze %dma_start3A_1884 : memref<1x8x128xi32, #tpu.memory_space<vmem>> -> memref<8x128xi32, #tpu.memory_space<vmem>>
      %dma_start3A_1886 = arith.constant 0 : i32
      %dma_start3A_1887 = arith.constant 0 : i32
      %dma_start3A_1888 = tpu.memref_slice %arg2[%add3A, %dma_start3A_1886, %dma_start3A_1887] : memref<32x80x128xi32, #tpu.memory_space<hbm>> -> memref<1x80x128xi32, #tpu.memory_space<hbm>>
      %dma_start3A_1889 = tpu.memref_squeeze %dma_start3A_1888 : memref<1x80x128xi32, #tpu.memory_space<hbm>> -> memref<80x128xi32, #tpu.memory_space<hbm>>
      %dma_start3A_1890 = arith.constant 0 : i32
      %dma_start3A_1891 = tpu.memref_slice %dma_start3A_1889[%multiple_of3A_1870, %dma_start3A_1890] : memref<80x128xi32, #tpu.memory_space<hbm>> -> memref<8x128xi32, #tpu.memory_space<hbm>>
      tpu.enqueue_dma source(%dma_start3A_1891 : memref<8x128xi32, #tpu.memory_space<hbm>>) target(%dma_start3A_1885 : memref<8x128xi32, #tpu.memory_space<vmem>>) target_semaphore(%arg14 : memref<!tpu.dma_semaphore, #tpu.memory_space<semaphore_mem>>)
      %dma_start3A_1892 = arith.constant 1 : i32
      %dma_start3A_1893 = arith.constant 0 : i32
      %dma_start3A_1894 = arith.constant 0 : i32
      %dma_start3A_1895 = tpu.memref_slice %arg9[%dma_start3A_1892, %dma_start3A_1893, %dma_start3A_1894] : memref<2x8x128xi32, #tpu.memory_space<vmem>> -> memref<1x8x128xi32, #tpu.memory_space<vmem>>
      %dma_start3A_1896 = tpu.memref_squeeze %dma_start3A_1895 : memref<1x8x128xi32, #tpu.memory_space<vmem>> -> memref<8x128xi32, #tpu.memory_space<vmem>>
      %dma_start3A_1897 = arith.constant 0 : i32
      %dma_start3A_1898 = arith.constant 0 : i32
      %dma_start3A_1899 = tpu.memref_slice %arg3[%add3A, %dma_start3A_1897, %dma_start3A_1898] : memref<32x80x128xi32, #tpu.memory_space<hbm>> -> memref<1x80x128xi32, #tpu.memory_space<hbm>>
      %dma_start3A_1900 = tpu.memref_squeeze %dma_start3A_1899 : memref<1x80x128xi32, #tpu.memory_space<hbm>> -> memref<80x128xi32, #tpu.memory_space<hbm>>
      %dma_start3A_1901 = arith.constant 0 : i32
      %dma_start3A_1902 = tpu.memref_slice %dma_start3A_1900[%multiple_of3A_1870, %dma_start3A_1901] : memref<80x128xi32, #tpu.memory_space<hbm>> -> memref<8x128xi32, #tpu.memory_space<hbm>>
      %dma_start3A_1903 = arith.constant 0 : i32
      %dma_start3A_1904 = arith.constant 0 : i32
      %dma_start3A_1905 = tpu.memref_slice %arg9[%dma_start3A_1892, %dma_start3A_1903, %dma_start3A_1904] : memref<2x8x128xi32, #tpu.memory_space<vmem>> -> memref<1x8x128xi32, #tpu.memory_space<vmem>>
      %dma_start3A_1906 = tpu.memref_squeeze %dma_start3A_1905 : memref<1x8x128xi32, #tpu.memory_space<vmem>> -> memref<8x128xi32, #tpu.memory_space<vmem>>
      %dma_start3A_1907 = arith.constant 0 : i32
      %dma_start3A_1908 = arith.constant 0 : i32
      %dma_start3A_1909 = tpu.memref_slice %arg3[%add3A, %dma_start3A_1907, %dma_start3A_1908] : memref<32x80x128xi32, #tpu.memory_space<hbm>> -> memref<1x80x128xi32, #tpu.memory_space<hbm>>
      %dma_start3A_1910 = tpu.memref_squeeze %dma_start3A_1909 : memref<1x80x128xi32, #tpu.memory_space<hbm>> -> memref<80x128xi32, #tpu.memory_space<hbm>>
      %dma_start3A_1911 = arith.constant 0 : i32
      %dma_start3A_1912 = tpu.memref_slice %dma_start3A_1910[%multiple_of3A_1870, %dma_start3A_1911] : memref<80x128xi32, #tpu.memory_space<hbm>> -> memref<8x128xi32, #tpu.memory_space<hbm>>
      tpu.enqueue_dma source(%dma_start3A_1912 : memref<8x128xi32, #tpu.memory_space<hbm>>) target(%dma_start3A_1906 : memref<8x128xi32, #tpu.memory_space<vmem>>) target_semaphore(%arg14 : memref<!tpu.dma_semaphore, #tpu.memory_space<semaphore_mem>>)
    }
    %scan3A_136 = arith.constant 4 : i32
    %dma_start3A_137 = arith.constant 0 : i32
    %dma_start3A_138 = arith.constant 0 : i32
    %dma_start3A_139 = arith.constant 0 : i32
    %dma_start3A_140 = arith.constant 0 : i32
    %dma_start3A_141 = tpu.memref_slice %arg8[%dma_start3A_137, %dma_start3A_139, %dma_start3A_140] : memref<2x8x128xi32, #tpu.memory_space<vmem>> -> memref<1x8x128xi32, #tpu.memory_space<vmem>>
    %dma_start3A_142 = tpu.memref_squeeze %dma_start3A_141 : memref<1x8x128xi32, #tpu.memory_space<vmem>> -> memref<8x128xi32, #tpu.memory_space<vmem>>
    %dma_start3A_143 = arith.constant 0 : i32
    %dma_start3A_144 = tpu.memref_slice %dma_start3A_142[%dma_start3A_138, %dma_start3A_143] : memref<8x128xi32, #tpu.memory_space<vmem>> -> memref<1x128xi32, #tpu.memory_space<vmem>>
    %dma_start3A_145 = tpu.memref_squeeze %dma_start3A_144 : memref<1x128xi32, #tpu.memory_space<vmem>> -> memref<128xi32, #tpu.memory_space<vmem>>
    %dma_start3A_146 = arith.constant 0 : i32
    %dma_start3A_147 = arith.constant 0 : i32
    %dma_start3A_148 = tpu.memref_slice %arg12[%dma_start3A_146, %dma_start3A_147] : memref<10240x128xf32, #tpu.memory_space<vmem_shared>> -> memref<10240x128xf32, #tpu.memory_space<vmem_shared>>
    tpu.enqueue_indirect_dma source(%arg10 : memref<128x128xf32, #tpu.memory_space<vmem>>) target(%dma_start3A_148 : memref<10240x128xf32, #tpu.memory_space<vmem_shared>>) offsets(%dma_start3A_145 : memref<128xi32, #tpu.memory_space<vmem>>) semaphore(%arg15 : memref<!tpu.dma_semaphore, #tpu.memory_space<semaphore_mem>>) {add = true}
    %dma_start3A_149 = arith.constant 0 : i32
    %dma_start3A_150 = arith.constant 0 : i32
    %dma_start3A_151 = arith.constant 0 : i32
    %dma_start3A_152 = arith.constant 0 : i32
    %dma_start3A_153 = tpu.memref_slice %arg9[%dma_start3A_149, %dma_start3A_151, %dma_start3A_152] : memref<2x8x128xi32, #tpu.memory_space<vmem>> -> memref<1x8x128xi32, #tpu.memory_space<vmem>>
    %dma_start3A_154 = tpu.memref_squeeze %dma_start3A_153 : memref<1x8x128xi32, #tpu.memory_space<vmem>> -> memref<8x128xi32, #tpu.memory_space<vmem>>
    %dma_start3A_155 = arith.constant 0 : i32
    %dma_start3A_156 = tpu.memref_slice %dma_start3A_154[%dma_start3A_150, %dma_start3A_155] : memref<8x128xi32, #tpu.memory_space<vmem>> -> memref<1x128xi32, #tpu.memory_space<vmem>>
    %dma_start3A_157 = tpu.memref_squeeze %dma_start3A_156 : memref<1x128xi32, #tpu.memory_space<vmem>> -> memref<128xi32, #tpu.memory_space<vmem>>
    %dma_start3A_158 = arith.constant 0 : i32
    %dma_start3A_159 = arith.constant 0 : i32
    %dma_start3A_160 = tpu.memref_slice %arg12[%dma_start3A_158, %dma_start3A_159] : memref<10240x128xf32, #tpu.memory_space<vmem_shared>> -> memref<10240x128xf32, #tpu.memory_space<vmem_shared>>
    tpu.enqueue_indirect_dma source(%arg11 : memref<128x128xf32, #tpu.memory_space<vmem>>) target(%dma_start3A_160 : memref<10240x128xf32, #tpu.memory_space<vmem_shared>>) offsets(%dma_start3A_157 : memref<128xi32, #tpu.memory_space<vmem>>) semaphore(%arg15 : memref<!tpu.dma_semaphore, #tpu.memory_space<semaphore_mem>>) {add = true}
    %dma_start3A_161 = arith.constant 0 : i32
    %dma_start3A_162 = arith.constant 1 : i32
    %dma_start3A_163 = arith.constant 0 : i32
    %dma_start3A_164 = arith.constant 0 : i32
    %dma_start3A_165 = tpu.memref_slice %arg8[%dma_start3A_161, %dma_start3A_163, %dma_start3A_164] : memref<2x8x128xi32, #tpu.memory_space<vmem>> -> memref<1x8x128xi32, #tpu.memory_space<vmem>>
    %dma_start3A_166 = tpu.memref_squeeze %dma_start3A_165 : memref<1x8x128xi32, #tpu.memory_space<vmem>> -> memref<8x128xi32, #tpu.memory_space<vmem>>
    %dma_start3A_167 = arith.constant 0 : i32
    %dma_start3A_168 = tpu.memref_slice %dma_start3A_166[%dma_start3A_162, %dma_start3A_167] : memref<8x128xi32, #tpu.memory_space<vmem>> -> memref<1x128xi32, #tpu.memory_space<vmem>>
    %dma_start3A_169 = tpu.memref_squeeze %dma_start3A_168 : memref<1x128xi32, #tpu.memory_space<vmem>> -> memref<128xi32, #tpu.memory_space<vmem>>
    %dma_start3A_170 = arith.constant 0 : i32
    %dma_start3A_171 = arith.constant 0 : i32
    %dma_start3A_172 = tpu.memref_slice %arg12[%dma_start3A_170, %dma_start3A_171] : memref<10240x128xf32, #tpu.memory_space<vmem_shared>> -> memref<10240x128xf32, #tpu.memory_space<vmem_shared>>
    tpu.enqueue_indirect_dma source(%arg10 : memref<128x128xf32, #tpu.memory_space<vmem>>) target(%dma_start3A_172 : memref<10240x128xf32, #tpu.memory_space<vmem_shared>>) offsets(%dma_start3A_169 : memref<128xi32, #tpu.memory_space<vmem>>) semaphore(%arg15 : memref<!tpu.dma_semaphore, #tpu.memory_space<semaphore_mem>>) {add = true}
    %dma_start3A_173 = arith.constant 0 : i32
    %dma_start3A_174 = arith.constant 1 : i32
    %dma_start3A_175 = arith.constant 0 : i32
    %dma_start3A_176 = arith.constant 0 : i32
    %dma_start3A_177 = tpu.memref_slice %arg9[%dma_start3A_173, %dma_start3A_175, %dma_start3A_176] : memref<2x8x128xi32, #tpu.memory_space<vmem>> -> memref<1x8x128xi32, #tpu.memory_space<vmem>>
    %dma_start3A_178 = tpu.memref_squeeze %dma_start3A_177 : memref<1x8x128xi32, #tpu.memory_space<vmem>> -> memref<8x128xi32, #tpu.memory_space<vmem>>
    %dma_start3A_179 = arith.constant 0 : i32
    %dma_start3A_180 = tpu.memref_slice %dma_start3A_178[%dma_start3A_174, %dma_start3A_179] : memref<8x128xi32, #tpu.memory_space<vmem>> -> memref<1x128xi32, #tpu.memory_space<vmem>>
    %dma_start3A_181 = tpu.memref_squeeze %dma_start3A_180 : memref<1x128xi32, #tpu.memory_space<vmem>> -> memref<128xi32, #tpu.memory_space<vmem>>
    %dma_start3A_182 = arith.constant 0 : i32
    %dma_start3A_183 = arith.constant 0 : i32
    %dma_start3A_184 = tpu.memref_slice %arg12[%dma_start3A_182, %dma_start3A_183] : memref<10240x128xf32, #tpu.memory_space<vmem_shared>> -> memref<10240x128xf32, #tpu.memory_space<vmem_shared>>
    tpu.enqueue_indirect_dma source(%arg11 : memref<128x128xf32, #tpu.memory_space<vmem>>) target(%dma_start3A_184 : memref<10240x128xf32, #tpu.memory_space<vmem_shared>>) offsets(%dma_start3A_181 : memref<128xi32, #tpu.memory_space<vmem>>) semaphore(%arg15 : memref<!tpu.dma_semaphore, #tpu.memory_space<semaphore_mem>>) {add = true}
    %dma_start3A_185 = arith.constant 0 : i32
    %dma_start3A_186 = arith.constant 2 : i32
    %dma_start3A_187 = arith.constant 0 : i32
    %dma_start3A_188 = arith.constant 0 : i32
    %dma_start3A_189 = tpu.memref_slice %arg8[%dma_start3A_185, %dma_start3A_187, %dma_start3A_188] : memref<2x8x128xi32, #tpu.memory_space<vmem>> -> memref<1x8x128xi32, #tpu.memory_space<vmem>>
    %dma_start3A_190 = tpu.memref_squeeze %dma_start3A_189 : memref<1x8x128xi32, #tpu.memory_space<vmem>> -> memref<8x128xi32, #tpu.memory_space<vmem>>
    %dma_start3A_191 = arith.constant 0 : i32
    %dma_start3A_192 = tpu.memref_slice %dma_start3A_190[%dma_start3A_186, %dma_start3A_191] : memref<8x128xi32, #tpu.memory_space<vmem>> -> memref<1x128xi32, #tpu.memory_space<vmem>>
    %dma_start3A_193 = tpu.memref_squeeze %dma_start3A_192 : memref<1x128xi32, #tpu.memory_space<vmem>> -> memref<128xi32, #tpu.memory_space<vmem>>
    %dma_start3A_194 = arith.constant 0 : i32
    %dma_start3A_195 = arith.constant 0 : i32
    %dma_start3A_196 = tpu.memref_slice %arg12[%dma_start3A_194, %dma_start3A_195] : memref<10240x128xf32, #tpu.memory_space<vmem_shared>> -> memref<10240x128xf32, #tpu.memory_space<vmem_shared>>
    tpu.enqueue_indirect_dma source(%arg10 : memref<128x128xf32, #tpu.memory_space<vmem>>) target(%dma_start3A_196 : memref<10240x128xf32, #tpu.memory_space<vmem_shared>>) offsets(%dma_start3A_193 : memref<128xi32, #tpu.memory_space<vmem>>) semaphore(%arg15 : memref<!tpu.dma_semaphore, #tpu.memory_space<semaphore_mem>>) {add = true}
    %dma_start3A_197 = arith.constant 0 : i32
    %dma_start3A_198 = arith.constant 2 : i32
    %dma_start3A_199 = arith.constant 0 : i32
    %dma_start3A_200 = arith.constant 0 : i32
    %dma_start3A_201 = tpu.memref_slice %arg9[%dma_start3A_197, %dma_start3A_199, %dma_start3A_200] : memref<2x8x128xi32, #tpu.memory_space<vmem>> -> memref<1x8x128xi32, #tpu.memory_space<vmem>>
    %dma_start3A_202 = tpu.memref_squeeze %dma_start3A_201 : memref<1x8x128xi32, #tpu.memory_space<vmem>> -> memref<8x128xi32, #tpu.memory_space<vmem>>
    %dma_start3A_203 = arith.constant 0 : i32
    %dma_start3A_204 = tpu.memref_slice %dma_start3A_202[%dma_start3A_198, %dma_start3A_203] : memref<8x128xi32, #tpu.memory_space<vmem>> -> memref<1x128xi32, #tpu.memory_space<vmem>>
    %dma_start3A_205 = tpu.memref_squeeze %dma_start3A_204 : memref<1x128xi32, #tpu.memory_space<vmem>> -> memref<128xi32, #tpu.memory_space<vmem>>
    %dma_start3A_206 = arith.constant 0 : i32
    %dma_start3A_207 = arith.constant 0 : i32
    %dma_start3A_208 = tpu.memref_slice %arg12[%dma_start3A_206, %dma_start3A_207] : memref<10240x128xf32, #tpu.memory_space<vmem_shared>> -> memref<10240x128xf32, #tpu.memory_space<vmem_shared>>
    tpu.enqueue_indirect_dma source(%arg11 : memref<128x128xf32, #tpu.memory_space<vmem>>) target(%dma_start3A_208 : memref<10240x128xf32, #tpu.memory_space<vmem_shared>>) offsets(%dma_start3A_205 : memref<128xi32, #tpu.memory_space<vmem>>) semaphore(%arg15 : memref<!tpu.dma_semaphore, #tpu.memory_space<semaphore_mem>>) {add = true}
    %dma_start3A_209 = arith.constant 0 : i32
    %dma_start3A_210 = arith.constant 3 : i32
    %dma_start3A_211 = arith.constant 0 : i32
    %dma_start3A_212 = arith.constant 0 : i32
    %dma_start3A_213 = tpu.memref_slice %arg8[%dma_start3A_209, %dma_start3A_211, %dma_start3A_212] : memref<2x8x128xi32, #tpu.memory_space<vmem>> -> memref<1x8x128xi32, #tpu.memory_space<vmem>>
    %dma_start3A_214 = tpu.memref_squeeze %dma_start3A_213 : memref<1x8x128xi32, #tpu.memory_space<vmem>> -> memref<8x128xi32, #tpu.memory_space<vmem>>
    %dma_start3A_215 = arith.constant 0 : i32
    %dma_start3A_216 = tpu.memref_slice %dma_start3A_214[%dma_start3A_210, %dma_start3A_215] : memref<8x128xi32, #tpu.memory_space<vmem>> -> memref<1x128xi32, #tpu.memory_space<vmem>>
    %dma_start3A_217 = tpu.memref_squeeze %dma_start3A_216 : memref<1x128xi32, #tpu.memory_space<vmem>> -> memref<128xi32, #tpu.memory_space<vmem>>
    %dma_start3A_218 = arith.constant 0 : i32
    %dma_start3A_219 = arith.constant 0 : i32
    %dma_start3A_220 = tpu.memref_slice %arg12[%dma_start3A_218, %dma_start3A_219] : memref<10240x128xf32, #tpu.memory_space<vmem_shared>> -> memref<10240x128xf32, #tpu.memory_space<vmem_shared>>
    tpu.enqueue_indirect_dma source(%arg10 : memref<128x128xf32, #tpu.memory_space<vmem>>) target(%dma_start3A_220 : memref<10240x128xf32, #tpu.memory_space<vmem_shared>>) offsets(%dma_start3A_217 : memref<128xi32, #tpu.memory_space<vmem>>) semaphore(%arg15 : memref<!tpu.dma_semaphore, #tpu.memory_space<semaphore_mem>>) {add = true}
    %dma_start3A_221 = arith.constant 0 : i32
    %dma_start3A_222 = arith.constant 3 : i32
    %dma_start3A_223 = arith.constant 0 : i32
    %dma_start3A_224 = arith.constant 0 : i32
    %dma_start3A_225 = tpu.memref_slice %arg9[%dma_start3A_221, %dma_start3A_223, %dma_start3A_224] : memref<2x8x128xi32, #tpu.memory_space<vmem>> -> memref<1x8x128xi32, #tpu.memory_space<vmem>>
    %dma_start3A_226 = tpu.memref_squeeze %dma_start3A_225 : memref<1x8x128xi32, #tpu.memory_space<vmem>> -> memref<8x128xi32, #tpu.memory_space<vmem>>
    %dma_start3A_227 = arith.constant 0 : i32
    %dma_start3A_228 = tpu.memref_slice %dma_start3A_226[%dma_start3A_222, %dma_start3A_227] : memref<8x128xi32, #tpu.memory_space<vmem>> -> memref<1x128xi32, #tpu.memory_space<vmem>>
    %dma_start3A_229 = tpu.memref_squeeze %dma_start3A_228 : memref<1x128xi32, #tpu.memory_space<vmem>> -> memref<128xi32, #tpu.memory_space<vmem>>
    %dma_start3A_230 = arith.constant 0 : i32
    %dma_start3A_231 = arith.constant 0 : i32
    %dma_start3A_232 = tpu.memref_slice %arg12[%dma_start3A_230, %dma_start3A_231] : memref<10240x128xf32, #tpu.memory_space<vmem_shared>> -> memref<10240x128xf32, #tpu.memory_space<vmem_shared>>
    tpu.enqueue_indirect_dma source(%arg11 : memref<128x128xf32, #tpu.memory_space<vmem>>) target(%dma_start3A_232 : memref<10240x128xf32, #tpu.memory_space<vmem_shared>>) offsets(%dma_start3A_229 : memref<128xi32, #tpu.memory_space<vmem>>) semaphore(%arg15 : memref<!tpu.dma_semaphore, #tpu.memory_space<semaphore_mem>>) {add = true}
    %dma_start3A_233 = arith.constant 0 : i32
    %dma_start3A_234 = arith.constant 4 : i32
    %dma_start3A_235 = arith.constant 0 : i32
    %dma_start3A_236 = arith.constant 0 : i32
    %dma_start3A_237 = tpu.memref_slice %arg8[%dma_start3A_233, %dma_start3A_235, %dma_start3A_236] : memref<2x8x128xi32, #tpu.memory_space<vmem>> -> memref<1x8x128xi32, #tpu.memory_space<vmem>>
    %dma_start3A_238 = tpu.memref_squeeze %dma_start3A_237 : memref<1x8x128xi32, #tpu.memory_space<vmem>> -> memref<8x128xi32, #tpu.memory_space<vmem>>
    %dma_start3A_239 = arith.constant 0 : i32
    %dma_start3A_240 = tpu.memref_slice %dma_start3A_238[%dma_start3A_234, %dma_start3A_239] : memref<8x128xi32, #tpu.memory_space<vmem>> -> memref<1x128xi32, #tpu.memory_space<vmem>>
    %dma_start3A_241 = tpu.memref_squeeze %dma_start3A_240 : memref<1x128xi32, #tpu.memory_space<vmem>> -> memref<128xi32, #tpu.memory_space<vmem>>
    %dma_start3A_242 = arith.constant 0 : i32
    %dma_start3A_243 = arith.constant 0 : i32
    %dma_start3A_244 = tpu.memref_slice %arg12[%dma_start3A_242, %dma_start3A_243] : memref<10240x128xf32, #tpu.memory_space<vmem_shared>> -> memref<10240x128xf32, #tpu.memory_space<vmem_shared>>
    tpu.enqueue_indirect_dma source(%arg10 : memref<128x128xf32, #tpu.memory_space<vmem>>) target(%dma_start3A_244 : memref<10240x128xf32, #tpu.memory_space<vmem_shared>>) offsets(%dma_start3A_241 : memref<128xi32, #tpu.memory_space<vmem>>) semaphore(%arg15 : memref<!tpu.dma_semaphore, #tpu.memory_space<semaphore_mem>>) {add = true}
    %dma_start3A_245 = arith.constant 0 : i32
    %dma_start3A_246 = arith.constant 4 : i32
    %dma_start3A_247 = arith.constant 0 : i32
    %dma_start3A_248 = arith.constant 0 : i32
    %dma_start3A_249 = tpu.memref_slice %arg9[%dma_start3A_245, %dma_start3A_247, %dma_start3A_248] : memref<2x8x128xi32, #tpu.memory_space<vmem>> -> memref<1x8x128xi32, #tpu.memory_space<vmem>>
    %dma_start3A_250 = tpu.memref_squeeze %dma_start3A_249 : memref<1x8x128xi32, #tpu.memory_space<vmem>> -> memref<8x128xi32, #tpu.memory_space<vmem>>
    %dma_start3A_251 = arith.constant 0 : i32
    %dma_start3A_252 = tpu.memref_slice %dma_start3A_250[%dma_start3A_246, %dma_start3A_251] : memref<8x128xi32, #tpu.memory_space<vmem>> -> memref<1x128xi32, #tpu.memory_space<vmem>>
    %dma_start3A_253 = tpu.memref_squeeze %dma_start3A_252 : memref<1x128xi32, #tpu.memory_space<vmem>> -> memref<128xi32, #tpu.memory_space<vmem>>
    %dma_start3A_254 = arith.constant 0 : i32
    %dma_start3A_255 = arith.constant 0 : i32
    %dma_start3A_256 = tpu.memref_slice %arg12[%dma_start3A_254, %dma_start3A_255] : memref<10240x128xf32, #tpu.memory_space<vmem_shared>> -> memref<10240x128xf32, #tpu.memory_space<vmem_shared>>
    tpu.enqueue_indirect_dma source(%arg11 : memref<128x128xf32, #tpu.memory_space<vmem>>) target(%dma_start3A_256 : memref<10240x128xf32, #tpu.memory_space<vmem_shared>>) offsets(%dma_start3A_253 : memref<128xi32, #tpu.memory_space<vmem>>) semaphore(%arg15 : memref<!tpu.dma_semaphore, #tpu.memory_space<semaphore_mem>>) {add = true}
    %dma_start3A_257 = arith.constant 0 : i32
    %dma_start3A_258 = arith.constant 5 : i32
    %dma_start3A_259 = arith.constant 0 : i32
    %dma_start3A_260 = arith.constant 0 : i32
    %dma_start3A_261 = tpu.memref_slice %arg8[%dma_start3A_257, %dma_start3A_259, %dma_start3A_260] : memref<2x8x128xi32, #tpu.memory_space<vmem>> -> memref<1x8x128xi32, #tpu.memory_space<vmem>>
    %dma_start3A_262 = tpu.memref_squeeze %dma_start3A_261 : memref<1x8x128xi32, #tpu.memory_space<vmem>> -> memref<8x128xi32, #tpu.memory_space<vmem>>
    %dma_start3A_263 = arith.constant 0 : i32
    %dma_start3A_264 = tpu.memref_slice %dma_start3A_262[%dma_start3A_258, %dma_start3A_263] : memref<8x128xi32, #tpu.memory_space<vmem>> -> memref<1x128xi32, #tpu.memory_space<vmem>>
    %dma_start3A_265 = tpu.memref_squeeze %dma_start3A_264 : memref<1x128xi32, #tpu.memory_space<vmem>> -> memref<128xi32, #tpu.memory_space<vmem>>
    %dma_start3A_266 = arith.constant 0 : i32
    %dma_start3A_267 = arith.constant 0 : i32
    %dma_start3A_268 = tpu.memref_slice %arg12[%dma_start3A_266, %dma_start3A_267] : memref<10240x128xf32, #tpu.memory_space<vmem_shared>> -> memref<10240x128xf32, #tpu.memory_space<vmem_shared>>
    tpu.enqueue_indirect_dma source(%arg10 : memref<128x128xf32, #tpu.memory_space<vmem>>) target(%dma_start3A_268 : memref<10240x128xf32, #tpu.memory_space<vmem_shared>>) offsets(%dma_start3A_265 : memref<128xi32, #tpu.memory_space<vmem>>) semaphore(%arg15 : memref<!tpu.dma_semaphore, #tpu.memory_space<semaphore_mem>>) {add = true}
    %dma_start3A_269 = arith.constant 0 : i32
    %dma_start3A_270 = arith.constant 5 : i32
    %dma_start3A_271 = arith.constant 0 : i32
    %dma_start3A_272 = arith.constant 0 : i32
    %dma_start3A_273 = tpu.memref_slice %arg9[%dma_start3A_269, %dma_start3A_271, %dma_start3A_272] : memref<2x8x128xi32, #tpu.memory_space<vmem>> -> memref<1x8x128xi32, #tpu.memory_space<vmem>>
    %dma_start3A_274 = tpu.memref_squeeze %dma_start3A_273 : memref<1x8x128xi32, #tpu.memory_space<vmem>> -> memref<8x128xi32, #tpu.memory_space<vmem>>
    %dma_start3A_275 = arith.constant 0 : i32
    %dma_start3A_276 = tpu.memref_slice %dma_start3A_274[%dma_start3A_270, %dma_start3A_275] : memref<8x128xi32, #tpu.memory_space<vmem>> -> memref<1x128xi32, #tpu.memory_space<vmem>>
    %dma_start3A_277 = tpu.memref_squeeze %dma_start3A_276 : memref<1x128xi32, #tpu.memory_space<vmem>> -> memref<128xi32, #tpu.memory_space<vmem>>
    %dma_start3A_278 = arith.constant 0 : i32
    %dma_start3A_279 = arith.constant 0 : i32
    %dma_start3A_280 = tpu.memref_slice %arg12[%dma_start3A_278, %dma_start3A_279] : memref<10240x128xf32, #tpu.memory_space<vmem_shared>> -> memref<10240x128xf32, #tpu.memory_space<vmem_shared>>
    tpu.enqueue_indirect_dma source(%arg11 : memref<128x128xf32, #tpu.memory_space<vmem>>) target(%dma_start3A_280 : memref<10240x128xf32, #tpu.memory_space<vmem_shared>>) offsets(%dma_start3A_277 : memref<128xi32, #tpu.memory_space<vmem>>) semaphore(%arg15 : memref<!tpu.dma_semaphore, #tpu.memory_space<semaphore_mem>>) {add = true}
    %dma_start3A_281 = arith.constant 0 : i32
    %dma_start3A_282 = arith.constant 6 : i32
    %dma_start3A_283 = arith.constant 0 : i32
    %dma_start3A_284 = arith.constant 0 : i32
    %dma_start3A_285 = tpu.memref_slice %arg8[%dma_start3A_281, %dma_start3A_283, %dma_start3A_284] : memref<2x8x128xi32, #tpu.memory_space<vmem>> -> memref<1x8x128xi32, #tpu.memory_space<vmem>>
    %dma_start3A_286 = tpu.memref_squeeze %dma_start3A_285 : memref<1x8x128xi32, #tpu.memory_space<vmem>> -> memref<8x128xi32, #tpu.memory_space<vmem>>
    %dma_start3A_287 = arith.constant 0 : i32
    %dma_start3A_288 = tpu.memref_slice %dma_start3A_286[%dma_start3A_282, %dma_start3A_287] : memref<8x128xi32, #tpu.memory_space<vmem>> -> memref<1x128xi32, #tpu.memory_space<vmem>>
    %dma_start3A_289 = tpu.memref_squeeze %dma_start3A_288 : memref<1x128xi32, #tpu.memory_space<vmem>> -> memref<128xi32, #tpu.memory_space<vmem>>
    %dma_start3A_290 = arith.constant 0 : i32
    %dma_start3A_291 = arith.constant 0 : i32
    %dma_start3A_292 = tpu.memref_slice %arg12[%dma_start3A_290, %dma_start3A_291] : memref<10240x128xf32, #tpu.memory_space<vmem_shared>> -> memref<10240x128xf32, #tpu.memory_space<vmem_shared>>
    tpu.enqueue_indirect_dma source(%arg10 : memref<128x128xf32, #tpu.memory_space<vmem>>) target(%dma_start3A_292 : memref<10240x128xf32, #tpu.memory_space<vmem_shared>>) offsets(%dma_start3A_289 : memref<128xi32, #tpu.memory_space<vmem>>) semaphore(%arg15 : memref<!tpu.dma_semaphore, #tpu.memory_space<semaphore_mem>>) {add = true}
    %dma_start3A_293 = arith.constant 0 : i32
    %dma_start3A_294 = arith.constant 6 : i32
    %dma_start3A_295 = arith.constant 0 : i32
    %dma_start3A_296 = arith.constant 0 : i32
    %dma_start3A_297 = tpu.memref_slice %arg9[%dma_start3A_293, %dma_start3A_295, %dma_start3A_296] : memref<2x8x128xi32, #tpu.memory_space<vmem>> -> memref<1x8x128xi32, #tpu.memory_space<vmem>>
    %dma_start3A_298 = tpu.memref_squeeze %dma_start3A_297 : memref<1x8x128xi32, #tpu.memory_space<vmem>> -> memref<8x128xi32, #tpu.memory_space<vmem>>
    %dma_start3A_299 = arith.constant 0 : i32
    %dma_start3A_300 = tpu.memref_slice %dma_start3A_298[%dma_start3A_294, %dma_start3A_299] : memref<8x128xi32, #tpu.memory_space<vmem>> -> memref<1x128xi32, #tpu.memory_space<vmem>>
    %dma_start3A_301 = tpu.memref_squeeze %dma_start3A_300 : memref<1x128xi32, #tpu.memory_space<vmem>> -> memref<128xi32, #tpu.memory_space<vmem>>
    %dma_start3A_302 = arith.constant 0 : i32
    %dma_start3A_303 = arith.constant 0 : i32
    %dma_start3A_304 = tpu.memref_slice %arg12[%dma_start3A_302, %dma_start3A_303] : memref<10240x128xf32, #tpu.memory_space<vmem_shared>> -> memref<10240x128xf32, #tpu.memory_space<vmem_shared>>
    tpu.enqueue_indirect_dma source(%arg11 : memref<128x128xf32, #tpu.memory_space<vmem>>) target(%dma_start3A_304 : memref<10240x128xf32, #tpu.memory_space<vmem_shared>>) offsets(%dma_start3A_301 : memref<128xi32, #tpu.memory_space<vmem>>) semaphore(%arg15 : memref<!tpu.dma_semaphore, #tpu.memory_space<semaphore_mem>>) {add = true}
    %dma_start3A_305 = arith.constant 0 : i32
    %dma_start3A_306 = arith.constant 7 : i32
    %dma_start3A_307 = arith.constant 0 : i32
    %dma_start3A_308 = arith.constant 0 : i32
    %dma_start3A_309 = tpu.memref_slice %arg8[%dma_start3A_305, %dma_start3A_307, %dma_start3A_308] : memref<2x8x128xi32, #tpu.memory_space<vmem>> -> memref<1x8x128xi32, #tpu.memory_space<vmem>>
    %dma_start3A_310 = tpu.memref_squeeze %dma_start3A_309 : memref<1x8x128xi32, #tpu.memory_space<vmem>> -> memref<8x128xi32, #tpu.memory_space<vmem>>
    %dma_start3A_311 = arith.constant 0 : i32
    %dma_start3A_312 = tpu.memref_slice %dma_start3A_310[%dma_start3A_306, %dma_start3A_311] : memref<8x128xi32, #tpu.memory_space<vmem>> -> memref<1x128xi32, #tpu.memory_space<vmem>>
    %dma_start3A_313 = tpu.memref_squeeze %dma_start3A_312 : memref<1x128xi32, #tpu.memory_space<vmem>> -> memref<128xi32, #tpu.memory_space<vmem>>
    %dma_start3A_314 = arith.constant 0 : i32
    %dma_start3A_315 = arith.constant 0 : i32
    %dma_start3A_316 = tpu.memref_slice %arg12[%dma_start3A_314, %dma_start3A_315] : memref<10240x128xf32, #tpu.memory_space<vmem_shared>> -> memref<10240x128xf32, #tpu.memory_space<vmem_shared>>
    tpu.enqueue_indirect_dma source(%arg10 : memref<128x128xf32, #tpu.memory_space<vmem>>) target(%dma_start3A_316 : memref<10240x128xf32, #tpu.memory_space<vmem_shared>>) offsets(%dma_start3A_313 : memref<128xi32, #tpu.memory_space<vmem>>) semaphore(%arg15 : memref<!tpu.dma_semaphore, #tpu.memory_space<semaphore_mem>>) {add = true}
    %dma_start3A_317 = arith.constant 0 : i32
    %dma_start3A_318 = arith.constant 7 : i32
    %dma_start3A_319 = arith.constant 0 : i32
    %dma_start3A_320 = arith.constant 0 : i32
    %dma_start3A_321 = tpu.memref_slice %arg9[%dma_start3A_317, %dma_start3A_319, %dma_start3A_320] : memref<2x8x128xi32, #tpu.memory_space<vmem>> -> memref<1x8x128xi32, #tpu.memory_space<vmem>>
    %dma_start3A_322 = tpu.memref_squeeze %dma_start3A_321 : memref<1x8x128xi32, #tpu.memory_space<vmem>> -> memref<8x128xi32, #tpu.memory_space<vmem>>
    %dma_start3A_323 = arith.constant 0 : i32
    %dma_start3A_324 = tpu.memref_slice %dma_start3A_322[%dma_start3A_318, %dma_start3A_323] : memref<8x128xi32, #tpu.memory_space<vmem>> -> memref<1x128xi32, #tpu.memory_space<vmem>>
    %dma_start3A_325 = tpu.memref_squeeze %dma_start3A_324 : memref<1x128xi32, #tpu.memory_space<vmem>> -> memref<128xi32, #tpu.memory_space<vmem>>
    %dma_start3A_326 = arith.constant 0 : i32
    %dma_start3A_327 = arith.constant 0 : i32
    %dma_start3A_328 = tpu.memref_slice %arg12[%dma_start3A_326, %dma_start3A_327] : memref<10240x128xf32, #tpu.memory_space<vmem_shared>> -> memref<10240x128xf32, #tpu.memory_space<vmem_shared>>
    tpu.enqueue_indirect_dma source(%arg11 : memref<128x128xf32, #tpu.memory_space<vmem>>) target(%dma_start3A_328 : memref<10240x128xf32, #tpu.memory_space<vmem_shared>>) offsets(%dma_start3A_325 : memref<128xi32, #tpu.memory_space<vmem>>) semaphore(%arg15 : memref<!tpu.dma_semaphore, #tpu.memory_space<semaphore_mem>>) {add = true}
    %dma_wait3A_329 = arith.constant 0 : i32
    %dma_wait3A_330 = arith.constant 0 : i32
    %dma_wait3A_331 = arith.constant 0 : i32
    %dma_wait3A_332 = arith.constant 0 : i32
    %dma_wait3A_333 = tpu.memref_slice %arg8[%dma_wait3A_329, %dma_wait3A_331, %dma_wait3A_332] : memref<2x8x128xi32, #tpu.memory_space<vmem>> -> memref<1x8x128xi32, #tpu.memory_space<vmem>>
    %dma_wait3A_334 = tpu.memref_squeeze %dma_wait3A_333 : memref<1x8x128xi32, #tpu.memory_space<vmem>> -> memref<8x128xi32, #tpu.memory_space<vmem>>
    %dma_wait3A_335 = arith.constant 0 : i32
    %dma_wait3A_336 = tpu.memref_slice %dma_wait3A_334[%dma_wait3A_330, %dma_wait3A_335] : memref<8x128xi32, #tpu.memory_space<vmem>> -> memref<1x128xi32, #tpu.memory_space<vmem>>
    %dma_wait3A_337 = tpu.memref_squeeze %dma_wait3A_336 : memref<1x128xi32, #tpu.memory_space<vmem>> -> memref<128xi32, #tpu.memory_space<vmem>>
    %dma_wait3A_338 = arith.constant 0 : i32
    %dma_wait3A_339 = arith.constant 0 : i32
    %dma_wait3A_340 = tpu.memref_slice %arg12[%dma_wait3A_338, %dma_wait3A_339] : memref<10240x128xf32, #tpu.memory_space<vmem_shared>> -> memref<10240x128xf32, #tpu.memory_space<vmem_shared>>
    tpu.wait_indirect_dma semaphore(%arg15 : memref<!tpu.dma_semaphore, #tpu.memory_space<semaphore_mem>>) src(%arg10 : memref<128x128xf32, #tpu.memory_space<vmem>>) dst(%dma_wait3A_340 : memref<10240x128xf32, #tpu.memory_space<vmem_shared>>)
    %dma_wait3A_341 = arith.constant 0 : i32
    %dma_wait3A_342 = arith.constant 0 : i32
    %dma_wait3A_343 = arith.constant 0 : i32
    %dma_wait3A_344 = arith.constant 0 : i32
    %dma_wait3A_345 = tpu.memref_slice %arg8[%dma_wait3A_341, %dma_wait3A_343, %dma_wait3A_344] : memref<2x8x128xi32, #tpu.memory_space<vmem>> -> memref<1x8x128xi32, #tpu.memory_space<vmem>>
    %dma_wait3A_346 = tpu.memref_squeeze %dma_wait3A_345 : memref<1x8x128xi32, #tpu.memory_space<vmem>> -> memref<8x128xi32, #tpu.memory_space<vmem>>
    %dma_wait3A_347 = arith.constant 0 : i32
    %dma_wait3A_348 = tpu.memref_slice %dma_wait3A_346[%dma_wait3A_342, %dma_wait3A_347] : memref<8x128xi32, #tpu.memory_space<vmem>> -> memref<1x128xi32, #tpu.memory_space<vmem>>
    %dma_wait3A_349 = tpu.memref_squeeze %dma_wait3A_348 : memref<1x128xi32, #tpu.memory_space<vmem>> -> memref<128xi32, #tpu.memory_space<vmem>>
    %dma_wait3A_350 = arith.constant 0 : i32
    %dma_wait3A_351 = arith.constant 0 : i32
    %dma_wait3A_352 = tpu.memref_slice %arg12[%dma_wait3A_350, %dma_wait3A_351] : memref<10240x128xf32, #tpu.memory_space<vmem_shared>> -> memref<10240x128xf32, #tpu.memory_space<vmem_shared>>
    tpu.wait_indirect_dma semaphore(%arg15 : memref<!tpu.dma_semaphore, #tpu.memory_space<semaphore_mem>>) src(%arg10 : memref<128x128xf32, #tpu.memory_space<vmem>>) dst(%dma_wait3A_352 : memref<10240x128xf32, #tpu.memory_space<vmem_shared>>)
    %dma_wait3A_353 = arith.constant 0 : i32
    %dma_wait3A_354 = arith.constant 0 : i32
    %dma_wait3A_355 = arith.constant 0 : i32
    %dma_wait3A_356 = arith.constant 0 : i32
    %dma_wait3A_357 = tpu.memref_slice %arg8[%dma_wait3A_353, %dma_wait3A_355, %dma_wait3A_356] : memref<2x8x128xi32, #tpu.memory_space<vmem>> -> memref<1x8x128xi32, #tpu.memory_space<vmem>>
    %dma_wait3A_358 = tpu.memref_squeeze %dma_wait3A_357 : memref<1x8x128xi32, #tpu.memory_space<vmem>> -> memref<8x128xi32, #tpu.memory_space<vmem>>
    %dma_wait3A_359 = arith.constant 0 : i32
    %dma_wait3A_360 = tpu.memref_slice %dma_wait3A_358[%dma_wait3A_354, %dma_wait3A_359] : memref<8x128xi32, #tpu.memory_space<vmem>> -> memref<1x128xi32, #tpu.memory_space<vmem>>
    %dma_wait3A_361 = tpu.memref_squeeze %dma_wait3A_360 : memref<1x128xi32, #tpu.memory_space<vmem>> -> memref<128xi32, #tpu.memory_space<vmem>>
    %dma_wait3A_362 = arith.constant 0 : i32
    %dma_wait3A_363 = arith.constant 0 : i32
    %dma_wait3A_364 = tpu.memref_slice %arg12[%dma_wait3A_362, %dma_wait3A_363] : memref<10240x128xf32, #tpu.memory_space<vmem_shared>> -> memref<10240x128xf32, #tpu.memory_space<vmem_shared>>
    tpu.wait_indirect_dma semaphore(%arg15 : memref<!tpu.dma_semaphore, #tpu.memory_space<semaphore_mem>>) src(%arg10 : memref<128x128xf32, #tpu.memory_space<vmem>>) dst(%dma_wait3A_364 : memref<10240x128xf32, #tpu.memory_space<vmem_shared>>)
    %dma_wait3A_365 = arith.constant 0 : i32
    %dma_wait3A_366 = arith.constant 0 : i32
    %dma_wait3A_367 = arith.constant 0 : i32
    %dma_wait3A_368 = arith.constant 0 : i32
    %dma_wait3A_369 = tpu.memref_slice %arg8[%dma_wait3A_365, %dma_wait3A_367, %dma_wait3A_368] : memref<2x8x128xi32, #tpu.memory_space<vmem>> -> memref<1x8x128xi32, #tpu.memory_space<vmem>>
    %dma_wait3A_370 = tpu.memref_squeeze %dma_wait3A_369 : memref<1x8x128xi32, #tpu.memory_space<vmem>> -> memref<8x128xi32, #tpu.memory_space<vmem>>
    %dma_wait3A_371 = arith.constant 0 : i32
    %dma_wait3A_372 = tpu.memref_slice %dma_wait3A_370[%dma_wait3A_366, %dma_wait3A_371] : memref<8x128xi32, #tpu.memory_space<vmem>> -> memref<1x128xi32, #tpu.memory_space<vmem>>
    %dma_wait3A_373 = tpu.memref_squeeze %dma_wait3A_372 : memref<1x128xi32, #tpu.memory_space<vmem>> -> memref<128xi32, #tpu.memory_space<vmem>>
    %dma_wait3A_374 = arith.constant 0 : i32
    %dma_wait3A_375 = arith.constant 0 : i32
    %dma_wait3A_376 = tpu.memref_slice %arg12[%dma_wait3A_374, %dma_wait3A_375] : memref<10240x128xf32, #tpu.memory_space<vmem_shared>> -> memref<10240x128xf32, #tpu.memory_space<vmem_shared>>
    tpu.wait_indirect_dma semaphore(%arg15 : memref<!tpu.dma_semaphore, #tpu.memory_space<semaphore_mem>>) src(%arg10 : memref<128x128xf32, #tpu.memory_space<vmem>>) dst(%dma_wait3A_376 : memref<10240x128xf32, #tpu.memory_space<vmem_shared>>)
    %dma_wait3A_377 = arith.constant 0 : i32
    %dma_wait3A_378 = arith.constant 0 : i32
    %dma_wait3A_379 = arith.constant 0 : i32
    %dma_wait3A_380 = arith.constant 0 : i32
    %dma_wait3A_381 = tpu.memref_slice %arg8[%dma_wait3A_377, %dma_wait3A_379, %dma_wait3A_380] : memref<2x8x128xi32, #tpu.memory_space<vmem>> -> memref<1x8x128xi32, #tpu.memory_space<vmem>>
    %dma_wait3A_382 = tpu.memref_squeeze %dma_wait3A_381 : memref<1x8x128xi32, #tpu.memory_space<vmem>> -> memref<8x128xi32, #tpu.memory_space<vmem>>
    %dma_wait3A_383 = arith.constant 0 : i32
    %dma_wait3A_384 = tpu.memref_slice %dma_wait3A_382[%dma_wait3A_378, %dma_wait3A_383] : memref<8x128xi32, #tpu.memory_space<vmem>> -> memref<1x128xi32, #tpu.memory_space<vmem>>
    %dma_wait3A_385 = tpu.memref_squeeze %dma_wait3A_384 : memref<1x128xi32, #tpu.memory_space<vmem>> -> memref<128xi32, #tpu.memory_space<vmem>>
    %dma_wait3A_386 = arith.constant 0 : i32
    %dma_wait3A_387 = arith.constant 0 : i32
    %dma_wait3A_388 = tpu.memref_slice %arg12[%dma_wait3A_386, %dma_wait3A_387] : memref<10240x128xf32, #tpu.memory_space<vmem_shared>> -> memref<10240x128xf32, #tpu.memory_space<vmem_shared>>
    tpu.wait_indirect_dma semaphore(%arg15 : memref<!tpu.dma_semaphore, #tpu.memory_space<semaphore_mem>>) src(%arg10 : memref<128x128xf32, #tpu.memory_space<vmem>>) dst(%dma_wait3A_388 : memref<10240x128xf32, #tpu.memory_space<vmem_shared>>)
    %dma_wait3A_389 = arith.constant 0 : i32
    %dma_wait3A_390 = arith.constant 0 : i32
    %dma_wait3A_391 = arith.constant 0 : i32
    %dma_wait3A_392 = arith.constant 0 : i32
    %dma_wait3A_393 = tpu.memref_slice %arg8[%dma_wait3A_389, %dma_wait3A_391, %dma_wait3A_392] : memref<2x8x128xi32, #tpu.memory_space<vmem>> -> memref<1x8x128xi32, #tpu.memory_space<vmem>>
    %dma_wait3A_394 = tpu.memref_squeeze %dma_wait3A_393 : memref<1x8x128xi32, #tpu.memory_space<vmem>> -> memref<8x128xi32, #tpu.memory_space<vmem>>
    %dma_wait3A_395 = arith.constant 0 : i32
    %dma_wait3A_396 = tpu.memref_slice %dma_wait3A_394[%dma_wait3A_390, %dma_wait3A_395] : memref<8x128xi32, #tpu.memory_space<vmem>> -> memref<1x128xi32, #tpu.memory_space<vmem>>
    %dma_wait3A_397 = tpu.memref_squeeze %dma_wait3A_396 : memref<1x128xi32, #tpu.memory_space<vmem>> -> memref<128xi32, #tpu.memory_space<vmem>>
    %dma_wait3A_398 = arith.constant 0 : i32
    %dma_wait3A_399 = arith.constant 0 : i32
    %dma_wait3A_400 = tpu.memref_slice %arg12[%dma_wait3A_398, %dma_wait3A_399] : memref<10240x128xf32, #tpu.memory_space<vmem_shared>> -> memref<10240x128xf32, #tpu.memory_space<vmem_shared>>
    tpu.wait_indirect_dma semaphore(%arg15 : memref<!tpu.dma_semaphore, #tpu.memory_space<semaphore_mem>>) src(%arg10 : memref<128x128xf32, #tpu.memory_space<vmem>>) dst(%dma_wait3A_400 : memref<10240x128xf32, #tpu.memory_space<vmem_shared>>)
    %dma_wait3A_401 = arith.constant 0 : i32
    %dma_wait3A_402 = arith.constant 0 : i32
    %dma_wait3A_403 = arith.constant 0 : i32
    %dma_wait3A_404 = arith.constant 0 : i32
    %dma_wait3A_405 = tpu.memref_slice %arg8[%dma_wait3A_401, %dma_wait3A_403, %dma_wait3A_404] : memref<2x8x128xi32, #tpu.memory_space<vmem>> -> memref<1x8x128xi32, #tpu.memory_space<vmem>>
    %dma_wait3A_406 = tpu.memref_squeeze %dma_wait3A_405 : memref<1x8x128xi32, #tpu.memory_space<vmem>> -> memref<8x128xi32, #tpu.memory_space<vmem>>
    %dma_wait3A_407 = arith.constant 0 : i32
    %dma_wait3A_408 = tpu.memref_slice %dma_wait3A_406[%dma_wait3A_402, %dma_wait3A_407] : memref<8x128xi32, #tpu.memory_space<vmem>> -> memref<1x128xi32, #tpu.memory_space<vmem>>
    %dma_wait3A_409 = tpu.memref_squeeze %dma_wait3A_408 : memref<1x128xi32, #tpu.memory_space<vmem>> -> memref<128xi32, #tpu.memory_space<vmem>>
    %dma_wait3A_410 = arith.constant 0 : i32
    %dma_wait3A_411 = arith.constant 0 : i32
    %dma_wait3A_412 = tpu.memref_slice %arg12[%dma_wait3A_410, %dma_wait3A_411] : memref<10240x128xf32, #tpu.memory_space<vmem_shared>> -> memref<10240x128xf32, #tpu.memory_space<vmem_shared>>
    tpu.wait_indirect_dma semaphore(%arg15 : memref<!tpu.dma_semaphore, #tpu.memory_space<semaphore_mem>>) src(%arg10 : memref<128x128xf32, #tpu.memory_space<vmem>>) dst(%dma_wait3A_412 : memref<10240x128xf32, #tpu.memory_space<vmem_shared>>)
    %dma_wait3A_413 = arith.constant 0 : i32
    %dma_wait3A_414 = arith.constant 0 : i32
    %dma_wait3A_415 = arith.constant 0 : i32
    %dma_wait3A_416 = arith.constant 0 : i32
    %dma_wait3A_417 = tpu.memref_slice %arg8[%dma_wait3A_413, %dma_wait3A_415, %dma_wait3A_416] : memref<2x8x128xi32, #tpu.memory_space<vmem>> -> memref<1x8x128xi32, #tpu.memory_space<vmem>>
    %dma_wait3A_418 = tpu.memref_squeeze %dma_wait3A_417 : memref<1x8x128xi32, #tpu.memory_space<vmem>> -> memref<8x128xi32, #tpu.memory_space<vmem>>
    %dma_wait3A_419 = arith.constant 0 : i32
    %dma_wait3A_420 = tpu.memref_slice %dma_wait3A_418[%dma_wait3A_414, %dma_wait3A_419] : memref<8x128xi32, #tpu.memory_space<vmem>> -> memref<1x128xi32, #tpu.memory_space<vmem>>
    %dma_wait3A_421 = tpu.memref_squeeze %dma_wait3A_420 : memref<1x128xi32, #tpu.memory_space<vmem>> -> memref<128xi32, #tpu.memory_space<vmem>>
    %dma_wait3A_422 = arith.constant 0 : i32
    %dma_wait3A_423 = arith.constant 0 : i32
    %dma_wait3A_424 = tpu.memref_slice %arg12[%dma_wait3A_422, %dma_wait3A_423] : memref<10240x128xf32, #tpu.memory_space<vmem_shared>> -> memref<10240x128xf32, #tpu.memory_space<vmem_shared>>
    tpu.wait_indirect_dma semaphore(%arg15 : memref<!tpu.dma_semaphore, #tpu.memory_space<semaphore_mem>>) src(%arg10 : memref<128x128xf32, #tpu.memory_space<vmem>>) dst(%dma_wait3A_424 : memref<10240x128xf32, #tpu.memory_space<vmem_shared>>)
    %dma_wait3A_425 = arith.constant 0 : i32
    %dma_wait3A_426 = arith.constant 0 : i32
    %dma_wait3A_427 = arith.constant 0 : i32
    %dma_wait3A_428 = arith.constant 0 : i32
    %dma_wait3A_429 = tpu.memref_slice %arg8[%dma_wait3A_425, %dma_wait3A_427, %dma_wait3A_428] : memref<2x8x128xi32, #tpu.memory_space<vmem>> -> memref<1x8x128xi32, #tpu.memory_space<vmem>>
    %dma_wait3A_430 = tpu.memref_squeeze %dma_wait3A_429 : memref<1x8x128xi32, #tpu.memory_space<vmem>> -> memref<8x128xi32, #tpu.memory_space<vmem>>
    %dma_wait3A_431 = arith.constant 0 : i32
    %dma_wait3A_432 = tpu.memref_slice %dma_wait3A_430[%dma_wait3A_426, %dma_wait3A_431] : memref<8x128xi32, #tpu.memory_space<vmem>> -> memref<1x128xi32, #tpu.memory_space<vmem>>
    %dma_wait3A_433 = tpu.memref_squeeze %dma_wait3A_432 : memref<1x128xi32, #tpu.memory_space<vmem>> -> memref<128xi32, #tpu.memory_space<vmem>>
    %dma_wait3A_434 = arith.constant 0 : i32
    %dma_wait3A_435 = arith.constant 0 : i32
    %dma_wait3A_436 = tpu.memref_slice %arg12[%dma_wait3A_434, %dma_wait3A_435] : memref<10240x128xf32, #tpu.memory_space<vmem_shared>> -> memref<10240x128xf32, #tpu.memory_space<vmem_shared>>
    tpu.wait_indirect_dma semaphore(%arg15 : memref<!tpu.dma_semaphore, #tpu.memory_space<semaphore_mem>>) src(%arg10 : memref<128x128xf32, #tpu.memory_space<vmem>>) dst(%dma_wait3A_436 : memref<10240x128xf32, #tpu.memory_space<vmem_shared>>)
    %dma_wait3A_437 = arith.constant 0 : i32
    %dma_wait3A_438 = arith.constant 0 : i32
    %dma_wait3A_439 = arith.constant 0 : i32
    %dma_wait3A_440 = arith.constant 0 : i32
    %dma_wait3A_441 = tpu.memref_slice %arg8[%dma_wait3A_437, %dma_wait3A_439, %dma_wait3A_440] : memref<2x8x128xi32, #tpu.memory_space<vmem>> -> memref<1x8x128xi32, #tpu.memory_space<vmem>>
    %dma_wait3A_442 = tpu.memref_squeeze %dma_wait3A_441 : memref<1x8x128xi32, #tpu.memory_space<vmem>> -> memref<8x128xi32, #tpu.memory_space<vmem>>
    %dma_wait3A_443 = arith.constant 0 : i32
    %dma_wait3A_444 = tpu.memref_slice %dma_wait3A_442[%dma_wait3A_438, %dma_wait3A_443] : memref<8x128xi32, #tpu.memory_space<vmem>> -> memref<1x128xi32, #tpu.memory_space<vmem>>
    %dma_wait3A_445 = tpu.memref_squeeze %dma_wait3A_444 : memref<1x128xi32, #tpu.memory_space<vmem>> -> memref<128xi32, #tpu.memory_space<vmem>>
    %dma_wait3A_446 = arith.constant 0 : i32
    %dma_wait3A_447 = arith.constant 0 : i32
    %dma_wait3A_448 = tpu.memref_slice %arg12[%dma_wait3A_446, %dma_wait3A_447] : memref<10240x128xf32, #tpu.memory_space<vmem_shared>> -> memref<10240x128xf32, #tpu.memory_space<vmem_shared>>
    tpu.wait_indirect_dma semaphore(%arg15 : memref<!tpu.dma_semaphore, #tpu.memory_space<semaphore_mem>>) src(%arg10 : memref<128x128xf32, #tpu.memory_space<vmem>>) dst(%dma_wait3A_448 : memref<10240x128xf32, #tpu.memory_space<vmem_shared>>)
    %dma_wait3A_449 = arith.constant 0 : i32
    %dma_wait3A_450 = arith.constant 0 : i32
    %dma_wait3A_451 = arith.constant 0 : i32
    %dma_wait3A_452 = arith.constant 0 : i32
    %dma_wait3A_453 = tpu.memref_slice %arg8[%dma_wait3A_449, %dma_wait3A_451, %dma_wait3A_452] : memref<2x8x128xi32, #tpu.memory_space<vmem>> -> memref<1x8x128xi32, #tpu.memory_space<vmem>>
    %dma_wait3A_454 = tpu.memref_squeeze %dma_wait3A_453 : memref<1x8x128xi32, #tpu.memory_space<vmem>> -> memref<8x128xi32, #tpu.memory_space<vmem>>
    %dma_wait3A_455 = arith.constant 0 : i32
    %dma_wait3A_456 = tpu.memref_slice %dma_wait3A_454[%dma_wait3A_450, %dma_wait3A_455] : memref<8x128xi32, #tpu.memory_space<vmem>> -> memref<1x128xi32, #tpu.memory_space<vmem>>
    %dma_wait3A_457 = tpu.memref_squeeze %dma_wait3A_456 : memref<1x128xi32, #tpu.memory_space<vmem>> -> memref<128xi32, #tpu.memory_space<vmem>>
    %dma_wait3A_458 = arith.constant 0 : i32
    %dma_wait3A_459 = arith.constant 0 : i32
    %dma_wait3A_460 = tpu.memref_slice %arg12[%dma_wait3A_458, %dma_wait3A_459] : memref<10240x128xf32, #tpu.memory_space<vmem_shared>> -> memref<10240x128xf32, #tpu.memory_space<vmem_shared>>
    tpu.wait_indirect_dma semaphore(%arg15 : memref<!tpu.dma_semaphore, #tpu.memory_space<semaphore_mem>>) src(%arg10 : memref<128x128xf32, #tpu.memory_space<vmem>>) dst(%dma_wait3A_460 : memref<10240x128xf32, #tpu.memory_space<vmem_shared>>)
    %dma_wait3A_461 = arith.constant 0 : i32
    %dma_wait3A_462 = arith.constant 0 : i32
    %dma_wait3A_463 = arith.constant 0 : i32
    %dma_wait3A_464 = arith.constant 0 : i32
    %dma_wait3A_465 = tpu.memref_slice %arg8[%dma_wait3A_461, %dma_wait3A_463, %dma_wait3A_464] : memref<2x8x128xi32, #tpu.memory_space<vmem>> -> memref<1x8x128xi32, #tpu.memory_space<vmem>>
    %dma_wait3A_466 = tpu.memref_squeeze %dma_wait3A_465 : memref<1x8x128xi32, #tpu.memory_space<vmem>> -> memref<8x128xi32, #tpu.memory_space<vmem>>
    %dma_wait3A_467 = arith.constant 0 : i32
    %dma_wait3A_468 = tpu.memref_slice %dma_wait3A_466[%dma_wait3A_462, %dma_wait3A_467] : memref<8x128xi32, #tpu.memory_space<vmem>> -> memref<1x128xi32, #tpu.memory_space<vmem>>
    %dma_wait3A_469 = tpu.memref_squeeze %dma_wait3A_468 : memref<1x128xi32, #tpu.memory_space<vmem>> -> memref<128xi32, #tpu.memory_space<vmem>>
    %dma_wait3A_470 = arith.constant 0 : i32
    %dma_wait3A_471 = arith.constant 0 : i32
    %dma_wait3A_472 = tpu.memref_slice %arg12[%dma_wait3A_470, %dma_wait3A_471] : memref<10240x128xf32, #tpu.memory_space<vmem_shared>> -> memref<10240x128xf32, #tpu.memory_space<vmem_shared>>
    tpu.wait_indirect_dma semaphore(%arg15 : memref<!tpu.dma_semaphore, #tpu.memory_space<semaphore_mem>>) src(%arg10 : memref<128x128xf32, #tpu.memory_space<vmem>>) dst(%dma_wait3A_472 : memref<10240x128xf32, #tpu.memory_space<vmem_shared>>)
    %dma_wait3A_473 = arith.constant 0 : i32
    %dma_wait3A_474 = arith.constant 0 : i32
    %dma_wait3A_475 = arith.constant 0 : i32
    %dma_wait3A_476 = arith.constant 0 : i32
    %dma_wait3A_477 = tpu.memref_slice %arg8[%dma_wait3A_473, %dma_wait3A_475, %dma_wait3A_476] : memref<2x8x128xi32, #tpu.memory_space<vmem>> -> memref<1x8x128xi32, #tpu.memory_space<vmem>>
    %dma_wait3A_478 = tpu.memref_squeeze %dma_wait3A_477 : memref<1x8x128xi32, #tpu.memory_space<vmem>> -> memref<8x128xi32, #tpu.memory_space<vmem>>
    %dma_wait3A_479 = arith.constant 0 : i32
    %dma_wait3A_480 = tpu.memref_slice %dma_wait3A_478[%dma_wait3A_474, %dma_wait3A_479] : memref<8x128xi32, #tpu.memory_space<vmem>> -> memref<1x128xi32, #tpu.memory_space<vmem>>
    %dma_wait3A_481 = tpu.memref_squeeze %dma_wait3A_480 : memref<1x128xi32, #tpu.memory_space<vmem>> -> memref<128xi32, #tpu.memory_space<vmem>>
    %dma_wait3A_482 = arith.constant 0 : i32
    %dma_wait3A_483 = arith.constant 0 : i32
    %dma_wait3A_484 = tpu.memref_slice %arg12[%dma_wait3A_482, %dma_wait3A_483] : memref<10240x128xf32, #tpu.memory_space<vmem_shared>> -> memref<10240x128xf32, #tpu.memory_space<vmem_shared>>
    tpu.wait_indirect_dma semaphore(%arg15 : memref<!tpu.dma_semaphore, #tpu.memory_space<semaphore_mem>>) src(%arg10 : memref<128x128xf32, #tpu.memory_space<vmem>>) dst(%dma_wait3A_484 : memref<10240x128xf32, #tpu.memory_space<vmem_shared>>)
    %dma_wait3A_485 = arith.constant 0 : i32
    %dma_wait3A_486 = arith.constant 0 : i32
    %dma_wait3A_487 = arith.constant 0 : i32
    %dma_wait3A_488 = arith.constant 0 : i32
    %dma_wait3A_489 = tpu.memref_slice %arg8[%dma_wait3A_485, %dma_wait3A_487, %dma_wait3A_488] : memref<2x8x128xi32, #tpu.memory_space<vmem>> -> memref<1x8x128xi32, #tpu.memory_space<vmem>>
    %dma_wait3A_490 = tpu.memref_squeeze %dma_wait3A_489 : memref<1x8x128xi32, #tpu.memory_space<vmem>> -> memref<8x128xi32, #tpu.memory_space<vmem>>
    %dma_wait3A_491 = arith.constant 0 : i32
    %dma_wait3A_492 = tpu.memref_slice %dma_wait3A_490[%dma_wait3A_486, %dma_wait3A_491] : memref<8x128xi32, #tpu.memory_space<vmem>> -> memref<1x128xi32, #tpu.memory_space<vmem>>
    %dma_wait3A_493 = tpu.memref_squeeze %dma_wait3A_492 : memref<1x128xi32, #tpu.memory_space<vmem>> -> memref<128xi32, #tpu.memory_space<vmem>>
    %dma_wait3A_494 = arith.constant 0 : i32
    %dma_wait3A_495 = arith.constant 0 : i32
    %dma_wait3A_496 = tpu.memref_slice %arg12[%dma_wait3A_494, %dma_wait3A_495] : memref<10240x128xf32, #tpu.memory_space<vmem_shared>> -> memref<10240x128xf32, #tpu.memory_space<vmem_shared>>
    tpu.wait_indirect_dma semaphore(%arg15 : memref<!tpu.dma_semaphore, #tpu.memory_space<semaphore_mem>>) src(%arg10 : memref<128x128xf32, #tpu.memory_space<vmem>>) dst(%dma_wait3A_496 : memref<10240x128xf32, #tpu.memory_space<vmem_shared>>)
    %dma_wait3A_497 = arith.constant 0 : i32
    %dma_wait3A_498 = arith.constant 0 : i32
    %dma_wait3A_499 = arith.constant 0 : i32
    %dma_wait3A_500 = arith.constant 0 : i32
    %dma_wait3A_501 = tpu.memref_slice %arg8[%dma_wait3A_497, %dma_wait3A_499, %dma_wait3A_500] : memref<2x8x128xi32, #tpu.memory_space<vmem>> -> memref<1x8x128xi32, #tpu.memory_space<vmem>>
    %dma_wait3A_502 = tpu.memref_squeeze %dma_wait3A_501 : memref<1x8x128xi32, #tpu.memory_space<vmem>> -> memref<8x128xi32, #tpu.memory_space<vmem>>
    %dma_wait3A_503 = arith.constant 0 : i32
    %dma_wait3A_504 = tpu.memref_slice %dma_wait3A_502[%dma_wait3A_498, %dma_wait3A_503] : memref<8x128xi32, #tpu.memory_space<vmem>> -> memref<1x128xi32, #tpu.memory_space<vmem>>
    %dma_wait3A_505 = tpu.memref_squeeze %dma_wait3A_504 : memref<1x128xi32, #tpu.memory_space<vmem>> -> memref<128xi32, #tpu.memory_space<vmem>>
    %dma_wait3A_506 = arith.constant 0 : i32
    %dma_wait3A_507 = arith.constant 0 : i32
    %dma_wait3A_508 = tpu.memref_slice %arg12[%dma_wait3A_506, %dma_wait3A_507] : memref<10240x128xf32, #tpu.memory_space<vmem_shared>> -> memref<10240x128xf32, #tpu.memory_space<vmem_shared>>
    tpu.wait_indirect_dma semaphore(%arg15 : memref<!tpu.dma_semaphore, #tpu.memory_space<semaphore_mem>>) src(%arg10 : memref<128x128xf32, #tpu.memory_space<vmem>>) dst(%dma_wait3A_508 : memref<10240x128xf32, #tpu.memory_space<vmem_shared>>)
    %dma_wait3A_509 = arith.constant 0 : i32
    %dma_wait3A_510 = arith.constant 0 : i32
    %dma_wait3A_511 = arith.constant 0 : i32
    %dma_wait3A_512 = arith.constant 0 : i32
    %dma_wait3A_513 = tpu.memref_slice %arg8[%dma_wait3A_509, %dma_wait3A_511, %dma_wait3A_512] : memref<2x8x128xi32, #tpu.memory_space<vmem>> -> memref<1x8x128xi32, #tpu.memory_space<vmem>>
    %dma_wait3A_514 = tpu.memref_squeeze %dma_wait3A_513 : memref<1x8x128xi32, #tpu.memory_space<vmem>> -> memref<8x128xi32, #tpu.memory_space<vmem>>
    %dma_wait3A_515 = arith.constant 0 : i32
    %dma_wait3A_516 = tpu.memref_slice %dma_wait3A_514[%dma_wait3A_510, %dma_wait3A_515] : memref<8x128xi32, #tpu.memory_space<vmem>> -> memref<1x128xi32, #tpu.memory_space<vmem>>
    %dma_wait3A_517 = tpu.memref_squeeze %dma_wait3A_516 : memref<1x128xi32, #tpu.memory_space<vmem>> -> memref<128xi32, #tpu.memory_space<vmem>>
    %dma_wait3A_518 = arith.constant 0 : i32
    %dma_wait3A_519 = arith.constant 0 : i32
    %dma_wait3A_520 = tpu.memref_slice %arg12[%dma_wait3A_518, %dma_wait3A_519] : memref<10240x128xf32, #tpu.memory_space<vmem_shared>> -> memref<10240x128xf32, #tpu.memory_space<vmem_shared>>
    tpu.wait_indirect_dma semaphore(%arg15 : memref<!tpu.dma_semaphore, #tpu.memory_space<semaphore_mem>>) src(%arg10 : memref<128x128xf32, #tpu.memory_space<vmem>>) dst(%dma_wait3A_520 : memref<10240x128xf32, #tpu.memory_space<vmem_shared>>)
    %multiple_of3A_521 = arith.constant 72 : i32
    %multiple_of3A_522 = tpu.assume_multiple %multiple_of3A_521, 8 : i32
    %dma_wait3A_523 = arith.constant 1 : i32
    %dma_wait3A_524 = arith.constant 0 : i32
    %dma_wait3A_525 = arith.constant 0 : i32
    %dma_wait3A_526 = tpu.memref_slice %arg8[%dma_wait3A_523, %dma_wait3A_524, %dma_wait3A_525] : memref<2x8x128xi32, #tpu.memory_space<vmem>> -> memref<1x8x128xi32, #tpu.memory_space<vmem>>
    %dma_wait3A_527 = tpu.memref_squeeze %dma_wait3A_526 : memref<1x8x128xi32, #tpu.memory_space<vmem>> -> memref<8x128xi32, #tpu.memory_space<vmem>>
    %dma_wait3A_528 = arith.constant 0 : i32
    %dma_wait3A_529 = arith.constant 0 : i32
    %dma_wait3A_530 = tpu.memref_slice %arg2[%add3A, %dma_wait3A_528, %dma_wait3A_529] : memref<32x80x128xi32, #tpu.memory_space<hbm>> -> memref<1x80x128xi32, #tpu.memory_space<hbm>>
    %dma_wait3A_531 = tpu.memref_squeeze %dma_wait3A_530 : memref<1x80x128xi32, #tpu.memory_space<hbm>> -> memref<80x128xi32, #tpu.memory_space<hbm>>
    %dma_wait3A_532 = arith.constant 0 : i32
    %dma_wait3A_533 = tpu.memref_slice %dma_wait3A_531[%multiple_of3A_522, %dma_wait3A_532] : memref<80x128xi32, #tpu.memory_space<hbm>> -> memref<8x128xi32, #tpu.memory_space<hbm>>
    %dma_wait3A_534 = arith.constant 0 : i32
    %dma_wait3A_535 = arith.constant 0 : i32
    %dma_wait3A_536 = tpu.memref_slice %arg8[%dma_wait3A_523, %dma_wait3A_534, %dma_wait3A_535] : memref<2x8x128xi32, #tpu.memory_space<vmem>> -> memref<1x8x128xi32, #tpu.memory_space<vmem>>
    %dma_wait3A_537 = tpu.memref_squeeze %dma_wait3A_536 : memref<1x8x128xi32, #tpu.memory_space<vmem>> -> memref<8x128xi32, #tpu.memory_space<vmem>>
    %dma_wait3A_538 = arith.constant 0 : i32
    %dma_wait3A_539 = arith.constant 0 : i32
    %dma_wait3A_540 = tpu.memref_slice %arg2[%add3A, %dma_wait3A_538, %dma_wait3A_539] : memref<32x80x128xi32, #tpu.memory_space<hbm>> -> memref<1x80x128xi32, #tpu.memory_space<hbm>>
    %dma_wait3A_541 = tpu.memref_squeeze %dma_wait3A_540 : memref<1x80x128xi32, #tpu.memory_space<hbm>> -> memref<80x128xi32, #tpu.memory_space<hbm>>
    %dma_wait3A_542 = arith.constant 0 : i32
    %dma_wait3A_543 = tpu.memref_slice %dma_wait3A_541[%multiple_of3A_522, %dma_wait3A_542] : memref<80x128xi32, #tpu.memory_space<hbm>> -> memref<8x128xi32, #tpu.memory_space<hbm>>
    tpu.wait_dma2 semaphore(%arg14 : memref<!tpu.dma_semaphore, #tpu.memory_space<semaphore_mem>>) src(%dma_wait3A_543 : memref<8x128xi32, #tpu.memory_space<hbm>>) dst(%dma_wait3A_537 : memref<8x128xi32, #tpu.memory_space<vmem>>)
    %dma_wait3A_544 = arith.constant 1 : i32
    %dma_wait3A_545 = arith.constant 0 : i32
    %dma_wait3A_546 = arith.constant 0 : i32
    %dma_wait3A_547 = tpu.memref_slice %arg9[%dma_wait3A_544, %dma_wait3A_545, %dma_wait3A_546] : memref<2x8x128xi32, #tpu.memory_space<vmem>> -> memref<1x8x128xi32, #tpu.memory_space<vmem>>
    %dma_wait3A_548 = tpu.memref_squeeze %dma_wait3A_547 : memref<1x8x128xi32, #tpu.memory_space<vmem>> -> memref<8x128xi32, #tpu.memory_space<vmem>>
    %dma_wait3A_549 = arith.constant 0 : i32
    %dma_wait3A_550 = arith.constant 0 : i32
    %dma_wait3A_551 = tpu.memref_slice %arg3[%add3A, %dma_wait3A_549, %dma_wait3A_550] : memref<32x80x128xi32, #tpu.memory_space<hbm>> -> memref<1x80x128xi32, #tpu.memory_space<hbm>>
    %dma_wait3A_552 = tpu.memref_squeeze %dma_wait3A_551 : memref<1x80x128xi32, #tpu.memory_space<hbm>> -> memref<80x128xi32, #tpu.memory_space<hbm>>
    %dma_wait3A_553 = arith.constant 0 : i32
    %dma_wait3A_554 = tpu.memref_slice %dma_wait3A_552[%multiple_of3A_522, %dma_wait3A_553] : memref<80x128xi32, #tpu.memory_space<hbm>> -> memref<8x128xi32, #tpu.memory_space<hbm>>
    %dma_wait3A_555 = arith.constant 0 : i32
    %dma_wait3A_556 = arith.constant 0 : i32
    %dma_wait3A_557 = tpu.memref_slice %arg9[%dma_wait3A_544, %dma_wait3A_555, %dma_wait3A_556] : memref<2x8x128xi32, #tpu.memory_space<vmem>> -> memref<1x8x128xi32, #tpu.memory_space<vmem>>
    %dma_wait3A_558 = tpu.memref_squeeze %dma_wait3A_557 : memref<1x8x128xi32, #tpu.memory_space<vmem>> -> memref<8x128xi32, #tpu.memory_space<vmem>>
    %dma_wait3A_559 = arith.constant 0 : i32
    %dma_wait3A_560 = arith.constant 0 : i32
    %dma_wait3A_561 = tpu.memref_slice %arg3[%add3A, %dma_wait3A_559, %dma_wait3A_560] : memref<32x80x128xi32, #tpu.memory_space<hbm>> -> memref<1x80x128xi32, #tpu.memory_space<hbm>>
    %dma_wait3A_562 = tpu.memref_squeeze %dma_wait3A_561 : memref<1x80x128xi32, #tpu.memory_space<hbm>> -> memref<80x128xi32, #tpu.memory_space<hbm>>
    %dma_wait3A_563 = arith.constant 0 : i32
    %dma_wait3A_564 = tpu.memref_slice %dma_wait3A_562[%multiple_of3A_522, %dma_wait3A_563] : memref<80x128xi32, #tpu.memory_space<hbm>> -> memref<8x128xi32, #tpu.memory_space<hbm>>
    tpu.wait_dma2 semaphore(%arg14 : memref<!tpu.dma_semaphore, #tpu.memory_space<semaphore_mem>>) src(%dma_wait3A_564 : memref<8x128xi32, #tpu.memory_space<hbm>>) dst(%dma_wait3A_558 : memref<8x128xi32, #tpu.memory_space<vmem>>)
    %dma_start3A_565 = arith.constant 1 : i32
    %dma_start3A_566 = arith.constant 0 : i32
    %dma_start3A_567 = arith.constant 0 : i32
    %dma_start3A_568 = arith.constant 0 : i32
    %dma_start3A_569 = tpu.memref_slice %arg8[%dma_start3A_565, %dma_start3A_567, %dma_start3A_568] : memref<2x8x128xi32, #tpu.memory_space<vmem>> -> memref<1x8x128xi32, #tpu.memory_space<vmem>>
    %dma_start3A_570 = tpu.memref_squeeze %dma_start3A_569 : memref<1x8x128xi32, #tpu.memory_space<vmem>> -> memref<8x128xi32, #tpu.memory_space<vmem>>
    %dma_start3A_571 = arith.constant 0 : i32
    %dma_start3A_572 = tpu.memref_slice %dma_start3A_570[%dma_start3A_566, %dma_start3A_571] : memref<8x128xi32, #tpu.memory_space<vmem>> -> memref<1x128xi32, #tpu.memory_space<vmem>>
    %dma_start3A_573 = tpu.memref_squeeze %dma_start3A_572 : memref<1x128xi32, #tpu.memory_space<vmem>> -> memref<128xi32, #tpu.memory_space<vmem>>
    %dma_start3A_574 = arith.constant 0 : i32
    %dma_start3A_575 = arith.constant 0 : i32
    %dma_start3A_576 = tpu.memref_slice %arg12[%dma_start3A_574, %dma_start3A_575] : memref<10240x128xf32, #tpu.memory_space<vmem_shared>> -> memref<10240x128xf32, #tpu.memory_space<vmem_shared>>
    tpu.enqueue_indirect_dma source(%arg10 : memref<128x128xf32, #tpu.memory_space<vmem>>) target(%dma_start3A_576 : memref<10240x128xf32, #tpu.memory_space<vmem_shared>>) offsets(%dma_start3A_573 : memref<128xi32, #tpu.memory_space<vmem>>) semaphore(%arg15 : memref<!tpu.dma_semaphore, #tpu.memory_space<semaphore_mem>>) {add = true}
    %dma_start3A_577 = arith.constant 1 : i32
    %dma_start3A_578 = arith.constant 0 : i32
    %dma_start3A_579 = arith.constant 0 : i32
    %dma_start3A_580 = arith.constant 0 : i32
    %dma_start3A_581 = tpu.memref_slice %arg9[%dma_start3A_577, %dma_start3A_579, %dma_start3A_580] : memref<2x8x128xi32, #tpu.memory_space<vmem>> -> memref<1x8x128xi32, #tpu.memory_space<vmem>>
    %dma_start3A_582 = tpu.memref_squeeze %dma_start3A_581 : memref<1x8x128xi32, #tpu.memory_space<vmem>> -> memref<8x128xi32, #tpu.memory_space<vmem>>
    %dma_start3A_583 = arith.constant 0 : i32
    %dma_start3A_584 = tpu.memref_slice %dma_start3A_582[%dma_start3A_578, %dma_start3A_583] : memref<8x128xi32, #tpu.memory_space<vmem>> -> memref<1x128xi32, #tpu.memory_space<vmem>>
    %dma_start3A_585 = tpu.memref_squeeze %dma_start3A_584 : memref<1x128xi32, #tpu.memory_space<vmem>> -> memref<128xi32, #tpu.memory_space<vmem>>
    %dma_start3A_586 = arith.constant 0 : i32
    %dma_start3A_587 = arith.constant 0 : i32
    %dma_start3A_588 = tpu.memref_slice %arg12[%dma_start3A_586, %dma_start3A_587] : memref<10240x128xf32, #tpu.memory_space<vmem_shared>> -> memref<10240x128xf32, #tpu.memory_space<vmem_shared>>
    tpu.enqueue_indirect_dma source(%arg11 : memref<128x128xf32, #tpu.memory_space<vmem>>) target(%dma_start3A_588 : memref<10240x128xf32, #tpu.memory_space<vmem_shared>>) offsets(%dma_start3A_585 : memref<128xi32, #tpu.memory_space<vmem>>) semaphore(%arg15 : memref<!tpu.dma_semaphore, #tpu.memory_space<semaphore_mem>>) {add = true}
    %dma_start3A_589 = arith.constant 1 : i32
    %dma_start3A_590 = arith.constant 1 : i32
    %dma_start3A_591 = arith.constant 0 : i32
    %dma_start3A_592 = arith.constant 0 : i32
    %dma_start3A_593 = tpu.memref_slice %arg8[%dma_start3A_589, %dma_start3A_591, %dma_start3A_592] : memref<2x8x128xi32, #tpu.memory_space<vmem>> -> memref<1x8x128xi32, #tpu.memory_space<vmem>>
    %dma_start3A_594 = tpu.memref_squeeze %dma_start3A_593 : memref<1x8x128xi32, #tpu.memory_space<vmem>> -> memref<8x128xi32, #tpu.memory_space<vmem>>
    %dma_start3A_595 = arith.constant 0 : i32
    %dma_start3A_596 = tpu.memref_slice %dma_start3A_594[%dma_start3A_590, %dma_start3A_595] : memref<8x128xi32, #tpu.memory_space<vmem>> -> memref<1x128xi32, #tpu.memory_space<vmem>>
    %dma_start3A_597 = tpu.memref_squeeze %dma_start3A_596 : memref<1x128xi32, #tpu.memory_space<vmem>> -> memref<128xi32, #tpu.memory_space<vmem>>
    %dma_start3A_598 = arith.constant 0 : i32
    %dma_start3A_599 = arith.constant 0 : i32
    %dma_start3A_600 = tpu.memref_slice %arg12[%dma_start3A_598, %dma_start3A_599] : memref<10240x128xf32, #tpu.memory_space<vmem_shared>> -> memref<10240x128xf32, #tpu.memory_space<vmem_shared>>
    tpu.enqueue_indirect_dma source(%arg10 : memref<128x128xf32, #tpu.memory_space<vmem>>) target(%dma_start3A_600 : memref<10240x128xf32, #tpu.memory_space<vmem_shared>>) offsets(%dma_start3A_597 : memref<128xi32, #tpu.memory_space<vmem>>) semaphore(%arg15 : memref<!tpu.dma_semaphore, #tpu.memory_space<semaphore_mem>>) {add = true}
    %dma_start3A_601 = arith.constant 1 : i32
    %dma_start3A_602 = arith.constant 1 : i32
    %dma_start3A_603 = arith.constant 0 : i32
    %dma_start3A_604 = arith.constant 0 : i32
    %dma_start3A_605 = tpu.memref_slice %arg9[%dma_start3A_601, %dma_start3A_603, %dma_start3A_604] : memref<2x8x128xi32, #tpu.memory_space<vmem>> -> memref<1x8x128xi32, #tpu.memory_space<vmem>>
    %dma_start3A_606 = tpu.memref_squeeze %dma_start3A_605 : memref<1x8x128xi32, #tpu.memory_space<vmem>> -> memref<8x128xi32, #tpu.memory_space<vmem>>
    %dma_start3A_607 = arith.constant 0 : i32
    %dma_start3A_608 = tpu.memref_slice %dma_start3A_606[%dma_start3A_602, %dma_start3A_607] : memref<8x128xi32, #tpu.memory_space<vmem>> -> memref<1x128xi32, #tpu.memory_space<vmem>>
    %dma_start3A_609 = tpu.memref_squeeze %dma_start3A_608 : memref<1x128xi32, #tpu.memory_space<vmem>> -> memref<128xi32, #tpu.memory_space<vmem>>
    %dma_start3A_610 = arith.constant 0 : i32
    %dma_start3A_611 = arith.constant 0 : i32
    %dma_start3A_612 = tpu.memref_slice %arg12[%dma_start3A_610, %dma_start3A_611] : memref<10240x128xf32, #tpu.memory_space<vmem_shared>> -> memref<10240x128xf32, #tpu.memory_space<vmem_shared>>
    tpu.enqueue_indirect_dma source(%arg11 : memref<128x128xf32, #tpu.memory_space<vmem>>) target(%dma_start3A_612 : memref<10240x128xf32, #tpu.memory_space<vmem_shared>>) offsets(%dma_start3A_609 : memref<128xi32, #tpu.memory_space<vmem>>) semaphore(%arg15 : memref<!tpu.dma_semaphore, #tpu.memory_space<semaphore_mem>>) {add = true}
    %dma_start3A_613 = arith.constant 1 : i32
    %dma_start3A_614 = arith.constant 2 : i32
    %dma_start3A_615 = arith.constant 0 : i32
    %dma_start3A_616 = arith.constant 0 : i32
    %dma_start3A_617 = tpu.memref_slice %arg8[%dma_start3A_613, %dma_start3A_615, %dma_start3A_616] : memref<2x8x128xi32, #tpu.memory_space<vmem>> -> memref<1x8x128xi32, #tpu.memory_space<vmem>>
    %dma_start3A_618 = tpu.memref_squeeze %dma_start3A_617 : memref<1x8x128xi32, #tpu.memory_space<vmem>> -> memref<8x128xi32, #tpu.memory_space<vmem>>
    %dma_start3A_619 = arith.constant 0 : i32
    %dma_start3A_620 = tpu.memref_slice %dma_start3A_618[%dma_start3A_614, %dma_start3A_619] : memref<8x128xi32, #tpu.memory_space<vmem>> -> memref<1x128xi32, #tpu.memory_space<vmem>>
    %dma_start3A_621 = tpu.memref_squeeze %dma_start3A_620 : memref<1x128xi32, #tpu.memory_space<vmem>> -> memref<128xi32, #tpu.memory_space<vmem>>
    %dma_start3A_622 = arith.constant 0 : i32
    %dma_start3A_623 = arith.constant 0 : i32
    %dma_start3A_624 = tpu.memref_slice %arg12[%dma_start3A_622, %dma_start3A_623] : memref<10240x128xf32, #tpu.memory_space<vmem_shared>> -> memref<10240x128xf32, #tpu.memory_space<vmem_shared>>
    tpu.enqueue_indirect_dma source(%arg10 : memref<128x128xf32, #tpu.memory_space<vmem>>) target(%dma_start3A_624 : memref<10240x128xf32, #tpu.memory_space<vmem_shared>>) offsets(%dma_start3A_621 : memref<128xi32, #tpu.memory_space<vmem>>) semaphore(%arg15 : memref<!tpu.dma_semaphore, #tpu.memory_space<semaphore_mem>>) {add = true}
    %dma_start3A_625 = arith.constant 1 : i32
    %dma_start3A_626 = arith.constant 2 : i32
    %dma_start3A_627 = arith.constant 0 : i32
    %dma_start3A_628 = arith.constant 0 : i32
    %dma_start3A_629 = tpu.memref_slice %arg9[%dma_start3A_625, %dma_start3A_627, %dma_start3A_628] : memref<2x8x128xi32, #tpu.memory_space<vmem>> -> memref<1x8x128xi32, #tpu.memory_space<vmem>>
    %dma_start3A_630 = tpu.memref_squeeze %dma_start3A_629 : memref<1x8x128xi32, #tpu.memory_space<vmem>> -> memref<8x128xi32, #tpu.memory_space<vmem>>
    %dma_start3A_631 = arith.constant 0 : i32
    %dma_start3A_632 = tpu.memref_slice %dma_start3A_630[%dma_start3A_626, %dma_start3A_631] : memref<8x128xi32, #tpu.memory_space<vmem>> -> memref<1x128xi32, #tpu.memory_space<vmem>>
    %dma_start3A_633 = tpu.memref_squeeze %dma_start3A_632 : memref<1x128xi32, #tpu.memory_space<vmem>> -> memref<128xi32, #tpu.memory_space<vmem>>
    %dma_start3A_634 = arith.constant 0 : i32
    %dma_start3A_635 = arith.constant 0 : i32
    %dma_start3A_636 = tpu.memref_slice %arg12[%dma_start3A_634, %dma_start3A_635] : memref<10240x128xf32, #tpu.memory_space<vmem_shared>> -> memref<10240x128xf32, #tpu.memory_space<vmem_shared>>
    tpu.enqueue_indirect_dma source(%arg11 : memref<128x128xf32, #tpu.memory_space<vmem>>) target(%dma_start3A_636 : memref<10240x128xf32, #tpu.memory_space<vmem_shared>>) offsets(%dma_start3A_633 : memref<128xi32, #tpu.memory_space<vmem>>) semaphore(%arg15 : memref<!tpu.dma_semaphore, #tpu.memory_space<semaphore_mem>>) {add = true}
    %dma_start3A_637 = arith.constant 1 : i32
    %dma_start3A_638 = arith.constant 3 : i32
    %dma_start3A_639 = arith.constant 0 : i32
    %dma_start3A_640 = arith.constant 0 : i32
    %dma_start3A_641 = tpu.memref_slice %arg8[%dma_start3A_637, %dma_start3A_639, %dma_start3A_640] : memref<2x8x128xi32, #tpu.memory_space<vmem>> -> memref<1x8x128xi32, #tpu.memory_space<vmem>>
    %dma_start3A_642 = tpu.memref_squeeze %dma_start3A_641 : memref<1x8x128xi32, #tpu.memory_space<vmem>> -> memref<8x128xi32, #tpu.memory_space<vmem>>
    %dma_start3A_643 = arith.constant 0 : i32
    %dma_start3A_644 = tpu.memref_slice %dma_start3A_642[%dma_start3A_638, %dma_start3A_643] : memref<8x128xi32, #tpu.memory_space<vmem>> -> memref<1x128xi32, #tpu.memory_space<vmem>>
    %dma_start3A_645 = tpu.memref_squeeze %dma_start3A_644 : memref<1x128xi32, #tpu.memory_space<vmem>> -> memref<128xi32, #tpu.memory_space<vmem>>
    %dma_start3A_646 = arith.constant 0 : i32
    %dma_start3A_647 = arith.constant 0 : i32
    %dma_start3A_648 = tpu.memref_slice %arg12[%dma_start3A_646, %dma_start3A_647] : memref<10240x128xf32, #tpu.memory_space<vmem_shared>> -> memref<10240x128xf32, #tpu.memory_space<vmem_shared>>
    tpu.enqueue_indirect_dma source(%arg10 : memref<128x128xf32, #tpu.memory_space<vmem>>) target(%dma_start3A_648 : memref<10240x128xf32, #tpu.memory_space<vmem_shared>>) offsets(%dma_start3A_645 : memref<128xi32, #tpu.memory_space<vmem>>) semaphore(%arg15 : memref<!tpu.dma_semaphore, #tpu.memory_space<semaphore_mem>>) {add = true}
    %dma_start3A_649 = arith.constant 1 : i32
    %dma_start3A_650 = arith.constant 3 : i32
    %dma_start3A_651 = arith.constant 0 : i32
    %dma_start3A_652 = arith.constant 0 : i32
    %dma_start3A_653 = tpu.memref_slice %arg9[%dma_start3A_649, %dma_start3A_651, %dma_start3A_652] : memref<2x8x128xi32, #tpu.memory_space<vmem>> -> memref<1x8x128xi32, #tpu.memory_space<vmem>>
    %dma_start3A_654 = tpu.memref_squeeze %dma_start3A_653 : memref<1x8x128xi32, #tpu.memory_space<vmem>> -> memref<8x128xi32, #tpu.memory_space<vmem>>
    %dma_start3A_655 = arith.constant 0 : i32
    %dma_start3A_656 = tpu.memref_slice %dma_start3A_654[%dma_start3A_650, %dma_start3A_655] : memref<8x128xi32, #tpu.memory_space<vmem>> -> memref<1x128xi32, #tpu.memory_space<vmem>>
    %dma_start3A_657 = tpu.memref_squeeze %dma_start3A_656 : memref<1x128xi32, #tpu.memory_space<vmem>> -> memref<128xi32, #tpu.memory_space<vmem>>
    %dma_start3A_658 = arith.constant 0 : i32
    %dma_start3A_659 = arith.constant 0 : i32
    %dma_start3A_660 = tpu.memref_slice %arg12[%dma_start3A_658, %dma_start3A_659] : memref<10240x128xf32, #tpu.memory_space<vmem_shared>> -> memref<10240x128xf32, #tpu.memory_space<vmem_shared>>
    tpu.enqueue_indirect_dma source(%arg11 : memref<128x128xf32, #tpu.memory_space<vmem>>) target(%dma_start3A_660 : memref<10240x128xf32, #tpu.memory_space<vmem_shared>>) offsets(%dma_start3A_657 : memref<128xi32, #tpu.memory_space<vmem>>) semaphore(%arg15 : memref<!tpu.dma_semaphore, #tpu.memory_space<semaphore_mem>>) {add = true}
    %dma_start3A_661 = arith.constant 1 : i32
    %dma_start3A_662 = arith.constant 4 : i32
    %dma_start3A_663 = arith.constant 0 : i32
    %dma_start3A_664 = arith.constant 0 : i32
    %dma_start3A_665 = tpu.memref_slice %arg8[%dma_start3A_661, %dma_start3A_663, %dma_start3A_664] : memref<2x8x128xi32, #tpu.memory_space<vmem>> -> memref<1x8x128xi32, #tpu.memory_space<vmem>>
    %dma_start3A_666 = tpu.memref_squeeze %dma_start3A_665 : memref<1x8x128xi32, #tpu.memory_space<vmem>> -> memref<8x128xi32, #tpu.memory_space<vmem>>
    %dma_start3A_667 = arith.constant 0 : i32
    %dma_start3A_668 = tpu.memref_slice %dma_start3A_666[%dma_start3A_662, %dma_start3A_667] : memref<8x128xi32, #tpu.memory_space<vmem>> -> memref<1x128xi32, #tpu.memory_space<vmem>>
    %dma_start3A_669 = tpu.memref_squeeze %dma_start3A_668 : memref<1x128xi32, #tpu.memory_space<vmem>> -> memref<128xi32, #tpu.memory_space<vmem>>
    %dma_start3A_670 = arith.constant 0 : i32
    %dma_start3A_671 = arith.constant 0 : i32
    %dma_start3A_672 = tpu.memref_slice %arg12[%dma_start3A_670, %dma_start3A_671] : memref<10240x128xf32, #tpu.memory_space<vmem_shared>> -> memref<10240x128xf32, #tpu.memory_space<vmem_shared>>
    tpu.enqueue_indirect_dma source(%arg10 : memref<128x128xf32, #tpu.memory_space<vmem>>) target(%dma_start3A_672 : memref<10240x128xf32, #tpu.memory_space<vmem_shared>>) offsets(%dma_start3A_669 : memref<128xi32, #tpu.memory_space<vmem>>) semaphore(%arg15 : memref<!tpu.dma_semaphore, #tpu.memory_space<semaphore_mem>>) {add = true}
    %dma_start3A_673 = arith.constant 1 : i32
    %dma_start3A_674 = arith.constant 4 : i32
    %dma_start3A_675 = arith.constant 0 : i32
    %dma_start3A_676 = arith.constant 0 : i32
    %dma_start3A_677 = tpu.memref_slice %arg9[%dma_start3A_673, %dma_start3A_675, %dma_start3A_676] : memref<2x8x128xi32, #tpu.memory_space<vmem>> -> memref<1x8x128xi32, #tpu.memory_space<vmem>>
    %dma_start3A_678 = tpu.memref_squeeze %dma_start3A_677 : memref<1x8x128xi32, #tpu.memory_space<vmem>> -> memref<8x128xi32, #tpu.memory_space<vmem>>
    %dma_start3A_679 = arith.constant 0 : i32
    %dma_start3A_680 = tpu.memref_slice %dma_start3A_678[%dma_start3A_674, %dma_start3A_679] : memref<8x128xi32, #tpu.memory_space<vmem>> -> memref<1x128xi32, #tpu.memory_space<vmem>>
    %dma_start3A_681 = tpu.memref_squeeze %dma_start3A_680 : memref<1x128xi32, #tpu.memory_space<vmem>> -> memref<128xi32, #tpu.memory_space<vmem>>
    %dma_start3A_682 = arith.constant 0 : i32
    %dma_start3A_683 = arith.constant 0 : i32
    %dma_start3A_684 = tpu.memref_slice %arg12[%dma_start3A_682, %dma_start3A_683] : memref<10240x128xf32, #tpu.memory_space<vmem_shared>> -> memref<10240x128xf32, #tpu.memory_space<vmem_shared>>
    tpu.enqueue_indirect_dma source(%arg11 : memref<128x128xf32, #tpu.memory_space<vmem>>) target(%dma_start3A_684 : memref<10240x128xf32, #tpu.memory_space<vmem_shared>>) offsets(%dma_start3A_681 : memref<128xi32, #tpu.memory_space<vmem>>) semaphore(%arg15 : memref<!tpu.dma_semaphore, #tpu.memory_space<semaphore_mem>>) {add = true}
    %dma_start3A_685 = arith.constant 1 : i32
    %dma_start3A_686 = arith.constant 5 : i32
    %dma_start3A_687 = arith.constant 0 : i32
    %dma_start3A_688 = arith.constant 0 : i32
    %dma_start3A_689 = tpu.memref_slice %arg8[%dma_start3A_685, %dma_start3A_687, %dma_start3A_688] : memref<2x8x128xi32, #tpu.memory_space<vmem>> -> memref<1x8x128xi32, #tpu.memory_space<vmem>>
    %dma_start3A_690 = tpu.memref_squeeze %dma_start3A_689 : memref<1x8x128xi32, #tpu.memory_space<vmem>> -> memref<8x128xi32, #tpu.memory_space<vmem>>
    %dma_start3A_691 = arith.constant 0 : i32
    %dma_start3A_692 = tpu.memref_slice %dma_start3A_690[%dma_start3A_686, %dma_start3A_691] : memref<8x128xi32, #tpu.memory_space<vmem>> -> memref<1x128xi32, #tpu.memory_space<vmem>>
    %dma_start3A_693 = tpu.memref_squeeze %dma_start3A_692 : memref<1x128xi32, #tpu.memory_space<vmem>> -> memref<128xi32, #tpu.memory_space<vmem>>
    %dma_start3A_694 = arith.constant 0 : i32
    %dma_start3A_695 = arith.constant 0 : i32
    %dma_start3A_696 = tpu.memref_slice %arg12[%dma_start3A_694, %dma_start3A_695] : memref<10240x128xf32, #tpu.memory_space<vmem_shared>> -> memref<10240x128xf32, #tpu.memory_space<vmem_shared>>
    tpu.enqueue_indirect_dma source(%arg10 : memref<128x128xf32, #tpu.memory_space<vmem>>) target(%dma_start3A_696 : memref<10240x128xf32, #tpu.memory_space<vmem_shared>>) offsets(%dma_start3A_693 : memref<128xi32, #tpu.memory_space<vmem>>) semaphore(%arg15 : memref<!tpu.dma_semaphore, #tpu.memory_space<semaphore_mem>>) {add = true}
    %dma_start3A_697 = arith.constant 1 : i32
    %dma_start3A_698 = arith.constant 5 : i32
    %dma_start3A_699 = arith.constant 0 : i32
    %dma_start3A_700 = arith.constant 0 : i32
    %dma_start3A_701 = tpu.memref_slice %arg9[%dma_start3A_697, %dma_start3A_699, %dma_start3A_700] : memref<2x8x128xi32, #tpu.memory_space<vmem>> -> memref<1x8x128xi32, #tpu.memory_space<vmem>>
    %dma_start3A_702 = tpu.memref_squeeze %dma_start3A_701 : memref<1x8x128xi32, #tpu.memory_space<vmem>> -> memref<8x128xi32, #tpu.memory_space<vmem>>
    %dma_start3A_703 = arith.constant 0 : i32
    %dma_start3A_704 = tpu.memref_slice %dma_start3A_702[%dma_start3A_698, %dma_start3A_703] : memref<8x128xi32, #tpu.memory_space<vmem>> -> memref<1x128xi32, #tpu.memory_space<vmem>>
    %dma_start3A_705 = tpu.memref_squeeze %dma_start3A_704 : memref<1x128xi32, #tpu.memory_space<vmem>> -> memref<128xi32, #tpu.memory_space<vmem>>
    %dma_start3A_706 = arith.constant 0 : i32
    %dma_start3A_707 = arith.constant 0 : i32
    %dma_start3A_708 = tpu.memref_slice %arg12[%dma_start3A_706, %dma_start3A_707] : memref<10240x128xf32, #tpu.memory_space<vmem_shared>> -> memref<10240x128xf32, #tpu.memory_space<vmem_shared>>
    tpu.enqueue_indirect_dma source(%arg11 : memref<128x128xf32, #tpu.memory_space<vmem>>) target(%dma_start3A_708 : memref<10240x128xf32, #tpu.memory_space<vmem_shared>>) offsets(%dma_start3A_705 : memref<128xi32, #tpu.memory_space<vmem>>) semaphore(%arg15 : memref<!tpu.dma_semaphore, #tpu.memory_space<semaphore_mem>>) {add = true}
    %dma_start3A_709 = arith.constant 1 : i32
    %dma_start3A_710 = arith.constant 6 : i32
    %dma_start3A_711 = arith.constant 0 : i32
    %dma_start3A_712 = arith.constant 0 : i32
    %dma_start3A_713 = tpu.memref_slice %arg8[%dma_start3A_709, %dma_start3A_711, %dma_start3A_712] : memref<2x8x128xi32, #tpu.memory_space<vmem>> -> memref<1x8x128xi32, #tpu.memory_space<vmem>>
    %dma_start3A_714 = tpu.memref_squeeze %dma_start3A_713 : memref<1x8x128xi32, #tpu.memory_space<vmem>> -> memref<8x128xi32, #tpu.memory_space<vmem>>
    %dma_start3A_715 = arith.constant 0 : i32
    %dma_start3A_716 = tpu.memref_slice %dma_start3A_714[%dma_start3A_710, %dma_start3A_715] : memref<8x128xi32, #tpu.memory_space<vmem>> -> memref<1x128xi32, #tpu.memory_space<vmem>>
    %dma_start3A_717 = tpu.memref_squeeze %dma_start3A_716 : memref<1x128xi32, #tpu.memory_space<vmem>> -> memref<128xi32, #tpu.memory_space<vmem>>
    %dma_start3A_718 = arith.constant 0 : i32
    %dma_start3A_719 = arith.constant 0 : i32
    %dma_start3A_720 = tpu.memref_slice %arg12[%dma_start3A_718, %dma_start3A_719] : memref<10240x128xf32, #tpu.memory_space<vmem_shared>> -> memref<10240x128xf32, #tpu.memory_space<vmem_shared>>
    tpu.enqueue_indirect_dma source(%arg10 : memref<128x128xf32, #tpu.memory_space<vmem>>) target(%dma_start3A_720 : memref<10240x128xf32, #tpu.memory_space<vmem_shared>>) offsets(%dma_start3A_717 : memref<128xi32, #tpu.memory_space<vmem>>) semaphore(%arg15 : memref<!tpu.dma_semaphore, #tpu.memory_space<semaphore_mem>>) {add = true}
    %dma_start3A_721 = arith.constant 1 : i32
    %dma_start3A_722 = arith.constant 6 : i32
    %dma_start3A_723 = arith.constant 0 : i32
    %dma_start3A_724 = arith.constant 0 : i32
    %dma_start3A_725 = tpu.memref_slice %arg9[%dma_start3A_721, %dma_start3A_723, %dma_start3A_724] : memref<2x8x128xi32, #tpu.memory_space<vmem>> -> memref<1x8x128xi32, #tpu.memory_space<vmem>>
    %dma_start3A_726 = tpu.memref_squeeze %dma_start3A_725 : memref<1x8x128xi32, #tpu.memory_space<vmem>> -> memref<8x128xi32, #tpu.memory_space<vmem>>
    %dma_start3A_727 = arith.constant 0 : i32
    %dma_start3A_728 = tpu.memref_slice %dma_start3A_726[%dma_start3A_722, %dma_start3A_727] : memref<8x128xi32, #tpu.memory_space<vmem>> -> memref<1x128xi32, #tpu.memory_space<vmem>>
    %dma_start3A_729 = tpu.memref_squeeze %dma_start3A_728 : memref<1x128xi32, #tpu.memory_space<vmem>> -> memref<128xi32, #tpu.memory_space<vmem>>
    %dma_start3A_730 = arith.constant 0 : i32
    %dma_start3A_731 = arith.constant 0 : i32
    %dma_start3A_732 = tpu.memref_slice %arg12[%dma_start3A_730, %dma_start3A_731] : memref<10240x128xf32, #tpu.memory_space<vmem_shared>> -> memref<10240x128xf32, #tpu.memory_space<vmem_shared>>
    tpu.enqueue_indirect_dma source(%arg11 : memref<128x128xf32, #tpu.memory_space<vmem>>) target(%dma_start3A_732 : memref<10240x128xf32, #tpu.memory_space<vmem_shared>>) offsets(%dma_start3A_729 : memref<128xi32, #tpu.memory_space<vmem>>) semaphore(%arg15 : memref<!tpu.dma_semaphore, #tpu.memory_space<semaphore_mem>>) {add = true}
    %dma_start3A_733 = arith.constant 1 : i32
    %dma_start3A_734 = arith.constant 7 : i32
    %dma_start3A_735 = arith.constant 0 : i32
    %dma_start3A_736 = arith.constant 0 : i32
    %dma_start3A_737 = tpu.memref_slice %arg8[%dma_start3A_733, %dma_start3A_735, %dma_start3A_736] : memref<2x8x128xi32, #tpu.memory_space<vmem>> -> memref<1x8x128xi32, #tpu.memory_space<vmem>>
    %dma_start3A_738 = tpu.memref_squeeze %dma_start3A_737 : memref<1x8x128xi32, #tpu.memory_space<vmem>> -> memref<8x128xi32, #tpu.memory_space<vmem>>
    %dma_start3A_739 = arith.constant 0 : i32
    %dma_start3A_740 = tpu.memref_slice %dma_start3A_738[%dma_start3A_734, %dma_start3A_739] : memref<8x128xi32, #tpu.memory_space<vmem>> -> memref<1x128xi32, #tpu.memory_space<vmem>>
    %dma_start3A_741 = tpu.memref_squeeze %dma_start3A_740 : memref<1x128xi32, #tpu.memory_space<vmem>> -> memref<128xi32, #tpu.memory_space<vmem>>
    %dma_start3A_742 = arith.constant 0 : i32
    %dma_start3A_743 = arith.constant 0 : i32
    %dma_start3A_744 = tpu.memref_slice %arg12[%dma_start3A_742, %dma_start3A_743] : memref<10240x128xf32, #tpu.memory_space<vmem_shared>> -> memref<10240x128xf32, #tpu.memory_space<vmem_shared>>
    tpu.enqueue_indirect_dma source(%arg10 : memref<128x128xf32, #tpu.memory_space<vmem>>) target(%dma_start3A_744 : memref<10240x128xf32, #tpu.memory_space<vmem_shared>>) offsets(%dma_start3A_741 : memref<128xi32, #tpu.memory_space<vmem>>) semaphore(%arg15 : memref<!tpu.dma_semaphore, #tpu.memory_space<semaphore_mem>>) {add = true}
    %dma_start3A_745 = arith.constant 1 : i32
    %dma_start3A_746 = arith.constant 7 : i32
    %dma_start3A_747 = arith.constant 0 : i32
    %dma_start3A_748 = arith.constant 0 : i32
    %dma_start3A_749 = tpu.memref_slice %arg9[%dma_start3A_745, %dma_start3A_747, %dma_start3A_748] : memref<2x8x128xi32, #tpu.memory_space<vmem>> -> memref<1x8x128xi32, #tpu.memory_space<vmem>>
    %dma_start3A_750 = tpu.memref_squeeze %dma_start3A_749 : memref<1x8x128xi32, #tpu.memory_space<vmem>> -> memref<8x128xi32, #tpu.memory_space<vmem>>
    %dma_start3A_751 = arith.constant 0 : i32
    %dma_start3A_752 = tpu.memref_slice %dma_start3A_750[%dma_start3A_746, %dma_start3A_751] : memref<8x128xi32, #tpu.memory_space<vmem>> -> memref<1x128xi32, #tpu.memory_space<vmem>>
    %dma_start3A_753 = tpu.memref_squeeze %dma_start3A_752 : memref<1x128xi32, #tpu.memory_space<vmem>> -> memref<128xi32, #tpu.memory_space<vmem>>
    %dma_start3A_754 = arith.constant 0 : i32
    %dma_start3A_755 = arith.constant 0 : i32
    %dma_start3A_756 = tpu.memref_slice %arg12[%dma_start3A_754, %dma_start3A_755] : memref<10240x128xf32, #tpu.memory_space<vmem_shared>> -> memref<10240x128xf32, #tpu.memory_space<vmem_shared>>
    tpu.enqueue_indirect_dma source(%arg11 : memref<128x128xf32, #tpu.memory_space<vmem>>) target(%dma_start3A_756 : memref<10240x128xf32, #tpu.memory_space<vmem_shared>>) offsets(%dma_start3A_753 : memref<128xi32, #tpu.memory_space<vmem>>) semaphore(%arg15 : memref<!tpu.dma_semaphore, #tpu.memory_space<semaphore_mem>>) {add = true}
    %dma_wait3A_757 = arith.constant 1 : i32
    %dma_wait3A_758 = arith.constant 0 : i32
    %dma_wait3A_759 = arith.constant 0 : i32
    %dma_wait3A_760 = arith.constant 0 : i32
    %dma_wait3A_761 = tpu.memref_slice %arg8[%dma_wait3A_757, %dma_wait3A_759, %dma_wait3A_760] : memref<2x8x128xi32, #tpu.memory_space<vmem>> -> memref<1x8x128xi32, #tpu.memory_space<vmem>>
    %dma_wait3A_762 = tpu.memref_squeeze %dma_wait3A_761 : memref<1x8x128xi32, #tpu.memory_space<vmem>> -> memref<8x128xi32, #tpu.memory_space<vmem>>
    %dma_wait3A_763 = arith.constant 0 : i32
    %dma_wait3A_764 = tpu.memref_slice %dma_wait3A_762[%dma_wait3A_758, %dma_wait3A_763] : memref<8x128xi32, #tpu.memory_space<vmem>> -> memref<1x128xi32, #tpu.memory_space<vmem>>
    %dma_wait3A_765 = tpu.memref_squeeze %dma_wait3A_764 : memref<1x128xi32, #tpu.memory_space<vmem>> -> memref<128xi32, #tpu.memory_space<vmem>>
    %dma_wait3A_766 = arith.constant 0 : i32
    %dma_wait3A_767 = arith.constant 0 : i32
    %dma_wait3A_768 = tpu.memref_slice %arg12[%dma_wait3A_766, %dma_wait3A_767] : memref<10240x128xf32, #tpu.memory_space<vmem_shared>> -> memref<10240x128xf32, #tpu.memory_space<vmem_shared>>
    tpu.wait_indirect_dma semaphore(%arg15 : memref<!tpu.dma_semaphore, #tpu.memory_space<semaphore_mem>>) src(%arg10 : memref<128x128xf32, #tpu.memory_space<vmem>>) dst(%dma_wait3A_768 : memref<10240x128xf32, #tpu.memory_space<vmem_shared>>)
    %dma_wait3A_769 = arith.constant 1 : i32
    %dma_wait3A_770 = arith.constant 0 : i32
    %dma_wait3A_771 = arith.constant 0 : i32
    %dma_wait3A_772 = arith.constant 0 : i32
    %dma_wait3A_773 = tpu.memref_slice %arg8[%dma_wait3A_769, %dma_wait3A_771, %dma_wait3A_772] : memref<2x8x128xi32, #tpu.memory_space<vmem>> -> memref<1x8x128xi32, #tpu.memory_space<vmem>>
    %dma_wait3A_774 = tpu.memref_squeeze %dma_wait3A_773 : memref<1x8x128xi32, #tpu.memory_space<vmem>> -> memref<8x128xi32, #tpu.memory_space<vmem>>
    %dma_wait3A_775 = arith.constant 0 : i32
    %dma_wait3A_776 = tpu.memref_slice %dma_wait3A_774[%dma_wait3A_770, %dma_wait3A_775] : memref<8x128xi32, #tpu.memory_space<vmem>> -> memref<1x128xi32, #tpu.memory_space<vmem>>
    %dma_wait3A_777 = tpu.memref_squeeze %dma_wait3A_776 : memref<1x128xi32, #tpu.memory_space<vmem>> -> memref<128xi32, #tpu.memory_space<vmem>>
    %dma_wait3A_778 = arith.constant 0 : i32
    %dma_wait3A_779 = arith.constant 0 : i32
    %dma_wait3A_780 = tpu.memref_slice %arg12[%dma_wait3A_778, %dma_wait3A_779] : memref<10240x128xf32, #tpu.memory_space<vmem_shared>> -> memref<10240x128xf32, #tpu.memory_space<vmem_shared>>
    tpu.wait_indirect_dma semaphore(%arg15 : memref<!tpu.dma_semaphore, #tpu.memory_space<semaphore_mem>>) src(%arg10 : memref<128x128xf32, #tpu.memory_space<vmem>>) dst(%dma_wait3A_780 : memref<10240x128xf32, #tpu.memory_space<vmem_shared>>)
    %dma_wait3A_781 = arith.constant 1 : i32
    %dma_wait3A_782 = arith.constant 0 : i32
    %dma_wait3A_783 = arith.constant 0 : i32
    %dma_wait3A_784 = arith.constant 0 : i32
    %dma_wait3A_785 = tpu.memref_slice %arg8[%dma_wait3A_781, %dma_wait3A_783, %dma_wait3A_784] : memref<2x8x128xi32, #tpu.memory_space<vmem>> -> memref<1x8x128xi32, #tpu.memory_space<vmem>>
    %dma_wait3A_786 = tpu.memref_squeeze %dma_wait3A_785 : memref<1x8x128xi32, #tpu.memory_space<vmem>> -> memref<8x128xi32, #tpu.memory_space<vmem>>
    %dma_wait3A_787 = arith.constant 0 : i32
    %dma_wait3A_788 = tpu.memref_slice %dma_wait3A_786[%dma_wait3A_782, %dma_wait3A_787] : memref<8x128xi32, #tpu.memory_space<vmem>> -> memref<1x128xi32, #tpu.memory_space<vmem>>
    %dma_wait3A_789 = tpu.memref_squeeze %dma_wait3A_788 : memref<1x128xi32, #tpu.memory_space<vmem>> -> memref<128xi32, #tpu.memory_space<vmem>>
    %dma_wait3A_790 = arith.constant 0 : i32
    %dma_wait3A_791 = arith.constant 0 : i32
    %dma_wait3A_792 = tpu.memref_slice %arg12[%dma_wait3A_790, %dma_wait3A_791] : memref<10240x128xf32, #tpu.memory_space<vmem_shared>> -> memref<10240x128xf32, #tpu.memory_space<vmem_shared>>
    tpu.wait_indirect_dma semaphore(%arg15 : memref<!tpu.dma_semaphore, #tpu.memory_space<semaphore_mem>>) src(%arg10 : memref<128x128xf32, #tpu.memory_space<vmem>>) dst(%dma_wait3A_792 : memref<10240x128xf32, #tpu.memory_space<vmem_shared>>)
    %dma_wait3A_793 = arith.constant 1 : i32
    %dma_wait3A_794 = arith.constant 0 : i32
    %dma_wait3A_795 = arith.constant 0 : i32
    %dma_wait3A_796 = arith.constant 0 : i32
    %dma_wait3A_797 = tpu.memref_slice %arg8[%dma_wait3A_793, %dma_wait3A_795, %dma_wait3A_796] : memref<2x8x128xi32, #tpu.memory_space<vmem>> -> memref<1x8x128xi32, #tpu.memory_space<vmem>>
    %dma_wait3A_798 = tpu.memref_squeeze %dma_wait3A_797 : memref<1x8x128xi32, #tpu.memory_space<vmem>> -> memref<8x128xi32, #tpu.memory_space<vmem>>
    %dma_wait3A_799 = arith.constant 0 : i32
    %dma_wait3A_800 = tpu.memref_slice %dma_wait3A_798[%dma_wait3A_794, %dma_wait3A_799] : memref<8x128xi32, #tpu.memory_space<vmem>> -> memref<1x128xi32, #tpu.memory_space<vmem>>
    %dma_wait3A_801 = tpu.memref_squeeze %dma_wait3A_800 : memref<1x128xi32, #tpu.memory_space<vmem>> -> memref<128xi32, #tpu.memory_space<vmem>>
    %dma_wait3A_802 = arith.constant 0 : i32
    %dma_wait3A_803 = arith.constant 0 : i32
    %dma_wait3A_804 = tpu.memref_slice %arg12[%dma_wait3A_802, %dma_wait3A_803] : memref<10240x128xf32, #tpu.memory_space<vmem_shared>> -> memref<10240x128xf32, #tpu.memory_space<vmem_shared>>
    tpu.wait_indirect_dma semaphore(%arg15 : memref<!tpu.dma_semaphore, #tpu.memory_space<semaphore_mem>>) src(%arg10 : memref<128x128xf32, #tpu.memory_space<vmem>>) dst(%dma_wait3A_804 : memref<10240x128xf32, #tpu.memory_space<vmem_shared>>)
    %dma_wait3A_805 = arith.constant 1 : i32
    %dma_wait3A_806 = arith.constant 0 : i32
    %dma_wait3A_807 = arith.constant 0 : i32
    %dma_wait3A_808 = arith.constant 0 : i32
    %dma_wait3A_809 = tpu.memref_slice %arg8[%dma_wait3A_805, %dma_wait3A_807, %dma_wait3A_808] : memref<2x8x128xi32, #tpu.memory_space<vmem>> -> memref<1x8x128xi32, #tpu.memory_space<vmem>>
    %dma_wait3A_810 = tpu.memref_squeeze %dma_wait3A_809 : memref<1x8x128xi32, #tpu.memory_space<vmem>> -> memref<8x128xi32, #tpu.memory_space<vmem>>
    %dma_wait3A_811 = arith.constant 0 : i32
    %dma_wait3A_812 = tpu.memref_slice %dma_wait3A_810[%dma_wait3A_806, %dma_wait3A_811] : memref<8x128xi32, #tpu.memory_space<vmem>> -> memref<1x128xi32, #tpu.memory_space<vmem>>
    %dma_wait3A_813 = tpu.memref_squeeze %dma_wait3A_812 : memref<1x128xi32, #tpu.memory_space<vmem>> -> memref<128xi32, #tpu.memory_space<vmem>>
    %dma_wait3A_814 = arith.constant 0 : i32
    %dma_wait3A_815 = arith.constant 0 : i32
    %dma_wait3A_816 = tpu.memref_slice %arg12[%dma_wait3A_814, %dma_wait3A_815] : memref<10240x128xf32, #tpu.memory_space<vmem_shared>> -> memref<10240x128xf32, #tpu.memory_space<vmem_shared>>
    tpu.wait_indirect_dma semaphore(%arg15 : memref<!tpu.dma_semaphore, #tpu.memory_space<semaphore_mem>>) src(%arg10 : memref<128x128xf32, #tpu.memory_space<vmem>>) dst(%dma_wait3A_816 : memref<10240x128xf32, #tpu.memory_space<vmem_shared>>)
    %dma_wait3A_817 = arith.constant 1 : i32
    %dma_wait3A_818 = arith.constant 0 : i32
    %dma_wait3A_819 = arith.constant 0 : i32
    %dma_wait3A_820 = arith.constant 0 : i32
    %dma_wait3A_821 = tpu.memref_slice %arg8[%dma_wait3A_817, %dma_wait3A_819, %dma_wait3A_820] : memref<2x8x128xi32, #tpu.memory_space<vmem>> -> memref<1x8x128xi32, #tpu.memory_space<vmem>>
    %dma_wait3A_822 = tpu.memref_squeeze %dma_wait3A_821 : memref<1x8x128xi32, #tpu.memory_space<vmem>> -> memref<8x128xi32, #tpu.memory_space<vmem>>
    %dma_wait3A_823 = arith.constant 0 : i32
    %dma_wait3A_824 = tpu.memref_slice %dma_wait3A_822[%dma_wait3A_818, %dma_wait3A_823] : memref<8x128xi32, #tpu.memory_space<vmem>> -> memref<1x128xi32, #tpu.memory_space<vmem>>
    %dma_wait3A_825 = tpu.memref_squeeze %dma_wait3A_824 : memref<1x128xi32, #tpu.memory_space<vmem>> -> memref<128xi32, #tpu.memory_space<vmem>>
    %dma_wait3A_826 = arith.constant 0 : i32
    %dma_wait3A_827 = arith.constant 0 : i32
    %dma_wait3A_828 = tpu.memref_slice %arg12[%dma_wait3A_826, %dma_wait3A_827] : memref<10240x128xf32, #tpu.memory_space<vmem_shared>> -> memref<10240x128xf32, #tpu.memory_space<vmem_shared>>
    tpu.wait_indirect_dma semaphore(%arg15 : memref<!tpu.dma_semaphore, #tpu.memory_space<semaphore_mem>>) src(%arg10 : memref<128x128xf32, #tpu.memory_space<vmem>>) dst(%dma_wait3A_828 : memref<10240x128xf32, #tpu.memory_space<vmem_shared>>)
    %dma_wait3A_829 = arith.constant 1 : i32
    %dma_wait3A_830 = arith.constant 0 : i32
    %dma_wait3A_831 = arith.constant 0 : i32
    %dma_wait3A_832 = arith.constant 0 : i32
    %dma_wait3A_833 = tpu.memref_slice %arg8[%dma_wait3A_829, %dma_wait3A_831, %dma_wait3A_832] : memref<2x8x128xi32, #tpu.memory_space<vmem>> -> memref<1x8x128xi32, #tpu.memory_space<vmem>>
    %dma_wait3A_834 = tpu.memref_squeeze %dma_wait3A_833 : memref<1x8x128xi32, #tpu.memory_space<vmem>> -> memref<8x128xi32, #tpu.memory_space<vmem>>
    %dma_wait3A_835 = arith.constant 0 : i32
    %dma_wait3A_836 = tpu.memref_slice %dma_wait3A_834[%dma_wait3A_830, %dma_wait3A_835] : memref<8x128xi32, #tpu.memory_space<vmem>> -> memref<1x128xi32, #tpu.memory_space<vmem>>
    %dma_wait3A_837 = tpu.memref_squeeze %dma_wait3A_836 : memref<1x128xi32, #tpu.memory_space<vmem>> -> memref<128xi32, #tpu.memory_space<vmem>>
    %dma_wait3A_838 = arith.constant 0 : i32
    %dma_wait3A_839 = arith.constant 0 : i32
    %dma_wait3A_840 = tpu.memref_slice %arg12[%dma_wait3A_838, %dma_wait3A_839] : memref<10240x128xf32, #tpu.memory_space<vmem_shared>> -> memref<10240x128xf32, #tpu.memory_space<vmem_shared>>
    tpu.wait_indirect_dma semaphore(%arg15 : memref<!tpu.dma_semaphore, #tpu.memory_space<semaphore_mem>>) src(%arg10 : memref<128x128xf32, #tpu.memory_space<vmem>>) dst(%dma_wait3A_840 : memref<10240x128xf32, #tpu.memory_space<vmem_shared>>)
    %dma_wait3A_841 = arith.constant 1 : i32
    %dma_wait3A_842 = arith.constant 0 : i32
    %dma_wait3A_843 = arith.constant 0 : i32
    %dma_wait3A_844 = arith.constant 0 : i32
    %dma_wait3A_845 = tpu.memref_slice %arg8[%dma_wait3A_841, %dma_wait3A_843, %dma_wait3A_844] : memref<2x8x128xi32, #tpu.memory_space<vmem>> -> memref<1x8x128xi32, #tpu.memory_space<vmem>>
    %dma_wait3A_846 = tpu.memref_squeeze %dma_wait3A_845 : memref<1x8x128xi32, #tpu.memory_space<vmem>> -> memref<8x128xi32, #tpu.memory_space<vmem>>
    %dma_wait3A_847 = arith.constant 0 : i32
    %dma_wait3A_848 = tpu.memref_slice %dma_wait3A_846[%dma_wait3A_842, %dma_wait3A_847] : memref<8x128xi32, #tpu.memory_space<vmem>> -> memref<1x128xi32, #tpu.memory_space<vmem>>
    %dma_wait3A_849 = tpu.memref_squeeze %dma_wait3A_848 : memref<1x128xi32, #tpu.memory_space<vmem>> -> memref<128xi32, #tpu.memory_space<vmem>>
    %dma_wait3A_850 = arith.constant 0 : i32
    %dma_wait3A_851 = arith.constant 0 : i32
    %dma_wait3A_852 = tpu.memref_slice %arg12[%dma_wait3A_850, %dma_wait3A_851] : memref<10240x128xf32, #tpu.memory_space<vmem_shared>> -> memref<10240x128xf32, #tpu.memory_space<vmem_shared>>
    tpu.wait_indirect_dma semaphore(%arg15 : memref<!tpu.dma_semaphore, #tpu.memory_space<semaphore_mem>>) src(%arg10 : memref<128x128xf32, #tpu.memory_space<vmem>>) dst(%dma_wait3A_852 : memref<10240x128xf32, #tpu.memory_space<vmem_shared>>)
    %dma_wait3A_853 = arith.constant 1 : i32
    %dma_wait3A_854 = arith.constant 0 : i32
    %dma_wait3A_855 = arith.constant 0 : i32
    %dma_wait3A_856 = arith.constant 0 : i32
    %dma_wait3A_857 = tpu.memref_slice %arg8[%dma_wait3A_853, %dma_wait3A_855, %dma_wait3A_856] : memref<2x8x128xi32, #tpu.memory_space<vmem>> -> memref<1x8x128xi32, #tpu.memory_space<vmem>>
    %dma_wait3A_858 = tpu.memref_squeeze %dma_wait3A_857 : memref<1x8x128xi32, #tpu.memory_space<vmem>> -> memref<8x128xi32, #tpu.memory_space<vmem>>
    %dma_wait3A_859 = arith.constant 0 : i32
    %dma_wait3A_860 = tpu.memref_slice %dma_wait3A_858[%dma_wait3A_854, %dma_wait3A_859] : memref<8x128xi32, #tpu.memory_space<vmem>> -> memref<1x128xi32, #tpu.memory_space<vmem>>
    %dma_wait3A_861 = tpu.memref_squeeze %dma_wait3A_860 : memref<1x128xi32, #tpu.memory_space<vmem>> -> memref<128xi32, #tpu.memory_space<vmem>>
    %dma_wait3A_862 = arith.constant 0 : i32
    %dma_wait3A_863 = arith.constant 0 : i32
    %dma_wait3A_864 = tpu.memref_slice %arg12[%dma_wait3A_862, %dma_wait3A_863] : memref<10240x128xf32, #tpu.memory_space<vmem_shared>> -> memref<10240x128xf32, #tpu.memory_space<vmem_shared>>
    tpu.wait_indirect_dma semaphore(%arg15 : memref<!tpu.dma_semaphore, #tpu.memory_space<semaphore_mem>>) src(%arg10 : memref<128x128xf32, #tpu.memory_space<vmem>>) dst(%dma_wait3A_864 : memref<10240x128xf32, #tpu.memory_space<vmem_shared>>)
    %dma_wait3A_865 = arith.constant 1 : i32
    %dma_wait3A_866 = arith.constant 0 : i32
    %dma_wait3A_867 = arith.constant 0 : i32
    %dma_wait3A_868 = arith.constant 0 : i32
    %dma_wait3A_869 = tpu.memref_slice %arg8[%dma_wait3A_865, %dma_wait3A_867, %dma_wait3A_868] : memref<2x8x128xi32, #tpu.memory_space<vmem>> -> memref<1x8x128xi32, #tpu.memory_space<vmem>>
    %dma_wait3A_870 = tpu.memref_squeeze %dma_wait3A_869 : memref<1x8x128xi32, #tpu.memory_space<vmem>> -> memref<8x128xi32, #tpu.memory_space<vmem>>
    %dma_wait3A_871 = arith.constant 0 : i32
    %dma_wait3A_872 = tpu.memref_slice %dma_wait3A_870[%dma_wait3A_866, %dma_wait3A_871] : memref<8x128xi32, #tpu.memory_space<vmem>> -> memref<1x128xi32, #tpu.memory_space<vmem>>
    %dma_wait3A_873 = tpu.memref_squeeze %dma_wait3A_872 : memref<1x128xi32, #tpu.memory_space<vmem>> -> memref<128xi32, #tpu.memory_space<vmem>>
    %dma_wait3A_874 = arith.constant 0 : i32
    %dma_wait3A_875 = arith.constant 0 : i32
    %dma_wait3A_876 = tpu.memref_slice %arg12[%dma_wait3A_874, %dma_wait3A_875] : memref<10240x128xf32, #tpu.memory_space<vmem_shared>> -> memref<10240x128xf32, #tpu.memory_space<vmem_shared>>
    tpu.wait_indirect_dma semaphore(%arg15 : memref<!tpu.dma_semaphore, #tpu.memory_space<semaphore_mem>>) src(%arg10 : memref<128x128xf32, #tpu.memory_space<vmem>>) dst(%dma_wait3A_876 : memref<10240x128xf32, #tpu.memory_space<vmem_shared>>)
    %dma_wait3A_877 = arith.constant 1 : i32
    %dma_wait3A_878 = arith.constant 0 : i32
    %dma_wait3A_879 = arith.constant 0 : i32
    %dma_wait3A_880 = arith.constant 0 : i32
    %dma_wait3A_881 = tpu.memref_slice %arg8[%dma_wait3A_877, %dma_wait3A_879, %dma_wait3A_880] : memref<2x8x128xi32, #tpu.memory_space<vmem>> -> memref<1x8x128xi32, #tpu.memory_space<vmem>>
    %dma_wait3A_882 = tpu.memref_squeeze %dma_wait3A_881 : memref<1x8x128xi32, #tpu.memory_space<vmem>> -> memref<8x128xi32, #tpu.memory_space<vmem>>
    %dma_wait3A_883 = arith.constant 0 : i32
    %dma_wait3A_884 = tpu.memref_slice %dma_wait3A_882[%dma_wait3A_878, %dma_wait3A_883] : memref<8x128xi32, #tpu.memory_space<vmem>> -> memref<1x128xi32, #tpu.memory_space<vmem>>
    %dma_wait3A_885 = tpu.memref_squeeze %dma_wait3A_884 : memref<1x128xi32, #tpu.memory_space<vmem>> -> memref<128xi32, #tpu.memory_space<vmem>>
    %dma_wait3A_886 = arith.constant 0 : i32
    %dma_wait3A_887 = arith.constant 0 : i32
    %dma_wait3A_888 = tpu.memref_slice %arg12[%dma_wait3A_886, %dma_wait3A_887] : memref<10240x128xf32, #tpu.memory_space<vmem_shared>> -> memref<10240x128xf32, #tpu.memory_space<vmem_shared>>
    tpu.wait_indirect_dma semaphore(%arg15 : memref<!tpu.dma_semaphore, #tpu.memory_space<semaphore_mem>>) src(%arg10 : memref<128x128xf32, #tpu.memory_space<vmem>>) dst(%dma_wait3A_888 : memref<10240x128xf32, #tpu.memory_space<vmem_shared>>)
    %dma_wait3A_889 = arith.constant 1 : i32
    %dma_wait3A_890 = arith.constant 0 : i32
    %dma_wait3A_891 = arith.constant 0 : i32
    %dma_wait3A_892 = arith.constant 0 : i32
    %dma_wait3A_893 = tpu.memref_slice %arg8[%dma_wait3A_889, %dma_wait3A_891, %dma_wait3A_892] : memref<2x8x128xi32, #tpu.memory_space<vmem>> -> memref<1x8x128xi32, #tpu.memory_space<vmem>>
    %dma_wait3A_894 = tpu.memref_squeeze %dma_wait3A_893 : memref<1x8x128xi32, #tpu.memory_space<vmem>> -> memref<8x128xi32, #tpu.memory_space<vmem>>
    %dma_wait3A_895 = arith.constant 0 : i32
    %dma_wait3A_896 = tpu.memref_slice %dma_wait3A_894[%dma_wait3A_890, %dma_wait3A_895] : memref<8x128xi32, #tpu.memory_space<vmem>> -> memref<1x128xi32, #tpu.memory_space<vmem>>
    %dma_wait3A_897 = tpu.memref_squeeze %dma_wait3A_896 : memref<1x128xi32, #tpu.memory_space<vmem>> -> memref<128xi32, #tpu.memory_space<vmem>>
    %dma_wait3A_898 = arith.constant 0 : i32
    %dma_wait3A_899 = arith.constant 0 : i32
    %dma_wait3A_900 = tpu.memref_slice %arg12[%dma_wait3A_898, %dma_wait3A_899] : memref<10240x128xf32, #tpu.memory_space<vmem_shared>> -> memref<10240x128xf32, #tpu.memory_space<vmem_shared>>
    tpu.wait_indirect_dma semaphore(%arg15 : memref<!tpu.dma_semaphore, #tpu.memory_space<semaphore_mem>>) src(%arg10 : memref<128x128xf32, #tpu.memory_space<vmem>>) dst(%dma_wait3A_900 : memref<10240x128xf32, #tpu.memory_space<vmem_shared>>)
    %dma_wait3A_901 = arith.constant 1 : i32
    %dma_wait3A_902 = arith.constant 0 : i32
    %dma_wait3A_903 = arith.constant 0 : i32
    %dma_wait3A_904 = arith.constant 0 : i32
    %dma_wait3A_905 = tpu.memref_slice %arg8[%dma_wait3A_901, %dma_wait3A_903, %dma_wait3A_904] : memref<2x8x128xi32, #tpu.memory_space<vmem>> -> memref<1x8x128xi32, #tpu.memory_space<vmem>>
    %dma_wait3A_906 = tpu.memref_squeeze %dma_wait3A_905 : memref<1x8x128xi32, #tpu.memory_space<vmem>> -> memref<8x128xi32, #tpu.memory_space<vmem>>
    %dma_wait3A_907 = arith.constant 0 : i32
    %dma_wait3A_908 = tpu.memref_slice %dma_wait3A_906[%dma_wait3A_902, %dma_wait3A_907] : memref<8x128xi32, #tpu.memory_space<vmem>> -> memref<1x128xi32, #tpu.memory_space<vmem>>
    %dma_wait3A_909 = tpu.memref_squeeze %dma_wait3A_908 : memref<1x128xi32, #tpu.memory_space<vmem>> -> memref<128xi32, #tpu.memory_space<vmem>>
    %dma_wait3A_910 = arith.constant 0 : i32
    %dma_wait3A_911 = arith.constant 0 : i32
    %dma_wait3A_912 = tpu.memref_slice %arg12[%dma_wait3A_910, %dma_wait3A_911] : memref<10240x128xf32, #tpu.memory_space<vmem_shared>> -> memref<10240x128xf32, #tpu.memory_space<vmem_shared>>
    tpu.wait_indirect_dma semaphore(%arg15 : memref<!tpu.dma_semaphore, #tpu.memory_space<semaphore_mem>>) src(%arg10 : memref<128x128xf32, #tpu.memory_space<vmem>>) dst(%dma_wait3A_912 : memref<10240x128xf32, #tpu.memory_space<vmem_shared>>)
    %dma_wait3A_913 = arith.constant 1 : i32
    %dma_wait3A_914 = arith.constant 0 : i32
    %dma_wait3A_915 = arith.constant 0 : i32
    %dma_wait3A_916 = arith.constant 0 : i32
    %dma_wait3A_917 = tpu.memref_slice %arg8[%dma_wait3A_913, %dma_wait3A_915, %dma_wait3A_916] : memref<2x8x128xi32, #tpu.memory_space<vmem>> -> memref<1x8x128xi32, #tpu.memory_space<vmem>>
    %dma_wait3A_918 = tpu.memref_squeeze %dma_wait3A_917 : memref<1x8x128xi32, #tpu.memory_space<vmem>> -> memref<8x128xi32, #tpu.memory_space<vmem>>
    %dma_wait3A_919 = arith.constant 0 : i32
    %dma_wait3A_920 = tpu.memref_slice %dma_wait3A_918[%dma_wait3A_914, %dma_wait3A_919] : memref<8x128xi32, #tpu.memory_space<vmem>> -> memref<1x128xi32, #tpu.memory_space<vmem>>
    %dma_wait3A_921 = tpu.memref_squeeze %dma_wait3A_920 : memref<1x128xi32, #tpu.memory_space<vmem>> -> memref<128xi32, #tpu.memory_space<vmem>>
    %dma_wait3A_922 = arith.constant 0 : i32
    %dma_wait3A_923 = arith.constant 0 : i32
    %dma_wait3A_924 = tpu.memref_slice %arg12[%dma_wait3A_922, %dma_wait3A_923] : memref<10240x128xf32, #tpu.memory_space<vmem_shared>> -> memref<10240x128xf32, #tpu.memory_space<vmem_shared>>
    tpu.wait_indirect_dma semaphore(%arg15 : memref<!tpu.dma_semaphore, #tpu.memory_space<semaphore_mem>>) src(%arg10 : memref<128x128xf32, #tpu.memory_space<vmem>>) dst(%dma_wait3A_924 : memref<10240x128xf32, #tpu.memory_space<vmem_shared>>)
    %dma_wait3A_925 = arith.constant 1 : i32
    %dma_wait3A_926 = arith.constant 0 : i32
    %dma_wait3A_927 = arith.constant 0 : i32
    %dma_wait3A_928 = arith.constant 0 : i32
    %dma_wait3A_929 = tpu.memref_slice %arg8[%dma_wait3A_925, %dma_wait3A_927, %dma_wait3A_928] : memref<2x8x128xi32, #tpu.memory_space<vmem>> -> memref<1x8x128xi32, #tpu.memory_space<vmem>>
    %dma_wait3A_930 = tpu.memref_squeeze %dma_wait3A_929 : memref<1x8x128xi32, #tpu.memory_space<vmem>> -> memref<8x128xi32, #tpu.memory_space<vmem>>
    %dma_wait3A_931 = arith.constant 0 : i32
    %dma_wait3A_932 = tpu.memref_slice %dma_wait3A_930[%dma_wait3A_926, %dma_wait3A_931] : memref<8x128xi32, #tpu.memory_space<vmem>> -> memref<1x128xi32, #tpu.memory_space<vmem>>
    %dma_wait3A_933 = tpu.memref_squeeze %dma_wait3A_932 : memref<1x128xi32, #tpu.memory_space<vmem>> -> memref<128xi32, #tpu.memory_space<vmem>>
    %dma_wait3A_934 = arith.constant 0 : i32
    %dma_wait3A_935 = arith.constant 0 : i32
    %dma_wait3A_936 = tpu.memref_slice %arg12[%dma_wait3A_934, %dma_wait3A_935] : memref<10240x128xf32, #tpu.memory_space<vmem_shared>> -> memref<10240x128xf32, #tpu.memory_space<vmem_shared>>
    tpu.wait_indirect_dma semaphore(%arg15 : memref<!tpu.dma_semaphore, #tpu.memory_space<semaphore_mem>>) src(%arg10 : memref<128x128xf32, #tpu.memory_space<vmem>>) dst(%dma_wait3A_936 : memref<10240x128xf32, #tpu.memory_space<vmem_shared>>)
    %dma_wait3A_937 = arith.constant 1 : i32
    %dma_wait3A_938 = arith.constant 0 : i32
    %dma_wait3A_939 = arith.constant 0 : i32
    %dma_wait3A_940 = arith.constant 0 : i32
    %dma_wait3A_941 = tpu.memref_slice %arg8[%dma_wait3A_937, %dma_wait3A_939, %dma_wait3A_940] : memref<2x8x128xi32, #tpu.memory_space<vmem>> -> memref<1x8x128xi32, #tpu.memory_space<vmem>>
    %dma_wait3A_942 = tpu.memref_squeeze %dma_wait3A_941 : memref<1x8x128xi32, #tpu.memory_space<vmem>> -> memref<8x128xi32, #tpu.memory_space<vmem>>
    %dma_wait3A_943 = arith.constant 0 : i32
    %dma_wait3A_944 = tpu.memref_slice %dma_wait3A_942[%dma_wait3A_938, %dma_wait3A_943] : memref<8x128xi32, #tpu.memory_space<vmem>> -> memref<1x128xi32, #tpu.memory_space<vmem>>
    %dma_wait3A_945 = tpu.memref_squeeze %dma_wait3A_944 : memref<1x128xi32, #tpu.memory_space<vmem>> -> memref<128xi32, #tpu.memory_space<vmem>>
    %dma_wait3A_946 = arith.constant 0 : i32
    %dma_wait3A_947 = arith.constant 0 : i32
    %dma_wait3A_948 = tpu.memref_slice %arg12[%dma_wait3A_946, %dma_wait3A_947] : memref<10240x128xf32, #tpu.memory_space<vmem_shared>> -> memref<10240x128xf32, #tpu.memory_space<vmem_shared>>
    tpu.wait_indirect_dma semaphore(%arg15 : memref<!tpu.dma_semaphore, #tpu.memory_space<semaphore_mem>>) src(%arg10 : memref<128x128xf32, #tpu.memory_space<vmem>>) dst(%dma_wait3A_948 : memref<10240x128xf32, #tpu.memory_space<vmem_shared>>)
    %barrier3A_949 = arith.constant 0 : index
    tpu.barrier barrier_id(%barrier3A_949)
    "tpu.region"() ({
      %run_scoped3A = tpu.sem_alloc : memref<!tpu.dma_semaphore, #tpu.memory_space<semaphore_mem>>
      %dma_start3A_950 = arith.constant 0 : i32
      %dma_start3A_951 = arith.constant 0 : i32
      %dma_start3A_952 = tpu.memref_slice %arg7[%arg0, %dma_start3A_950, %dma_start3A_951] : memref<2x10240x128xf32, #tpu.memory_space<hbm>> -> memref<1x10240x128xf32, #tpu.memory_space<hbm>>
      %dma_start3A_953 = tpu.memref_squeeze %dma_start3A_952 : memref<1x10240x128xf32, #tpu.memory_space<hbm>> -> memref<10240x128xf32, #tpu.memory_space<hbm>>
      %dma_start3A_954 = arith.constant 0 : i32
      %dma_start3A_955 = tpu.memref_slice %dma_start3A_953[%mul3A_2, %dma_start3A_954] : memref<10240x128xf32, #tpu.memory_space<hbm>> -> memref<640x128xf32, #tpu.memory_space<hbm>>
      %dma_start3A_956 = arith.constant 0 : i32
      %dma_start3A_957 = tpu.memref_slice %arg12[%mul3A_2, %dma_start3A_956] : memref<10240x128xf32, #tpu.memory_space<vmem_shared>> -> memref<640x128xf32, #tpu.memory_space<vmem_shared>>
      tpu.enqueue_dma source(%dma_start3A_957 : memref<640x128xf32, #tpu.memory_space<vmem_shared>>) target(%dma_start3A_955 : memref<640x128xf32, #tpu.memory_space<hbm>>) target_semaphore(%run_scoped3A : memref<!tpu.dma_semaphore, #tpu.memory_space<semaphore_mem>>)
      %dma_wait3A_958 = arith.constant 0 : i32
      %dma_wait3A_959 = arith.constant 0 : i32
      %dma_wait3A_960 = tpu.memref_slice %arg7[%arg0, %dma_wait3A_958, %dma_wait3A_959] : memref<2x10240x128xf32, #tpu.memory_space<hbm>> -> memref<1x10240x128xf32, #tpu.memory_space<hbm>>
      %dma_wait3A_961 = tpu.memref_squeeze %dma_wait3A_960 : memref<1x10240x128xf32, #tpu.memory_space<hbm>> -> memref<10240x128xf32, #tpu.memory_space<hbm>>
      %dma_wait3A_962 = arith.constant 0 : i32
      %dma_wait3A_963 = tpu.memref_slice %dma_wait3A_961[%mul3A_2, %dma_wait3A_962] : memref<10240x128xf32, #tpu.memory_space<hbm>> -> memref<640x128xf32, #tpu.memory_space<hbm>>
      %dma_wait3A_964 = arith.constant 0 : i32
      %dma_wait3A_965 = tpu.memref_slice %arg12[%mul3A_2, %dma_wait3A_964] : memref<10240x128xf32, #tpu.memory_space<vmem_shared>> -> memref<640x128xf32, #tpu.memory_space<vmem_shared>>
      tpu.wait_dma2 semaphore(%run_scoped3A : memref<!tpu.dma_semaphore, #tpu.memory_space<semaphore_mem>>) src(%dma_wait3A_965 : memref<640x128xf32, #tpu.memory_space<vmem_shared>>) dst(%dma_wait3A_963 : memref<640x128xf32, #tpu.memory_space<hbm>>)
      tpu.yield
    }) : () -> ()
    return
  }
}

#map = affine_map<(d0, d1) -> (0, 0)>
#map1 = affine_map<(d0, d1) -> (0)>
#map2 = affine_map<(d0, d1) -> (0, 0, 0)>
module attributes {stable_mosaic.version = 14 : i64} {
  func.func @_agg_kernel(%arg0: i32, %arg1: i32, %arg2: memref<10000x128xf32, #tpu.memory_space<hbm>>, %arg3: memref<327680xi32, #tpu.memory_space<hbm>>, %arg4: memref<327680xi32, #tpu.memory_space<hbm>>, %arg5: memref<10240x128xf32, #tpu.memory_space<hbm>>, %arg6: memref<2x10240x128xf32, #tpu.memory_space<hbm>>, %arg7: memref<128xi32, #tpu.memory_space<vmem>>, %arg8: memref<128xi32, #tpu.memory_space<vmem>>, %arg9: memref<1x128xi32, #tpu.memory_space<vmem>>, %arg10: memref<1x128xi32, #tpu.memory_space<vmem>>, %arg11: memref<128x128xf32, #tpu.memory_space<vmem>>, %arg12: memref<128x128xf32, #tpu.memory_space<vmem>>, %arg13: memref<10240x128xf32, #tpu.memory_space<vmem_shared>>, %arg14: memref<!tpu.dma_semaphore, #tpu.memory_space<semaphore_mem>>, %arg15: memref<!tpu.dma_semaphore, #tpu.memory_space<semaphore_mem>>) attributes {dimension_semantics = [#tpu.dimension_semantics<core_parallel>, #tpu.dimension_semantics<subcore_parallel>], iteration_bounds = array<i64: 2, 16>, scalar_prefetch = 0 : i64, scratch_operands = 9 : i64, tpu.core_type = #tpu.core_type<sc_vector_subcore>, window_params = [{transform_indices = #map}, {transform_indices = #map1}, {transform_indices = #map1}, {transform_indices = #map}, {transform_indices = #map2}]} {
    %mul3A = arith.constant 16 : i32
    %mul3A_0 = arith.muli %arg0, %mul3A : i32
    %add3A = arith.addi %mul3A_0, %arg1 : i32
    %mul3A_1 = arith.constant 640 : i32
    %mul3A_2 = arith.muli %arg1, %mul3A_1 : i32
    "tpu.region"() ({
      %run_scoped3A = tpu.sem_alloc : memref<!tpu.dma_semaphore, #tpu.memory_space<semaphore_mem>>
      %dma_start3A = arith.constant 0 : i32
      %dma_start3A_17 = tpu.memref_slice %arg13[%mul3A_2, %dma_start3A] : memref<10240x128xf32, #tpu.memory_space<vmem_shared>> -> memref<640x128xf32, #tpu.memory_space<vmem_shared>>
      %dma_start3A_18 = arith.constant 0 : i32
      %dma_start3A_19 = tpu.memref_slice %arg5[%mul3A_2, %dma_start3A_18] : memref<10240x128xf32, #tpu.memory_space<hbm>> -> memref<640x128xf32, #tpu.memory_space<hbm>>
      tpu.enqueue_dma source(%dma_start3A_19 : memref<640x128xf32, #tpu.memory_space<hbm>>) target(%dma_start3A_17 : memref<640x128xf32, #tpu.memory_space<vmem_shared>>) target_semaphore(%run_scoped3A : memref<!tpu.dma_semaphore, #tpu.memory_space<semaphore_mem>>)
      %dma_wait3A = arith.constant 0 : i32
      %dma_wait3A_20 = tpu.memref_slice %arg13[%mul3A_2, %dma_wait3A] : memref<10240x128xf32, #tpu.memory_space<vmem_shared>> -> memref<640x128xf32, #tpu.memory_space<vmem_shared>>
      %dma_wait3A_21 = arith.constant 0 : i32
      %dma_wait3A_22 = tpu.memref_slice %arg5[%mul3A_2, %dma_wait3A_21] : memref<10240x128xf32, #tpu.memory_space<hbm>> -> memref<640x128xf32, #tpu.memory_space<hbm>>
      tpu.wait_dma2 semaphore(%run_scoped3A : memref<!tpu.dma_semaphore, #tpu.memory_space<semaphore_mem>>) src(%dma_wait3A_22 : memref<640x128xf32, #tpu.memory_space<hbm>>) dst(%dma_wait3A_20 : memref<640x128xf32, #tpu.memory_space<vmem_shared>>)
      tpu.yield
    }) : () -> ()
    %barrier3A = arith.constant 0 : index
    tpu.barrier barrier_id(%barrier3A)
    %lt3A = arith.constant 4 : i32
    %lt3A_3 = arith.cmpi slt, %add3A, %lt3A : i32
    %jit3A = arith.constant 1 : i32
    %jit3A_4 = arith.constant 0 : i32
    %select_n3A = arith.select %lt3A_3, %jit3A, %jit3A_4 : i32
    %add3A_5 = arith.constant 78 : i32
    %add3A_6 = arith.addi %add3A_5, %select_n3A : i32
    %while3A = arith.constant 0 : i32
    %while3A_7 = arith.constant 0 : i32
    %while3A_8 = arith.subi %add3A_6, %while3A_7 : i32
    %while3A_9 = arith.addi %while3A_7, %while3A_8 : i32
    %while3A_10 = arith.constant 1 : i32
    %while3A_11 = arith.divsi %while3A_8, %while3A_10 : i32
    %while3A_12 = arith.muli %while3A_11, %while3A_10 : i32
    %while3A_13 = arith.addi %while3A_7, %while3A_12 : i32
    %while3A_14 = arith.constant 1 : i32
    scf.for %while3A_17 = %while3A_7 to %while3A_13 step %while3A_14  : i32 {
      %mul3A_18 = arith.constant 32 : i32
      %mul3A_19 = arith.muli %while3A_17, %mul3A_18 : i32
      %add3A_20 = arith.addi %add3A, %mul3A_19 : i32
      %mul3A_21 = arith.constant 128 : i32
      %mul3A_22 = arith.muli %add3A_20, %mul3A_21 : i32
      %multiple_of3A = tpu.assume_multiple %mul3A_22, 8 : i32
      "tpu.region"() ({
        %run_scoped3A_28 = tpu.sem_alloc : memref<!tpu.dma_semaphore, #tpu.memory_space<semaphore_mem>>
        %dma_start3A_29 = tpu.memref_slice %arg3[%multiple_of3A] : memref<327680xi32, #tpu.memory_space<hbm>> -> memref<128xi32, #tpu.memory_space<hbm>>
        %dma_start3A_30 = tpu.memref_slice %arg3[%multiple_of3A] : memref<327680xi32, #tpu.memory_space<hbm>> -> memref<128xi32, #tpu.memory_space<hbm>>
        tpu.enqueue_dma source(%dma_start3A_30 : memref<128xi32, #tpu.memory_space<hbm>>) target(%arg7 : memref<128xi32, #tpu.memory_space<vmem>>) target_semaphore(%run_scoped3A_28 : memref<!tpu.dma_semaphore, #tpu.memory_space<semaphore_mem>>)
        %dma_wait3A_31 = tpu.memref_slice %arg3[%multiple_of3A] : memref<327680xi32, #tpu.memory_space<hbm>> -> memref<128xi32, #tpu.memory_space<hbm>>
        %dma_wait3A_32 = tpu.memref_slice %arg3[%multiple_of3A] : memref<327680xi32, #tpu.memory_space<hbm>> -> memref<128xi32, #tpu.memory_space<hbm>>
        tpu.wait_dma2 semaphore(%run_scoped3A_28 : memref<!tpu.dma_semaphore, #tpu.memory_space<semaphore_mem>>) src(%dma_wait3A_32 : memref<128xi32, #tpu.memory_space<hbm>>) dst(%arg7 : memref<128xi32, #tpu.memory_space<vmem>>)
        tpu.yield
      }) : () -> ()
      %dma_start3A = arith.constant 0 : i32
      %dma_start3A_23 = arith.constant 0 : i32
      %dma_start3A_24 = tpu.memref_slice %arg2[%dma_start3A, %dma_start3A_23] : memref<10000x128xf32, #tpu.memory_space<hbm>> -> memref<10000x128xf32, #tpu.memory_space<hbm>>
      tpu.enqueue_indirect_dma source(%dma_start3A_24 : memref<10000x128xf32, #tpu.memory_space<hbm>>) target(%arg11 : memref<128x128xf32, #tpu.memory_space<vmem>>) offsets(%arg7 : memref<128xi32, #tpu.memory_space<vmem>>) semaphore(%arg14 : memref<!tpu.dma_semaphore, #tpu.memory_space<semaphore_mem>>)
      %dma_wait3A = arith.constant 0 : i32
      %dma_wait3A_25 = arith.constant 0 : i32
      %dma_wait3A_26 = tpu.memref_slice %arg2[%dma_wait3A, %dma_wait3A_25] : memref<10000x128xf32, #tpu.memory_space<hbm>> -> memref<10000x128xf32, #tpu.memory_space<hbm>>
      tpu.wait_indirect_dma semaphore(%arg14 : memref<!tpu.dma_semaphore, #tpu.memory_space<semaphore_mem>>) src(%dma_wait3A_26 : memref<10000x128xf32, #tpu.memory_space<hbm>>) dst(%arg11 : memref<128x128xf32, #tpu.memory_space<vmem>>)
      %run_scoped3A = arith.constant 0 : i32
      "tpu.region"() ({
        %run_scoped3A_28 = tpu.sem_alloc : memref<!tpu.dma_semaphore, #tpu.memory_space<semaphore_mem>>
        %dma_start3A_29 = arith.constant 0 : i32
        %dma_start3A_30 = tpu.memref_slice %arg9[%run_scoped3A, %dma_start3A_29] : memref<1x128xi32, #tpu.memory_space<vmem>> -> memref<1x128xi32, #tpu.memory_space<vmem>>
        %dma_start3A_31 = tpu.memref_squeeze %dma_start3A_30 : memref<1x128xi32, #tpu.memory_space<vmem>> -> memref<128xi32, #tpu.memory_space<vmem>>
        %dma_start3A_32 = tpu.memref_slice %arg4[%multiple_of3A] : memref<327680xi32, #tpu.memory_space<hbm>> -> memref<128xi32, #tpu.memory_space<hbm>>
        %dma_start3A_33 = arith.constant 0 : i32
        %dma_start3A_34 = tpu.memref_slice %arg9[%run_scoped3A, %dma_start3A_33] : memref<1x128xi32, #tpu.memory_space<vmem>> -> memref<1x128xi32, #tpu.memory_space<vmem>>
        %dma_start3A_35 = tpu.memref_squeeze %dma_start3A_34 : memref<1x128xi32, #tpu.memory_space<vmem>> -> memref<128xi32, #tpu.memory_space<vmem>>
        %dma_start3A_36 = tpu.memref_slice %arg4[%multiple_of3A] : memref<327680xi32, #tpu.memory_space<hbm>> -> memref<128xi32, #tpu.memory_space<hbm>>
        tpu.enqueue_dma source(%dma_start3A_36 : memref<128xi32, #tpu.memory_space<hbm>>) target(%dma_start3A_35 : memref<128xi32, #tpu.memory_space<vmem>>) target_semaphore(%run_scoped3A_28 : memref<!tpu.dma_semaphore, #tpu.memory_space<semaphore_mem>>)
        %dma_wait3A_37 = arith.constant 0 : i32
        %dma_wait3A_38 = tpu.memref_slice %arg9[%run_scoped3A, %dma_wait3A_37] : memref<1x128xi32, #tpu.memory_space<vmem>> -> memref<1x128xi32, #tpu.memory_space<vmem>>
        %dma_wait3A_39 = tpu.memref_squeeze %dma_wait3A_38 : memref<1x128xi32, #tpu.memory_space<vmem>> -> memref<128xi32, #tpu.memory_space<vmem>>
        %dma_wait3A_40 = tpu.memref_slice %arg4[%multiple_of3A] : memref<327680xi32, #tpu.memory_space<hbm>> -> memref<128xi32, #tpu.memory_space<hbm>>
        %dma_wait3A_41 = arith.constant 0 : i32
        %dma_wait3A_42 = tpu.memref_slice %arg9[%run_scoped3A, %dma_wait3A_41] : memref<1x128xi32, #tpu.memory_space<vmem>> -> memref<1x128xi32, #tpu.memory_space<vmem>>
        %dma_wait3A_43 = tpu.memref_squeeze %dma_wait3A_42 : memref<1x128xi32, #tpu.memory_space<vmem>> -> memref<128xi32, #tpu.memory_space<vmem>>
        %dma_wait3A_44 = tpu.memref_slice %arg4[%multiple_of3A] : memref<327680xi32, #tpu.memory_space<hbm>> -> memref<128xi32, #tpu.memory_space<hbm>>
        tpu.wait_dma2 semaphore(%run_scoped3A_28 : memref<!tpu.dma_semaphore, #tpu.memory_space<semaphore_mem>>) src(%dma_wait3A_44 : memref<128xi32, #tpu.memory_space<hbm>>) dst(%dma_wait3A_43 : memref<128xi32, #tpu.memory_space<vmem>>)
        tpu.yield
      }) : () -> ()
      %run_scoped3A_27 = arith.constant 0 : i32
      "tpu.region"() ({
        %run_scoped3A_28 = tpu.sem_alloc : memref<!tpu.dma_semaphore, #tpu.memory_space<semaphore_mem>>
        %dma_start3A_29 = arith.constant 0 : i32
        %dma_start3A_30 = tpu.memref_slice %arg9[%run_scoped3A_27, %dma_start3A_29] : memref<1x128xi32, #tpu.memory_space<vmem>> -> memref<1x128xi32, #tpu.memory_space<vmem>>
        %dma_start3A_31 = tpu.memref_squeeze %dma_start3A_30 : memref<1x128xi32, #tpu.memory_space<vmem>> -> memref<128xi32, #tpu.memory_space<vmem>>
        %dma_start3A_32 = arith.constant 0 : i32
        %dma_start3A_33 = arith.constant 0 : i32
        %dma_start3A_34 = tpu.memref_slice %arg13[%dma_start3A_32, %dma_start3A_33] : memref<10240x128xf32, #tpu.memory_space<vmem_shared>> -> memref<10240x128xf32, #tpu.memory_space<vmem_shared>>
        tpu.enqueue_indirect_dma source(%arg11 : memref<128x128xf32, #tpu.memory_space<vmem>>) target(%dma_start3A_34 : memref<10240x128xf32, #tpu.memory_space<vmem_shared>>) offsets(%dma_start3A_31 : memref<128xi32, #tpu.memory_space<vmem>>) semaphore(%run_scoped3A_28 : memref<!tpu.dma_semaphore, #tpu.memory_space<semaphore_mem>>) {add = true}
        %dma_wait3A_35 = arith.constant 0 : i32
        %dma_wait3A_36 = tpu.memref_slice %arg9[%run_scoped3A_27, %dma_wait3A_35] : memref<1x128xi32, #tpu.memory_space<vmem>> -> memref<1x128xi32, #tpu.memory_space<vmem>>
        %dma_wait3A_37 = tpu.memref_squeeze %dma_wait3A_36 : memref<1x128xi32, #tpu.memory_space<vmem>> -> memref<128xi32, #tpu.memory_space<vmem>>
        %dma_wait3A_38 = arith.constant 0 : i32
        %dma_wait3A_39 = arith.constant 0 : i32
        %dma_wait3A_40 = tpu.memref_slice %arg13[%dma_wait3A_38, %dma_wait3A_39] : memref<10240x128xf32, #tpu.memory_space<vmem_shared>> -> memref<10240x128xf32, #tpu.memory_space<vmem_shared>>
        tpu.wait_indirect_dma semaphore(%run_scoped3A_28 : memref<!tpu.dma_semaphore, #tpu.memory_space<semaphore_mem>>) src(%arg11 : memref<128x128xf32, #tpu.memory_space<vmem>>) dst(%dma_wait3A_40 : memref<10240x128xf32, #tpu.memory_space<vmem_shared>>)
        tpu.yield
      }) : () -> ()
    }
    %while3A_15 = arith.constant 1 : i32
    scf.for %while3A_17 = %while3A_13 to %while3A_9 step %while3A_15  : i32 {
      %mul3A_18 = arith.constant 32 : i32
      %mul3A_19 = arith.muli %while3A_17, %mul3A_18 : i32
      %add3A_20 = arith.addi %add3A, %mul3A_19 : i32
      %mul3A_21 = arith.constant 128 : i32
      %mul3A_22 = arith.muli %add3A_20, %mul3A_21 : i32
      %multiple_of3A = tpu.assume_multiple %mul3A_22, 8 : i32
      "tpu.region"() ({
        %run_scoped3A_28 = tpu.sem_alloc : memref<!tpu.dma_semaphore, #tpu.memory_space<semaphore_mem>>
        %dma_start3A_29 = tpu.memref_slice %arg3[%multiple_of3A] : memref<327680xi32, #tpu.memory_space<hbm>> -> memref<128xi32, #tpu.memory_space<hbm>>
        %dma_start3A_30 = tpu.memref_slice %arg3[%multiple_of3A] : memref<327680xi32, #tpu.memory_space<hbm>> -> memref<128xi32, #tpu.memory_space<hbm>>
        tpu.enqueue_dma source(%dma_start3A_30 : memref<128xi32, #tpu.memory_space<hbm>>) target(%arg7 : memref<128xi32, #tpu.memory_space<vmem>>) target_semaphore(%run_scoped3A_28 : memref<!tpu.dma_semaphore, #tpu.memory_space<semaphore_mem>>)
        %dma_wait3A_31 = tpu.memref_slice %arg3[%multiple_of3A] : memref<327680xi32, #tpu.memory_space<hbm>> -> memref<128xi32, #tpu.memory_space<hbm>>
        %dma_wait3A_32 = tpu.memref_slice %arg3[%multiple_of3A] : memref<327680xi32, #tpu.memory_space<hbm>> -> memref<128xi32, #tpu.memory_space<hbm>>
        tpu.wait_dma2 semaphore(%run_scoped3A_28 : memref<!tpu.dma_semaphore, #tpu.memory_space<semaphore_mem>>) src(%dma_wait3A_32 : memref<128xi32, #tpu.memory_space<hbm>>) dst(%arg7 : memref<128xi32, #tpu.memory_space<vmem>>)
        tpu.yield
      }) : () -> ()
      %dma_start3A = arith.constant 0 : i32
      %dma_start3A_23 = arith.constant 0 : i32
      %dma_start3A_24 = tpu.memref_slice %arg2[%dma_start3A, %dma_start3A_23] : memref<10000x128xf32, #tpu.memory_space<hbm>> -> memref<10000x128xf32, #tpu.memory_space<hbm>>
      tpu.enqueue_indirect_dma source(%dma_start3A_24 : memref<10000x128xf32, #tpu.memory_space<hbm>>) target(%arg11 : memref<128x128xf32, #tpu.memory_space<vmem>>) offsets(%arg7 : memref<128xi32, #tpu.memory_space<vmem>>) semaphore(%arg14 : memref<!tpu.dma_semaphore, #tpu.memory_space<semaphore_mem>>)
      %dma_wait3A = arith.constant 0 : i32
      %dma_wait3A_25 = arith.constant 0 : i32
      %dma_wait3A_26 = tpu.memref_slice %arg2[%dma_wait3A, %dma_wait3A_25] : memref<10000x128xf32, #tpu.memory_space<hbm>> -> memref<10000x128xf32, #tpu.memory_space<hbm>>
      tpu.wait_indirect_dma semaphore(%arg14 : memref<!tpu.dma_semaphore, #tpu.memory_space<semaphore_mem>>) src(%dma_wait3A_26 : memref<10000x128xf32, #tpu.memory_space<hbm>>) dst(%arg11 : memref<128x128xf32, #tpu.memory_space<vmem>>)
      %run_scoped3A = arith.constant 0 : i32
      "tpu.region"() ({
        %run_scoped3A_28 = tpu.sem_alloc : memref<!tpu.dma_semaphore, #tpu.memory_space<semaphore_mem>>
        %dma_start3A_29 = arith.constant 0 : i32
        %dma_start3A_30 = tpu.memref_slice %arg9[%run_scoped3A, %dma_start3A_29] : memref<1x128xi32, #tpu.memory_space<vmem>> -> memref<1x128xi32, #tpu.memory_space<vmem>>
        %dma_start3A_31 = tpu.memref_squeeze %dma_start3A_30 : memref<1x128xi32, #tpu.memory_space<vmem>> -> memref<128xi32, #tpu.memory_space<vmem>>
        %dma_start3A_32 = tpu.memref_slice %arg4[%multiple_of3A] : memref<327680xi32, #tpu.memory_space<hbm>> -> memref<128xi32, #tpu.memory_space<hbm>>
        %dma_start3A_33 = arith.constant 0 : i32
        %dma_start3A_34 = tpu.memref_slice %arg9[%run_scoped3A, %dma_start3A_33] : memref<1x128xi32, #tpu.memory_space<vmem>> -> memref<1x128xi32, #tpu.memory_space<vmem>>
        %dma_start3A_35 = tpu.memref_squeeze %dma_start3A_34 : memref<1x128xi32, #tpu.memory_space<vmem>> -> memref<128xi32, #tpu.memory_space<vmem>>
        %dma_start3A_36 = tpu.memref_slice %arg4[%multiple_of3A] : memref<327680xi32, #tpu.memory_space<hbm>> -> memref<128xi32, #tpu.memory_space<hbm>>
        tpu.enqueue_dma source(%dma_start3A_36 : memref<128xi32, #tpu.memory_space<hbm>>) target(%dma_start3A_35 : memref<128xi32, #tpu.memory_space<vmem>>) target_semaphore(%run_scoped3A_28 : memref<!tpu.dma_semaphore, #tpu.memory_space<semaphore_mem>>)
        %dma_wait3A_37 = arith.constant 0 : i32
        %dma_wait3A_38 = tpu.memref_slice %arg9[%run_scoped3A, %dma_wait3A_37] : memref<1x128xi32, #tpu.memory_space<vmem>> -> memref<1x128xi32, #tpu.memory_space<vmem>>
        %dma_wait3A_39 = tpu.memref_squeeze %dma_wait3A_38 : memref<1x128xi32, #tpu.memory_space<vmem>> -> memref<128xi32, #tpu.memory_space<vmem>>
        %dma_wait3A_40 = tpu.memref_slice %arg4[%multiple_of3A] : memref<327680xi32, #tpu.memory_space<hbm>> -> memref<128xi32, #tpu.memory_space<hbm>>
        %dma_wait3A_41 = arith.constant 0 : i32
        %dma_wait3A_42 = tpu.memref_slice %arg9[%run_scoped3A, %dma_wait3A_41] : memref<1x128xi32, #tpu.memory_space<vmem>> -> memref<1x128xi32, #tpu.memory_space<vmem>>
        %dma_wait3A_43 = tpu.memref_squeeze %dma_wait3A_42 : memref<1x128xi32, #tpu.memory_space<vmem>> -> memref<128xi32, #tpu.memory_space<vmem>>
        %dma_wait3A_44 = tpu.memref_slice %arg4[%multiple_of3A] : memref<327680xi32, #tpu.memory_space<hbm>> -> memref<128xi32, #tpu.memory_space<hbm>>
        tpu.wait_dma2 semaphore(%run_scoped3A_28 : memref<!tpu.dma_semaphore, #tpu.memory_space<semaphore_mem>>) src(%dma_wait3A_44 : memref<128xi32, #tpu.memory_space<hbm>>) dst(%dma_wait3A_43 : memref<128xi32, #tpu.memory_space<vmem>>)
        tpu.yield
      }) : () -> ()
      %run_scoped3A_27 = arith.constant 0 : i32
      "tpu.region"() ({
        %run_scoped3A_28 = tpu.sem_alloc : memref<!tpu.dma_semaphore, #tpu.memory_space<semaphore_mem>>
        %dma_start3A_29 = arith.constant 0 : i32
        %dma_start3A_30 = tpu.memref_slice %arg9[%run_scoped3A_27, %dma_start3A_29] : memref<1x128xi32, #tpu.memory_space<vmem>> -> memref<1x128xi32, #tpu.memory_space<vmem>>
        %dma_start3A_31 = tpu.memref_squeeze %dma_start3A_30 : memref<1x128xi32, #tpu.memory_space<vmem>> -> memref<128xi32, #tpu.memory_space<vmem>>
        %dma_start3A_32 = arith.constant 0 : i32
        %dma_start3A_33 = arith.constant 0 : i32
        %dma_start3A_34 = tpu.memref_slice %arg13[%dma_start3A_32, %dma_start3A_33] : memref<10240x128xf32, #tpu.memory_space<vmem_shared>> -> memref<10240x128xf32, #tpu.memory_space<vmem_shared>>
        tpu.enqueue_indirect_dma source(%arg11 : memref<128x128xf32, #tpu.memory_space<vmem>>) target(%dma_start3A_34 : memref<10240x128xf32, #tpu.memory_space<vmem_shared>>) offsets(%dma_start3A_31 : memref<128xi32, #tpu.memory_space<vmem>>) semaphore(%run_scoped3A_28 : memref<!tpu.dma_semaphore, #tpu.memory_space<semaphore_mem>>) {add = true}
        %dma_wait3A_35 = arith.constant 0 : i32
        %dma_wait3A_36 = tpu.memref_slice %arg9[%run_scoped3A_27, %dma_wait3A_35] : memref<1x128xi32, #tpu.memory_space<vmem>> -> memref<1x128xi32, #tpu.memory_space<vmem>>
        %dma_wait3A_37 = tpu.memref_squeeze %dma_wait3A_36 : memref<1x128xi32, #tpu.memory_space<vmem>> -> memref<128xi32, #tpu.memory_space<vmem>>
        %dma_wait3A_38 = arith.constant 0 : i32
        %dma_wait3A_39 = arith.constant 0 : i32
        %dma_wait3A_40 = tpu.memref_slice %arg13[%dma_wait3A_38, %dma_wait3A_39] : memref<10240x128xf32, #tpu.memory_space<vmem_shared>> -> memref<10240x128xf32, #tpu.memory_space<vmem_shared>>
        tpu.wait_indirect_dma semaphore(%run_scoped3A_28 : memref<!tpu.dma_semaphore, #tpu.memory_space<semaphore_mem>>) src(%arg11 : memref<128x128xf32, #tpu.memory_space<vmem>>) dst(%dma_wait3A_40 : memref<10240x128xf32, #tpu.memory_space<vmem_shared>>)
        tpu.yield
      }) : () -> ()
    }
    %barrier3A_16 = arith.constant 0 : index
    tpu.barrier barrier_id(%barrier3A_16)
    "tpu.region"() ({
      %run_scoped3A = tpu.sem_alloc : memref<!tpu.dma_semaphore, #tpu.memory_space<semaphore_mem>>
      %dma_start3A = arith.constant 0 : i32
      %dma_start3A_17 = arith.constant 0 : i32
      %dma_start3A_18 = tpu.memref_slice %arg6[%arg0, %dma_start3A, %dma_start3A_17] : memref<2x10240x128xf32, #tpu.memory_space<hbm>> -> memref<1x10240x128xf32, #tpu.memory_space<hbm>>
      %dma_start3A_19 = tpu.memref_squeeze %dma_start3A_18 : memref<1x10240x128xf32, #tpu.memory_space<hbm>> -> memref<10240x128xf32, #tpu.memory_space<hbm>>
      %dma_start3A_20 = arith.constant 0 : i32
      %dma_start3A_21 = tpu.memref_slice %dma_start3A_19[%mul3A_2, %dma_start3A_20] : memref<10240x128xf32, #tpu.memory_space<hbm>> -> memref<640x128xf32, #tpu.memory_space<hbm>>
      %dma_start3A_22 = arith.constant 0 : i32
      %dma_start3A_23 = tpu.memref_slice %arg13[%mul3A_2, %dma_start3A_22] : memref<10240x128xf32, #tpu.memory_space<vmem_shared>> -> memref<640x128xf32, #tpu.memory_space<vmem_shared>>
      tpu.enqueue_dma source(%dma_start3A_23 : memref<640x128xf32, #tpu.memory_space<vmem_shared>>) target(%dma_start3A_21 : memref<640x128xf32, #tpu.memory_space<hbm>>) target_semaphore(%run_scoped3A : memref<!tpu.dma_semaphore, #tpu.memory_space<semaphore_mem>>)
      %dma_wait3A = arith.constant 0 : i32
      %dma_wait3A_24 = arith.constant 0 : i32
      %dma_wait3A_25 = tpu.memref_slice %arg6[%arg0, %dma_wait3A, %dma_wait3A_24] : memref<2x10240x128xf32, #tpu.memory_space<hbm>> -> memref<1x10240x128xf32, #tpu.memory_space<hbm>>
      %dma_wait3A_26 = tpu.memref_squeeze %dma_wait3A_25 : memref<1x10240x128xf32, #tpu.memory_space<hbm>> -> memref<10240x128xf32, #tpu.memory_space<hbm>>
      %dma_wait3A_27 = arith.constant 0 : i32
      %dma_wait3A_28 = tpu.memref_slice %dma_wait3A_26[%mul3A_2, %dma_wait3A_27] : memref<10240x128xf32, #tpu.memory_space<hbm>> -> memref<640x128xf32, #tpu.memory_space<hbm>>
      %dma_wait3A_29 = arith.constant 0 : i32
      %dma_wait3A_30 = tpu.memref_slice %arg13[%mul3A_2, %dma_wait3A_29] : memref<10240x128xf32, #tpu.memory_space<vmem_shared>> -> memref<640x128xf32, #tpu.memory_space<vmem_shared>>
      tpu.wait_dma2 semaphore(%run_scoped3A : memref<!tpu.dma_semaphore, #tpu.memory_space<semaphore_mem>>) src(%dma_wait3A_30 : memref<640x128xf32, #tpu.memory_space<vmem_shared>>) dst(%dma_wait3A_28 : memref<640x128xf32, #tpu.memory_space<hbm>>)
      tpu.yield
    }) : () -> ()
    return
  }
}

#map = affine_map<(d0, d1) -> (0, 0)>
#map1 = affine_map<(d0, d1) -> (0)>
#map2 = affine_map<(d0, d1) -> (0, 0, 0)>
module attributes {stable_mosaic.version = 14 : i64} {
  func.func @_agg_kernel(%arg0: i32, %arg1: i32, %arg2: memref<10000x128xf32, #tpu.memory_space<hbm>>, %arg3: memref<327680xi32, #tpu.memory_space<hbm>>, %arg4: memref<327680xi32, #tpu.memory_space<hbm>>, %arg5: memref<10240x128xf32, #tpu.memory_space<hbm>>, %arg6: memref<2x10240x128xf32, #tpu.memory_space<hbm>>, %arg7: memref<128xi32, #tpu.memory_space<vmem>>, %arg8: memref<128xi32, #tpu.memory_space<vmem>>, %arg9: memref<1x128xi32, #tpu.memory_space<vmem>>, %arg10: memref<1x128xi32, #tpu.memory_space<vmem>>, %arg11: memref<128x128xf32, #tpu.memory_space<vmem>>, %arg12: memref<128x128xf32, #tpu.memory_space<vmem>>, %arg13: memref<10240x128xf32, #tpu.memory_space<vmem_shared>>, %arg14: memref<!tpu.dma_semaphore, #tpu.memory_space<semaphore_mem>>, %arg15: memref<!tpu.dma_semaphore, #tpu.memory_space<semaphore_mem>>) attributes {dimension_semantics = [#tpu.dimension_semantics<core_parallel>, #tpu.dimension_semantics<subcore_parallel>], iteration_bounds = array<i64: 2, 16>, scalar_prefetch = 0 : i64, scratch_operands = 9 : i64, tpu.core_type = #tpu.core_type<sc_vector_subcore>, window_params = [{transform_indices = #map}, {transform_indices = #map1}, {transform_indices = #map1}, {transform_indices = #map}, {transform_indices = #map2}]} {
    %mul3A = arith.constant 16 : i32
    %mul3A_0 = arith.muli %arg0, %mul3A : i32
    %add3A = arith.addi %mul3A_0, %arg1 : i32
    %mul3A_1 = arith.constant 640 : i32
    %mul3A_2 = arith.muli %arg1, %mul3A_1 : i32
    "tpu.region"() ({
      %run_scoped3A = tpu.sem_alloc : memref<!tpu.dma_semaphore, #tpu.memory_space<semaphore_mem>>
      %dma_start3A = arith.constant 0 : i32
      %dma_start3A_17 = tpu.memref_slice %arg13[%mul3A_2, %dma_start3A] : memref<10240x128xf32, #tpu.memory_space<vmem_shared>> -> memref<640x128xf32, #tpu.memory_space<vmem_shared>>
      %dma_start3A_18 = arith.constant 0 : i32
      %dma_start3A_19 = tpu.memref_slice %arg5[%mul3A_2, %dma_start3A_18] : memref<10240x128xf32, #tpu.memory_space<hbm>> -> memref<640x128xf32, #tpu.memory_space<hbm>>
      tpu.enqueue_dma source(%dma_start3A_19 : memref<640x128xf32, #tpu.memory_space<hbm>>) target(%dma_start3A_17 : memref<640x128xf32, #tpu.memory_space<vmem_shared>>) target_semaphore(%run_scoped3A : memref<!tpu.dma_semaphore, #tpu.memory_space<semaphore_mem>>)
      %dma_wait3A = arith.constant 0 : i32
      %dma_wait3A_20 = tpu.memref_slice %arg13[%mul3A_2, %dma_wait3A] : memref<10240x128xf32, #tpu.memory_space<vmem_shared>> -> memref<640x128xf32, #tpu.memory_space<vmem_shared>>
      %dma_wait3A_21 = arith.constant 0 : i32
      %dma_wait3A_22 = tpu.memref_slice %arg5[%mul3A_2, %dma_wait3A_21] : memref<10240x128xf32, #tpu.memory_space<hbm>> -> memref<640x128xf32, #tpu.memory_space<hbm>>
      tpu.wait_dma2 semaphore(%run_scoped3A : memref<!tpu.dma_semaphore, #tpu.memory_space<semaphore_mem>>) src(%dma_wait3A_22 : memref<640x128xf32, #tpu.memory_space<hbm>>) dst(%dma_wait3A_20 : memref<640x128xf32, #tpu.memory_space<vmem_shared>>)
      tpu.yield
    }) : () -> ()
    %barrier3A = arith.constant 0 : index
    tpu.barrier barrier_id(%barrier3A)
    %lt3A = arith.constant 4 : i32
    %lt3A_3 = arith.cmpi slt, %add3A, %lt3A : i32
    %jit3A = arith.constant 1 : i32
    %jit3A_4 = arith.constant 0 : i32
    %select_n3A = arith.select %lt3A_3, %jit3A, %jit3A_4 : i32
    %add3A_5 = arith.constant 78 : i32
    %add3A_6 = arith.addi %add3A_5, %select_n3A : i32
    %while3A = arith.constant 0 : i32
    %while3A_7 = arith.constant 0 : i32
    %while3A_8 = arith.subi %add3A_6, %while3A_7 : i32
    %while3A_9 = arith.addi %while3A_7, %while3A_8 : i32
    %while3A_10 = arith.constant 1 : i32
    %while3A_11 = arith.divsi %while3A_8, %while3A_10 : i32
    %while3A_12 = arith.muli %while3A_11, %while3A_10 : i32
    %while3A_13 = arith.addi %while3A_7, %while3A_12 : i32
    %while3A_14 = arith.constant 1 : i32
    scf.for %while3A_17 = %while3A_7 to %while3A_13 step %while3A_14  : i32 {
      %mul3A_18 = arith.constant 32 : i32
      %mul3A_19 = arith.muli %while3A_17, %mul3A_18 : i32
      %add3A_20 = arith.addi %add3A, %mul3A_19 : i32
      %mul3A_21 = arith.constant 128 : i32
      %mul3A_22 = arith.muli %add3A_20, %mul3A_21 : i32
      %multiple_of3A = tpu.assume_multiple %mul3A_22, 8 : i32
      "tpu.region"() ({
        %run_scoped3A_28 = tpu.sem_alloc : memref<!tpu.dma_semaphore, #tpu.memory_space<semaphore_mem>>
        %dma_start3A_29 = tpu.memref_slice %arg3[%multiple_of3A] : memref<327680xi32, #tpu.memory_space<hbm>> -> memref<128xi32, #tpu.memory_space<hbm>>
        %dma_start3A_30 = tpu.memref_slice %arg3[%multiple_of3A] : memref<327680xi32, #tpu.memory_space<hbm>> -> memref<128xi32, #tpu.memory_space<hbm>>
        tpu.enqueue_dma source(%dma_start3A_30 : memref<128xi32, #tpu.memory_space<hbm>>) target(%arg7 : memref<128xi32, #tpu.memory_space<vmem>>) target_semaphore(%run_scoped3A_28 : memref<!tpu.dma_semaphore, #tpu.memory_space<semaphore_mem>>)
        %dma_wait3A_31 = tpu.memref_slice %arg3[%multiple_of3A] : memref<327680xi32, #tpu.memory_space<hbm>> -> memref<128xi32, #tpu.memory_space<hbm>>
        %dma_wait3A_32 = tpu.memref_slice %arg3[%multiple_of3A] : memref<327680xi32, #tpu.memory_space<hbm>> -> memref<128xi32, #tpu.memory_space<hbm>>
        tpu.wait_dma2 semaphore(%run_scoped3A_28 : memref<!tpu.dma_semaphore, #tpu.memory_space<semaphore_mem>>) src(%dma_wait3A_32 : memref<128xi32, #tpu.memory_space<hbm>>) dst(%arg7 : memref<128xi32, #tpu.memory_space<vmem>>)
        tpu.yield
      }) : () -> ()
      %dma_start3A = arith.constant 0 : i32
      %dma_start3A_23 = arith.constant 0 : i32
      %dma_start3A_24 = tpu.memref_slice %arg2[%dma_start3A, %dma_start3A_23] : memref<10000x128xf32, #tpu.memory_space<hbm>> -> memref<10000x128xf32, #tpu.memory_space<hbm>>
      tpu.enqueue_indirect_dma source(%dma_start3A_24 : memref<10000x128xf32, #tpu.memory_space<hbm>>) target(%arg11 : memref<128x128xf32, #tpu.memory_space<vmem>>) offsets(%arg7 : memref<128xi32, #tpu.memory_space<vmem>>) semaphore(%arg14 : memref<!tpu.dma_semaphore, #tpu.memory_space<semaphore_mem>>)
      %dma_wait3A = arith.constant 0 : i32
      %dma_wait3A_25 = arith.constant 0 : i32
      %dma_wait3A_26 = tpu.memref_slice %arg2[%dma_wait3A, %dma_wait3A_25] : memref<10000x128xf32, #tpu.memory_space<hbm>> -> memref<10000x128xf32, #tpu.memory_space<hbm>>
      tpu.wait_indirect_dma semaphore(%arg14 : memref<!tpu.dma_semaphore, #tpu.memory_space<semaphore_mem>>) src(%dma_wait3A_26 : memref<10000x128xf32, #tpu.memory_space<hbm>>) dst(%arg11 : memref<128x128xf32, #tpu.memory_space<vmem>>)
      %run_scoped3A = arith.constant 0 : i32
      "tpu.region"() ({
        %run_scoped3A_28 = tpu.sem_alloc : memref<!tpu.dma_semaphore, #tpu.memory_space<semaphore_mem>>
        %dma_start3A_29 = arith.constant 0 : i32
        %dma_start3A_30 = tpu.memref_slice %arg9[%run_scoped3A, %dma_start3A_29] : memref<1x128xi32, #tpu.memory_space<vmem>> -> memref<1x128xi32, #tpu.memory_space<vmem>>
        %dma_start3A_31 = tpu.memref_squeeze %dma_start3A_30 : memref<1x128xi32, #tpu.memory_space<vmem>> -> memref<128xi32, #tpu.memory_space<vmem>>
        %dma_start3A_32 = tpu.memref_slice %arg4[%multiple_of3A] : memref<327680xi32, #tpu.memory_space<hbm>> -> memref<128xi32, #tpu.memory_space<hbm>>
        %dma_start3A_33 = arith.constant 0 : i32
        %dma_start3A_34 = tpu.memref_slice %arg9[%run_scoped3A, %dma_start3A_33] : memref<1x128xi32, #tpu.memory_space<vmem>> -> memref<1x128xi32, #tpu.memory_space<vmem>>
        %dma_start3A_35 = tpu.memref_squeeze %dma_start3A_34 : memref<1x128xi32, #tpu.memory_space<vmem>> -> memref<128xi32, #tpu.memory_space<vmem>>
        %dma_start3A_36 = tpu.memref_slice %arg4[%multiple_of3A] : memref<327680xi32, #tpu.memory_space<hbm>> -> memref<128xi32, #tpu.memory_space<hbm>>
        tpu.enqueue_dma source(%dma_start3A_36 : memref<128xi32, #tpu.memory_space<hbm>>) target(%dma_start3A_35 : memref<128xi32, #tpu.memory_space<vmem>>) target_semaphore(%run_scoped3A_28 : memref<!tpu.dma_semaphore, #tpu.memory_space<semaphore_mem>>)
        %dma_wait3A_37 = arith.constant 0 : i32
        %dma_wait3A_38 = tpu.memref_slice %arg9[%run_scoped3A, %dma_wait3A_37] : memref<1x128xi32, #tpu.memory_space<vmem>> -> memref<1x128xi32, #tpu.memory_space<vmem>>
        %dma_wait3A_39 = tpu.memref_squeeze %dma_wait3A_38 : memref<1x128xi32, #tpu.memory_space<vmem>> -> memref<128xi32, #tpu.memory_space<vmem>>
        %dma_wait3A_40 = tpu.memref_slice %arg4[%multiple_of3A] : memref<327680xi32, #tpu.memory_space<hbm>> -> memref<128xi32, #tpu.memory_space<hbm>>
        %dma_wait3A_41 = arith.constant 0 : i32
        %dma_wait3A_42 = tpu.memref_slice %arg9[%run_scoped3A, %dma_wait3A_41] : memref<1x128xi32, #tpu.memory_space<vmem>> -> memref<1x128xi32, #tpu.memory_space<vmem>>
        %dma_wait3A_43 = tpu.memref_squeeze %dma_wait3A_42 : memref<1x128xi32, #tpu.memory_space<vmem>> -> memref<128xi32, #tpu.memory_space<vmem>>
        %dma_wait3A_44 = tpu.memref_slice %arg4[%multiple_of3A] : memref<327680xi32, #tpu.memory_space<hbm>> -> memref<128xi32, #tpu.memory_space<hbm>>
        tpu.wait_dma2 semaphore(%run_scoped3A_28 : memref<!tpu.dma_semaphore, #tpu.memory_space<semaphore_mem>>) src(%dma_wait3A_44 : memref<128xi32, #tpu.memory_space<hbm>>) dst(%dma_wait3A_43 : memref<128xi32, #tpu.memory_space<vmem>>)
        tpu.yield
      }) : () -> ()
      %run_scoped3A_27 = arith.constant 0 : i32
      "tpu.region"() ({
        %run_scoped3A_28 = tpu.sem_alloc : memref<!tpu.dma_semaphore, #tpu.memory_space<semaphore_mem>>
        %dma_start3A_29 = arith.constant 0 : i32
        %dma_start3A_30 = tpu.memref_slice %arg9[%run_scoped3A_27, %dma_start3A_29] : memref<1x128xi32, #tpu.memory_space<vmem>> -> memref<1x128xi32, #tpu.memory_space<vmem>>
        %dma_start3A_31 = tpu.memref_squeeze %dma_start3A_30 : memref<1x128xi32, #tpu.memory_space<vmem>> -> memref<128xi32, #tpu.memory_space<vmem>>
        %dma_start3A_32 = arith.constant 0 : i32
        %dma_start3A_33 = arith.constant 0 : i32
        %dma_start3A_34 = tpu.memref_slice %arg13[%dma_start3A_32, %dma_start3A_33] : memref<10240x128xf32, #tpu.memory_space<vmem_shared>> -> memref<10240x128xf32, #tpu.memory_space<vmem_shared>>
        tpu.enqueue_indirect_dma source(%arg11 : memref<128x128xf32, #tpu.memory_space<vmem>>) target(%dma_start3A_34 : memref<10240x128xf32, #tpu.memory_space<vmem_shared>>) offsets(%dma_start3A_31 : memref<128xi32, #tpu.memory_space<vmem>>) semaphore(%run_scoped3A_28 : memref<!tpu.dma_semaphore, #tpu.memory_space<semaphore_mem>>) {add = true}
        %dma_wait3A_35 = arith.constant 0 : i32
        %dma_wait3A_36 = tpu.memref_slice %arg9[%run_scoped3A_27, %dma_wait3A_35] : memref<1x128xi32, #tpu.memory_space<vmem>> -> memref<1x128xi32, #tpu.memory_space<vmem>>
        %dma_wait3A_37 = tpu.memref_squeeze %dma_wait3A_36 : memref<1x128xi32, #tpu.memory_space<vmem>> -> memref<128xi32, #tpu.memory_space<vmem>>
        %dma_wait3A_38 = arith.constant 0 : i32
        %dma_wait3A_39 = arith.constant 0 : i32
        %dma_wait3A_40 = tpu.memref_slice %arg13[%dma_wait3A_38, %dma_wait3A_39] : memref<10240x128xf32, #tpu.memory_space<vmem_shared>> -> memref<10240x128xf32, #tpu.memory_space<vmem_shared>>
        tpu.wait_indirect_dma semaphore(%run_scoped3A_28 : memref<!tpu.dma_semaphore, #tpu.memory_space<semaphore_mem>>) src(%arg11 : memref<128x128xf32, #tpu.memory_space<vmem>>) dst(%dma_wait3A_40 : memref<10240x128xf32, #tpu.memory_space<vmem_shared>>)
        tpu.yield
      }) : () -> ()
    }
    %while3A_15 = arith.constant 1 : i32
    scf.for %while3A_17 = %while3A_13 to %while3A_9 step %while3A_15  : i32 {
      %mul3A_18 = arith.constant 32 : i32
      %mul3A_19 = arith.muli %while3A_17, %mul3A_18 : i32
      %add3A_20 = arith.addi %add3A, %mul3A_19 : i32
      %mul3A_21 = arith.constant 128 : i32
      %mul3A_22 = arith.muli %add3A_20, %mul3A_21 : i32
      %multiple_of3A = tpu.assume_multiple %mul3A_22, 8 : i32
      "tpu.region"() ({
        %run_scoped3A_28 = tpu.sem_alloc : memref<!tpu.dma_semaphore, #tpu.memory_space<semaphore_mem>>
        %dma_start3A_29 = tpu.memref_slice %arg3[%multiple_of3A] : memref<327680xi32, #tpu.memory_space<hbm>> -> memref<128xi32, #tpu.memory_space<hbm>>
        %dma_start3A_30 = tpu.memref_slice %arg3[%multiple_of3A] : memref<327680xi32, #tpu.memory_space<hbm>> -> memref<128xi32, #tpu.memory_space<hbm>>
        tpu.enqueue_dma source(%dma_start3A_30 : memref<128xi32, #tpu.memory_space<hbm>>) target(%arg7 : memref<128xi32, #tpu.memory_space<vmem>>) target_semaphore(%run_scoped3A_28 : memref<!tpu.dma_semaphore, #tpu.memory_space<semaphore_mem>>)
        %dma_wait3A_31 = tpu.memref_slice %arg3[%multiple_of3A] : memref<327680xi32, #tpu.memory_space<hbm>> -> memref<128xi32, #tpu.memory_space<hbm>>
        %dma_wait3A_32 = tpu.memref_slice %arg3[%multiple_of3A] : memref<327680xi32, #tpu.memory_space<hbm>> -> memref<128xi32, #tpu.memory_space<hbm>>
        tpu.wait_dma2 semaphore(%run_scoped3A_28 : memref<!tpu.dma_semaphore, #tpu.memory_space<semaphore_mem>>) src(%dma_wait3A_32 : memref<128xi32, #tpu.memory_space<hbm>>) dst(%arg7 : memref<128xi32, #tpu.memory_space<vmem>>)
        tpu.yield
      }) : () -> ()
      %dma_start3A = arith.constant 0 : i32
      %dma_start3A_23 = arith.constant 0 : i32
      %dma_start3A_24 = tpu.memref_slice %arg2[%dma_start3A, %dma_start3A_23] : memref<10000x128xf32, #tpu.memory_space<hbm>> -> memref<10000x128xf32, #tpu.memory_space<hbm>>
      tpu.enqueue_indirect_dma source(%dma_start3A_24 : memref<10000x128xf32, #tpu.memory_space<hbm>>) target(%arg11 : memref<128x128xf32, #tpu.memory_space<vmem>>) offsets(%arg7 : memref<128xi32, #tpu.memory_space<vmem>>) semaphore(%arg14 : memref<!tpu.dma_semaphore, #tpu.memory_space<semaphore_mem>>)
      %dma_wait3A = arith.constant 0 : i32
      %dma_wait3A_25 = arith.constant 0 : i32
      %dma_wait3A_26 = tpu.memref_slice %arg2[%dma_wait3A, %dma_wait3A_25] : memref<10000x128xf32, #tpu.memory_space<hbm>> -> memref<10000x128xf32, #tpu.memory_space<hbm>>
      tpu.wait_indirect_dma semaphore(%arg14 : memref<!tpu.dma_semaphore, #tpu.memory_space<semaphore_mem>>) src(%dma_wait3A_26 : memref<10000x128xf32, #tpu.memory_space<hbm>>) dst(%arg11 : memref<128x128xf32, #tpu.memory_space<vmem>>)
      %run_scoped3A = arith.constant 0 : i32
      "tpu.region"() ({
        %run_scoped3A_28 = tpu.sem_alloc : memref<!tpu.dma_semaphore, #tpu.memory_space<semaphore_mem>>
        %dma_start3A_29 = arith.constant 0 : i32
        %dma_start3A_30 = tpu.memref_slice %arg9[%run_scoped3A, %dma_start3A_29] : memref<1x128xi32, #tpu.memory_space<vmem>> -> memref<1x128xi32, #tpu.memory_space<vmem>>
        %dma_start3A_31 = tpu.memref_squeeze %dma_start3A_30 : memref<1x128xi32, #tpu.memory_space<vmem>> -> memref<128xi32, #tpu.memory_space<vmem>>
        %dma_start3A_32 = tpu.memref_slice %arg4[%multiple_of3A] : memref<327680xi32, #tpu.memory_space<hbm>> -> memref<128xi32, #tpu.memory_space<hbm>>
        %dma_start3A_33 = arith.constant 0 : i32
        %dma_start3A_34 = tpu.memref_slice %arg9[%run_scoped3A, %dma_start3A_33] : memref<1x128xi32, #tpu.memory_space<vmem>> -> memref<1x128xi32, #tpu.memory_space<vmem>>
        %dma_start3A_35 = tpu.memref_squeeze %dma_start3A_34 : memref<1x128xi32, #tpu.memory_space<vmem>> -> memref<128xi32, #tpu.memory_space<vmem>>
        %dma_start3A_36 = tpu.memref_slice %arg4[%multiple_of3A] : memref<327680xi32, #tpu.memory_space<hbm>> -> memref<128xi32, #tpu.memory_space<hbm>>
        tpu.enqueue_dma source(%dma_start3A_36 : memref<128xi32, #tpu.memory_space<hbm>>) target(%dma_start3A_35 : memref<128xi32, #tpu.memory_space<vmem>>) target_semaphore(%run_scoped3A_28 : memref<!tpu.dma_semaphore, #tpu.memory_space<semaphore_mem>>)
        %dma_wait3A_37 = arith.constant 0 : i32
        %dma_wait3A_38 = tpu.memref_slice %arg9[%run_scoped3A, %dma_wait3A_37] : memref<1x128xi32, #tpu.memory_space<vmem>> -> memref<1x128xi32, #tpu.memory_space<vmem>>
        %dma_wait3A_39 = tpu.memref_squeeze %dma_wait3A_38 : memref<1x128xi32, #tpu.memory_space<vmem>> -> memref<128xi32, #tpu.memory_space<vmem>>
        %dma_wait3A_40 = tpu.memref_slice %arg4[%multiple_of3A] : memref<327680xi32, #tpu.memory_space<hbm>> -> memref<128xi32, #tpu.memory_space<hbm>>
        %dma_wait3A_41 = arith.constant 0 : i32
        %dma_wait3A_42 = tpu.memref_slice %arg9[%run_scoped3A, %dma_wait3A_41] : memref<1x128xi32, #tpu.memory_space<vmem>> -> memref<1x128xi32, #tpu.memory_space<vmem>>
        %dma_wait3A_43 = tpu.memref_squeeze %dma_wait3A_42 : memref<1x128xi32, #tpu.memory_space<vmem>> -> memref<128xi32, #tpu.memory_space<vmem>>
        %dma_wait3A_44 = tpu.memref_slice %arg4[%multiple_of3A] : memref<327680xi32, #tpu.memory_space<hbm>> -> memref<128xi32, #tpu.memory_space<hbm>>
        tpu.wait_dma2 semaphore(%run_scoped3A_28 : memref<!tpu.dma_semaphore, #tpu.memory_space<semaphore_mem>>) src(%dma_wait3A_44 : memref<128xi32, #tpu.memory_space<hbm>>) dst(%dma_wait3A_43 : memref<128xi32, #tpu.memory_space<vmem>>)
        tpu.yield
      }) : () -> ()
      %run_scoped3A_27 = arith.constant 0 : i32
      "tpu.region"() ({
        %run_scoped3A_28 = tpu.sem_alloc : memref<!tpu.dma_semaphore, #tpu.memory_space<semaphore_mem>>
        %dma_start3A_29 = arith.constant 0 : i32
        %dma_start3A_30 = tpu.memref_slice %arg9[%run_scoped3A_27, %dma_start3A_29] : memref<1x128xi32, #tpu.memory_space<vmem>> -> memref<1x128xi32, #tpu.memory_space<vmem>>
        %dma_start3A_31 = tpu.memref_squeeze %dma_start3A_30 : memref<1x128xi32, #tpu.memory_space<vmem>> -> memref<128xi32, #tpu.memory_space<vmem>>
        %dma_start3A_32 = arith.constant 0 : i32
        %dma_start3A_33 = arith.constant 0 : i32
        %dma_start3A_34 = tpu.memref_slice %arg13[%dma_start3A_32, %dma_start3A_33] : memref<10240x128xf32, #tpu.memory_space<vmem_shared>> -> memref<10240x128xf32, #tpu.memory_space<vmem_shared>>
        tpu.enqueue_indirect_dma source(%arg11 : memref<128x128xf32, #tpu.memory_space<vmem>>) target(%dma_start3A_34 : memref<10240x128xf32, #tpu.memory_space<vmem_shared>>) offsets(%dma_start3A_31 : memref<128xi32, #tpu.memory_space<vmem>>) semaphore(%run_scoped3A_28 : memref<!tpu.dma_semaphore, #tpu.memory_space<semaphore_mem>>) {add = true}
        %dma_wait3A_35 = arith.constant 0 : i32
        %dma_wait3A_36 = tpu.memref_slice %arg9[%run_scoped3A_27, %dma_wait3A_35] : memref<1x128xi32, #tpu.memory_space<vmem>> -> memref<1x128xi32, #tpu.memory_space<vmem>>
        %dma_wait3A_37 = tpu.memref_squeeze %dma_wait3A_36 : memref<1x128xi32, #tpu.memory_space<vmem>> -> memref<128xi32, #tpu.memory_space<vmem>>
        %dma_wait3A_38 = arith.constant 0 : i32
        %dma_wait3A_39 = arith.constant 0 : i32
        %dma_wait3A_40 = tpu.memref_slice %arg13[%dma_wait3A_38, %dma_wait3A_39] : memref<10240x128xf32, #tpu.memory_space<vmem_shared>> -> memref<10240x128xf32, #tpu.memory_space<vmem_shared>>
        tpu.wait_indirect_dma semaphore(%run_scoped3A_28 : memref<!tpu.dma_semaphore, #tpu.memory_space<semaphore_mem>>) src(%arg11 : memref<128x128xf32, #tpu.memory_space<vmem>>) dst(%dma_wait3A_40 : memref<10240x128xf32, #tpu.memory_space<vmem_shared>>)
        tpu.yield
      }) : () -> ()
    }
    %barrier3A_16 = arith.constant 0 : index
    tpu.barrier barrier_id(%barrier3A_16)
    "tpu.region"() ({
      %run_scoped3A = tpu.sem_alloc : memref<!tpu.dma_semaphore, #tpu.memory_space<semaphore_mem>>
      %dma_start3A = arith.constant 0 : i32
      %dma_start3A_17 = arith.constant 0 : i32
      %dma_start3A_18 = tpu.memref_slice %arg6[%arg0, %dma_start3A, %dma_start3A_17] : memref<2x10240x128xf32, #tpu.memory_space<hbm>> -> memref<1x10240x128xf32, #tpu.memory_space<hbm>>
      %dma_start3A_19 = tpu.memref_squeeze %dma_start3A_18 : memref<1x10240x128xf32, #tpu.memory_space<hbm>> -> memref<10240x128xf32, #tpu.memory_space<hbm>>
      %dma_start3A_20 = arith.constant 0 : i32
      %dma_start3A_21 = tpu.memref_slice %dma_start3A_19[%mul3A_2, %dma_start3A_20] : memref<10240x128xf32, #tpu.memory_space<hbm>> -> memref<640x128xf32, #tpu.memory_space<hbm>>
      %dma_start3A_22 = arith.constant 0 : i32
      %dma_start3A_23 = tpu.memref_slice %arg13[%mul3A_2, %dma_start3A_22] : memref<10240x128xf32, #tpu.memory_space<vmem_shared>> -> memref<640x128xf32, #tpu.memory_space<vmem_shared>>
      tpu.enqueue_dma source(%dma_start3A_23 : memref<640x128xf32, #tpu.memory_space<vmem_shared>>) target(%dma_start3A_21 : memref<640x128xf32, #tpu.memory_space<hbm>>) target_semaphore(%run_scoped3A : memref<!tpu.dma_semaphore, #tpu.memory_space<semaphore_mem>>)
      %dma_wait3A = arith.constant 0 : i32
      %dma_wait3A_24 = arith.constant 0 : i32
      %dma_wait3A_25 = tpu.memref_slice %arg6[%arg0, %dma_wait3A, %dma_wait3A_24] : memref<2x10240x128xf32, #tpu.memory_space<hbm>> -> memref<1x10240x128xf32, #tpu.memory_space<hbm>>
      %dma_wait3A_26 = tpu.memref_squeeze %dma_wait3A_25 : memref<1x10240x128xf32, #tpu.memory_space<hbm>> -> memref<10240x128xf32, #tpu.memory_space<hbm>>
      %dma_wait3A_27 = arith.constant 0 : i32
      %dma_wait3A_28 = tpu.memref_slice %dma_wait3A_26[%mul3A_2, %dma_wait3A_27] : memref<10240x128xf32, #tpu.memory_space<hbm>> -> memref<640x128xf32, #tpu.memory_space<hbm>>
      %dma_wait3A_29 = arith.constant 0 : i32
      %dma_wait3A_30 = tpu.memref_slice %arg13[%mul3A_2, %dma_wait3A_29] : memref<10240x128xf32, #tpu.memory_space<vmem_shared>> -> memref<640x128xf32, #tpu.memory_space<vmem_shared>>
      tpu.wait_dma2 semaphore(%run_scoped3A : memref<!tpu.dma_semaphore, #tpu.memory_space<semaphore_mem>>) src(%dma_wait3A_30 : memref<640x128xf32, #tpu.memory_space<vmem_shared>>) dst(%dma_wait3A_28 : memref<640x128xf32, #tpu.memory_space<hbm>>)
      tpu.yield
    }) : () -> ()
    return
  }
}

#map = affine_map<(d0, d1) -> (0, 0)>
#map1 = affine_map<(d0, d1) -> (0)>
#map2 = affine_map<(d0, d1) -> (0, 0, 0)>
module attributes {stable_mosaic.version = 14 : i64} {
  func.func @_agg_kernel(%arg0: i32, %arg1: i32, %arg2: memref<10000x128xf32, #tpu.memory_space<hbm>>, %arg3: memref<327680xi32, #tpu.memory_space<hbm>>, %arg4: memref<327680xi32, #tpu.memory_space<hbm>>, %arg5: memref<10240x128xf32, #tpu.memory_space<hbm>>, %arg6: memref<2x10240x128xf32, #tpu.memory_space<hbm>>, %arg7: memref<128xi32, #tpu.memory_space<vmem>>, %arg8: memref<128xi32, #tpu.memory_space<vmem>>, %arg9: memref<1x128xi32, #tpu.memory_space<vmem>>, %arg10: memref<1x128xi32, #tpu.memory_space<vmem>>, %arg11: memref<128x128xf32, #tpu.memory_space<vmem>>, %arg12: memref<128x128xf32, #tpu.memory_space<vmem>>, %arg13: memref<10240x128xf32, #tpu.memory_space<vmem_shared>>, %arg14: memref<!tpu.dma_semaphore, #tpu.memory_space<semaphore_mem>>, %arg15: memref<!tpu.dma_semaphore, #tpu.memory_space<semaphore_mem>>) attributes {dimension_semantics = [#tpu.dimension_semantics<core_parallel>, #tpu.dimension_semantics<subcore_parallel>], iteration_bounds = array<i64: 2, 16>, scalar_prefetch = 0 : i64, scratch_operands = 9 : i64, tpu.core_type = #tpu.core_type<sc_vector_subcore>, window_params = [{transform_indices = #map}, {transform_indices = #map1}, {transform_indices = #map1}, {transform_indices = #map}, {transform_indices = #map2}]} {
    %mul3A = arith.constant 16 : i32
    %mul3A_0 = arith.muli %arg0, %mul3A : i32
    %add3A = arith.addi %mul3A_0, %arg1 : i32
    %mul3A_1 = arith.constant 640 : i32
    %mul3A_2 = arith.muli %arg1, %mul3A_1 : i32
    "tpu.region"() ({
      %run_scoped3A = tpu.sem_alloc : memref<!tpu.dma_semaphore, #tpu.memory_space<semaphore_mem>>
      %dma_start3A = arith.constant 0 : i32
      %dma_start3A_17 = tpu.memref_slice %arg13[%mul3A_2, %dma_start3A] : memref<10240x128xf32, #tpu.memory_space<vmem_shared>> -> memref<640x128xf32, #tpu.memory_space<vmem_shared>>
      %dma_start3A_18 = arith.constant 0 : i32
      %dma_start3A_19 = tpu.memref_slice %arg5[%mul3A_2, %dma_start3A_18] : memref<10240x128xf32, #tpu.memory_space<hbm>> -> memref<640x128xf32, #tpu.memory_space<hbm>>
      tpu.enqueue_dma source(%dma_start3A_19 : memref<640x128xf32, #tpu.memory_space<hbm>>) target(%dma_start3A_17 : memref<640x128xf32, #tpu.memory_space<vmem_shared>>) target_semaphore(%run_scoped3A : memref<!tpu.dma_semaphore, #tpu.memory_space<semaphore_mem>>)
      %dma_wait3A = arith.constant 0 : i32
      %dma_wait3A_20 = tpu.memref_slice %arg13[%mul3A_2, %dma_wait3A] : memref<10240x128xf32, #tpu.memory_space<vmem_shared>> -> memref<640x128xf32, #tpu.memory_space<vmem_shared>>
      %dma_wait3A_21 = arith.constant 0 : i32
      %dma_wait3A_22 = tpu.memref_slice %arg5[%mul3A_2, %dma_wait3A_21] : memref<10240x128xf32, #tpu.memory_space<hbm>> -> memref<640x128xf32, #tpu.memory_space<hbm>>
      tpu.wait_dma2 semaphore(%run_scoped3A : memref<!tpu.dma_semaphore, #tpu.memory_space<semaphore_mem>>) src(%dma_wait3A_22 : memref<640x128xf32, #tpu.memory_space<hbm>>) dst(%dma_wait3A_20 : memref<640x128xf32, #tpu.memory_space<vmem_shared>>)
      tpu.yield
    }) : () -> ()
    %barrier3A = arith.constant 0 : index
    tpu.barrier barrier_id(%barrier3A)
    %lt3A = arith.constant 4 : i32
    %lt3A_3 = arith.cmpi slt, %add3A, %lt3A : i32
    %jit3A = arith.constant 1 : i32
    %jit3A_4 = arith.constant 0 : i32
    %select_n3A = arith.select %lt3A_3, %jit3A, %jit3A_4 : i32
    %add3A_5 = arith.constant 78 : i32
    %add3A_6 = arith.addi %add3A_5, %select_n3A : i32
    %while3A = arith.constant 0 : i32
    %while3A_7 = arith.constant 0 : i32
    %while3A_8 = arith.subi %add3A_6, %while3A_7 : i32
    %while3A_9 = arith.addi %while3A_7, %while3A_8 : i32
    %while3A_10 = arith.constant 1 : i32
    %while3A_11 = arith.divsi %while3A_8, %while3A_10 : i32
    %while3A_12 = arith.muli %while3A_11, %while3A_10 : i32
    %while3A_13 = arith.addi %while3A_7, %while3A_12 : i32
    %while3A_14 = arith.constant 1 : i32
    scf.for %while3A_17 = %while3A_7 to %while3A_13 step %while3A_14  : i32 {
      %mul3A_18 = arith.constant 32 : i32
      %mul3A_19 = arith.muli %while3A_17, %mul3A_18 : i32
      %add3A_20 = arith.addi %add3A, %mul3A_19 : i32
      %mul3A_21 = arith.constant 128 : i32
      %mul3A_22 = arith.muli %add3A_20, %mul3A_21 : i32
      %multiple_of3A = tpu.assume_multiple %mul3A_22, 8 : i32
      "tpu.region"() ({
        %run_scoped3A_28 = tpu.sem_alloc : memref<!tpu.dma_semaphore, #tpu.memory_space<semaphore_mem>>
        %dma_start3A_29 = tpu.memref_slice %arg3[%multiple_of3A] : memref<327680xi32, #tpu.memory_space<hbm>> -> memref<128xi32, #tpu.memory_space<hbm>>
        %dma_start3A_30 = tpu.memref_slice %arg3[%multiple_of3A] : memref<327680xi32, #tpu.memory_space<hbm>> -> memref<128xi32, #tpu.memory_space<hbm>>
        tpu.enqueue_dma source(%dma_start3A_30 : memref<128xi32, #tpu.memory_space<hbm>>) target(%arg7 : memref<128xi32, #tpu.memory_space<vmem>>) target_semaphore(%run_scoped3A_28 : memref<!tpu.dma_semaphore, #tpu.memory_space<semaphore_mem>>)
        %dma_wait3A_31 = tpu.memref_slice %arg3[%multiple_of3A] : memref<327680xi32, #tpu.memory_space<hbm>> -> memref<128xi32, #tpu.memory_space<hbm>>
        %dma_wait3A_32 = tpu.memref_slice %arg3[%multiple_of3A] : memref<327680xi32, #tpu.memory_space<hbm>> -> memref<128xi32, #tpu.memory_space<hbm>>
        tpu.wait_dma2 semaphore(%run_scoped3A_28 : memref<!tpu.dma_semaphore, #tpu.memory_space<semaphore_mem>>) src(%dma_wait3A_32 : memref<128xi32, #tpu.memory_space<hbm>>) dst(%arg7 : memref<128xi32, #tpu.memory_space<vmem>>)
        tpu.yield
      }) : () -> ()
      %dma_start3A = arith.constant 0 : i32
      %dma_start3A_23 = arith.constant 0 : i32
      %dma_start3A_24 = tpu.memref_slice %arg2[%dma_start3A, %dma_start3A_23] : memref<10000x128xf32, #tpu.memory_space<hbm>> -> memref<10000x128xf32, #tpu.memory_space<hbm>>
      tpu.enqueue_indirect_dma source(%dma_start3A_24 : memref<10000x128xf32, #tpu.memory_space<hbm>>) target(%arg11 : memref<128x128xf32, #tpu.memory_space<vmem>>) offsets(%arg7 : memref<128xi32, #tpu.memory_space<vmem>>) semaphore(%arg14 : memref<!tpu.dma_semaphore, #tpu.memory_space<semaphore_mem>>)
      %dma_wait3A = arith.constant 0 : i32
      %dma_wait3A_25 = arith.constant 0 : i32
      %dma_wait3A_26 = tpu.memref_slice %arg2[%dma_wait3A, %dma_wait3A_25] : memref<10000x128xf32, #tpu.memory_space<hbm>> -> memref<10000x128xf32, #tpu.memory_space<hbm>>
      tpu.wait_indirect_dma semaphore(%arg14 : memref<!tpu.dma_semaphore, #tpu.memory_space<semaphore_mem>>) src(%dma_wait3A_26 : memref<10000x128xf32, #tpu.memory_space<hbm>>) dst(%arg11 : memref<128x128xf32, #tpu.memory_space<vmem>>)
      %run_scoped3A = arith.constant 0 : i32
      "tpu.region"() ({
        %run_scoped3A_28 = tpu.sem_alloc : memref<!tpu.dma_semaphore, #tpu.memory_space<semaphore_mem>>
        %dma_start3A_29 = arith.constant 0 : i32
        %dma_start3A_30 = tpu.memref_slice %arg9[%run_scoped3A, %dma_start3A_29] : memref<1x128xi32, #tpu.memory_space<vmem>> -> memref<1x128xi32, #tpu.memory_space<vmem>>
        %dma_start3A_31 = tpu.memref_squeeze %dma_start3A_30 : memref<1x128xi32, #tpu.memory_space<vmem>> -> memref<128xi32, #tpu.memory_space<vmem>>
        %dma_start3A_32 = tpu.memref_slice %arg4[%multiple_of3A] : memref<327680xi32, #tpu.memory_space<hbm>> -> memref<128xi32, #tpu.memory_space<hbm>>
        %dma_start3A_33 = arith.constant 0 : i32
        %dma_start3A_34 = tpu.memref_slice %arg9[%run_scoped3A, %dma_start3A_33] : memref<1x128xi32, #tpu.memory_space<vmem>> -> memref<1x128xi32, #tpu.memory_space<vmem>>
        %dma_start3A_35 = tpu.memref_squeeze %dma_start3A_34 : memref<1x128xi32, #tpu.memory_space<vmem>> -> memref<128xi32, #tpu.memory_space<vmem>>
        %dma_start3A_36 = tpu.memref_slice %arg4[%multiple_of3A] : memref<327680xi32, #tpu.memory_space<hbm>> -> memref<128xi32, #tpu.memory_space<hbm>>
        tpu.enqueue_dma source(%dma_start3A_36 : memref<128xi32, #tpu.memory_space<hbm>>) target(%dma_start3A_35 : memref<128xi32, #tpu.memory_space<vmem>>) target_semaphore(%run_scoped3A_28 : memref<!tpu.dma_semaphore, #tpu.memory_space<semaphore_mem>>)
        %dma_wait3A_37 = arith.constant 0 : i32
        %dma_wait3A_38 = tpu.memref_slice %arg9[%run_scoped3A, %dma_wait3A_37] : memref<1x128xi32, #tpu.memory_space<vmem>> -> memref<1x128xi32, #tpu.memory_space<vmem>>
        %dma_wait3A_39 = tpu.memref_squeeze %dma_wait3A_38 : memref<1x128xi32, #tpu.memory_space<vmem>> -> memref<128xi32, #tpu.memory_space<vmem>>
        %dma_wait3A_40 = tpu.memref_slice %arg4[%multiple_of3A] : memref<327680xi32, #tpu.memory_space<hbm>> -> memref<128xi32, #tpu.memory_space<hbm>>
        %dma_wait3A_41 = arith.constant 0 : i32
        %dma_wait3A_42 = tpu.memref_slice %arg9[%run_scoped3A, %dma_wait3A_41] : memref<1x128xi32, #tpu.memory_space<vmem>> -> memref<1x128xi32, #tpu.memory_space<vmem>>
        %dma_wait3A_43 = tpu.memref_squeeze %dma_wait3A_42 : memref<1x128xi32, #tpu.memory_space<vmem>> -> memref<128xi32, #tpu.memory_space<vmem>>
        %dma_wait3A_44 = tpu.memref_slice %arg4[%multiple_of3A] : memref<327680xi32, #tpu.memory_space<hbm>> -> memref<128xi32, #tpu.memory_space<hbm>>
        tpu.wait_dma2 semaphore(%run_scoped3A_28 : memref<!tpu.dma_semaphore, #tpu.memory_space<semaphore_mem>>) src(%dma_wait3A_44 : memref<128xi32, #tpu.memory_space<hbm>>) dst(%dma_wait3A_43 : memref<128xi32, #tpu.memory_space<vmem>>)
        tpu.yield
      }) : () -> ()
      %run_scoped3A_27 = arith.constant 0 : i32
      "tpu.region"() ({
        %run_scoped3A_28 = tpu.sem_alloc : memref<!tpu.dma_semaphore, #tpu.memory_space<semaphore_mem>>
        %dma_start3A_29 = arith.constant 0 : i32
        %dma_start3A_30 = tpu.memref_slice %arg9[%run_scoped3A_27, %dma_start3A_29] : memref<1x128xi32, #tpu.memory_space<vmem>> -> memref<1x128xi32, #tpu.memory_space<vmem>>
        %dma_start3A_31 = tpu.memref_squeeze %dma_start3A_30 : memref<1x128xi32, #tpu.memory_space<vmem>> -> memref<128xi32, #tpu.memory_space<vmem>>
        %dma_start3A_32 = arith.constant 0 : i32
        %dma_start3A_33 = arith.constant 0 : i32
        %dma_start3A_34 = tpu.memref_slice %arg13[%dma_start3A_32, %dma_start3A_33] : memref<10240x128xf32, #tpu.memory_space<vmem_shared>> -> memref<10240x128xf32, #tpu.memory_space<vmem_shared>>
        tpu.enqueue_indirect_dma source(%arg11 : memref<128x128xf32, #tpu.memory_space<vmem>>) target(%dma_start3A_34 : memref<10240x128xf32, #tpu.memory_space<vmem_shared>>) offsets(%dma_start3A_31 : memref<128xi32, #tpu.memory_space<vmem>>) semaphore(%run_scoped3A_28 : memref<!tpu.dma_semaphore, #tpu.memory_space<semaphore_mem>>) {add = true}
        %dma_wait3A_35 = arith.constant 0 : i32
        %dma_wait3A_36 = tpu.memref_slice %arg9[%run_scoped3A_27, %dma_wait3A_35] : memref<1x128xi32, #tpu.memory_space<vmem>> -> memref<1x128xi32, #tpu.memory_space<vmem>>
        %dma_wait3A_37 = tpu.memref_squeeze %dma_wait3A_36 : memref<1x128xi32, #tpu.memory_space<vmem>> -> memref<128xi32, #tpu.memory_space<vmem>>
        %dma_wait3A_38 = arith.constant 0 : i32
        %dma_wait3A_39 = arith.constant 0 : i32
        %dma_wait3A_40 = tpu.memref_slice %arg13[%dma_wait3A_38, %dma_wait3A_39] : memref<10240x128xf32, #tpu.memory_space<vmem_shared>> -> memref<10240x128xf32, #tpu.memory_space<vmem_shared>>
        tpu.wait_indirect_dma semaphore(%run_scoped3A_28 : memref<!tpu.dma_semaphore, #tpu.memory_space<semaphore_mem>>) src(%arg11 : memref<128x128xf32, #tpu.memory_space<vmem>>) dst(%dma_wait3A_40 : memref<10240x128xf32, #tpu.memory_space<vmem_shared>>)
        tpu.yield
      }) : () -> ()
    }
    %while3A_15 = arith.constant 1 : i32
    scf.for %while3A_17 = %while3A_13 to %while3A_9 step %while3A_15  : i32 {
      %mul3A_18 = arith.constant 32 : i32
      %mul3A_19 = arith.muli %while3A_17, %mul3A_18 : i32
      %add3A_20 = arith.addi %add3A, %mul3A_19 : i32
      %mul3A_21 = arith.constant 128 : i32
      %mul3A_22 = arith.muli %add3A_20, %mul3A_21 : i32
      %multiple_of3A = tpu.assume_multiple %mul3A_22, 8 : i32
      "tpu.region"() ({
        %run_scoped3A_28 = tpu.sem_alloc : memref<!tpu.dma_semaphore, #tpu.memory_space<semaphore_mem>>
        %dma_start3A_29 = tpu.memref_slice %arg3[%multiple_of3A] : memref<327680xi32, #tpu.memory_space<hbm>> -> memref<128xi32, #tpu.memory_space<hbm>>
        %dma_start3A_30 = tpu.memref_slice %arg3[%multiple_of3A] : memref<327680xi32, #tpu.memory_space<hbm>> -> memref<128xi32, #tpu.memory_space<hbm>>
        tpu.enqueue_dma source(%dma_start3A_30 : memref<128xi32, #tpu.memory_space<hbm>>) target(%arg7 : memref<128xi32, #tpu.memory_space<vmem>>) target_semaphore(%run_scoped3A_28 : memref<!tpu.dma_semaphore, #tpu.memory_space<semaphore_mem>>)
        %dma_wait3A_31 = tpu.memref_slice %arg3[%multiple_of3A] : memref<327680xi32, #tpu.memory_space<hbm>> -> memref<128xi32, #tpu.memory_space<hbm>>
        %dma_wait3A_32 = tpu.memref_slice %arg3[%multiple_of3A] : memref<327680xi32, #tpu.memory_space<hbm>> -> memref<128xi32, #tpu.memory_space<hbm>>
        tpu.wait_dma2 semaphore(%run_scoped3A_28 : memref<!tpu.dma_semaphore, #tpu.memory_space<semaphore_mem>>) src(%dma_wait3A_32 : memref<128xi32, #tpu.memory_space<hbm>>) dst(%arg7 : memref<128xi32, #tpu.memory_space<vmem>>)
        tpu.yield
      }) : () -> ()
      %dma_start3A = arith.constant 0 : i32
      %dma_start3A_23 = arith.constant 0 : i32
      %dma_start3A_24 = tpu.memref_slice %arg2[%dma_start3A, %dma_start3A_23] : memref<10000x128xf32, #tpu.memory_space<hbm>> -> memref<10000x128xf32, #tpu.memory_space<hbm>>
      tpu.enqueue_indirect_dma source(%dma_start3A_24 : memref<10000x128xf32, #tpu.memory_space<hbm>>) target(%arg11 : memref<128x128xf32, #tpu.memory_space<vmem>>) offsets(%arg7 : memref<128xi32, #tpu.memory_space<vmem>>) semaphore(%arg14 : memref<!tpu.dma_semaphore, #tpu.memory_space<semaphore_mem>>)
      %dma_wait3A = arith.constant 0 : i32
      %dma_wait3A_25 = arith.constant 0 : i32
      %dma_wait3A_26 = tpu.memref_slice %arg2[%dma_wait3A, %dma_wait3A_25] : memref<10000x128xf32, #tpu.memory_space<hbm>> -> memref<10000x128xf32, #tpu.memory_space<hbm>>
      tpu.wait_indirect_dma semaphore(%arg14 : memref<!tpu.dma_semaphore, #tpu.memory_space<semaphore_mem>>) src(%dma_wait3A_26 : memref<10000x128xf32, #tpu.memory_space<hbm>>) dst(%arg11 : memref<128x128xf32, #tpu.memory_space<vmem>>)
      %run_scoped3A = arith.constant 0 : i32
      "tpu.region"() ({
        %run_scoped3A_28 = tpu.sem_alloc : memref<!tpu.dma_semaphore, #tpu.memory_space<semaphore_mem>>
        %dma_start3A_29 = arith.constant 0 : i32
        %dma_start3A_30 = tpu.memref_slice %arg9[%run_scoped3A, %dma_start3A_29] : memref<1x128xi32, #tpu.memory_space<vmem>> -> memref<1x128xi32, #tpu.memory_space<vmem>>
        %dma_start3A_31 = tpu.memref_squeeze %dma_start3A_30 : memref<1x128xi32, #tpu.memory_space<vmem>> -> memref<128xi32, #tpu.memory_space<vmem>>
        %dma_start3A_32 = tpu.memref_slice %arg4[%multiple_of3A] : memref<327680xi32, #tpu.memory_space<hbm>> -> memref<128xi32, #tpu.memory_space<hbm>>
        %dma_start3A_33 = arith.constant 0 : i32
        %dma_start3A_34 = tpu.memref_slice %arg9[%run_scoped3A, %dma_start3A_33] : memref<1x128xi32, #tpu.memory_space<vmem>> -> memref<1x128xi32, #tpu.memory_space<vmem>>
        %dma_start3A_35 = tpu.memref_squeeze %dma_start3A_34 : memref<1x128xi32, #tpu.memory_space<vmem>> -> memref<128xi32, #tpu.memory_space<vmem>>
        %dma_start3A_36 = tpu.memref_slice %arg4[%multiple_of3A] : memref<327680xi32, #tpu.memory_space<hbm>> -> memref<128xi32, #tpu.memory_space<hbm>>
        tpu.enqueue_dma source(%dma_start3A_36 : memref<128xi32, #tpu.memory_space<hbm>>) target(%dma_start3A_35 : memref<128xi32, #tpu.memory_space<vmem>>) target_semaphore(%run_scoped3A_28 : memref<!tpu.dma_semaphore, #tpu.memory_space<semaphore_mem>>)
        %dma_wait3A_37 = arith.constant 0 : i32
        %dma_wait3A_38 = tpu.memref_slice %arg9[%run_scoped3A, %dma_wait3A_37] : memref<1x128xi32, #tpu.memory_space<vmem>> -> memref<1x128xi32, #tpu.memory_space<vmem>>
        %dma_wait3A_39 = tpu.memref_squeeze %dma_wait3A_38 : memref<1x128xi32, #tpu.memory_space<vmem>> -> memref<128xi32, #tpu.memory_space<vmem>>
        %dma_wait3A_40 = tpu.memref_slice %arg4[%multiple_of3A] : memref<327680xi32, #tpu.memory_space<hbm>> -> memref<128xi32, #tpu.memory_space<hbm>>
        %dma_wait3A_41 = arith.constant 0 : i32
        %dma_wait3A_42 = tpu.memref_slice %arg9[%run_scoped3A, %dma_wait3A_41] : memref<1x128xi32, #tpu.memory_space<vmem>> -> memref<1x128xi32, #tpu.memory_space<vmem>>
        %dma_wait3A_43 = tpu.memref_squeeze %dma_wait3A_42 : memref<1x128xi32, #tpu.memory_space<vmem>> -> memref<128xi32, #tpu.memory_space<vmem>>
        %dma_wait3A_44 = tpu.memref_slice %arg4[%multiple_of3A] : memref<327680xi32, #tpu.memory_space<hbm>> -> memref<128xi32, #tpu.memory_space<hbm>>
        tpu.wait_dma2 semaphore(%run_scoped3A_28 : memref<!tpu.dma_semaphore, #tpu.memory_space<semaphore_mem>>) src(%dma_wait3A_44 : memref<128xi32, #tpu.memory_space<hbm>>) dst(%dma_wait3A_43 : memref<128xi32, #tpu.memory_space<vmem>>)
        tpu.yield
      }) : () -> ()
      %run_scoped3A_27 = arith.constant 0 : i32
      "tpu.region"() ({
        %run_scoped3A_28 = tpu.sem_alloc : memref<!tpu.dma_semaphore, #tpu.memory_space<semaphore_mem>>
        %dma_start3A_29 = arith.constant 0 : i32
        %dma_start3A_30 = tpu.memref_slice %arg9[%run_scoped3A_27, %dma_start3A_29] : memref<1x128xi32, #tpu.memory_space<vmem>> -> memref<1x128xi32, #tpu.memory_space<vmem>>
        %dma_start3A_31 = tpu.memref_squeeze %dma_start3A_30 : memref<1x128xi32, #tpu.memory_space<vmem>> -> memref<128xi32, #tpu.memory_space<vmem>>
        %dma_start3A_32 = arith.constant 0 : i32
        %dma_start3A_33 = arith.constant 0 : i32
        %dma_start3A_34 = tpu.memref_slice %arg13[%dma_start3A_32, %dma_start3A_33] : memref<10240x128xf32, #tpu.memory_space<vmem_shared>> -> memref<10240x128xf32, #tpu.memory_space<vmem_shared>>
        tpu.enqueue_indirect_dma source(%arg11 : memref<128x128xf32, #tpu.memory_space<vmem>>) target(%dma_start3A_34 : memref<10240x128xf32, #tpu.memory_space<vmem_shared>>) offsets(%dma_start3A_31 : memref<128xi32, #tpu.memory_space<vmem>>) semaphore(%run_scoped3A_28 : memref<!tpu.dma_semaphore, #tpu.memory_space<semaphore_mem>>) {add = true}
        %dma_wait3A_35 = arith.constant 0 : i32
        %dma_wait3A_36 = tpu.memref_slice %arg9[%run_scoped3A_27, %dma_wait3A_35] : memref<1x128xi32, #tpu.memory_space<vmem>> -> memref<1x128xi32, #tpu.memory_space<vmem>>
        %dma_wait3A_37 = tpu.memref_squeeze %dma_wait3A_36 : memref<1x128xi32, #tpu.memory_space<vmem>> -> memref<128xi32, #tpu.memory_space<vmem>>
        %dma_wait3A_38 = arith.constant 0 : i32
        %dma_wait3A_39 = arith.constant 0 : i32
        %dma_wait3A_40 = tpu.memref_slice %arg13[%dma_wait3A_38, %dma_wait3A_39] : memref<10240x128xf32, #tpu.memory_space<vmem_shared>> -> memref<10240x128xf32, #tpu.memory_space<vmem_shared>>
        tpu.wait_indirect_dma semaphore(%run_scoped3A_28 : memref<!tpu.dma_semaphore, #tpu.memory_space<semaphore_mem>>) src(%arg11 : memref<128x128xf32, #tpu.memory_space<vmem>>) dst(%dma_wait3A_40 : memref<10240x128xf32, #tpu.memory_space<vmem_shared>>)
        tpu.yield
      }) : () -> ()
    }
    %barrier3A_16 = arith.constant 0 : index
    tpu.barrier barrier_id(%barrier3A_16)
    "tpu.region"() ({
      %run_scoped3A = tpu.sem_alloc : memref<!tpu.dma_semaphore, #tpu.memory_space<semaphore_mem>>
      %dma_start3A = arith.constant 0 : i32
      %dma_start3A_17 = arith.constant 0 : i32
      %dma_start3A_18 = tpu.memref_slice %arg6[%arg0, %dma_start3A, %dma_start3A_17] : memref<2x10240x128xf32, #tpu.memory_space<hbm>> -> memref<1x10240x128xf32, #tpu.memory_space<hbm>>
      %dma_start3A_19 = tpu.memref_squeeze %dma_start3A_18 : memref<1x10240x128xf32, #tpu.memory_space<hbm>> -> memref<10240x128xf32, #tpu.memory_space<hbm>>
      %dma_start3A_20 = arith.constant 0 : i32
      %dma_start3A_21 = tpu.memref_slice %dma_start3A_19[%mul3A_2, %dma_start3A_20] : memref<10240x128xf32, #tpu.memory_space<hbm>> -> memref<640x128xf32, #tpu.memory_space<hbm>>
      %dma_start3A_22 = arith.constant 0 : i32
      %dma_start3A_23 = tpu.memref_slice %arg13[%mul3A_2, %dma_start3A_22] : memref<10240x128xf32, #tpu.memory_space<vmem_shared>> -> memref<640x128xf32, #tpu.memory_space<vmem_shared>>
      tpu.enqueue_dma source(%dma_start3A_23 : memref<640x128xf32, #tpu.memory_space<vmem_shared>>) target(%dma_start3A_21 : memref<640x128xf32, #tpu.memory_space<hbm>>) target_semaphore(%run_scoped3A : memref<!tpu.dma_semaphore, #tpu.memory_space<semaphore_mem>>)
      %dma_wait3A = arith.constant 0 : i32
      %dma_wait3A_24 = arith.constant 0 : i32
      %dma_wait3A_25 = tpu.memref_slice %arg6[%arg0, %dma_wait3A, %dma_wait3A_24] : memref<2x10240x128xf32, #tpu.memory_space<hbm>> -> memref<1x10240x128xf32, #tpu.memory_space<hbm>>
      %dma_wait3A_26 = tpu.memref_squeeze %dma_wait3A_25 : memref<1x10240x128xf32, #tpu.memory_space<hbm>> -> memref<10240x128xf32, #tpu.memory_space<hbm>>
      %dma_wait3A_27 = arith.constant 0 : i32
      %dma_wait3A_28 = tpu.memref_slice %dma_wait3A_26[%mul3A_2, %dma_wait3A_27] : memref<10240x128xf32, #tpu.memory_space<hbm>> -> memref<640x128xf32, #tpu.memory_space<hbm>>
      %dma_wait3A_29 = arith.constant 0 : i32
      %dma_wait3A_30 = tpu.memref_slice %arg13[%mul3A_2, %dma_wait3A_29] : memref<10240x128xf32, #tpu.memory_space<vmem_shared>> -> memref<640x128xf32, #tpu.memory_space<vmem_shared>>
      tpu.wait_dma2 semaphore(%run_scoped3A : memref<!tpu.dma_semaphore, #tpu.memory_space<semaphore_mem>>) src(%dma_wait3A_30 : memref<640x128xf32, #tpu.memory_space<vmem_shared>>) dst(%dma_wait3A_28 : memref<640x128xf32, #tpu.memory_space<hbm>>)
      tpu.yield
    }) : () -> ()
    return
  }
}

#map = affine_map<(d0, d1) -> (0, 0)>
#map1 = affine_map<(d0, d1) -> (0)>
#map2 = affine_map<(d0, d1) -> (0, 0, 0)>
module attributes {stable_mosaic.version = 14 : i64} {
  func.func @_agg_kernel(%arg0: i32, %arg1: i32, %arg2: memref<10000x128xf32, #tpu.memory_space<hbm>>, %arg3: memref<327680xi32, #tpu.memory_space<hbm>>, %arg4: memref<327680xi32, #tpu.memory_space<hbm>>, %arg5: memref<10240x128xf32, #tpu.memory_space<hbm>>, %arg6: memref<2x10240x128xf32, #tpu.memory_space<hbm>>, %arg7: memref<128xi32, #tpu.memory_space<vmem>>, %arg8: memref<128xi32, #tpu.memory_space<vmem>>, %arg9: memref<1x128xi32, #tpu.memory_space<vmem>>, %arg10: memref<1x128xi32, #tpu.memory_space<vmem>>, %arg11: memref<128x128xf32, #tpu.memory_space<vmem>>, %arg12: memref<128x128xf32, #tpu.memory_space<vmem>>, %arg13: memref<10240x128xf32, #tpu.memory_space<vmem_shared>>, %arg14: memref<!tpu.dma_semaphore, #tpu.memory_space<semaphore_mem>>, %arg15: memref<!tpu.dma_semaphore, #tpu.memory_space<semaphore_mem>>) attributes {dimension_semantics = [#tpu.dimension_semantics<core_parallel>, #tpu.dimension_semantics<subcore_parallel>], iteration_bounds = array<i64: 2, 16>, scalar_prefetch = 0 : i64, scratch_operands = 9 : i64, tpu.core_type = #tpu.core_type<sc_vector_subcore>, window_params = [{transform_indices = #map}, {transform_indices = #map1}, {transform_indices = #map1}, {transform_indices = #map}, {transform_indices = #map2}]} {
    %mul3A = arith.constant 16 : i32
    %mul3A_0 = arith.muli %arg0, %mul3A : i32
    %add3A = arith.addi %mul3A_0, %arg1 : i32
    %mul3A_1 = arith.constant 640 : i32
    %mul3A_2 = arith.muli %arg1, %mul3A_1 : i32
    "tpu.region"() ({
      %run_scoped3A = tpu.sem_alloc : memref<!tpu.dma_semaphore, #tpu.memory_space<semaphore_mem>>
      %dma_start3A = arith.constant 0 : i32
      %dma_start3A_17 = tpu.memref_slice %arg13[%mul3A_2, %dma_start3A] : memref<10240x128xf32, #tpu.memory_space<vmem_shared>> -> memref<640x128xf32, #tpu.memory_space<vmem_shared>>
      %dma_start3A_18 = arith.constant 0 : i32
      %dma_start3A_19 = tpu.memref_slice %arg5[%mul3A_2, %dma_start3A_18] : memref<10240x128xf32, #tpu.memory_space<hbm>> -> memref<640x128xf32, #tpu.memory_space<hbm>>
      tpu.enqueue_dma source(%dma_start3A_19 : memref<640x128xf32, #tpu.memory_space<hbm>>) target(%dma_start3A_17 : memref<640x128xf32, #tpu.memory_space<vmem_shared>>) target_semaphore(%run_scoped3A : memref<!tpu.dma_semaphore, #tpu.memory_space<semaphore_mem>>)
      %dma_wait3A = arith.constant 0 : i32
      %dma_wait3A_20 = tpu.memref_slice %arg13[%mul3A_2, %dma_wait3A] : memref<10240x128xf32, #tpu.memory_space<vmem_shared>> -> memref<640x128xf32, #tpu.memory_space<vmem_shared>>
      %dma_wait3A_21 = arith.constant 0 : i32
      %dma_wait3A_22 = tpu.memref_slice %arg5[%mul3A_2, %dma_wait3A_21] : memref<10240x128xf32, #tpu.memory_space<hbm>> -> memref<640x128xf32, #tpu.memory_space<hbm>>
      tpu.wait_dma2 semaphore(%run_scoped3A : memref<!tpu.dma_semaphore, #tpu.memory_space<semaphore_mem>>) src(%dma_wait3A_22 : memref<640x128xf32, #tpu.memory_space<hbm>>) dst(%dma_wait3A_20 : memref<640x128xf32, #tpu.memory_space<vmem_shared>>)
      tpu.yield
    }) : () -> ()
    %barrier3A = arith.constant 0 : index
    tpu.barrier barrier_id(%barrier3A)
    %lt3A = arith.constant 4 : i32
    %lt3A_3 = arith.cmpi slt, %add3A, %lt3A : i32
    %jit3A = arith.constant 1 : i32
    %jit3A_4 = arith.constant 0 : i32
    %select_n3A = arith.select %lt3A_3, %jit3A, %jit3A_4 : i32
    %add3A_5 = arith.constant 78 : i32
    %add3A_6 = arith.addi %add3A_5, %select_n3A : i32
    %while3A = arith.constant 0 : i32
    %while3A_7 = arith.constant 0 : i32
    %while3A_8 = arith.subi %add3A_6, %while3A_7 : i32
    %while3A_9 = arith.addi %while3A_7, %while3A_8 : i32
    %while3A_10 = arith.constant 1 : i32
    %while3A_11 = arith.divsi %while3A_8, %while3A_10 : i32
    %while3A_12 = arith.muli %while3A_11, %while3A_10 : i32
    %while3A_13 = arith.addi %while3A_7, %while3A_12 : i32
    %while3A_14 = arith.constant 1 : i32
    scf.for %while3A_17 = %while3A_7 to %while3A_13 step %while3A_14  : i32 {
      %mul3A_18 = arith.constant 32 : i32
      %mul3A_19 = arith.muli %while3A_17, %mul3A_18 : i32
      %add3A_20 = arith.addi %add3A, %mul3A_19 : i32
      %mul3A_21 = arith.constant 128 : i32
      %mul3A_22 = arith.muli %add3A_20, %mul3A_21 : i32
      %multiple_of3A = tpu.assume_multiple %mul3A_22, 8 : i32
      "tpu.region"() ({
        %run_scoped3A_28 = tpu.sem_alloc : memref<!tpu.dma_semaphore, #tpu.memory_space<semaphore_mem>>
        %dma_start3A_29 = tpu.memref_slice %arg3[%multiple_of3A] : memref<327680xi32, #tpu.memory_space<hbm>> -> memref<128xi32, #tpu.memory_space<hbm>>
        %dma_start3A_30 = tpu.memref_slice %arg3[%multiple_of3A] : memref<327680xi32, #tpu.memory_space<hbm>> -> memref<128xi32, #tpu.memory_space<hbm>>
        tpu.enqueue_dma source(%dma_start3A_30 : memref<128xi32, #tpu.memory_space<hbm>>) target(%arg7 : memref<128xi32, #tpu.memory_space<vmem>>) target_semaphore(%run_scoped3A_28 : memref<!tpu.dma_semaphore, #tpu.memory_space<semaphore_mem>>)
        %dma_wait3A_31 = tpu.memref_slice %arg3[%multiple_of3A] : memref<327680xi32, #tpu.memory_space<hbm>> -> memref<128xi32, #tpu.memory_space<hbm>>
        %dma_wait3A_32 = tpu.memref_slice %arg3[%multiple_of3A] : memref<327680xi32, #tpu.memory_space<hbm>> -> memref<128xi32, #tpu.memory_space<hbm>>
        tpu.wait_dma2 semaphore(%run_scoped3A_28 : memref<!tpu.dma_semaphore, #tpu.memory_space<semaphore_mem>>) src(%dma_wait3A_32 : memref<128xi32, #tpu.memory_space<hbm>>) dst(%arg7 : memref<128xi32, #tpu.memory_space<vmem>>)
        tpu.yield
      }) : () -> ()
      %dma_start3A = arith.constant 0 : i32
      %dma_start3A_23 = arith.constant 0 : i32
      %dma_start3A_24 = tpu.memref_slice %arg2[%dma_start3A, %dma_start3A_23] : memref<10000x128xf32, #tpu.memory_space<hbm>> -> memref<10000x128xf32, #tpu.memory_space<hbm>>
      tpu.enqueue_indirect_dma source(%dma_start3A_24 : memref<10000x128xf32, #tpu.memory_space<hbm>>) target(%arg11 : memref<128x128xf32, #tpu.memory_space<vmem>>) offsets(%arg7 : memref<128xi32, #tpu.memory_space<vmem>>) semaphore(%arg14 : memref<!tpu.dma_semaphore, #tpu.memory_space<semaphore_mem>>)
      %dma_wait3A = arith.constant 0 : i32
      %dma_wait3A_25 = arith.constant 0 : i32
      %dma_wait3A_26 = tpu.memref_slice %arg2[%dma_wait3A, %dma_wait3A_25] : memref<10000x128xf32, #tpu.memory_space<hbm>> -> memref<10000x128xf32, #tpu.memory_space<hbm>>
      tpu.wait_indirect_dma semaphore(%arg14 : memref<!tpu.dma_semaphore, #tpu.memory_space<semaphore_mem>>) src(%dma_wait3A_26 : memref<10000x128xf32, #tpu.memory_space<hbm>>) dst(%arg11 : memref<128x128xf32, #tpu.memory_space<vmem>>)
      %run_scoped3A = arith.constant 0 : i32
      "tpu.region"() ({
        %run_scoped3A_28 = tpu.sem_alloc : memref<!tpu.dma_semaphore, #tpu.memory_space<semaphore_mem>>
        %dma_start3A_29 = arith.constant 0 : i32
        %dma_start3A_30 = tpu.memref_slice %arg9[%run_scoped3A, %dma_start3A_29] : memref<1x128xi32, #tpu.memory_space<vmem>> -> memref<1x128xi32, #tpu.memory_space<vmem>>
        %dma_start3A_31 = tpu.memref_squeeze %dma_start3A_30 : memref<1x128xi32, #tpu.memory_space<vmem>> -> memref<128xi32, #tpu.memory_space<vmem>>
        %dma_start3A_32 = tpu.memref_slice %arg4[%multiple_of3A] : memref<327680xi32, #tpu.memory_space<hbm>> -> memref<128xi32, #tpu.memory_space<hbm>>
        %dma_start3A_33 = arith.constant 0 : i32
        %dma_start3A_34 = tpu.memref_slice %arg9[%run_scoped3A, %dma_start3A_33] : memref<1x128xi32, #tpu.memory_space<vmem>> -> memref<1x128xi32, #tpu.memory_space<vmem>>
        %dma_start3A_35 = tpu.memref_squeeze %dma_start3A_34 : memref<1x128xi32, #tpu.memory_space<vmem>> -> memref<128xi32, #tpu.memory_space<vmem>>
        %dma_start3A_36 = tpu.memref_slice %arg4[%multiple_of3A] : memref<327680xi32, #tpu.memory_space<hbm>> -> memref<128xi32, #tpu.memory_space<hbm>>
        tpu.enqueue_dma source(%dma_start3A_36 : memref<128xi32, #tpu.memory_space<hbm>>) target(%dma_start3A_35 : memref<128xi32, #tpu.memory_space<vmem>>) target_semaphore(%run_scoped3A_28 : memref<!tpu.dma_semaphore, #tpu.memory_space<semaphore_mem>>)
        %dma_wait3A_37 = arith.constant 0 : i32
        %dma_wait3A_38 = tpu.memref_slice %arg9[%run_scoped3A, %dma_wait3A_37] : memref<1x128xi32, #tpu.memory_space<vmem>> -> memref<1x128xi32, #tpu.memory_space<vmem>>
        %dma_wait3A_39 = tpu.memref_squeeze %dma_wait3A_38 : memref<1x128xi32, #tpu.memory_space<vmem>> -> memref<128xi32, #tpu.memory_space<vmem>>
        %dma_wait3A_40 = tpu.memref_slice %arg4[%multiple_of3A] : memref<327680xi32, #tpu.memory_space<hbm>> -> memref<128xi32, #tpu.memory_space<hbm>>
        %dma_wait3A_41 = arith.constant 0 : i32
        %dma_wait3A_42 = tpu.memref_slice %arg9[%run_scoped3A, %dma_wait3A_41] : memref<1x128xi32, #tpu.memory_space<vmem>> -> memref<1x128xi32, #tpu.memory_space<vmem>>
        %dma_wait3A_43 = tpu.memref_squeeze %dma_wait3A_42 : memref<1x128xi32, #tpu.memory_space<vmem>> -> memref<128xi32, #tpu.memory_space<vmem>>
        %dma_wait3A_44 = tpu.memref_slice %arg4[%multiple_of3A] : memref<327680xi32, #tpu.memory_space<hbm>> -> memref<128xi32, #tpu.memory_space<hbm>>
        tpu.wait_dma2 semaphore(%run_scoped3A_28 : memref<!tpu.dma_semaphore, #tpu.memory_space<semaphore_mem>>) src(%dma_wait3A_44 : memref<128xi32, #tpu.memory_space<hbm>>) dst(%dma_wait3A_43 : memref<128xi32, #tpu.memory_space<vmem>>)
        tpu.yield
      }) : () -> ()
      %run_scoped3A_27 = arith.constant 0 : i32
      "tpu.region"() ({
        %run_scoped3A_28 = tpu.sem_alloc : memref<!tpu.dma_semaphore, #tpu.memory_space<semaphore_mem>>
        %dma_start3A_29 = arith.constant 0 : i32
        %dma_start3A_30 = tpu.memref_slice %arg9[%run_scoped3A_27, %dma_start3A_29] : memref<1x128xi32, #tpu.memory_space<vmem>> -> memref<1x128xi32, #tpu.memory_space<vmem>>
        %dma_start3A_31 = tpu.memref_squeeze %dma_start3A_30 : memref<1x128xi32, #tpu.memory_space<vmem>> -> memref<128xi32, #tpu.memory_space<vmem>>
        %dma_start3A_32 = arith.constant 0 : i32
        %dma_start3A_33 = arith.constant 0 : i32
        %dma_start3A_34 = tpu.memref_slice %arg13[%dma_start3A_32, %dma_start3A_33] : memref<10240x128xf32, #tpu.memory_space<vmem_shared>> -> memref<10240x128xf32, #tpu.memory_space<vmem_shared>>
        tpu.enqueue_indirect_dma source(%arg11 : memref<128x128xf32, #tpu.memory_space<vmem>>) target(%dma_start3A_34 : memref<10240x128xf32, #tpu.memory_space<vmem_shared>>) offsets(%dma_start3A_31 : memref<128xi32, #tpu.memory_space<vmem>>) semaphore(%run_scoped3A_28 : memref<!tpu.dma_semaphore, #tpu.memory_space<semaphore_mem>>) {add = true}
        %dma_wait3A_35 = arith.constant 0 : i32
        %dma_wait3A_36 = tpu.memref_slice %arg9[%run_scoped3A_27, %dma_wait3A_35] : memref<1x128xi32, #tpu.memory_space<vmem>> -> memref<1x128xi32, #tpu.memory_space<vmem>>
        %dma_wait3A_37 = tpu.memref_squeeze %dma_wait3A_36 : memref<1x128xi32, #tpu.memory_space<vmem>> -> memref<128xi32, #tpu.memory_space<vmem>>
        %dma_wait3A_38 = arith.constant 0 : i32
        %dma_wait3A_39 = arith.constant 0 : i32
        %dma_wait3A_40 = tpu.memref_slice %arg13[%dma_wait3A_38, %dma_wait3A_39] : memref<10240x128xf32, #tpu.memory_space<vmem_shared>> -> memref<10240x128xf32, #tpu.memory_space<vmem_shared>>
        tpu.wait_indirect_dma semaphore(%run_scoped3A_28 : memref<!tpu.dma_semaphore, #tpu.memory_space<semaphore_mem>>) src(%arg11 : memref<128x128xf32, #tpu.memory_space<vmem>>) dst(%dma_wait3A_40 : memref<10240x128xf32, #tpu.memory_space<vmem_shared>>)
        tpu.yield
      }) : () -> ()
    }
    %while3A_15 = arith.constant 1 : i32
    scf.for %while3A_17 = %while3A_13 to %while3A_9 step %while3A_15  : i32 {
      %mul3A_18 = arith.constant 32 : i32
      %mul3A_19 = arith.muli %while3A_17, %mul3A_18 : i32
      %add3A_20 = arith.addi %add3A, %mul3A_19 : i32
      %mul3A_21 = arith.constant 128 : i32
      %mul3A_22 = arith.muli %add3A_20, %mul3A_21 : i32
      %multiple_of3A = tpu.assume_multiple %mul3A_22, 8 : i32
      "tpu.region"() ({
        %run_scoped3A_28 = tpu.sem_alloc : memref<!tpu.dma_semaphore, #tpu.memory_space<semaphore_mem>>
        %dma_start3A_29 = tpu.memref_slice %arg3[%multiple_of3A] : memref<327680xi32, #tpu.memory_space<hbm>> -> memref<128xi32, #tpu.memory_space<hbm>>
        %dma_start3A_30 = tpu.memref_slice %arg3[%multiple_of3A] : memref<327680xi32, #tpu.memory_space<hbm>> -> memref<128xi32, #tpu.memory_space<hbm>>
        tpu.enqueue_dma source(%dma_start3A_30 : memref<128xi32, #tpu.memory_space<hbm>>) target(%arg7 : memref<128xi32, #tpu.memory_space<vmem>>) target_semaphore(%run_scoped3A_28 : memref<!tpu.dma_semaphore, #tpu.memory_space<semaphore_mem>>)
        %dma_wait3A_31 = tpu.memref_slice %arg3[%multiple_of3A] : memref<327680xi32, #tpu.memory_space<hbm>> -> memref<128xi32, #tpu.memory_space<hbm>>
        %dma_wait3A_32 = tpu.memref_slice %arg3[%multiple_of3A] : memref<327680xi32, #tpu.memory_space<hbm>> -> memref<128xi32, #tpu.memory_space<hbm>>
        tpu.wait_dma2 semaphore(%run_scoped3A_28 : memref<!tpu.dma_semaphore, #tpu.memory_space<semaphore_mem>>) src(%dma_wait3A_32 : memref<128xi32, #tpu.memory_space<hbm>>) dst(%arg7 : memref<128xi32, #tpu.memory_space<vmem>>)
        tpu.yield
      }) : () -> ()
      %dma_start3A = arith.constant 0 : i32
      %dma_start3A_23 = arith.constant 0 : i32
      %dma_start3A_24 = tpu.memref_slice %arg2[%dma_start3A, %dma_start3A_23] : memref<10000x128xf32, #tpu.memory_space<hbm>> -> memref<10000x128xf32, #tpu.memory_space<hbm>>
      tpu.enqueue_indirect_dma source(%dma_start3A_24 : memref<10000x128xf32, #tpu.memory_space<hbm>>) target(%arg11 : memref<128x128xf32, #tpu.memory_space<vmem>>) offsets(%arg7 : memref<128xi32, #tpu.memory_space<vmem>>) semaphore(%arg14 : memref<!tpu.dma_semaphore, #tpu.memory_space<semaphore_mem>>)
      %dma_wait3A = arith.constant 0 : i32
      %dma_wait3A_25 = arith.constant 0 : i32
      %dma_wait3A_26 = tpu.memref_slice %arg2[%dma_wait3A, %dma_wait3A_25] : memref<10000x128xf32, #tpu.memory_space<hbm>> -> memref<10000x128xf32, #tpu.memory_space<hbm>>
      tpu.wait_indirect_dma semaphore(%arg14 : memref<!tpu.dma_semaphore, #tpu.memory_space<semaphore_mem>>) src(%dma_wait3A_26 : memref<10000x128xf32, #tpu.memory_space<hbm>>) dst(%arg11 : memref<128x128xf32, #tpu.memory_space<vmem>>)
      %run_scoped3A = arith.constant 0 : i32
      "tpu.region"() ({
        %run_scoped3A_28 = tpu.sem_alloc : memref<!tpu.dma_semaphore, #tpu.memory_space<semaphore_mem>>
        %dma_start3A_29 = arith.constant 0 : i32
        %dma_start3A_30 = tpu.memref_slice %arg9[%run_scoped3A, %dma_start3A_29] : memref<1x128xi32, #tpu.memory_space<vmem>> -> memref<1x128xi32, #tpu.memory_space<vmem>>
        %dma_start3A_31 = tpu.memref_squeeze %dma_start3A_30 : memref<1x128xi32, #tpu.memory_space<vmem>> -> memref<128xi32, #tpu.memory_space<vmem>>
        %dma_start3A_32 = tpu.memref_slice %arg4[%multiple_of3A] : memref<327680xi32, #tpu.memory_space<hbm>> -> memref<128xi32, #tpu.memory_space<hbm>>
        %dma_start3A_33 = arith.constant 0 : i32
        %dma_start3A_34 = tpu.memref_slice %arg9[%run_scoped3A, %dma_start3A_33] : memref<1x128xi32, #tpu.memory_space<vmem>> -> memref<1x128xi32, #tpu.memory_space<vmem>>
        %dma_start3A_35 = tpu.memref_squeeze %dma_start3A_34 : memref<1x128xi32, #tpu.memory_space<vmem>> -> memref<128xi32, #tpu.memory_space<vmem>>
        %dma_start3A_36 = tpu.memref_slice %arg4[%multiple_of3A] : memref<327680xi32, #tpu.memory_space<hbm>> -> memref<128xi32, #tpu.memory_space<hbm>>
        tpu.enqueue_dma source(%dma_start3A_36 : memref<128xi32, #tpu.memory_space<hbm>>) target(%dma_start3A_35 : memref<128xi32, #tpu.memory_space<vmem>>) target_semaphore(%run_scoped3A_28 : memref<!tpu.dma_semaphore, #tpu.memory_space<semaphore_mem>>)
        %dma_wait3A_37 = arith.constant 0 : i32
        %dma_wait3A_38 = tpu.memref_slice %arg9[%run_scoped3A, %dma_wait3A_37] : memref<1x128xi32, #tpu.memory_space<vmem>> -> memref<1x128xi32, #tpu.memory_space<vmem>>
        %dma_wait3A_39 = tpu.memref_squeeze %dma_wait3A_38 : memref<1x128xi32, #tpu.memory_space<vmem>> -> memref<128xi32, #tpu.memory_space<vmem>>
        %dma_wait3A_40 = tpu.memref_slice %arg4[%multiple_of3A] : memref<327680xi32, #tpu.memory_space<hbm>> -> memref<128xi32, #tpu.memory_space<hbm>>
        %dma_wait3A_41 = arith.constant 0 : i32
        %dma_wait3A_42 = tpu.memref_slice %arg9[%run_scoped3A, %dma_wait3A_41] : memref<1x128xi32, #tpu.memory_space<vmem>> -> memref<1x128xi32, #tpu.memory_space<vmem>>
        %dma_wait3A_43 = tpu.memref_squeeze %dma_wait3A_42 : memref<1x128xi32, #tpu.memory_space<vmem>> -> memref<128xi32, #tpu.memory_space<vmem>>
        %dma_wait3A_44 = tpu.memref_slice %arg4[%multiple_of3A] : memref<327680xi32, #tpu.memory_space<hbm>> -> memref<128xi32, #tpu.memory_space<hbm>>
        tpu.wait_dma2 semaphore(%run_scoped3A_28 : memref<!tpu.dma_semaphore, #tpu.memory_space<semaphore_mem>>) src(%dma_wait3A_44 : memref<128xi32, #tpu.memory_space<hbm>>) dst(%dma_wait3A_43 : memref<128xi32, #tpu.memory_space<vmem>>)
        tpu.yield
      }) : () -> ()
      %run_scoped3A_27 = arith.constant 0 : i32
      "tpu.region"() ({
        %run_scoped3A_28 = tpu.sem_alloc : memref<!tpu.dma_semaphore, #tpu.memory_space<semaphore_mem>>
        %dma_start3A_29 = arith.constant 0 : i32
        %dma_start3A_30 = tpu.memref_slice %arg9[%run_scoped3A_27, %dma_start3A_29] : memref<1x128xi32, #tpu.memory_space<vmem>> -> memref<1x128xi32, #tpu.memory_space<vmem>>
        %dma_start3A_31 = tpu.memref_squeeze %dma_start3A_30 : memref<1x128xi32, #tpu.memory_space<vmem>> -> memref<128xi32, #tpu.memory_space<vmem>>
        %dma_start3A_32 = arith.constant 0 : i32
        %dma_start3A_33 = arith.constant 0 : i32
        %dma_start3A_34 = tpu.memref_slice %arg13[%dma_start3A_32, %dma_start3A_33] : memref<10240x128xf32, #tpu.memory_space<vmem_shared>> -> memref<10240x128xf32, #tpu.memory_space<vmem_shared>>
        tpu.enqueue_indirect_dma source(%arg11 : memref<128x128xf32, #tpu.memory_space<vmem>>) target(%dma_start3A_34 : memref<10240x128xf32, #tpu.memory_space<vmem_shared>>) offsets(%dma_start3A_31 : memref<128xi32, #tpu.memory_space<vmem>>) semaphore(%run_scoped3A_28 : memref<!tpu.dma_semaphore, #tpu.memory_space<semaphore_mem>>) {add = true}
        %dma_wait3A_35 = arith.constant 0 : i32
        %dma_wait3A_36 = tpu.memref_slice %arg9[%run_scoped3A_27, %dma_wait3A_35] : memref<1x128xi32, #tpu.memory_space<vmem>> -> memref<1x128xi32, #tpu.memory_space<vmem>>
        %dma_wait3A_37 = tpu.memref_squeeze %dma_wait3A_36 : memref<1x128xi32, #tpu.memory_space<vmem>> -> memref<128xi32, #tpu.memory_space<vmem>>
        %dma_wait3A_38 = arith.constant 0 : i32
        %dma_wait3A_39 = arith.constant 0 : i32
        %dma_wait3A_40 = tpu.memref_slice %arg13[%dma_wait3A_38, %dma_wait3A_39] : memref<10240x128xf32, #tpu.memory_space<vmem_shared>> -> memref<10240x128xf32, #tpu.memory_space<vmem_shared>>
        tpu.wait_indirect_dma semaphore(%run_scoped3A_28 : memref<!tpu.dma_semaphore, #tpu.memory_space<semaphore_mem>>) src(%arg11 : memref<128x128xf32, #tpu.memory_space<vmem>>) dst(%dma_wait3A_40 : memref<10240x128xf32, #tpu.memory_space<vmem_shared>>)
        tpu.yield
      }) : () -> ()
    }
    %barrier3A_16 = arith.constant 0 : index
    tpu.barrier barrier_id(%barrier3A_16)
    "tpu.region"() ({
      %run_scoped3A = tpu.sem_alloc : memref<!tpu.dma_semaphore, #tpu.memory_space<semaphore_mem>>
      %dma_start3A = arith.constant 0 : i32
      %dma_start3A_17 = arith.constant 0 : i32
      %dma_start3A_18 = tpu.memref_slice %arg6[%arg0, %dma_start3A, %dma_start3A_17] : memref<2x10240x128xf32, #tpu.memory_space<hbm>> -> memref<1x10240x128xf32, #tpu.memory_space<hbm>>
      %dma_start3A_19 = tpu.memref_squeeze %dma_start3A_18 : memref<1x10240x128xf32, #tpu.memory_space<hbm>> -> memref<10240x128xf32, #tpu.memory_space<hbm>>
      %dma_start3A_20 = arith.constant 0 : i32
      %dma_start3A_21 = tpu.memref_slice %dma_start3A_19[%mul3A_2, %dma_start3A_20] : memref<10240x128xf32, #tpu.memory_space<hbm>> -> memref<640x128xf32, #tpu.memory_space<hbm>>
      %dma_start3A_22 = arith.constant 0 : i32
      %dma_start3A_23 = tpu.memref_slice %arg13[%mul3A_2, %dma_start3A_22] : memref<10240x128xf32, #tpu.memory_space<vmem_shared>> -> memref<640x128xf32, #tpu.memory_space<vmem_shared>>
      tpu.enqueue_dma source(%dma_start3A_23 : memref<640x128xf32, #tpu.memory_space<vmem_shared>>) target(%dma_start3A_21 : memref<640x128xf32, #tpu.memory_space<hbm>>) target_semaphore(%run_scoped3A : memref<!tpu.dma_semaphore, #tpu.memory_space<semaphore_mem>>)
      %dma_wait3A = arith.constant 0 : i32
      %dma_wait3A_24 = arith.constant 0 : i32
      %dma_wait3A_25 = tpu.memref_slice %arg6[%arg0, %dma_wait3A, %dma_wait3A_24] : memref<2x10240x128xf32, #tpu.memory_space<hbm>> -> memref<1x10240x128xf32, #tpu.memory_space<hbm>>
      %dma_wait3A_26 = tpu.memref_squeeze %dma_wait3A_25 : memref<1x10240x128xf32, #tpu.memory_space<hbm>> -> memref<10240x128xf32, #tpu.memory_space<hbm>>
      %dma_wait3A_27 = arith.constant 0 : i32
      %dma_wait3A_28 = tpu.memref_slice %dma_wait3A_26[%mul3A_2, %dma_wait3A_27] : memref<10240x128xf32, #tpu.memory_space<hbm>> -> memref<640x128xf32, #tpu.memory_space<hbm>>
      %dma_wait3A_29 = arith.constant 0 : i32
      %dma_wait3A_30 = tpu.memref_slice %arg13[%mul3A_2, %dma_wait3A_29] : memref<10240x128xf32, #tpu.memory_space<vmem_shared>> -> memref<640x128xf32, #tpu.memory_space<vmem_shared>>
      tpu.wait_dma2 semaphore(%run_scoped3A : memref<!tpu.dma_semaphore, #tpu.memory_space<semaphore_mem>>) src(%dma_wait3A_30 : memref<640x128xf32, #tpu.memory_space<vmem_shared>>) dst(%dma_wait3A_28 : memref<640x128xf32, #tpu.memory_space<hbm>>)
      tpu.yield
    }) : () -> ()
    return
  }
}

module attributes {stable_mosaic.version = 14 : i64} {
  func.func @_norm_body(%arg0: i32, %arg1: memref<2x2000x128xf32, #tpu.memory_space<vmem>>, %arg2: memref<2000x128xf32, #tpu.memory_space<vmem>>, %arg3: memref<2000x1xf32, #tpu.memory_space<vmem>>, %arg4: memref<2000x1xf32, #tpu.memory_space<vmem>>, %arg5: memref<2000x128xf32, #tpu.memory_space<vmem>>) attributes {dimension_semantics = [#tpu.dimension_semantics<arbitrary>], iteration_bounds = array<i64: 5>, scalar_prefetch = 0 : i64, scratch_operands = 0 : i64, tpu.core_type = #tpu.core_type<tc>, window_params = [{transform_indices = @transform_0, window_bounds = array<i64: 2, 2000, 128>}, {transform_indices = @transform_1, window_bounds = array<i64: 2000, 128>}, {transform_indices = @transform_2, window_bounds = array<i64: 2000, 1>}, {transform_indices = @transform_3, window_bounds = array<i64: 2000, 1>}, {transform_indices = @transform_4, window_bounds = array<i64: 2000, 128>}]} {
    %get3A = arith.constant 0 : index
    %get3A_0 = arith.constant 0 : index
    %get3A_1 = arith.constant 0 : index
    %get3A_2 = vector.load %arg1[%get3A, %get3A_0, %get3A_1] : memref<2x2000x128xf32, #tpu.memory_space<vmem>>, vector<2x2000x128xf32>
    %slice3A = vector.extract_strided_slice %get3A_2 {offsets = [0, 0, 0], sizes = [1, 2000, 1], strides = [1, 1, 1]} : vector<2x2000x128xf32> to vector<1x2000x1xf32>
    %squeeze3A = vector.shape_cast %slice3A : vector<1x2000x1xf32> to vector<2000xf32>
    %slice3A_3 = vector.extract_strided_slice %get3A_2 {offsets = [1, 0, 0], sizes = [1, 2000, 1], strides = [1, 1, 1]} : vector<2x2000x128xf32> to vector<1x2000x1xf32>
    %squeeze3A_4 = vector.shape_cast %slice3A_3 : vector<1x2000x1xf32> to vector<2000xf32>
    %add3A = arith.addf %squeeze3A, %squeeze3A_4 : vector<2000xf32>
    %slice3A_5 = vector.extract_strided_slice %get3A_2 {offsets = [0, 0, 64], sizes = [1, 2000, 1], strides = [1, 1, 1]} : vector<2x2000x128xf32> to vector<1x2000x1xf32>
    %squeeze3A_6 = vector.shape_cast %slice3A_5 : vector<1x2000x1xf32> to vector<2000xf32>
    %slice3A_7 = vector.extract_strided_slice %get3A_2 {offsets = [1, 0, 64], sizes = [1, 2000, 1], strides = [1, 1, 1]} : vector<2x2000x128xf32> to vector<1x2000x1xf32>
    %squeeze3A_8 = vector.shape_cast %slice3A_7 : vector<1x2000x1xf32> to vector<2000xf32>
    %add3A_9 = arith.addf %squeeze3A_6, %squeeze3A_8 : vector<2000xf32>
    %gt3A = arith.constant 0.000000e+00 : f32
    %gt3A_10 = vector.broadcast %gt3A : f32 to vector<2000xf32>
    %gt3A_11 = arith.cmpf ogt, %add3A, %gt3A_10 : vector<2000xf32>
    %rsqrt3A = math.rsqrt %add3A : vector<2000xf32>
    %jit3A = arith.constant 0.000000e+00 : f32
    %broadcast_in_dim3A = vector.broadcast %jit3A : f32 to vector<2000xf32>
    %select_n3A = arith.select %gt3A_11, %rsqrt3A, %broadcast_in_dim3A : vector<2000xi1>, vector<2000xf32>
    %broadcast_in_dim3A_12 = vector.shape_cast %select_n3A : vector<2000xf32> to vector<2000x1xf32>
    %gt3A_13 = arith.constant 0.000000e+00 : f32
    %gt3A_14 = vector.broadcast %gt3A_13 : f32 to vector<2000xf32>
    %gt3A_15 = arith.cmpf ogt, %add3A_9, %gt3A_14 : vector<2000xf32>
    %rsqrt3A_16 = math.rsqrt %add3A_9 : vector<2000xf32>
    %jit3A_17 = arith.constant 0.000000e+00 : f32
    %broadcast_in_dim3A_18 = vector.broadcast %jit3A_17 : f32 to vector<2000xf32>
    %select_n3A_19 = arith.select %gt3A_15, %rsqrt3A_16, %broadcast_in_dim3A_18 : vector<2000xi1>, vector<2000xf32>
    %broadcast_in_dim3A_20 = vector.shape_cast %select_n3A_19 : vector<2000xf32> to vector<2000x1xf32>
    %swap3A = arith.constant 0 : index
    %swap3A_21 = arith.constant 0 : index
    %swap3A_22 = vector.load %arg3[%swap3A, %swap3A_21] : memref<2000x1xf32, #tpu.memory_space<vmem>>, vector<2000x1xf32>
    tpu.vector_store %arg3[%swap3A, %swap3A_21], %broadcast_in_dim3A_12 {strides = array<i32>} : memref<2000x1xf32, #tpu.memory_space<vmem>>, vector<2000x1xf32>,
    %swap3A_23 = arith.constant 0 : index
    %swap3A_24 = arith.constant 0 : index
    %swap3A_25 = vector.load %arg4[%swap3A_23, %swap3A_24] : memref<2000x1xf32, #tpu.memory_space<vmem>>, vector<2000x1xf32>
    tpu.vector_store %arg4[%swap3A_23, %swap3A_24], %broadcast_in_dim3A_20 {strides = array<i32>} : memref<2000x1xf32, #tpu.memory_space<vmem>>, vector<2000x1xf32>,
    %get3A_26 = arith.constant 0 : index
    %get3A_27 = arith.constant 0 : index
    %get3A_28 = vector.load %arg2[%get3A_26, %get3A_27] : memref<2000x128xf32, #tpu.memory_space<vmem>>, vector<2000x128xf32>
    %mul3A = vector.broadcast %broadcast_in_dim3A_12 : vector<2000x1xf32> to vector<2000x128xf32>
    %mul3A_29 = arith.mulf %get3A_28, %mul3A : vector<2000x128xf32>
    %swap3A_30 = arith.constant 0 : index
    %swap3A_31 = arith.constant 0 : index
    %swap3A_32 = vector.load %arg5[%swap3A_30, %swap3A_31] : memref<2000x128xf32, #tpu.memory_space<vmem>>, vector<2000x128xf32>
    tpu.vector_store %arg5[%swap3A_30, %swap3A_31], %mul3A_29 {strides = array<i32>} : memref<2000x128xf32, #tpu.memory_space<vmem>>, vector<2000x128xf32>,
    return
  }
  func.func @transform_0(%arg0: i32) -> (i32, i32, i32) {
    %c0_i32 = arith.constant 0 : i32
    %c0_i32_0 = arith.constant 0 : i32
    %c0_i32_1 = arith.constant 0 : i32
    return %c0_i32, %arg0, %c0_i32_0 : i32, i32, i32
  }
  func.func @transform_1(%arg0: i32) -> (i32, i32) {
    %c0_i32 = arith.constant 0 : i32
    %c0_i32_0 = arith.constant 0 : i32
    return %arg0, %c0_i32 : i32, i32
  }
  func.func @transform_2(%arg0: i32) -> (i32, i32) {
    %c0_i32 = arith.constant 0 : i32
    %c0_i32_0 = arith.constant 0 : i32
    return %arg0, %c0_i32 : i32, i32
  }
  func.func @transform_3(%arg0: i32) -> (i32, i32) {
    %c0_i32 = arith.constant 0 : i32
    %c0_i32_0 = arith.constant 0 : i32
    return %arg0, %c0_i32 : i32, i32
  }
  func.func @transform_4(%arg0: i32) -> (i32, i32) {
    %c0_i32 = arith.constant 0 : i32
    %c0_i32_0 = arith.constant 0 : i32
    return %arg0, %c0_i32 : i32, i32
  }
}

module attributes {stable_mosaic.version = 14 : i64} {
  func.func @_layer_body(%arg0: i32, %arg1: memref<2x2000x128xf32, #tpu.memory_space<vmem>>, %arg2: memref<2000x1xf32, #tpu.memory_space<vmem>>, %arg3: memref<128x128xf32, #tpu.memory_space<vmem>>, %arg4: memref<1x128xf32, #tpu.memory_space<vmem>>, %arg5: memref<2000x1xf32, #tpu.memory_space<vmem>>, %arg6: memref<2000x128xf32, #tpu.memory_space<vmem>>) attributes {dimension_semantics = [#tpu.dimension_semantics<arbitrary>], iteration_bounds = array<i64: 5>, scalar_prefetch = 0 : i64, scratch_operands = 0 : i64, tpu.core_type = #tpu.core_type<tc>, window_params = [{transform_indices = @transform_0, window_bounds = array<i64: 2, 2000, 128>}, {transform_indices = @transform_1, window_bounds = array<i64: 2000, 1>}, {pipeline_mode = #tpu.pipeline_mode<synchronous>, transform_indices = @transform_2, window_bounds = array<i64: 128, 128>}, {pipeline_mode = #tpu.pipeline_mode<synchronous>, transform_indices = @transform_3, window_bounds = array<i64: 1, 128>}, {transform_indices = @transform_4, window_bounds = array<i64: 2000, 1>}, {transform_indices = @transform_5, window_bounds = array<i64: 2000, 128>}]} {
    %get3A = arith.constant 0 : index
    %get3A_0 = arith.constant 0 : index
    %get3A_1 = arith.constant 0 : index
    %get3A_2 = vector.load %arg1[%get3A, %get3A_0, %get3A_1] : memref<2x2000x128xf32, #tpu.memory_space<vmem>>, vector<1x2000x128xf32>
    %get3A_3 = vector.shape_cast %get3A_2 : vector<1x2000x128xf32> to vector<2000x128xf32>
    %get3A_4 = arith.constant 1 : index
    %get3A_5 = arith.constant 0 : index
    %get3A_6 = arith.constant 0 : index
    %get3A_7 = vector.load %arg1[%get3A_4, %get3A_5, %get3A_6] : memref<2x2000x128xf32, #tpu.memory_space<vmem>>, vector<1x2000x128xf32>
    %get3A_8 = vector.shape_cast %get3A_7 : vector<1x2000x128xf32> to vector<2000x128xf32>
    %add3A = arith.addf %get3A_3, %get3A_8 : vector<2000x128xf32>
    %get3A_9 = arith.constant 0 : index
    %get3A_10 = arith.constant 0 : index
    %get3A_11 = vector.load %arg2[%get3A_9, %get3A_10] : memref<2000x1xf32, #tpu.memory_space<vmem>>, vector<2000x1xf32>
    %mul3A = vector.broadcast %get3A_11 : vector<2000x1xf32> to vector<2000x128xf32>
    %mul3A_12 = arith.mulf %add3A, %mul3A : vector<2000x128xf32>
    %get3A_13 = arith.constant 0 : index
    %get3A_14 = arith.constant 0 : index
    %get3A_15 = vector.load %arg3[%get3A_13, %get3A_14] : memref<128x128xf32, #tpu.memory_space<vmem>>, vector<128x128xf32>
    %dot_general3A = arith.constant dense<0.000000e+00> : vector<2000x128xf32>
    %dot_general3A_16 = tpu.matmul %mul3A_12, %get3A_15, %dot_general3A {dimension_numbers = #tpu.dot_dimension_numbers<[1], [0], [0], [1], [0, 0, 1, 1], [], []>, transpose_lhs_hint = false} : vector<2000x128xf32>, vector<128x128xf32>, vector<2000x128xf32> -> vector<2000x128xf32>
    %get3A_17 = arith.constant 0 : index
    %get3A_18 = arith.constant 0 : index
    %get3A_19 = vector.load %arg4[%get3A_17, %get3A_18] : memref<1x128xf32, #tpu.memory_space<vmem>>, vector<1x128xf32>
    %add3A_20 = vector.broadcast %get3A_19 : vector<1x128xf32> to vector<2000x128xf32>
    %add3A_21 = arith.addf %dot_general3A_16, %add3A_20 : vector<2000x128xf32>
    %gt3A = arith.constant 0.000000e+00 : f32
    %gt3A_22 = vector.broadcast %gt3A : f32 to vector<2000x128xf32>
    %gt3A_23 = arith.cmpf ogt, %add3A_21, %gt3A_22 : vector<2000x128xf32>
    %mul3A_24 = arith.constant 0.00999999977 : f32
    %mul3A_25 = vector.broadcast %mul3A_24 : f32 to vector<2000x128xf32>
    %mul3A_26 = arith.mulf %mul3A_25, %add3A_21 : vector<2000x128xf32>
    %select_n3A = arith.select %gt3A_23, %add3A_21, %mul3A_26 : vector<2000x128xi1>, vector<2000x128xf32>
    %get3A_27 = arith.constant 0 : index
    %get3A_28 = arith.constant 0 : index
    %get3A_29 = vector.load %arg5[%get3A_27, %get3A_28] : memref<2000x1xf32, #tpu.memory_space<vmem>>, vector<2000x1xf32>
    %mul3A_30 = vector.broadcast %get3A_29 : vector<2000x1xf32> to vector<2000x128xf32>
    %mul3A_31 = arith.mulf %select_n3A, %mul3A_30 : vector<2000x128xf32>
    %swap3A = arith.constant 0 : index
    %swap3A_32 = arith.constant 0 : index
    %swap3A_33 = vector.load %arg6[%swap3A, %swap3A_32] : memref<2000x128xf32, #tpu.memory_space<vmem>>, vector<2000x128xf32>
    tpu.vector_store %arg6[%swap3A, %swap3A_32], %mul3A_31 {strides = array<i32>} : memref<2000x128xf32, #tpu.memory_space<vmem>>, vector<2000x128xf32>,
    return
  }
  func.func @transform_0(%arg0: i32) -> (i32, i32, i32) {
    %c0_i32 = arith.constant 0 : i32
    %c0_i32_0 = arith.constant 0 : i32
    %c0_i32_1 = arith.constant 0 : i32
    return %c0_i32, %arg0, %c0_i32_0 : i32, i32, i32
  }
  func.func @transform_1(%arg0: i32) -> (i32, i32) {
    %c0_i32 = arith.constant 0 : i32
    %c0_i32_0 = arith.constant 0 : i32
    return %arg0, %c0_i32 : i32, i32
  }
  func.func @transform_2(%arg0: i32) -> (i32, i32) {
    %c0_i32 = arith.constant 0 : i32
    %c0_i32_0 = arith.constant 0 : i32
    %c0_i32_1 = arith.constant 0 : i32
    return %c0_i32, %c0_i32_0 : i32, i32
  }
  func.func @transform_3(%arg0: i32) -> (i32, i32) {
    %c0_i32 = arith.constant 0 : i32
    %c0_i32_0 = arith.constant 0 : i32
    %c0_i32_1 = arith.constant 0 : i32
    return %c0_i32, %c0_i32_0 : i32, i32
  }
  func.func @transform_4(%arg0: i32) -> (i32, i32) {
    %c0_i32 = arith.constant 0 : i32
    %c0_i32_0 = arith.constant 0 : i32
    return %arg0, %c0_i32 : i32, i32
  }
  func.func @transform_5(%arg0: i32) -> (i32, i32) {
    %c0_i32 = arith.constant 0 : i32
    %c0_i32_0 = arith.constant 0 : i32
    return %arg0, %c0_i32 : i32, i32
  }
}

module attributes {stable_mosaic.version = 14 : i64} {
  func.func @_final_body(%arg0: i32, %arg1: memref<2x2000x128xf32, #tpu.memory_space<vmem>>, %arg2: memref<2000x1xf32, #tpu.memory_space<vmem>>, %arg3: memref<128x128xf32, #tpu.memory_space<vmem>>, %arg4: memref<1x128xf32, #tpu.memory_space<vmem>>, %arg5: memref<128x16xf32, #tpu.memory_space<vmem>>, %arg6: memref<1x16xf32, #tpu.memory_space<vmem>>, %arg7: memref<2000x16xf32, #tpu.memory_space<vmem>>) attributes {dimension_semantics = [#tpu.dimension_semantics<arbitrary>], iteration_bounds = array<i64: 5>, scalar_prefetch = 0 : i64, scratch_operands = 0 : i64, tpu.core_type = #tpu.core_type<tc>, window_params = [{transform_indices = @transform_0, window_bounds = array<i64: 2, 2000, 128>}, {transform_indices = @transform_1, window_bounds = array<i64: 2000, 1>}, {pipeline_mode = #tpu.pipeline_mode<synchronous>, transform_indices = @transform_2, window_bounds = array<i64: 128, 128>}, {pipeline_mode = #tpu.pipeline_mode<synchronous>, transform_indices = @transform_3, window_bounds = array<i64: 1, 128>}, {pipeline_mode = #tpu.pipeline_mode<synchronous>, transform_indices = @transform_4, window_bounds = array<i64: 128, 16>}, {pipeline_mode = #tpu.pipeline_mode<synchronous>, transform_indices = @transform_5, window_bounds = array<i64: 1, 16>}, {transform_indices = @transform_6, window_bounds = array<i64: 2000, 16>}]} {
    %get3A = arith.constant 0 : index
    %get3A_0 = arith.constant 0 : index
    %get3A_1 = arith.constant 0 : index
    %get3A_2 = vector.load %arg1[%get3A, %get3A_0, %get3A_1] : memref<2x2000x128xf32, #tpu.memory_space<vmem>>, vector<1x2000x128xf32>
    %get3A_3 = vector.shape_cast %get3A_2 : vector<1x2000x128xf32> to vector<2000x128xf32>
    %get3A_4 = arith.constant 1 : index
    %get3A_5 = arith.constant 0 : index
    %get3A_6 = arith.constant 0 : index
    %get3A_7 = vector.load %arg1[%get3A_4, %get3A_5, %get3A_6] : memref<2x2000x128xf32, #tpu.memory_space<vmem>>, vector<1x2000x128xf32>
    %get3A_8 = vector.shape_cast %get3A_7 : vector<1x2000x128xf32> to vector<2000x128xf32>
    %add3A = arith.addf %get3A_3, %get3A_8 : vector<2000x128xf32>
    %get3A_9 = arith.constant 0 : index
    %get3A_10 = arith.constant 0 : index
    %get3A_11 = vector.load %arg2[%get3A_9, %get3A_10] : memref<2000x1xf32, #tpu.memory_space<vmem>>, vector<2000x1xf32>
    %mul3A = vector.broadcast %get3A_11 : vector<2000x1xf32> to vector<2000x128xf32>
    %mul3A_12 = arith.mulf %add3A, %mul3A : vector<2000x128xf32>
    %get3A_13 = arith.constant 0 : index
    %get3A_14 = arith.constant 0 : index
    %get3A_15 = vector.load %arg3[%get3A_13, %get3A_14] : memref<128x128xf32, #tpu.memory_space<vmem>>, vector<128x128xf32>
    %dot_general3A = arith.constant dense<0.000000e+00> : vector<2000x128xf32>
    %dot_general3A_16 = tpu.matmul %mul3A_12, %get3A_15, %dot_general3A {dimension_numbers = #tpu.dot_dimension_numbers<[1], [0], [0], [1], [0, 0, 1, 1], [], []>, transpose_lhs_hint = false} : vector<2000x128xf32>, vector<128x128xf32>, vector<2000x128xf32> -> vector<2000x128xf32>
    %get3A_17 = arith.constant 0 : index
    %get3A_18 = arith.constant 0 : index
    %get3A_19 = vector.load %arg4[%get3A_17, %get3A_18] : memref<1x128xf32, #tpu.memory_space<vmem>>, vector<1x128xf32>
    %add3A_20 = vector.broadcast %get3A_19 : vector<1x128xf32> to vector<2000x128xf32>
    %add3A_21 = arith.addf %dot_general3A_16, %add3A_20 : vector<2000x128xf32>
    %gt3A = arith.constant 0.000000e+00 : f32
    %gt3A_22 = vector.broadcast %gt3A : f32 to vector<2000x128xf32>
    %gt3A_23 = arith.cmpf ogt, %add3A_21, %gt3A_22 : vector<2000x128xf32>
    %mul3A_24 = arith.constant 0.00999999977 : f32
    %mul3A_25 = vector.broadcast %mul3A_24 : f32 to vector<2000x128xf32>
    %mul3A_26 = arith.mulf %mul3A_25, %add3A_21 : vector<2000x128xf32>
    %select_n3A = arith.select %gt3A_23, %add3A_21, %mul3A_26 : vector<2000x128xi1>, vector<2000x128xf32>
    %get3A_27 = arith.constant 0 : index
    %get3A_28 = arith.constant 0 : index
    %get3A_29 = vector.load %arg5[%get3A_27, %get3A_28] : memref<128x16xf32, #tpu.memory_space<vmem>>, vector<128x16xf32>
    %dot_general3A_30 = arith.constant dense<0.000000e+00> : vector<2000x16xf32>
    %dot_general3A_31 = tpu.matmul %select_n3A, %get3A_29, %dot_general3A_30 {dimension_numbers = #tpu.dot_dimension_numbers<[1], [0], [0], [1], [0, 0, 1, 1], [], []>, transpose_lhs_hint = false} : vector<2000x128xf32>, vector<128x16xf32>, vector<2000x16xf32> -> vector<2000x16xf32>
    %get3A_32 = arith.constant 0 : index
    %get3A_33 = arith.constant 0 : index
    %get3A_34 = vector.load %arg6[%get3A_32, %get3A_33] : memref<1x16xf32, #tpu.memory_space<vmem>>, vector<1x16xf32>
    %add3A_35 = vector.broadcast %get3A_34 : vector<1x16xf32> to vector<2000x16xf32>
    %add3A_36 = arith.addf %dot_general3A_31, %add3A_35 : vector<2000x16xf32>
    %swap3A = arith.constant 0 : index
    %swap3A_37 = arith.constant 0 : index
    %swap3A_38 = vector.load %arg7[%swap3A, %swap3A_37] : memref<2000x16xf32, #tpu.memory_space<vmem>>, vector<2000x16xf32>
    tpu.vector_store %arg7[%swap3A, %swap3A_37], %add3A_36 {strides = array<i32>} : memref<2000x16xf32, #tpu.memory_space<vmem>>, vector<2000x16xf32>,
    return
  }
  func.func @transform_0(%arg0: i32) -> (i32, i32, i32) {
    %c0_i32 = arith.constant 0 : i32
    %c0_i32_0 = arith.constant 0 : i32
    %c0_i32_1 = arith.constant 0 : i32
    return %c0_i32, %arg0, %c0_i32_0 : i32, i32, i32
  }
  func.func @transform_1(%arg0: i32) -> (i32, i32) {
    %c0_i32 = arith.constant 0 : i32
    %c0_i32_0 = arith.constant 0 : i32
    return %arg0, %c0_i32 : i32, i32
  }
  func.func @transform_2(%arg0: i32) -> (i32, i32) {
    %c0_i32 = arith.constant 0 : i32
    %c0_i32_0 = arith.constant 0 : i32
    %c0_i32_1 = arith.constant 0 : i32
    return %c0_i32, %c0_i32_0 : i32, i32
  }
  func.func @transform_3(%arg0: i32) -> (i32, i32) {
    %c0_i32 = arith.constant 0 : i32
    %c0_i32_0 = arith.constant 0 : i32
    %c0_i32_1 = arith.constant 0 : i32
    return %c0_i32, %c0_i32_0 : i32, i32
  }
  func.func @transform_4(%arg0: i32) -> (i32, i32) {
    %c0_i32 = arith.constant 0 : i32
    %c0_i32_0 = arith.constant 0 : i32
    %c0_i32_1 = arith.constant 0 : i32
    return %c0_i32, %c0_i32_0 : i32, i32
  }
  func.func @transform_5(%arg0: i32) -> (i32, i32) {
    %c0_i32 = arith.constant 0 : i32
    %c0_i32_0 = arith.constant 0 : i32
    %c0_i32_1 = arith.constant 0 : i32
    return %c0_i32, %c0_i32_0 : i32, i32
  }
  func.func @transform_6(%arg0: i32) -> (i32, i32) {
    %c0_i32 = arith.constant 0 : i32
    %c0_i32_0 = arith.constant 0 : i32
    return %arg0, %c0_i32 : i32, i32
  }
}

</mosaic_0001>

<sc_bundles>
// kernel: kernel.14.cloned.1.call-start
scs
__scs_entry_jumppad:
0x0: {  	(pc) =	sbr.rel $0x88, $3  }
0x1: {  	(tag) =	ssettag $0x0;
	lr =	simm.s32 $0x1  }
0x2: {  	[smem:$0x3F93] =	sst lr;
	_ =	strace $0xD0000000  }
0x3: {  	_ = 	snop  }
0x4: {  	_ = 	snop  }
0x5: {  	_ = 	snop  }
0x6: {  	_ = 	snop  }
0x7: {  	_ = 	snop  }
__scs_overlays_trampoline_lowered:
0x8: {  	[smem:$0x3FA2] =	sst s0  }
0x9: {  	[smem:$0x3FA3] =	sst s1  }
0xa: {  	[smem:$0x3FA4] =	sst s2  }
0xb: {  	[smem:$0x3FA5] =	sst s3  }
0xc: {  	[smem:$0x3FA6] =	sst s4  }
0xd: {  	[smem:$0x3FA7] =	sst s5  }
0xe: {  	[smem:$0x3FA8] =	sst s6  }
0xf: {  	[smem:$0x3FA9] =	sst s7  }
0x10: {  	[smem:$0x3FAA] =	sst s8  }
0x11: {  	[smem:$0x3FAB] =	sst s9;
	s0 =	simm.s32 @!p0 $0x0  }
0x12: {  	s1 =	sld [smem:$0x3F91];
	s0 =	simm.s32 @p0 $0x1  }
0x13: {  	[smem:$0x3FAC] =	sst s0;
	s0 =	simm.s32 @!p1 $0x0  }
0x14: {  	s2 =	sld [smem:$0x3F90];
	s0 =	simm.s32 @p1 $0x1  }
0x15: {  	[smem:$0x3FAD] =	sst s0;
	s0 =	simm.s32 @!p2 $0x0  }
0x16: {  	s3 =	sld [smem:$0x3FDB];
	s0 =	simm.s32 @p2 $0x1  }
0x17: {  	s4 =	simm.s32 $0x1BF5;
	[smem:$0x3FAF] =	sst s0  }
0x18: {  	s0 =	sld [smem:$0x3F92];
	_ =	swait.ge [sflag:s4], $0x0  }
0x19: {  	s7 =	sld [smem:$0x3F93]  }
0x1a: {  	s8 =	sadd.s32 $0xFFFFE003, lr  }
0x1b: {  	s9 =	sadd.s32 $0xFFFFFEF7, lr;
	s5 =	simm.s32 $0xFFFFFFFF;
	p2 =	slt.u32 s8, $0xFFFFF086  }
0x1c: {  	p1 =	slt.u32 s9, $0xF7A;
	s5 =	simm.s32 @!p2 $0x0  }
0x1d: {  	s5 =	simm.s32 @p1 $0x1;
	p0 =	seq.s32 s7, s2  }
0x1e: {  	s7 =	smul.u32 @!p0 $0xF7A, s2;
	p2 =	seq.s32 @!p0 s5, $0x0  }
0x1f: {  	s9 =	smul.u32 $0xF7A, s1;
	s8 =	simm.s32 @!p0 $0x1BF5;
	p2 =	por !p2, p0  }
0x20: {  	[sflag:s8] =	ssyncset.s32 @!p0 $0xFFFFF086;
	s6 =	sadd.s32 @!p0 s3, s7;
	s7 =	simm.s32 @!p0 $0x108  }
0x21: {  	s3 =	sadd.s32 s3, s9;
	s6 =	sadd.s32 @!p0 $0x88, s6;
	s7 =	simm.s32 @p2 $0x1082  }
0x22: {  	[simem:s7], [sflag:s8] =	dma.local @!p0 [hbm:s6], $0xF7A  }
0x23: {  	s9 =	sor.u32 $0xD0000000, s2;
	s6 =	simm.s32 $0x108;
	_ =	swait.ge @!p0 [sflag:s8], $0x0  }
0x24: {  	s3 =	sadd.s32 $0x88, s3;
	s6 =	simm.s32 @!p1 $0x1082;
	[sflag:s4] =	ssyncset.s32 $0xFFFFF086  }
0x25: {  	[simem:s6], [sflag:s4] =	dma.local [hbm:s3], $0xF7A  }
0x26: {  	[smem:$0x3F93] =	sst s1;
	(tag) =	ssettag s2;
	_ =	strace s9  }
0x27: {  	s1 =	sld [smem:$0x3FA3]  }
0x28: {  	s2 =	sld [smem:$0x3FA4]  }
0x29: {  	s4 =	sld [smem:$0x3FA6]  }
0x2a: {  	p0 =	seq.s32 s5, $0x0;
	s5 =	sld [smem:$0x3FA7]  }
0x2b: {  	s6 =	sld [smem:$0x3FA8]  }
0x2c: {  	s7 =	sld [smem:$0x3FA9]  }
0x2d: {  	s3 =	simm.s32 $0x108;
	s8 =	sld [smem:$0x3FAA]  }
0x2e: {  	s3 =	simm.s32 @!p0 $0x1082;
	s9 =	sld [smem:$0x3FAB]  }
0x2f: {  	lr =	sadd.s32 s0, s3;
	s0 =	sld [smem:$0x3FA2]  }
0x30: {  	s3 =	sld [smem:$0x3FA5]  }
0x31: {  	[smem:$0x3FAE] =	sst s10  }
0x32: {  	s10 =	sld [smem:$0x3FAC];
	_ =	sdelay $0x3  }
0x33: {  	p0 =	seq.s32 s10, $0x1;
	s10 =	sld [smem:$0x3FAE];
	_ =	sdelay $0x3  }
0x34: {  	[smem:$0x3FAE] =	sst s10  }
0x35: {  	s10 =	sld [smem:$0x3FAD];
	_ =	sdelay $0x3  }
0x36: {  	p1 =	seq.s32 s10, $0x1;
	s10 =	sld [smem:$0x3FAE];
	_ =	sdelay $0x3  }
0x37: {  	[smem:$0x3FAE] =	sst s10  }
0x38: {  	s10 =	sld [smem:$0x3FAF]  }
0x39: {  	_ = 	snop;
	(pc) =	sbr.ind lr, $3  }
0x3a: {  	_ = 	snop  }
0x3b: {  	_ = 	snop  }
0x3c: {  	p2 =	seq.s32 s10, $0x1;
	s10 =	sld [smem:$0x3FAE]  }
0x3d: {  	_ =	shalt  }
0x3e: {  	_ =	shalt  }
0x3f: {  	_ =	shalt  }
0x40: {  	_ =	shalt  }
0x41: {  	_ =	shalt  }
0x42: {  	_ =	shalt  }
0x43: {  	_ =	shalt  }
0x44: {  	_ =	shalt  }
0x45: {  	_ =	shalt  }
0x46: {  	_ =	shalt  }
0x47: {  	_ =	shalt  }
0x48: {  	_ =	shalt  }
0x49: {  	_ =	shalt  }
0x4a: {  	_ =	shalt  }
0x4b: {  	_ =	shalt  }
0x4c: {  	_ =	shalt  }
0x4d: {  	_ =	shalt  }
0x4e: {  	_ =	shalt  }
0x4f: {  	_ =	shalt  }
0x50: {  	_ =	shalt  }
0x51: {  	_ =	shalt  }
0x52: {  	_ =	shalt  }
0x53: {  	_ =	shalt  }
0x54: {  	_ =	shalt  }
0x55: {  	_ =	shalt  }
0x56: {  	_ =	shalt  }
0x57: {  	_ =	shalt  }
0x58: {  	_ =	shalt  }
0x59: {  	_ =	shalt  }
0x5a: {  	_ =	shalt  }
0x5b: {  	_ =	shalt  }
0x5c: {  	_ =	shalt  }
0x5d: {  	_ =	shalt  }
0x5e: {  	_ =	shalt  }
0x5f: {  	_ =	shalt  }
0x60: {  	_ =	shalt  }
0x61: {  	_ =	shalt  }
0x62: {  	_ =	shalt  }
0x63: {  	_ =	shalt  }
0x64: {  	_ =	shalt  }
0x65: {  	_ =	shalt  }
0x66: {  	_ =	shalt  }
0x67: {  	_ =	shalt  }
0x68: {  	_ =	shalt  }
0x69: {  	_ =	shalt  }
0x6a: {  	_ =	shalt  }
0x6b: {  	_ =	shalt  }
0x6c: {  	_ =	shalt  }
0x6d: {  	_ =	shalt  }
0x6e: {  	_ =	shalt  }
0x6f: {  	_ =	shalt  }
0x70: {  	_ =	shalt  }
0x71: {  	_ =	shalt  }
0x72: {  	_ =	shalt  }
0x73: {  	_ =	shalt  }
0x74: {  	_ =	shalt  }
0x75: {  	_ =	shalt  }
0x76: {  	_ =	shalt  }
0x77: {  	_ =	shalt  }
0x78: {  	_ =	shalt  }
0x79: {  	_ =	shalt  }
0x7a: {  	_ =	shalt  }
0x7b: {  	_ =	shalt  }
0x7c: {  	_ =	shalt  }
0x7d: {  	_ =	shalt  }
0x7e: {  	_ =	shalt  }
0x7f: {  	_ =	shalt  }
0x80: {  	_ =	shalt  }
0x81: {  	_ =	shalt  }
0x82: {  	_ =	shalt  }
0x83: {  	_ =	shalt  }
0x84: {  	_ =	shalt  }
0x85: {  	_ =	shalt  }
0x86: {  	_ =	shalt  }
0x87: {  	_ =	shalt  }
.Lfunc_end0:
.L_simem_size_0:
called_computation_lowered:
.L_overlay_start_0:
0x88: {  	s2 =	sld [smem:$0x3FD9]  }
0x89: {  	s3 =	sld [smem:$0x3FFE];
	_ =	sdelay $0x1  }
0x8a: {  	s1 =	srdreg.scid  }
0x8b: {  	s0 =	sand.u32 $0x1, s1  }
0x8c: {  	s17 =	sshll.u32 s0, $0xA;
	s2 =	sadd.s32 s3, s2  }
0x8d: {  	s2 =	sadd.s32 s2, s17  }
0x8e: {  	[smem:$0x3FBA] =	sst s2  }
0x8f: {  	_ = 	snop  }
0x90: {  	s2 =	sld [smem:$0x3FD0];
	(tm) =	ssettm $0x1  }
0x91: {  	s18 =	sld [smem:$0x3FFB];
	_ =	sdelay $0x3  }
0x92: {  	_ =	strace s18  }
0x93: {  	s3 =	sld [smem:$0x3FFC];
	_ =	sdelay $0x3  }
0x94: {  	_ =	strace s3  }
0x95: {  	s3 =	sld [smem:$0x3FFD];
	_ =	sdelay $0x3  }
0x96: {  	_ =	strace s3  }
0x97: {  	_ =	strace $0x8FFFFFFF  }
0x98: {  	s19 =	sld [smem:$0x3FDB];
	_ =	sdelay $0x1  }
0x99: {  	s4 =	simm.s32 $_scs_section_size  }
0x9a: {  	s5 =	simm.s32 $_size__tile_overlayer_lowered;
	s6 =	simm.s32 $_tile_overlayer_lowered  }
0x9b: {  	s22 =	simm.s32 $0x1BFF;
	s21 =	sshll.u32 s6, $0x1;
	s3 =	sadd.s32 s4, s19  }
0x9c: {  	s7 =	simm.s32 $0x0;
	s20 =	sshll.u32 s5, $0x1;
	s5 =	sadd.s32 s21, s3  }
0x9d: {  	[timem:s7], [sflag:s22] =	dma.local [hbm:s5], s20  }
0x9e: {  	_ =	swait.ge [sflag:s22], s20  }
0x9f: {  	s4 =	ssub.s32 $0x0, s20;
	[sflag:s22] =	ssyncset.done $0x0  }
0xa0: {  	[sflag:s22] =	ssyncadd.s32 s4;
	_ =	sdelay $0x1  }
0xa1: {  	s23 =	simm.s32 $0x1B8B  }
0xa2: {  	_ =	swait.ge [sflag:s23], $0x1  }
0xa3: {  	[sflag:s23] =	ssyncset.done $0x0  }
0xa4: {  	s25 =	simm.s32 $0x1B8E;
	s24 =	sld [smem:$0x3FFE];
	[sflag:s23] =	ssyncadd.s32 $0xFFFFFFFF  }
0xa5: {  	s26 =	simm.s32 $execute0_lowered;
	[smem:$0x3FD2] =	sst s25  }
0xa6: {  	s5 =	sshll.u32 s26, $0x1;
	_ =	strace $0x80000046;
	[dreg:$0x1] =	wrdreg $0xFFFFFFFF  }
0xa7: {  	s28 =	simm.s32 $_size_execute0_lowered;
	s3 =	sadd.s32 s3, s5;
	[dreg:$0x0] =	wrdreg $0x0  }
0xa8: {  	s5 =	sshll.u32 s28, $0x1;
	[dreg:$0x2] =	wrdreg s3  }
0xa9: {  	[dreg:$0x3] =	wrdreg s5  }
0xaa: {  	[dreg:$0x4] =	wrdreg $0xC0  }
0xab: {  	_ =	task [dreg:s7], $0x5FFFF  }
0xac: {  	[dreg:$0x1] =	wrdreg $0xFFFFFFFF  }
0xad: {  	[dreg:$0x0] =	wrdreg $0x60  }
0xae: {  	[dreg:$0x2] =	wrdreg s24  }
0xaf: {  	[dreg:$0x3] =	wrdreg s2  }
0xb0: {  	[dreg:$0x4] =	wrdreg $0x90000  }
0xb1: {  	[dreg:$0x5] =	wrdreg $0x9  }
0xb2: {  	_ =	task.clear_ibuf [dreg:s7], $0x6FFFF;
	_ =	strace $0x90000046  }
0xb3: {  	s29 =	simm.s32 $0x9;
	_ =	strace $0x80000048  }
0xb4: {  	_ =	swait.ge [sflag:s29], $0x1  }
0xb5: {  	[sflag:s29] =	ssyncadd.s32 $0xFFFFFFFF  }
0xb6: {  	_ =	strace $0x90000048  }
0xb7: {  	_ =	sfence  }
0xb8: {  	s30 =	sld [smem:$0x0];
	_ =	sdelay $0x2  }
0xb9: {  	s31 =	sshll.u32 s1, $0xD;
	s1 =	sshrl.u32 s1, $0x2  }
0xba: {  	s3 =	sand.u32 $0x4000, s31;
	s1 =	sadd.s32 s1, s30  }
0xbb: {  	s0 =	sor.u32 s3, s0;
	s1 =	sshll.u32 s1, $0x11  }
0xbc: {  	s0 =	sor.u32 s1, s0  }
0xbd: {  	s0 =	sadd.s32 $0x8F2B, s0  }
0xbe: {  	[sflag:s0] =	ssyncadd.remote.s32 $0x1  }
0xbf: {  	_ =	sfence.sel $0xFFFF  }
0xc0: {  	[dreg:$0x0] =	wrdreg $0xFFFFFFFF;
	(pc) =	sbr.abs _section_cstart, $3  }
0xc1: {  	[dreg:$0x1] =	wrdreg $0xFFFFFFFF  }
0xc2: {  	_ =	task.clear_ibuf [dreg:s7], $0x2FFFF;
	_ =	strace $0x9FFFFFFF  }
0xc3: {  	(tm) =	ssettm $0x7FFFFFFF  }
tec
execute0_lowered:
.L_overlay_start_1:
0x0: {  	(tag) =	ssettag $0x1  }
0x1: {  	s0 =	srdreg.scid  }
0x2: {  	s1 =	rddreg [dreg:$0x0];
	s9 =	stileid.u32  }
0x3: {  	s3 =	rddreg [dreg:$0x2];
	s4 =	simm.s32 $0x0;
	s12 =	simm.s32 $0x5000  }
0x4: {  	s15 =	simm.s32 $0x800;
	s17 =	simm.s32 $0x400;
	s19 =	simm.s32 $0xC00  }
0x5: {  	s20 =	simm.s32 $0x1;
	s16 =	simm.s32 $0x2;
	s18 =	simm.s32 $0x480  }
0x6: {  	s13 =	simm.s32 $0x500;
	s14 =	simm.s32 $0xD00;
	s11 =	simm.s32 $0x580  }
0x7: {  	s28 =	simm.s32 $0xE80;
	s29 =	simm.s32 $0x700;
	s30 =	simm.s32 $0xF00  }
0x8: {  	s31 =	simm.s32 $0x780;
	s0 =	sand.u32 $0x1, s0;
	s5 =	smul.u32 $0x2800, s9  }
0x9: {  	[smem:$0x7FF] =	sst s4;
	s7 =	smul.u32 $0x50000, s9;
	s10 =	sadd.s32 $0x22000, s1  }
0xa: {  	s24 =	sshll.u32 s9, $0x6;
	s2 =	sshll.u32 s0, $0x4;
	s6 =	smul.u32 $0x28000, s0  }
0xb: {  	_ =	strace $0x80000047;
	[dreg:$0x4] =	wrdreg s10;
	s0 =	ssub.s32 $0x2, s0  }
0xc: {  	s10 =	simm.s32 $0x1000;
	s2 =	sor.u32 s9, s2;
	s8 =	sadd.s32 s5, s1  }
0xd: {  	s21 =	sshrl.u32 s0, $0x1;
	s7 =	sshrl.u32 s7, $0x2;
	s9 =	simm.s32 $0x3  }
0xe: {  	s2 =	smul.u32 $0x500, s2;
	s0 =	ssub.s32 s0, s21;
	s23 =	sadd.s32 $0x22800, s8  }
0xf: {  	s22 =	sadd.s32 s7, s3;
	s21 =	simm.s32 $0x80;
	[dreg:$0x5] =	wrdreg s23  }
0x10: {  	s0 =	smax.u32 s0, $0x1;
	s23 =	simm.s32 $0x600;
	s2 =	sadd.s32 s2, s1  }
0x11: {  	s1 =	sadd.s32 s6, s1;
	[dreg:$0x6] =	wrdreg s0;
	s0 =	sor.u32 $0x1C04, s24  }
0x12: {  	s6 =	sshrl.u32 s22, $0x3;
	s24 =	simm.s32 $0xC80;
	s7 =	sadd.s32 $0x4000, s2  }
0x13: {  	s8 =	sadd.s32 $0x18000, s2;
	[dreg:$0x8] =	wrdreg s6;
	s25 =	sadd.s32 $0x80, s7  }
0x14: {  	s1 =	sadd.s32 $0x4A800, s1;
	s26 =	sadd.s32 $0x80, s8;
	[dreg:$0x9] =	wrdreg s25  }
0x15: {  	s22 =	simm.s32 $0xD80;
	s1 =	sadd.s32 s5, s1;
	[dreg:$0xa] =	wrdreg s26  }
0x16: {  	s5 =	smov.u32 s0;
	s0 =	simm.s32 $0x0;
	[dreg:$0xb] =	wrdreg s1  }
0x17: {  	s2 =	simm.s32 $0x4;
	s25 =	simm.s32 $0xE00;
	[dreg:$0xc] =	wrdreg s0  }
0x18: {  	s26 =	simm.s32 $0x680;
	s1 =	simm.s32 $0xF80;
	[dreg:$0x7] =	wrdreg s5  }
.LBB2_1:
0x19: {  	s0 =	rddreg [dreg:$0x1]  }
0x1a: {  	[tilespmem:s10], [sflag:$0x4] =	stream.linear.gather [hbm4b:s0+s4], $0x4000, $0x38;
	[tilespmem:$0x1D000] =	vst v63  }
0x1b: {  	_ =	swait.ge [sflag:s2], $0x4000  }
0x1c: {  	[sflag:s2] =	ssyncset.done $0x0  }
0x1d: {  	s0 =	rddreg [dreg:$0x4];
	[sflag:s2] =	ssyncadd.s32 $0xFFFFC000  }
0x1e: {  	[tilespmem:s12], [sflag:$0x4] =	stream.linear.gather [hbm4b:s0+s4], $0x4000, $0x38;
	[tilespmem:$0x1D000] =	vst v63  }
0x1f: {  	_ =	swait.ge [sflag:s2], $0x4000  }
0x20: {  	[sflag:s2] =	ssyncset.done $0x0  }
0x21: {  	s0 =	rddreg [dreg:$0x5];
	[sflag:s2] =	ssyncadd.s32 $0xFFFFC000  }
0x22: {  	[spmem:s6], [sflag:s5] =	dma.local [hbm:s0], $0x2800  }
0x23: {  	_ =	swait.ge [sflag:s2], $0x2800  }
0x24: {  	[sflag:s2] =	ssyncset.done $0x0  }
0x25: {  	[sflag:s2] =	ssyncadd.s32 $0xFFFFD800  }
0x26: {  	[bflag:$0x0] =	sbarrier.arrive $0xFFFF  }
0x27: {  	[tilespmem:s4], [sflag:$0x1] =	stream.linear.gather [hbm4b:s7+s4], $0x400, $0x38;
	[tilespmem:$0x1D000] =	vst v63  }
0x28: {  	_ = 	snop  }
0x29: {  	[tilespmem:s15], [sflag:$0x1] =	stream.linear.gather [hbm4b:s8+s4], $0x400, $0x38;
	[tilespmem:$0x1D000] =	vst v63  }
0x2a: {  	s6 =	rddreg [dreg:$0x9]  }
0x2b: {  	[tilespmem:s17], [sflag:$0x2] =	stream.linear.gather [hbm4b:s6+s4], $0x400, $0x38;
	[tilespmem:$0x1D000] =	vst v63  }
0x2c: {  	s2 =	rddreg [dreg:$0xa]  }
0x2d: {  	[tilespmem:s19], [sflag:$0x2] =	stream.linear.gather [hbm4b:s2+s4], $0x400, $0x38;
	[tilespmem:$0x1D000] =	vst v63  }
0x2e: {  	_ =	swait.ge [sflag:s20], $0x400  }
0x2f: {  	[sflag:s20] =	ssyncset.done $0x0  }
0x30: {  	[sflag:s20] =	ssyncadd.s32 $0xFFFFFC00  }
0x31: {  	_ =	swait.ge [sflag:s20], $0x400  }
0x32: {  	[sflag:s20] =	ssyncset.done $0x0  }
0x33: {  	[sflag:s20] =	ssyncadd.s32 $0xFFFFFC00  }
0x34: {  	[spmem:s3] =	stream.indirect.scatter.add.f32 [tilespmem:s10], [sflag:$0x3], $0x80, s4, s21, $0xb8;
	[tilespmem:$0x1D000] =	vst v63  }
0x35: {  	_ = 	snop  }
0x36: {  	[spmem:s3] =	stream.indirect.scatter.add.f32 [tilespmem:s12], [sflag:$0x3], $0x80, s15, s21, $0xb8;
	[tilespmem:$0x1D000] =	vst v63  }
0x37: {  	_ = 	snop  }
0x38: {  	[spmem:s3] =	stream.indirect.scatter.add.f32 [tilespmem:s10], [sflag:$0x3], $0x80, s21, s21, $0xb8;
	[tilespmem:$0x1D000] =	vst v63  }
0x39: {  	s5 =	simm.s32 $0x880  }
0x3a: {  	[spmem:s3] =	stream.indirect.scatter.add.f32 [tilespmem:s12], [sflag:$0x3], $0x80, s5, s21, $0xb8;
	[tilespmem:$0x1D000] =	vst v63  }
0x3b: {  	s6 =	simm.s32 $0x100  }
0x3c: {  	[spmem:s3] =	stream.indirect.scatter.add.f32 [tilespmem:s10], [sflag:$0x3], $0x80, s6, s21, $0xb8;
	[tilespmem:$0x1D000] =	vst v63  }
0x3d: {  	s2 =	simm.s32 $0x900  }
0x3e: {  	[spmem:s3] =	stream.indirect.scatter.add.f32 [tilespmem:s12], [sflag:$0x3], $0x80, s2, s21, $0xb8;
	[tilespmem:$0x1D000] =	vst v63  }
0x3f: {  	s5 =	simm.s32 $0x180  }
0x40: {  	[spmem:s3] =	stream.indirect.scatter.add.f32 [tilespmem:s10], [sflag:$0x3], $0x80, s5, s21, $0xb8;
	[tilespmem:$0x1D000] =	vst v63  }
0x41: {  	s6 =	simm.s32 $0x980  }
0x42: {  	[spmem:s3] =	stream.indirect.scatter.add.f32 [tilespmem:s12], [sflag:$0x3], $0x80, s6, s21, $0xb8;
	[tilespmem:$0x1D000] =	vst v63  }
0x43: {  	s2 =	simm.s32 $0x200  }
0x44: {  	[spmem:s3] =	stream.indirect.scatter.add.f32 [tilespmem:s10], [sflag:$0x3], $0x80, s2, s21, $0xb8;
	[tilespmem:$0x1D000] =	vst v63  }
0x45: {  	s5 =	simm.s32 $0xA00  }
0x46: {  	[spmem:s3] =	stream.indirect.scatter.add.f32 [tilespmem:s12], [sflag:$0x3], $0x80, s5, s21, $0xb8;
	[tilespmem:$0x1D000] =	vst v63  }
0x47: {  	s6 =	simm.s32 $0x280  }
0x48: {  	[spmem:s3] =	stream.indirect.scatter.add.f32 [tilespmem:s10], [sflag:$0x3], $0x80, s6, s21, $0xb8;
	[tilespmem:$0x1D000] =	vst v63  }
0x49: {  	s2 =	simm.s32 $0xA80  }
0x4a: {  	[spmem:s3] =	stream.indirect.scatter.add.f32 [tilespmem:s12], [sflag:$0x3], $0x80, s2, s21, $0xb8;
	[tilespmem:$0x1D000] =	vst v63  }
0x4b: {  	s5 =	simm.s32 $0x300  }
0x4c: {  	[spmem:s3] =	stream.indirect.scatter.add.f32 [tilespmem:s10], [sflag:$0x3], $0x80, s5, s21, $0xb8;
	[tilespmem:$0x1D000] =	vst v63  }
0x4d: {  	s6 =	simm.s32 $0xB00  }
0x4e: {  	[spmem:s3] =	stream.indirect.scatter.add.f32 [tilespmem:s12], [sflag:$0x3], $0x80, s6, s21, $0xb8;
	[tilespmem:$0x1D000] =	vst v63  }
0x4f: {  	s2 =	simm.s32 $0x380  }
0x50: {  	[spmem:s3] =	stream.indirect.scatter.add.f32 [tilespmem:s10], [sflag:$0x3], $0x80, s2, s21, $0xb8;
	[tilespmem:$0x1D000] =	vst v63  }
0x51: {  	s5 =	simm.s32 $0xB80  }
0x52: {  	[spmem:s3] =	stream.indirect.scatter.add.f32 [tilespmem:s12], [sflag:$0x3], $0x80, s5, s21, $0xb8;
	[tilespmem:$0x1D000] =	vst v63  }
0x53: {  	_ =	swait.ge [sflag:s9], $0x4000  }
0x54: {  	[sflag:s9] =	ssyncset.done $0x0  }
0x55: {  	[sflag:s9] =	ssyncadd.s32 $0xFFFFC000  }
0x56: {  	_ =	swait.ge [sflag:s9], $0x4000  }
0x57: {  	[sflag:s9] =	ssyncset.done $0x0  }
0x58: {  	[sflag:s9] =	ssyncadd.s32 $0xFFFFC000  }
0x59: {  	_ =	swait.ge [sflag:s9], $0x4000  }
0x5a: {  	[sflag:s9] =	ssyncset.done $0x0  }
0x5b: {  	[sflag:s9] =	ssyncadd.s32 $0xFFFFC000  }
0x5c: {  	_ =	swait.ge [sflag:s9], $0x4000  }
0x5d: {  	[sflag:s9] =	ssyncset.done $0x0  }
0x5e: {  	[sflag:s9] =	ssyncadd.s32 $0xFFFFC000  }
0x5f: {  	_ =	swait.ge [sflag:s9], $0x4000  }
0x60: {  	[sflag:s9] =	ssyncset.done $0x0  }
0x61: {  	[sflag:s9] =	ssyncadd.s32 $0xFFFFC000  }
0x62: {  	_ =	swait.ge [sflag:s9], $0x4000  }
0x63: {  	[sflag:s9] =	ssyncset.done $0x0  }
0x64: {  	[sflag:s9] =	ssyncadd.s32 $0xFFFFC000  }
0x65: {  	_ =	swait.ge [sflag:s9], $0x4000  }
0x66: {  	[sflag:s9] =	ssyncset.done $0x0  }
0x67: {  	[sflag:s9] =	ssyncadd.s32 $0xFFFFC000  }
0x68: {  	_ =	swait.ge [sflag:s9], $0x4000  }
0x69: {  	[sflag:s9] =	ssyncset.done $0x0  }
0x6a: {  	[sflag:s9] =	ssyncadd.s32 $0xFFFFC000  }
0x6b: {  	_ =	swait.ge [sflag:s9], $0x4000  }
0x6c: {  	[sflag:s9] =	ssyncset.done $0x0  }
0x6d: {  	[sflag:s9] =	ssyncadd.s32 $0xFFFFC000  }
0x6e: {  	_ =	swait.ge [sflag:s9], $0x4000  }
0x6f: {  	[sflag:s9] =	ssyncset.done $0x0  }
0x70: {  	[sflag:s9] =	ssyncadd.s32 $0xFFFFC000  }
0x71: {  	_ =	swait.ge [sflag:s9], $0x4000  }
0x72: {  	[sflag:s9] =	ssyncset.done $0x0  }
0x73: {  	[sflag:s9] =	ssyncadd.s32 $0xFFFFC000  }
0x74: {  	_ =	swait.ge [sflag:s9], $0x4000  }
0x75: {  	[sflag:s9] =	ssyncset.done $0x0  }
0x76: {  	[sflag:s9] =	ssyncadd.s32 $0xFFFFC000  }
0x77: {  	_ =	swait.ge [sflag:s9], $0x4000  }
0x78: {  	[sflag:s9] =	ssyncset.done $0x0  }
0x79: {  	[sflag:s9] =	ssyncadd.s32 $0xFFFFC000  }
0x7a: {  	_ =	swait.ge [sflag:s9], $0x4000  }
0x7b: {  	[sflag:s9] =	ssyncset.done $0x0  }
0x7c: {  	[sflag:s9] =	ssyncadd.s32 $0xFFFFC000  }
0x7d: {  	_ =	swait.ge [sflag:s9], $0x4000  }
0x7e: {  	[sflag:s9] =	ssyncset.done $0x0  }
0x7f: {  	[sflag:s9] =	ssyncadd.s32 $0xFFFFC000  }
0x80: {  	_ =	swait.ge [sflag:s9], $0x4000  }
0x81: {  	[sflag:s9] =	ssyncset.done $0x0  }
0x82: {  	[sflag:s9] =	ssyncadd.s32 $0xFFFFC000  }
0x83: {  	_ =	swait.ge [sflag:s16], $0x400  }
0x84: {  	[sflag:s16] =	ssyncset.done $0x0  }
0x85: {  	[sflag:s16] =	ssyncadd.s32 $0xFFFFFC00  }
0x86: {  	_ =	swait.ge [sflag:s16], $0x400  }
0x87: {  	s0 =	sadd.s32 $0xFFFFFC00, s7;
	[sflag:s16] =	ssyncset.done $0x0  }
0x88: {  	s6 =	sadd.s32 $0x500, s0;
	s2 =	sadd.s32 $0xFFFFFC00, s8;
	[sflag:s16] =	ssyncadd.s32 $0xFFFFFC00  }
0x89: {  	[tilespmem:s4], [sflag:$0x1] =	stream.linear.gather [hbm4b:s6+s4], $0x400, $0x38;
	[tilespmem:$0x1D000] =	vst v63  }
0x8a: {  	s6 =	sadd.s32 $0x500, s2  }
0x8b: {  	[tilespmem:s15], [sflag:$0x1] =	stream.linear.gather [hbm4b:s6+s4], $0x400, $0x38;
	[tilespmem:$0x1D000] =	vst v63  }
0x8c: {  	_ = 	snop  }
0x8d: {  	[spmem:s3] =	stream.indirect.scatter.add.f32 [tilespmem:s10], [sflag:$0x3], $0x80, s17, s21, $0xb8;
	[tilespmem:$0x1D000] =	vst v63  }
0x8e: {  	_ = 	snop  }
0x8f: {  	[spmem:s3] =	stream.indirect.scatter.add.f32 [tilespmem:s12], [sflag:$0x3], $0x80, s19, s21, $0xb8;
	[tilespmem:$0x1D000] =	vst v63  }
0x90: {  	_ = 	snop  }
0x91: {  	[spmem:s3] =	stream.indirect.scatter.add.f32 [tilespmem:s10], [sflag:$0x3], $0x80, s18, s21, $0xb8;
	[tilespmem:$0x1D000] =	vst v63  }
0x92: {  	_ = 	snop  }
0x93: {  	[spmem:s3] =	stream.indirect.scatter.add.f32 [tilespmem:s12], [sflag:$0x3], $0x80, s24, s21, $0xb8;
	[tilespmem:$0x1D000] =	vst v63  }
0x94: {  	_ = 	snop  }
0x95: {  	[spmem:s3] =	stream.indirect.scatter.add.f32 [tilespmem:s10], [sflag:$0x3], $0x80, s13, s21, $0xb8;
	[tilespmem:$0x1D000] =	vst v63  }
0x96: {  	_ = 	snop  }
0x97: {  	[spmem:s3] =	stream.indirect.scatter.add.f32 [tilespmem:s12], [sflag:$0x3], $0x80, s14, s21, $0xb8;
	[tilespmem:$0x1D000] =	vst v63  }
0x98: {  	_ = 	snop  }
0x99: {  	[spmem:s3] =	stream.indirect.scatter.add.f32 [tilespmem:s10], [sflag:$0x3], $0x80, s11, s21, $0xb8;
	[tilespmem:$0x1D000] =	vst v63  }
0x9a: {  	_ = 	snop  }
0x9b: {  	[spmem:s3] =	stream.indirect.scatter.add.f32 [tilespmem:s12], [sflag:$0x3], $0x80, s22, s21, $0xb8;
	[tilespmem:$0x1D000] =	vst v63  }
0x9c: {  	_ = 	snop  }
0x9d: {  	[spmem:s3] =	stream.indirect.scatter.add.f32 [tilespmem:s10], [sflag:$0x3], $0x80, s23, s21, $0xb8;
	[tilespmem:$0x1D000] =	vst v63  }
0x9e: {  	_ = 	snop  }
0x9f: {  	[spmem:s3] =	stream.indirect.scatter.add.f32 [tilespmem:s12], [sflag:$0x3], $0x80, s25, s21, $0xb8;
	[tilespmem:$0x1D000] =	vst v63  }
0xa0: {  	_ = 	snop  }
0xa1: {  	[spmem:s3] =	stream.indirect.scatter.add.f32 [tilespmem:s10], [sflag:$0x3], $0x80, s26, s21, $0xb8;
	[tilespmem:$0x1D000] =	vst v63  }
0xa2: {  	_ = 	snop  }
0xa3: {  	[spmem:s3] =	stream.indirect.scatter.add.f32 [tilespmem:s12], [sflag:$0x3], $0x80, s28, s21, $0xb8;
	[tilespmem:$0x1D000] =	vst v63  }
0xa4: {  	_ = 	snop  }
0xa5: {  	[spmem:s3] =	stream.indirect.scatter.add.f32 [tilespmem:s10], [sflag:$0x3], $0x80, s29, s21, $0xb8;
	[tilespmem:$0x1D000] =	vst v63  }
0xa6: {  	_ = 	snop  }
0xa7: {  	[spmem:s3] =	stream.indirect.scatter.add.f32 [tilespmem:s12], [sflag:$0x3], $0x80, s30, s21, $0xb8;
	[tilespmem:$0x1D000] =	vst v63  }
0xa8: {  	_ = 	snop  }
0xa9: {  	[spmem:s3] =	stream.indirect.scatter.add.f32 [tilespmem:s10], [sflag:$0x3], $0x80, s31, s21, $0xb8;
	[tilespmem:$0x1D000] =	vst v63  }
0xaa: {  	_ = 	snop  }
0xab: {  	[spmem:s3] =	stream.indirect.scatter.add.f32 [tilespmem:s12], [sflag:$0x3], $0x80, s1, s21, $0xb8;
	[tilespmem:$0x1D000] =	vst v63  }
0xac: {  	_ =	swait.ge [sflag:s9], $0x4000  }
0xad: {  	[sflag:s9] =	ssyncset.done $0x0  }
0xae: {  	[sflag:s9] =	ssyncadd.s32 $0xFFFFC000  }
0xaf: {  	_ =	swait.ge [sflag:s9], $0x4000  }
0xb0: {  	[sflag:s9] =	ssyncset.done $0x0  }
0xb1: {  	[sflag:s9] =	ssyncadd.s32 $0xFFFFC000  }
0xb2: {  	_ =	swait.ge [sflag:s9], $0x4000  }
0xb3: {  	[sflag:s9] =	ssyncset.done $0x0  }
0xb4: {  	[sflag:s9] =	ssyncadd.s32 $0xFFFFC000  }
0xb5: {  	_ =	swait.ge [sflag:s9], $0x4000  }
0xb6: {  	[sflag:s9] =	ssyncset.done $0x0  }
0xb7: {  	[sflag:s9] =	ssyncadd.s32 $0xFFFFC000  }
0xb8: {  	_ =	swait.ge [sflag:s9], $0x4000  }
0xb9: {  	[sflag:s9] =	ssyncset.done $0x0  }
0xba: {  	[sflag:s9] =	ssyncadd.s32 $0xFFFFC000  }
0xbb: {  	_ =	swait.ge [sflag:s9], $0x4000  }
0xbc: {  	[sflag:s9] =	ssyncset.done $0x0  }
0xbd: {  	[sflag:s9] =	ssyncadd.s32 $0xFFFFC000  }
0xbe: {  	_ =	swait.ge [sflag:s9], $0x4000  }
0xbf: {  	[sflag:s9] =	ssyncset.done $0x0  }
0xc0: {  	[sflag:s9] =	ssyncadd.s32 $0xFFFFC000  }
0xc1: {  	_ =	swait.ge [sflag:s9], $0x4000  }
0xc2: {  	[sflag:s9] =	ssyncset.done $0x0  }
0xc3: {  	[sflag:s9] =	ssyncadd.s32 $0xFFFFC000  }
0xc4: {  	_ =	swait.ge [sflag:s9], $0x4000  }
0xc5: {  	[sflag:s9] =	ssyncset.done $0x0  }
0xc6: {  	[sflag:s9] =	ssyncadd.s32 $0xFFFFC000  }
0xc7: {  	_ =	swait.ge [sflag:s9], $0x4000  }
0xc8: {  	[sflag:s9] =	ssyncset.done $0x0  }
0xc9: {  	[sflag:s9] =	ssyncadd.s32 $0xFFFFC000  }
0xca: {  	_ =	swait.ge [sflag:s9], $0x4000  }
0xcb: {  	[sflag:s9] =	ssyncset.done $0x0  }
0xcc: {  	[sflag:s9] =	ssyncadd.s32 $0xFFFFC000  }
0xcd: {  	_ =	swait.ge [sflag:s9], $0x4000  }
0xce: {  	[sflag:s9] =	ssyncset.done $0x0  }
0xcf: {  	[sflag:s9] =	ssyncadd.s32 $0xFFFFC000  }
0xd0: {  	_ =	swait.ge [sflag:s9], $0x4000  }
0xd1: {  	[sflag:s9] =	ssyncset.done $0x0  }
0xd2: {  	[sflag:s9] =	ssyncadd.s32 $0xFFFFC000  }
0xd3: {  	_ =	swait.ge [sflag:s9], $0x4000  }
0xd4: {  	[sflag:s9] =	ssyncset.done $0x0  }
0xd5: {  	[sflag:s9] =	ssyncadd.s32 $0xFFFFC000  }
0xd6: {  	_ =	swait.ge [sflag:s9], $0x4000  }
0xd7: {  	[sflag:s9] =	ssyncset.done $0x0  }
0xd8: {  	[sflag:s9] =	ssyncadd.s32 $0xFFFFC000  }
0xd9: {  	_ =	swait.ge [sflag:s9], $0x4000  }
0xda: {  	[sflag:s9] =	ssyncset.done $0x0  }
0xdb: {  	[sflag:s9] =	ssyncadd.s32 $0xFFFFC000  }
0xdc: {  	_ =	swait.ge [sflag:s20], $0x400  }
0xdd: {  	[sflag:s20] =	ssyncset.done $0x0  }
0xde: {  	[sflag:s20] =	ssyncadd.s32 $0xFFFFFC00  }
0xdf: {  	_ =	swait.ge [sflag:s20], $0x400  }
0xe0: {  	[sflag:s20] =	ssyncset.done $0x0  }
0xe1: {  	s0 =	sadd.s32 $0x580, s0;
	[sflag:s20] =	ssyncadd.s32 $0xFFFFFC00  }
0xe2: {  	[tilespmem:s17], [sflag:$0x2] =	stream.linear.gather [hbm4b:s0+s4], $0x400, $0x38;
	[tilespmem:$0x1D000] =	vst v63  }
0xe3: {  	s2 =	sadd.s32 $0x580, s2;
	s0 =	simm.s32 $0xFFFFFD00  }
.LBB2_2:
0xe4: {  	[tilespmem:s19], [sflag:$0x2] =	stream.linear.gather [hbm4b:s2+s4], $0x400, $0x38;
	[tilespmem:$0x1D000] =	vst v63  }
0xe5: {  	p0 =	sne.s32 s0, $0xFFFFFF00;
	s5 =	smov.u32 s0;
	s0 =	sadd.s32 $0x100, s0  }
0xe6: {  	[spmem:s3] =	stream.indirect.scatter.add.f32 [tilespmem:s10], [sflag:$0x3], $0x80, s4, s21, $0xb8;
	[tilespmem:$0x1D000] =	vst v63  }
0xe7: {  	_ = 	snop  }
0xe8: {  	[spmem:s3] =	stream.indirect.scatter.add.f32 [tilespmem:s12], [sflag:$0x3], $0x80, s15, s21, $0xb8;
	[tilespmem:$0x1D000] =	vst v63  }
0xe9: {  	_ = 	snop  }
0xea: {  	[spmem:s3] =	stream.indirect.scatter.add.f32 [tilespmem:s10], [sflag:$0x3], $0x80, s21, s21, $0xb8;
	[tilespmem:$0x1D000] =	vst v63  }
0xeb: {  	s2 =	simm.s32 $0x880  }
0xec: {  	[spmem:s3] =	stream.indirect.scatter.add.f32 [tilespmem:s12], [sflag:$0x3], $0x80, s2, s21, $0xb8;
	[tilespmem:$0x1D000] =	vst v63  }
0xed: {  	s2 =	simm.s32 $0x100  }
0xee: {  	[spmem:s3] =	stream.indirect.scatter.add.f32 [tilespmem:s10], [sflag:$0x3], $0x80, s2, s21, $0xb8;
	[tilespmem:$0x1D000] =	vst v63  }
0xef: {  	s2 =	simm.s32 $0x900  }
0xf0: {  	[spmem:s3] =	stream.indirect.scatter.add.f32 [tilespmem:s12], [sflag:$0x3], $0x80, s2, s21, $0xb8;
	[tilespmem:$0x1D000] =	vst v63  }
0xf1: {  	s2 =	simm.s32 $0x180  }
0xf2: {  	[spmem:s3] =	stream.indirect.scatter.add.f32 [tilespmem:s10], [sflag:$0x3], $0x80, s2, s21, $0xb8;
	[tilespmem:$0x1D000] =	vst v63  }
0xf3: {  	s2 =	simm.s32 $0x980  }
0xf4: {  	[spmem:s3] =	stream.indirect.scatter.add.f32 [tilespmem:s12], [sflag:$0x3], $0x80, s2, s21, $0xb8;
	[tilespmem:$0x1D000] =	vst v63  }
0xf5: {  	s2 =	simm.s32 $0x200  }
0xf6: {  	[spmem:s3] =	stream.indirect.scatter.add.f32 [tilespmem:s10], [sflag:$0x3], $0x80, s2, s21, $0xb8;
	[tilespmem:$0x1D000] =	vst v63  }
0xf7: {  	s2 =	simm.s32 $0xA00  }
0xf8: {  	[spmem:s3] =	stream.indirect.scatter.add.f32 [tilespmem:s12], [sflag:$0x3], $0x80, s2, s21, $0xb8;
	[tilespmem:$0x1D000] =	vst v63  }
0xf9: {  	s2 =	simm.s32 $0x280  }
0xfa: {  	[spmem:s3] =	stream.indirect.scatter.add.f32 [tilespmem:s10], [sflag:$0x3], $0x80, s2, s21, $0xb8;
	[tilespmem:$0x1D000] =	vst v63  }
0xfb: {  	s2 =	simm.s32 $0xA80  }
0xfc: {  	[spmem:s3] =	stream.indirect.scatter.add.f32 [tilespmem:s12], [sflag:$0x3], $0x80, s2, s21, $0xb8;
	[tilespmem:$0x1D000] =	vst v63  }
0xfd: {  	s2 =	simm.s32 $0x300  }
0xfe: {  	[spmem:s3] =	stream.indirect.scatter.add.f32 [tilespmem:s10], [sflag:$0x3], $0x80, s2, s21, $0xb8;
	[tilespmem:$0x1D000] =	vst v63  }
0xff: {  	s2 =	simm.s32 $0xB00  }
0x100: {  	[spmem:s3] =	stream.indirect.scatter.add.f32 [tilespmem:s12], [sflag:$0x3], $0x80, s2, s21, $0xb8;
	[tilespmem:$0x1D000] =	vst v63  }
0x101: {  	s2 =	simm.s32 $0x380  }
0x102: {  	[spmem:s3] =	stream.indirect.scatter.add.f32 [tilespmem:s10], [sflag:$0x3], $0x80, s2, s21, $0xb8;
	[tilespmem:$0x1D000] =	vst v63  }
0x103: {  	s2 =	simm.s32 $0xB80  }
0x104: {  	[spmem:s3] =	stream.indirect.scatter.add.f32 [tilespmem:s12], [sflag:$0x3], $0x80, s2, s21, $0xb8;
	[tilespmem:$0x1D000] =	vst v63  }
0x105: {  	_ =	swait.ge [sflag:s9], $0x4000  }
0x106: {  	[sflag:s9] =	ssyncset.done $0x0  }
0x107: {  	[sflag:s9] =	ssyncadd.s32 $0xFFFFC000  }
0x108: {  	_ =	swait.ge [sflag:s9], $0x4000  }
0x109: {  	[sflag:s9] =	ssyncset.done $0x0  }
0x10a: {  	[sflag:s9] =	ssyncadd.s32 $0xFFFFC000  }
0x10b: {  	_ =	swait.ge [sflag:s9], $0x4000  }
0x10c: {  	[sflag:s9] =	ssyncset.done $0x0  }
0x10d: {  	[sflag:s9] =	ssyncadd.s32 $0xFFFFC000  }
0x10e: {  	_ =	swait.ge [sflag:s9], $0x4000  }
0x10f: {  	[sflag:s9] =	ssyncset.done $0x0  }
0x110: {  	[sflag:s9] =	ssyncadd.s32 $0xFFFFC000  }
0x111: {  	_ =	swait.ge [sflag:s9], $0x4000  }
0x112: {  	[sflag:s9] =	ssyncset.done $0x0  }
0x113: {  	[sflag:s9] =	ssyncadd.s32 $0xFFFFC000  }
0x114: {  	_ =	swait.ge [sflag:s9], $0x4000  }
0x115: {  	[sflag:s9] =	ssyncset.done $0x0  }
0x116: {  	[sflag:s9] =	ssyncadd.s32 $0xFFFFC000  }
0x117: {  	_ =	swait.ge [sflag:s9], $0x4000  }
0x118: {  	[sflag:s9] =	ssyncset.done $0x0  }
0x119: {  	[sflag:s9] =	ssyncadd.s32 $0xFFFFC000  }
0x11a: {  	_ =	swait.ge [sflag:s9], $0x4000  }
0x11b: {  	[sflag:s9] =	ssyncset.done $0x0  }
0x11c: {  	[sflag:s9] =	ssyncadd.s32 $0xFFFFC000  }
0x11d: {  	_ =	swait.ge [sflag:s9], $0x4000  }
0x11e: {  	[sflag:s9] =	ssyncset.done $0x0  }
0x11f: {  	[sflag:s9] =	ssyncadd.s32 $0xFFFFC000  }
0x120: {  	_ =	swait.ge [sflag:s9], $0x4000  }
0x121: {  	[sflag:s9] =	ssyncset.done $0x0  }
0x122: {  	[sflag:s9] =	ssyncadd.s32 $0xFFFFC000  }
0x123: {  	_ =	swait.ge [sflag:s9], $0x4000  }
0x124: {  	[sflag:s9] =	ssyncset.done $0x0  }
0x125: {  	[sflag:s9] =	ssyncadd.s32 $0xFFFFC000  }
0x126: {  	_ =	swait.ge [sflag:s9], $0x4000  }
0x127: {  	[sflag:s9] =	ssyncset.done $0x0  }
0x128: {  	[sflag:s9] =	ssyncadd.s32 $0xFFFFC000  }
0x129: {  	_ =	swait.ge [sflag:s9], $0x4000  }
0x12a: {  	[sflag:s9] =	ssyncset.done $0x0  }
0x12b: {  	[sflag:s9] =	ssyncadd.s32 $0xFFFFC000  }
0x12c: {  	_ =	swait.ge [sflag:s9], $0x4000  }
0x12d: {  	[sflag:s9] =	ssyncset.done $0x0  }
0x12e: {  	[sflag:s9] =	ssyncadd.s32 $0xFFFFC000  }
0x12f: {  	_ =	swait.ge [sflag:s9], $0x4000  }
0x130: {  	[sflag:s9] =	ssyncset.done $0x0  }
0x131: {  	[sflag:s9] =	ssyncadd.s32 $0xFFFFC000  }
0x132: {  	_ =	swait.ge [sflag:s9], $0x4000  }
0x133: {  	[sflag:s9] =	ssyncset.done $0x0  }
0x134: {  	[sflag:s9] =	ssyncadd.s32 $0xFFFFC000  }
0x135: {  	_ =	swait.ge [sflag:s16], $0x400  }
0x136: {  	[sflag:s16] =	ssyncset.done $0x0  }
0x137: {  	[sflag:s16] =	ssyncadd.s32 $0xFFFFFC00  }
0x138: {  	_ =	swait.ge [sflag:s16], $0x400  }
0x139: {  	s2 =	sadd.s32 s5, s7;
	[sflag:s16] =	ssyncset.done $0x0  }
0x13a: {  	s5 =	sadd.s32 s5, s8;
	s6 =	sadd.s32 $0x500, s2;
	[sflag:s16] =	ssyncadd.s32 $0xFFFFFC00  }
0x13b: {  	[tilespmem:s4], [sflag:$0x1] =	stream.linear.gather [hbm4b:s6+s4], $0x400, $0x38;
	[tilespmem:$0x1D000] =	vst v63  }
0x13c: {  	s6 =	sadd.s32 $0x500, s5  }
0x13d: {  	[tilespmem:s15], [sflag:$0x1] =	stream.linear.gather [hbm4b:s6+s4], $0x400, $0x38;
	[tilespmem:$0x1D000] =	vst v63  }
0x13e: {  	_ = 	snop  }
0x13f: {  	[spmem:s3] =	stream.indirect.scatter.add.f32 [tilespmem:s10], [sflag:$0x3], $0x80, s17, s21, $0xb8;
	[tilespmem:$0x1D000] =	vst v63  }
0x140: {  	_ = 	snop  }
0x141: {  	[spmem:s3] =	stream.indirect.scatter.add.f32 [tilespmem:s12], [sflag:$0x3], $0x80, s19, s21, $0xb8;
	[tilespmem:$0x1D000] =	vst v63  }
0x142: {  	_ = 	snop  }
0x143: {  	[spmem:s3] =	stream.indirect.scatter.add.f32 [tilespmem:s10], [sflag:$0x3], $0x80, s18, s21, $0xb8;
	[tilespmem:$0x1D000] =	vst v63  }
0x144: {  	_ = 	snop  }
0x145: {  	[spmem:s3] =	stream.indirect.scatter.add.f32 [tilespmem:s12], [sflag:$0x3], $0x80, s24, s21, $0xb8;
	[tilespmem:$0x1D000] =	vst v63  }
0x146: {  	_ = 	snop  }
0x147: {  	[spmem:s3] =	stream.indirect.scatter.add.f32 [tilespmem:s10], [sflag:$0x3], $0x80, s13, s21, $0xb8;
	[tilespmem:$0x1D000] =	vst v63  }
0x148: {  	_ = 	snop  }
0x149: {  	[spmem:s3] =	stream.indirect.scatter.add.f32 [tilespmem:s12], [sflag:$0x3], $0x80, s14, s21, $0xb8;
	[tilespmem:$0x1D000] =	vst v63  }
0x14a: {  	_ = 	snop  }
0x14b: {  	[spmem:s3] =	stream.indirect.scatter.add.f32 [tilespmem:s10], [sflag:$0x3], $0x80, s11, s21, $0xb8;
	[tilespmem:$0x1D000] =	vst v63  }
0x14c: {  	_ = 	snop  }
0x14d: {  	[spmem:s3] =	stream.indirect.scatter.add.f32 [tilespmem:s12], [sflag:$0x3], $0x80, s22, s21, $0xb8;
	[tilespmem:$0x1D000] =	vst v63  }
0x14e: {  	_ = 	snop  }
0x14f: {  	[spmem:s3] =	stream.indirect.scatter.add.f32 [tilespmem:s10], [sflag:$0x3], $0x80, s23, s21, $0xb8;
	[tilespmem:$0x1D000] =	vst v63  }
0x150: {  	_ = 	snop  }
0x151: {  	[spmem:s3] =	stream.indirect.scatter.add.f32 [tilespmem:s12], [sflag:$0x3], $0x80, s25, s21, $0xb8;
	[tilespmem:$0x1D000] =	vst v63  }
0x152: {  	_ = 	snop  }
0x153: {  	[spmem:s3] =	stream.indirect.scatter.add.f32 [tilespmem:s10], [sflag:$0x3], $0x80, s26, s21, $0xb8;
	[tilespmem:$0x1D000] =	vst v63  }
0x154: {  	_ = 	snop  }
0x155: {  	[spmem:s3] =	stream.indirect.scatter.add.f32 [tilespmem:s12], [sflag:$0x3], $0x80, s28, s21, $0xb8;
	[tilespmem:$0x1D000] =	vst v63  }
0x156: {  	_ = 	snop  }
0x157: {  	[spmem:s3] =	stream.indirect.scatter.add.f32 [tilespmem:s10], [sflag:$0x3], $0x80, s29, s21, $0xb8;
	[tilespmem:$0x1D000] =	vst v63  }
0x158: {  	_ = 	snop  }
0x159: {  	[spmem:s3] =	stream.indirect.scatter.add.f32 [tilespmem:s12], [sflag:$0x3], $0x80, s30, s21, $0xb8;
	[tilespmem:$0x1D000] =	vst v63  }
0x15a: {  	_ = 	snop  }
0x15b: {  	[spmem:s3] =	stream.indirect.scatter.add.f32 [tilespmem:s10], [sflag:$0x3], $0x80, s31, s21, $0xb8;
	[tilespmem:$0x1D000] =	vst v63  }
0x15c: {  	_ = 	snop  }
0x15d: {  	[spmem:s3] =	stream.indirect.scatter.add.f32 [tilespmem:s12], [sflag:$0x3], $0x80, s1, s21, $0xb8;
	[tilespmem:$0x1D000] =	vst v63  }
0x15e: {  	_ =	swait.ge [sflag:s9], $0x4000  }
0x15f: {  	[sflag:s9] =	ssyncset.done $0x0  }
0x160: {  	[sflag:s9] =	ssyncadd.s32 $0xFFFFC000  }
0x161: {  	_ =	swait.ge [sflag:s9], $0x4000  }
0x162: {  	[sflag:s9] =	ssyncset.done $0x0  }
0x163: {  	[sflag:s9] =	ssyncadd.s32 $0xFFFFC000  }
0x164: {  	_ =	swait.ge [sflag:s9], $0x4000  }
0x165: {  	[sflag:s9] =	ssyncset.done $0x0  }
0x166: {  	[sflag:s9] =	ssyncadd.s32 $0xFFFFC000  }
0x167: {  	_ =	swait.ge [sflag:s9], $0x4000  }
0x168: {  	[sflag:s9] =	ssyncset.done $0x0  }
0x169: {  	[sflag:s9] =	ssyncadd.s32 $0xFFFFC000  }
0x16a: {  	_ =	swait.ge [sflag:s9], $0x4000  }
0x16b: {  	[sflag:s9] =	ssyncset.done $0x0  }
0x16c: {  	[sflag:s9] =	ssyncadd.s32 $0xFFFFC000  }
0x16d: {  	_ =	swait.ge [sflag:s9], $0x4000  }
0x16e: {  	[sflag:s9] =	ssyncset.done $0x0  }
0x16f: {  	[sflag:s9] =	ssyncadd.s32 $0xFFFFC000  }
0x170: {  	_ =	swait.ge [sflag:s9], $0x4000  }
0x171: {  	[sflag:s9] =	ssyncset.done $0x0  }
0x172: {  	[sflag:s9] =	ssyncadd.s32 $0xFFFFC000  }
0x173: {  	_ =	swait.ge [sflag:s9], $0x4000  }
0x174: {  	[sflag:s9] =	ssyncset.done $0x0  }
0x175: {  	[sflag:s9] =	ssyncadd.s32 $0xFFFFC000  }
0x176: {  	_ =	swait.ge [sflag:s9], $0x4000  }
0x177: {  	[sflag:s9] =	ssyncset.done $0x0  }
0x178: {  	[sflag:s9] =	ssyncadd.s32 $0xFFFFC000  }
0x179: {  	_ =	swait.ge [sflag:s9], $0x4000  }
0x17a: {  	[sflag:s9] =	ssyncset.done $0x0  }
0x17b: {  	[sflag:s9] =	ssyncadd.s32 $0xFFFFC000  }
0x17c: {  	_ =	swait.ge [sflag:s9], $0x4000  }
0x17d: {  	[sflag:s9] =	ssyncset.done $0x0  }
0x17e: {  	[sflag:s9] =	ssyncadd.s32 $0xFFFFC000  }
0x17f: {  	_ =	swait.ge [sflag:s9], $0x4000  }
0x180: {  	[sflag:s9] =	ssyncset.done $0x0  }
0x181: {  	[sflag:s9] =	ssyncadd.s32 $0xFFFFC000  }
0x182: {  	_ =	swait.ge [sflag:s9], $0x4000  }
0x183: {  	[sflag:s9] =	ssyncset.done $0x0  }
0x184: {  	[sflag:s9] =	ssyncadd.s32 $0xFFFFC000  }
0x185: {  	_ =	swait.ge [sflag:s9], $0x4000  }
0x186: {  	[sflag:s9] =	ssyncset.done $0x0  }
0x187: {  	[sflag:s9] =	ssyncadd.s32 $0xFFFFC000  }
0x188: {  	_ =	swait.ge [sflag:s9], $0x4000  }
0x189: {  	[sflag:s9] =	ssyncset.done $0x0  }
0x18a: {  	[sflag:s9] =	ssyncadd.s32 $0xFFFFC000  }
0x18b: {  	_ =	swait.ge [sflag:s9], $0x4000  }
0x18c: {  	[sflag:s9] =	ssyncset.done $0x0  }
0x18d: {  	[sflag:s9] =	ssyncadd.s32 $0xFFFFC000  }
0x18e: {  	_ =	swait.ge [sflag:s20], $0x400  }
0x18f: {  	[sflag:s20] =	ssyncset.done $0x0  }
0x190: {  	[sflag:s20] =	ssyncadd.s32 $0xFFFFFC00  }
.Ltmp0:
0x191: {  	_ =	swait.ge [sflag:s20], $0x400;
	(pc) =	sbr.rel @p0 .LBB2_2-.Ltmp0, $4  }
0x192: {  	[sflag:s20] =	ssyncset.done $0x0  }
0x193: {  	s2 =	sadd.s32 $0x580, s2;
	[sflag:s20] =	ssyncadd.s32 $0xFFFFFC00  }
0x194: {  	[tilespmem:s17], [sflag:$0x2] =	stream.linear.gather [hbm4b:s2+s4], $0x400, $0x38;
	[tilespmem:$0x1D000] =	vst v63  }
0x195: {  	s2 =	sadd.s32 $0x580, s5  }
0x196: {  	[tilespmem:s19], [sflag:$0x2] =	stream.linear.gather [hbm4b:s2+s4], $0x400, $0x38;
	[tilespmem:$0x1D000] =	vst v63  }
0x197: {  	_ = 	snop  }
0x198: {  	[spmem:s3] =	stream.indirect.scatter.add.f32 [tilespmem:s10], [sflag:$0x3], $0x80, s4, s21, $0xb8;
	[tilespmem:$0x1D000] =	vst v63  }
0x199: {  	_ = 	snop  }
0x19a: {  	[spmem:s3] =	stream.indirect.scatter.add.f32 [tilespmem:s12], [sflag:$0x3], $0x80, s15, s21, $0xb8;
	[tilespmem:$0x1D000] =	vst v63  }
0x19b: {  	_ = 	snop  }
0x19c: {  	[spmem:s3] =	stream.indirect.scatter.add.f32 [tilespmem:s10], [sflag:$0x3], $0x80, s21, s21, $0xb8;
	[tilespmem:$0x1D000] =	vst v63  }
0x19d: {  	s0 =	simm.s32 $0x880  }
0x19e: {  	[spmem:s3] =	stream.indirect.scatter.add.f32 [tilespmem:s12], [sflag:$0x3], $0x80, s0, s21, $0xb8;
	[tilespmem:$0x1D000] =	vst v63  }
0x19f: {  	s2 =	simm.s32 $0x100  }
0x1a0: {  	[spmem:s3] =	stream.indirect.scatter.add.f32 [tilespmem:s10], [sflag:$0x3], $0x80, s2, s21, $0xb8;
	[tilespmem:$0x1D000] =	vst v63  }
0x1a1: {  	s5 =	simm.s32 $0x900  }
0x1a2: {  	[spmem:s3] =	stream.indirect.scatter.add.f32 [tilespmem:s12], [sflag:$0x3], $0x80, s5, s21, $0xb8;
	[tilespmem:$0x1D000] =	vst v63  }
0x1a3: {  	s6 =	simm.s32 $0x180  }
0x1a4: {  	[spmem:s3] =	stream.indirect.scatter.add.f32 [tilespmem:s10], [sflag:$0x3], $0x80, s6, s21, $0xb8;
	[tilespmem:$0x1D000] =	vst v63  }
0x1a5: {  	s2 =	simm.s32 $0x980  }
0x1a6: {  	[spmem:s3] =	stream.indirect.scatter.add.f32 [tilespmem:s12], [sflag:$0x3], $0x80, s2, s21, $0xb8;
	[tilespmem:$0x1D000] =	vst v63  }
0x1a7: {  	s5 =	simm.s32 $0x200  }
0x1a8: {  	[spmem:s3] =	stream.indirect.scatter.add.f32 [tilespmem:s10], [sflag:$0x3], $0x80, s5, s21, $0xb8;
	[tilespmem:$0x1D000] =	vst v63  }
0x1a9: {  	s6 =	simm.s32 $0xA00  }
0x1aa: {  	[spmem:s3] =	stream.indirect.scatter.add.f32 [tilespmem:s12], [sflag:$0x3], $0x80, s6, s21, $0xb8;
	[tilespmem:$0x1D000] =	vst v63  }
0x1ab: {  	s2 =	simm.s32 $0x280  }
0x1ac: {  	[spmem:s3] =	stream.indirect.scatter.add.f32 [tilespmem:s10], [sflag:$0x3], $0x80, s2, s21, $0xb8;
	[tilespmem:$0x1D000] =	vst v63  }
0x1ad: {  	s5 =	simm.s32 $0xA80  }
0x1ae: {  	[spmem:s3] =	stream.indirect.scatter.add.f32 [tilespmem:s12], [sflag:$0x3], $0x80, s5, s21, $0xb8;
	[tilespmem:$0x1D000] =	vst v63  }
0x1af: {  	s6 =	simm.s32 $0x300  }
0x1b0: {  	[spmem:s3] =	stream.indirect.scatter.add.f32 [tilespmem:s10], [sflag:$0x3], $0x80, s6, s21, $0xb8;
	[tilespmem:$0x1D000] =	vst v63  }
0x1b1: {  	s2 =	simm.s32 $0xB00  }
0x1b2: {  	[spmem:s3] =	stream.indirect.scatter.add.f32 [tilespmem:s12], [sflag:$0x3], $0x80, s2, s21, $0xb8;
	[tilespmem:$0x1D000] =	vst v63  }
0x1b3: {  	s5 =	simm.s32 $0x380  }
0x1b4: {  	[spmem:s3] =	stream.indirect.scatter.add.f32 [tilespmem:s10], [sflag:$0x3], $0x80, s5, s21, $0xb8;
	[tilespmem:$0x1D000] =	vst v63  }
0x1b5: {  	s6 =	simm.s32 $0xB80  }
0x1b6: {  	[spmem:s3] =	stream.indirect.scatter.add.f32 [tilespmem:s12], [sflag:$0x3], $0x80, s6, s21, $0xb8;
	[tilespmem:$0x1D000] =	vst v63  }
0x1b7: {  	_ =	swait.ge [sflag:s9], $0x4000  }
0x1b8: {  	[sflag:s9] =	ssyncset.done $0x0  }
0x1b9: {  	[sflag:s9] =	ssyncadd.s32 $0xFFFFC000  }
0x1ba: {  	_ =	swait.ge [sflag:s9], $0x4000  }
0x1bb: {  	[sflag:s9] =	ssyncset.done $0x0  }
0x1bc: {  	[sflag:s9] =	ssyncadd.s32 $0xFFFFC000  }
0x1bd: {  	_ =	swait.ge [sflag:s9], $0x4000  }
0x1be: {  	[sflag:s9] =	ssyncset.done $0x0  }
0x1bf: {  	[sflag:s9] =	ssyncadd.s32 $0xFFFFC000  }
0x1c0: {  	_ =	swait.ge [sflag:s9], $0x4000  }
0x1c1: {  	[sflag:s9] =	ssyncset.done $0x0  }
0x1c2: {  	[sflag:s9] =	ssyncadd.s32 $0xFFFFC000  }
0x1c3: {  	_ =	swait.ge [sflag:s9], $0x4000  }
0x1c4: {  	[sflag:s9] =	ssyncset.done $0x0  }
0x1c5: {  	[sflag:s9] =	ssyncadd.s32 $0xFFFFC000  }
0x1c6: {  	_ =	swait.ge [sflag:s9], $0x4000  }
0x1c7: {  	[sflag:s9] =	ssyncset.done $0x0  }
0x1c8: {  	[sflag:s9] =	ssyncadd.s32 $0xFFFFC000  }
0x1c9: {  	_ =	swait.ge [sflag:s9], $0x4000  }
0x1ca: {  	[sflag:s9] =	ssyncset.done $0x0  }
0x1cb: {  	[sflag:s9] =	ssyncadd.s32 $0xFFFFC000  }
0x1cc: {  	_ =	swait.ge [sflag:s9], $0x4000  }
0x1cd: {  	[sflag:s9] =	ssyncset.done $0x0  }
0x1ce: {  	[sflag:s9] =	ssyncadd.s32 $0xFFFFC000  }
0x1cf: {  	_ =	swait.ge [sflag:s9], $0x4000  }
0x1d0: {  	[sflag:s9] =	ssyncset.done $0x0  }
0x1d1: {  	[sflag:s9] =	ssyncadd.s32 $0xFFFFC000  }
0x1d2: {  	_ =	swait.ge [sflag:s9], $0x4000  }
0x1d3: {  	[sflag:s9] =	ssyncset.done $0x0  }
0x1d4: {  	[sflag:s9] =	ssyncadd.s32 $0xFFFFC000  }
0x1d5: {  	_ =	swait.ge [sflag:s9], $0x4000  }
0x1d6: {  	[sflag:s9] =	ssyncset.done $0x0  }
0x1d7: {  	[sflag:s9] =	ssyncadd.s32 $0xFFFFC000  }
0x1d8: {  	_ =	swait.ge [sflag:s9], $0x4000  }
0x1d9: {  	[sflag:s9] =	ssyncset.done $0x0  }
0x1da: {  	[sflag:s9] =	ssyncadd.s32 $0xFFFFC000  }
0x1db: {  	_ =	swait.ge [sflag:s9], $0x4000  }
0x1dc: {  	[sflag:s9] =	ssyncset.done $0x0  }
0x1dd: {  	[sflag:s9] =	ssyncadd.s32 $0xFFFFC000  }
0x1de: {  	_ =	swait.ge [sflag:s9], $0x4000  }
0x1df: {  	[sflag:s9] =	ssyncset.done $0x0  }
0x1e0: {  	[sflag:s9] =	ssyncadd.s32 $0xFFFFC000  }
0x1e1: {  	_ =	swait.ge [sflag:s9], $0x4000  }
0x1e2: {  	[sflag:s9] =	ssyncset.done $0x0  }
0x1e3: {  	[sflag:s9] =	ssyncadd.s32 $0xFFFFC000  }
0x1e4: {  	_ =	swait.ge [sflag:s9], $0x4000  }
0x1e5: {  	[sflag:s9] =	ssyncset.done $0x0  }
0x1e6: {  	[sflag:s9] =	ssyncadd.s32 $0xFFFFC000  }
0x1e7: {  	_ =	swait.ge [sflag:s16], $0x400  }
0x1e8: {  	[sflag:s16] =	ssyncset.done $0x0  }
0x1e9: {  	[sflag:s16] =	ssyncadd.s32 $0xFFFFFC00  }
0x1ea: {  	_ =	swait.ge [sflag:s16], $0x400  }
0x1eb: {  	[sflag:s16] =	ssyncset.done $0x0  }
0x1ec: {  	[sflag:s16] =	ssyncadd.s32 $0xFFFFFC00  }
0x1ed: {  	[spmem:s3] =	stream.indirect.scatter.add.f32 [tilespmem:s10], [sflag:$0x3], $0x80, s17, s21, $0xb8;
	[tilespmem:$0x1D000] =	vst v63  }
0x1ee: {  	_ = 	snop  }
0x1ef: {  	[spmem:s3] =	stream.indirect.scatter.add.f32 [tilespmem:s12], [sflag:$0x3], $0x80, s19, s21, $0xb8;
	[tilespmem:$0x1D000] =	vst v63  }
0x1f0: {  	_ = 	snop  }
0x1f1: {  	[spmem:s3] =	stream.indirect.scatter.add.f32 [tilespmem:s10], [sflag:$0x3], $0x80, s18, s21, $0xb8;
	[tilespmem:$0x1D000] =	vst v63  }
0x1f2: {  	_ = 	snop  }
0x1f3: {  	[spmem:s3] =	stream.indirect.scatter.add.f32 [tilespmem:s12], [sflag:$0x3], $0x80, s24, s21, $0xb8;
	[tilespmem:$0x1D000] =	vst v63  }
0x1f4: {  	_ = 	snop  }
0x1f5: {  	[spmem:s3] =	stream.indirect.scatter.add.f32 [tilespmem:s10], [sflag:$0x3], $0x80, s13, s21, $0xb8;
	[tilespmem:$0x1D000] =	vst v63  }
0x1f6: {  	_ = 	snop  }
0x1f7: {  	[spmem:s3] =	stream.indirect.scatter.add.f32 [tilespmem:s12], [sflag:$0x3], $0x80, s14, s21, $0xb8;
	[tilespmem:$0x1D000] =	vst v63  }
0x1f8: {  	_ = 	snop  }
0x1f9: {  	[spmem:s3] =	stream.indirect.scatter.add.f32 [tilespmem:s10], [sflag:$0x3], $0x80, s11, s21, $0xb8;
	[tilespmem:$0x1D000] =	vst v63  }
0x1fa: {  	_ = 	snop  }
0x1fb: {  	[spmem:s3] =	stream.indirect.scatter.add.f32 [tilespmem:s12], [sflag:$0x3], $0x80, s22, s21, $0xb8;
	[tilespmem:$0x1D000] =	vst v63  }
0x1fc: {  	_ = 	snop  }
0x1fd: {  	[spmem:s3] =	stream.indirect.scatter.add.f32 [tilespmem:s10], [sflag:$0x3], $0x80, s23, s21, $0xb8;
	[tilespmem:$0x1D000] =	vst v63  }
0x1fe: {  	_ = 	snop  }
0x1ff: {  	[spmem:s3] =	stream.indirect.scatter.add.f32 [tilespmem:s12], [sflag:$0x3], $0x80, s25, s21, $0xb8;
	[tilespmem:$0x1D000] =	vst v63  }
0x200: {  	_ = 	snop  }
0x201: {  	[spmem:s3] =	stream.indirect.scatter.add.f32 [tilespmem:s10], [sflag:$0x3], $0x80, s26, s21, $0xb8;
	[tilespmem:$0x1D000] =	vst v63  }
0x202: {  	_ = 	snop  }
0x203: {  	[spmem:s3] =	stream.indirect.scatter.add.f32 [tilespmem:s12], [sflag:$0x3], $0x80, s28, s21, $0xb8;
	[tilespmem:$0x1D000] =	vst v63  }
0x204: {  	_ = 	snop  }
0x205: {  	[spmem:s3] =	stream.indirect.scatter.add.f32 [tilespmem:s10], [sflag:$0x3], $0x80, s29, s21, $0xb8;
	[tilespmem:$0x1D000] =	vst v63  }
0x206: {  	_ = 	snop  }
0x207: {  	[spmem:s3] =	stream.indirect.scatter.add.f32 [tilespmem:s12], [sflag:$0x3], $0x80, s30, s21, $0xb8;
	[tilespmem:$0x1D000] =	vst v63  }
0x208: {  	_ = 	snop  }
0x209: {  	[spmem:s3] =	stream.indirect.scatter.add.f32 [tilespmem:s10], [sflag:$0x3], $0x80, s31, s21, $0xb8;
	[tilespmem:$0x1D000] =	vst v63  }
0x20a: {  	_ = 	snop  }
0x20b: {  	[spmem:s3] =	stream.indirect.scatter.add.f32 [tilespmem:s12], [sflag:$0x3], $0x80, s1, s21, $0xb8;
	[tilespmem:$0x1D000] =	vst v63  }
0x20c: {  	_ =	swait.ge [sflag:s9], $0x4000  }
0x20d: {  	[sflag:s9] =	ssyncset.done $0x0  }
0x20e: {  	[sflag:s9] =	ssyncadd.s32 $0xFFFFC000  }
0x20f: {  	_ =	swait.ge [sflag:s9], $0x4000  }
0x210: {  	[sflag:s9] =	ssyncset.done $0x0  }
0x211: {  	[sflag:s9] =	ssyncadd.s32 $0xFFFFC000  }
0x212: {  	_ =	swait.ge [sflag:s9], $0x4000  }
0x213: {  	[sflag:s9] =	ssyncset.done $0x0  }
0x214: {  	[sflag:s9] =	ssyncadd.s32 $0xFFFFC000  }
0x215: {  	_ =	swait.ge [sflag:s9], $0x4000  }
0x216: {  	[sflag:s9] =	ssyncset.done $0x0  }
0x217: {  	[sflag:s9] =	ssyncadd.s32 $0xFFFFC000  }
0x218: {  	_ =	swait.ge [sflag:s9], $0x4000  }
0x219: {  	[sflag:s9] =	ssyncset.done $0x0  }
0x21a: {  	[sflag:s9] =	ssyncadd.s32 $0xFFFFC000  }
0x21b: {  	_ =	swait.ge [sflag:s9], $0x4000  }
0x21c: {  	[sflag:s9] =	ssyncset.done $0x0  }
0x21d: {  	[sflag:s9] =	ssyncadd.s32 $0xFFFFC000  }
0x21e: {  	_ =	swait.ge [sflag:s9], $0x4000  }
0x21f: {  	[sflag:s9] =	ssyncset.done $0x0  }
0x220: {  	[sflag:s9] =	ssyncadd.s32 $0xFFFFC000  }
0x221: {  	_ =	swait.ge [sflag:s9], $0x4000  }
0x222: {  	[sflag:s9] =	ssyncset.done $0x0  }
0x223: {  	[sflag:s9] =	ssyncadd.s32 $0xFFFFC000  }
0x224: {  	_ =	swait.ge [sflag:s9], $0x4000  }
0x225: {  	[sflag:s9] =	ssyncset.done $0x0  }
0x226: {  	[sflag:s9] =	ssyncadd.s32 $0xFFFFC000  }
0x227: {  	_ =	swait.ge [sflag:s9], $0x4000  }
0x228: {  	[sflag:s9] =	ssyncset.done $0x0  }
0x229: {  	[sflag:s9] =	ssyncadd.s32 $0xFFFFC000  }
0x22a: {  	_ =	swait.ge [sflag:s9], $0x4000  }
0x22b: {  	[sflag:s9] =	ssyncset.done $0x0  }
0x22c: {  	[sflag:s9] =	ssyncadd.s32 $0xFFFFC000  }
0x22d: {  	_ =	swait.ge [sflag:s9], $0x4000  }
0x22e: {  	[sflag:s9] =	ssyncset.done $0x0  }
0x22f: {  	[sflag:s9] =	ssyncadd.s32 $0xFFFFC000  }
0x230: {  	_ =	swait.ge [sflag:s9], $0x4000  }
0x231: {  	[sflag:s9] =	ssyncset.done $0x0  }
0x232: {  	[sflag:s9] =	ssyncadd.s32 $0xFFFFC000  }
0x233: {  	_ =	swait.ge [sflag:s9], $0x4000  }
0x234: {  	[sflag:s9] =	ssyncset.done $0x0  }
0x235: {  	[sflag:s9] =	ssyncadd.s32 $0xFFFFC000  }
0x236: {  	_ =	swait.ge [sflag:s9], $0x4000  }
0x237: {  	[sflag:s9] =	ssyncset.done $0x0  }
0x238: {  	[sflag:s9] =	ssyncadd.s32 $0xFFFFC000  }
0x239: {  	_ =	swait.ge [sflag:s9], $0x4000  }
0x23a: {  	[sflag:s9] =	ssyncset.done $0x0  }
0x23b: {  	[sflag:s9] =	ssyncadd.s32 $0xFFFFC000  }
0x23c: {  	[bflag:$0x0] =	sbarrier.arrive $0xFFFF  }
0x23d: {  	s0 =	rddreg [dreg:$0x7]  }
0x23e: {  	s5 =	rddreg [dreg:$0x8]  }
0x23f: {  	s2 =	simm.s32 $0x4;
	s6 =	rddreg [dreg:$0xb]  }
0x240: {  	[hbm:s6], [sflag:s0] =	dma.local [spmem:s5], $0x2800  }
0x241: {  	_ =	swait.ge [sflag:s2], $0x2800  }
0x242: {  	s6 =	rddreg [dreg:$0xc]  }
0x243: {  	s0 =	rddreg [dreg:$0x6];
	s6 =	sadd.s32 $0x1, s6  }
0x244: {  	p0 =	sne.s32 s6, s0  }
.Ltmp1:
0x245: {  	_ = 	snop;
	(pc) =	sbr.rel @p0 .LBB2_1-.Ltmp1, $3  }
0x246: {  	_ =	sdelay $0x1  }
0x247: {  	[sflag:s2] =	ssyncset.done $0x0;
	[dreg:$0xc] =	wrdreg s6  }
0x248: {  	[sflag:s2] =	ssyncadd.s32 $0xFFFFD800;
	s6 =	smov.u32 s5;
	s5 =	rddreg [dreg:$0x7]  }
0x249: {  	_ =	sfence.sel $0x180000  }
0x24a: {  	[bflag:$0x0] =	sbarrier.arrive $0xFFFF  }
0x24b: {  	_ =	strace $0x90000047  }
0x24c: {  	s0 =	stileid.u32;
	[bflag:$0x2] =	sbarrier.arrive $0xFFFF  }
0x24d: {  	p0 =	sne.s32 s0, $0x0;
	s0 =	rddreg [dreg:$0x3]  }
0x24e: {  	s0 =	sadd.s32 @!p0 $0x100000, s0  }
0x24f: {  	[sflag:s0] =	ssyncadd.tile.s32 @!p0 $0x1;
	_ =	shalt  }
.Lfunc_end2:
_tile_overlayer_lowered:
.L_overlay_start_2:
0x250: {  	(tag) =	ssettag $0x2  }
0x251: {  	s0 =	rddreg [dreg:$0x0];
	s2 =	stileid.u32  }
0x252: {  	s1 =	rddreg [dreg:$0x1];
	p0 =	sne.s32 s2, $0x0  }
0x253: {  	s3 =	rddreg [dreg:$0x2];
	[bflag:$0x3] =	sbarrier.arrive $0xFFFF;
	s2 =	simm.s32 @!p0 $0x1C04  }
0x254: {  	[timem:s3], [sflag:s2] =	dma.local @!p0 [hbm:s0], s1  }
0x255: {  	s0 =	simm.s32 @!p0 $0x4  }
0x256: {  	_ =	swait.ge @!p0 [sflag:s0], s1  }
0x257: {  	s1 =	ssub.s32 @!p0 $0x0, s1;
	[sflag:s0] =	ssyncset.done @!p0 $0x0  }
0x258: {  	[sflag:s0] =	ssyncadd.s32 @!p0 s1  }
0x259: {  	[bflag:$0x3] =	sbarrier.arrive $0xFFFF  }
0x25a: {  	_ =	shalt  }

// kernel: kernel.17.cloned.1.call-start
scs
__scs_entry_jumppad:
0x0: {  	(pc) =	sbr.rel $0x88, $3  }
0x1: {  	(tag) =	ssettag $0x0;
	lr =	simm.s32 $0x1  }
0x2: {  	[smem:$0x3F93] =	sst lr;
	_ =	strace $0xD0000000  }
0x3: {  	_ = 	snop  }
0x4: {  	_ = 	snop  }
0x5: {  	_ = 	snop  }
0x6: {  	_ = 	snop  }
0x7: {  	_ = 	snop  }
__scs_overlays_trampoline_lowered:
0x8: {  	[smem:$0x3FA2] =	sst s0  }
0x9: {  	[smem:$0x3FA3] =	sst s1  }
0xa: {  	[smem:$0x3FA4] =	sst s2  }
0xb: {  	[smem:$0x3FA5] =	sst s3  }
0xc: {  	[smem:$0x3FA6] =	sst s4  }
0xd: {  	[smem:$0x3FA7] =	sst s5  }
0xe: {  	[smem:$0x3FA8] =	sst s6  }
0xf: {  	[smem:$0x3FA9] =	sst s7  }
0x10: {  	[smem:$0x3FAA] =	sst s8  }
0x11: {  	[smem:$0x3FAB] =	sst s9;
	s0 =	simm.s32 @!p0 $0x0  }
0x12: {  	s1 =	sld [smem:$0x3F91];
	s0 =	simm.s32 @p0 $0x1  }
0x13: {  	[smem:$0x3FAC] =	sst s0;
	s0 =	simm.s32 @!p1 $0x0  }
0x14: {  	s2 =	sld [smem:$0x3F90];
	s0 =	simm.s32 @p1 $0x1  }
0x15: {  	[smem:$0x3FAD] =	sst s0;
	s0 =	simm.s32 @!p2 $0x0  }
0x16: {  	s3 =	sld [smem:$0x3FDB];
	s0 =	simm.s32 @p2 $0x1  }
0x17: {  	s4 =	simm.s32 $0x1BF5;
	[smem:$0x3FAF] =	sst s0  }
0x18: {  	s0 =	sld [smem:$0x3F92];
	_ =	swait.ge [sflag:s4], $0x0  }
0x19: {  	s7 =	sld [smem:$0x3F93]  }
0x1a: {  	s8 =	sadd.s32 $0xFFFFE003, lr  }
0x1b: {  	s9 =	sadd.s32 $0xFFFFFEF7, lr;
	s5 =	simm.s32 $0xFFFFFFFF;
	p2 =	slt.u32 s8, $0xFFFFF086  }
0x1c: {  	p1 =	slt.u32 s9, $0xF7A;
	s5 =	simm.s32 @!p2 $0x0  }
0x1d: {  	s5 =	simm.s32 @p1 $0x1;
	p0 =	seq.s32 s7, s2  }
0x1e: {  	s7 =	smul.u32 @!p0 $0xF7A, s2;
	p2 =	seq.s32 @!p0 s5, $0x0  }
0x1f: {  	s9 =	smul.u32 $0xF7A, s1;
	s8 =	simm.s32 @!p0 $0x1BF5;
	p2 =	por !p2, p0  }
0x20: {  	[sflag:s8] =	ssyncset.s32 @!p0 $0xFFFFF086;
	s6 =	sadd.s32 @!p0 s3, s7;
	s7 =	simm.s32 @!p0 $0x108  }
0x21: {  	s3 =	sadd.s32 s3, s9;
	s6 =	sadd.s32 @!p0 $0x88, s6;
	s7 =	simm.s32 @p2 $0x1082  }
0x22: {  	[simem:s7], [sflag:s8] =	dma.local @!p0 [hbm:s6], $0xF7A  }
0x23: {  	s9 =	sor.u32 $0xD0000000, s2;
	s6 =	simm.s32 $0x108;
	_ =	swait.ge @!p0 [sflag:s8], $0x0  }
0x24: {  	s3 =	sadd.s32 $0x88, s3;
	s6 =	simm.s32 @!p1 $0x1082;
	[sflag:s4] =	ssyncset.s32 $0xFFFFF086  }
0x25: {  	[simem:s6], [sflag:s4] =	dma.local [hbm:s3], $0xF7A  }
0x26: {  	[smem:$0x3F93] =	sst s1;
	(tag) =	ssettag s2;
	_ =	strace s9  }
0x27: {  	s1 =	sld [smem:$0x3FA3]  }
0x28: {  	s2 =	sld [smem:$0x3FA4]  }
0x29: {  	s4 =	sld [smem:$0x3FA6]  }
0x2a: {  	p0 =	seq.s32 s5, $0x0;
	s5 =	sld [smem:$0x3FA7]  }
0x2b: {  	s6 =	sld [smem:$0x3FA8]  }
0x2c: {  	s7 =	sld [smem:$0x3FA9]  }
0x2d: {  	s3 =	simm.s32 $0x108;
	s8 =	sld [smem:$0x3FAA]  }
0x2e: {  	s3 =	simm.s32 @!p0 $0x1082;
	s9 =	sld [smem:$0x3FAB]  }
0x2f: {  	lr =	sadd.s32 s0, s3;
	s0 =	sld [smem:$0x3FA2]  }
0x30: {  	s3 =	sld [smem:$0x3FA5]  }
0x31: {  	[smem:$0x3FAE] =	sst s10  }
0x32: {  	s10 =	sld [smem:$0x3FAC];
	_ =	sdelay $0x3  }
0x33: {  	p0 =	seq.s32 s10, $0x1;
	s10 =	sld [smem:$0x3FAE];
	_ =	sdelay $0x3  }
0x34: {  	[smem:$0x3FAE] =	sst s10  }
0x35: {  	s10 =	sld [smem:$0x3FAD];
	_ =	sdelay $0x3  }
0x36: {  	p1 =	seq.s32 s10, $0x1;
	s10 =	sld [smem:$0x3FAE];
	_ =	sdelay $0x3  }
0x37: {  	[smem:$0x3FAE] =	sst s10  }
0x38: {  	s10 =	sld [smem:$0x3FAF]  }
0x39: {  	_ = 	snop;
	(pc) =	sbr.ind lr, $3  }
0x3a: {  	_ = 	snop  }
0x3b: {  	_ = 	snop  }
0x3c: {  	p2 =	seq.s32 s10, $0x1;
	s10 =	sld [smem:$0x3FAE]  }
0x3d: {  	_ =	shalt  }
0x3e: {  	_ =	shalt  }
0x3f: {  	_ =	shalt  }
0x40: {  	_ =	shalt  }
0x41: {  	_ =	shalt  }
0x42: {  	_ =	shalt  }
0x43: {  	_ =	shalt  }
0x44: {  	_ =	shalt  }
0x45: {  	_ =	shalt  }
0x46: {  	_ =	shalt  }
0x47: {  	_ =	shalt  }
0x48: {  	_ =	shalt  }
0x49: {  	_ =	shalt  }
0x4a: {  	_ =	shalt  }
0x4b: {  	_ =	shalt  }
0x4c: {  	_ =	shalt  }
0x4d: {  	_ =	shalt  }
0x4e: {  	_ =	shalt  }
0x4f: {  	_ =	shalt  }
0x50: {  	_ =	shalt  }
0x51: {  	_ =	shalt  }
0x52: {  	_ =	shalt  }
0x53: {  	_ =	shalt  }
0x54: {  	_ =	shalt  }
0x55: {  	_ =	shalt  }
0x56: {  	_ =	shalt  }
0x57: {  	_ =	shalt  }
0x58: {  	_ =	shalt  }
0x59: {  	_ =	shalt  }
0x5a: {  	_ =	shalt  }
0x5b: {  	_ =	shalt  }
0x5c: {  	_ =	shalt  }
0x5d: {  	_ =	shalt  }
0x5e: {  	_ =	shalt  }
0x5f: {  	_ =	shalt  }
0x60: {  	_ =	shalt  }
0x61: {  	_ =	shalt  }
0x62: {  	_ =	shalt  }
0x63: {  	_ =	shalt  }
0x64: {  	_ =	shalt  }
0x65: {  	_ =	shalt  }
0x66: {  	_ =	shalt  }
0x67: {  	_ =	shalt  }
0x68: {  	_ =	shalt  }
0x69: {  	_ =	shalt  }
0x6a: {  	_ =	shalt  }
0x6b: {  	_ =	shalt  }
0x6c: {  	_ =	shalt  }
0x6d: {  	_ =	shalt  }
0x6e: {  	_ =	shalt  }
0x6f: {  	_ =	shalt  }
0x70: {  	_ =	shalt  }
0x71: {  	_ =	shalt  }
0x72: {  	_ =	shalt  }
0x73: {  	_ =	shalt  }
0x74: {  	_ =	shalt  }
0x75: {  	_ =	shalt  }
0x76: {  	_ =	shalt  }
0x77: {  	_ =	shalt  }
0x78: {  	_ =	shalt  }
0x79: {  	_ =	shalt  }
0x7a: {  	_ =	shalt  }
0x7b: {  	_ =	shalt  }
0x7c: {  	_ =	shalt  }
0x7d: {  	_ =	shalt  }
0x7e: {  	_ =	shalt  }
0x7f: {  	_ =	shalt  }
0x80: {  	_ =	shalt  }
0x81: {  	_ =	shalt  }
0x82: {  	_ =	shalt  }
0x83: {  	_ =	shalt  }
0x84: {  	_ =	shalt  }
0x85: {  	_ =	shalt  }
0x86: {  	_ =	shalt  }
0x87: {  	_ =	shalt  }
.Lfunc_end0:
.L_simem_size_0:
called_computation.1_lowered:
.L_overlay_start_0:
0x88: {  	s2 =	sld [smem:$0x3FD9]  }
0x89: {  	s3 =	sld [smem:$0x3FFE];
	_ =	sdelay $0x1  }
0x8a: {  	s1 =	srdreg.scid  }
0x8b: {  	s0 =	sand.u32 $0x1, s1  }
0x8c: {  	s16 =	sshll.u32 s0, $0xA;
	s2 =	sadd.s32 s3, s2  }
0x8d: {  	s2 =	sadd.s32 s2, s16  }
0x8e: {  	[smem:$0x3FBA] =	sst s2  }
0x8f: {  	_ = 	snop  }
0x90: {  	(tm) =	ssettm $0x1  }
0x91: {  	s17 =	sld [smem:$0x3FFB];
	_ =	sdelay $0x3  }
0x92: {  	_ =	strace s17  }
0x93: {  	s2 =	sld [smem:$0x3FFC];
	_ =	sdelay $0x3  }
0x94: {  	_ =	strace s2  }
0x95: {  	s2 =	sld [smem:$0x3FFD];
	_ =	sdelay $0x3  }
0x96: {  	_ =	strace s2  }
0x97: {  	_ =	strace $0x8FFFFFFF  }
0x98: {  	s18 =	sld [smem:$0x3FDB];
	_ =	sdelay $0x1  }
0x99: {  	s19 =	simm.s32 $_scs_section_size  }
0x9a: {  	s4 =	simm.s32 $_size__tile_overlayer_lowered;
	s5 =	simm.s32 $_tile_overlayer_lowered  }
0x9b: {  	s22 =	simm.s32 $0x1BFF;
	s21 =	sshll.u32 s5, $0x1;
	s2 =	sadd.s32 s19, s18  }
0x9c: {  	s6 =	simm.s32 $0x0;
	s20 =	sshll.u32 s4, $0x1;
	s4 =	sadd.s32 s21, s2  }
0x9d: {  	[timem:s6], [sflag:s22] =	dma.local [hbm:s4], s20  }
0x9e: {  	_ =	swait.ge [sflag:s22], s20  }
0x9f: {  	s3 =	ssub.s32 $0x0, s20;
	[sflag:s22] =	ssyncset.done $0x0  }
0xa0: {  	[sflag:s22] =	ssyncadd.s32 s3;
	_ =	sdelay $0x1  }
0xa1: {  	s23 =	simm.s32 $0x1B8B  }
0xa2: {  	_ =	swait.ge [sflag:s23], $0x1  }
0xa3: {  	[sflag:s23] =	ssyncset.done $0x0  }
0xa4: {  	s25 =	simm.s32 $0x1B8E;
	s24 =	sld [smem:$0x3FFE];
	[sflag:s23] =	ssyncadd.s32 $0xFFFFFFFF  }
0xa5: {  	s26 =	simm.s32 $execute0_lowered;
	[smem:$0x3FD2] =	sst s25  }
0xa6: {  	s4 =	sshll.u32 s26, $0x1;
	_ =	strace $0x80000049;
	[dreg:$0x1] =	wrdreg $0xFFFFFFFF  }
0xa7: {  	s28 =	simm.s32 $_size_execute0_lowered;
	s2 =	sadd.s32 s2, s4;
	[dreg:$0x0] =	wrdreg $0x0  }
0xa8: {  	s4 =	sshll.u32 s28, $0x1;
	[dreg:$0x2] =	wrdreg s2  }
0xa9: {  	[dreg:$0x3] =	wrdreg s4  }
0xaa: {  	[dreg:$0x4] =	wrdreg $0xC0  }
0xab: {  	_ =	task [dreg:s6], $0x5FFFF  }
0xac: {  	[dreg:$0x1] =	wrdreg $0xFFFFFFFF  }
0xad: {  	[dreg:$0x0] =	wrdreg $0x60  }
0xae: {  	[dreg:$0x2] =	wrdreg s24  }
0xaf: {  	[dreg:$0x3] =	wrdreg $0x41000  }
0xb0: {  	[dreg:$0x4] =	wrdreg $0x9  }
0xb1: {  	_ =	task.clear_ibuf [dreg:s6], $0x5FFFF;
	_ =	strace $0x90000049  }
0xb2: {  	s29 =	simm.s32 $0x9;
	_ =	strace $0x8000004B  }
0xb3: {  	_ =	swait.ge [sflag:s29], $0x1  }
0xb4: {  	[sflag:s29] =	ssyncadd.s32 $0xFFFFFFFF  }
0xb5: {  	_ =	strace $0x9000004B  }
0xb6: {  	_ =	sfence  }
0xb7: {  	s30 =	sld [smem:$0x0];
	_ =	sdelay $0x2  }
0xb8: {  	s31 =	sshll.u32 s1, $0xD;
	s1 =	sshrl.u32 s1, $0x2  }
0xb9: {  	s3 =	sand.u32 $0x4000, s31;
	s1 =	sadd.s32 s1, s30  }
0xba: {  	s0 =	sor.u32 s3, s0;
	s1 =	sshll.u32 s1, $0x11  }
0xbb: {  	s0 =	sor.u32 s1, s0  }
0xbc: {  	s0 =	sadd.s32 $0x8F2B, s0  }
0xbd: {  	[sflag:s0] =	ssyncadd.remote.s32 $0x1  }
0xbe: {  	_ =	sfence.sel $0xFFFF  }
0xbf: {  	[dreg:$0x0] =	wrdreg $0xFFFFFFFF;
	(pc) =	sbr.abs _section_cstart, $3  }
0xc0: {  	[dreg:$0x1] =	wrdreg $0xFFFFFFFF  }
0xc1: {  	_ =	task.clear_ibuf [dreg:s6], $0x2FFFF;
	_ =	strace $0x9FFFFFFF  }
0xc2: {  	(tm) =	ssettm $0x7FFFFFFF  }
0xc3: {  	_ =	shalt  }
tec
execute0_lowered:
.L_overlay_start_1:
0x0: {  	(tag) =	ssettag $0x1  }
0x1: {  	s5 =	rddreg [dreg:$0x0]  }
0x2: {  	s2 =	rddreg [dreg:$0x1];
	s3 =	srdreg.scid  }
0x3: {  	s0 =	rddreg [dreg:$0x2];
	s1 =	stileid.u32  }
0x4: {  	s13 =	simm.s32 $0x80;
	s14 =	simm.s32 $0x100;
	s15 =	simm.s32 $0x1  }
0x5: {  	s6 =	sand.u32 $0x1, s3;
	s3 =	simm.s32 $0x0;
	s16 =	smul.u32 $0x2800, s1  }
0x6: {  	s7 =	sshll.u32 s1, $0x7;
	s11 =	smul.u32 $0x50000, s1;
	s31 =	sshll.u32 s1, $0x6  }
0x7: {  	s4 =	sshll.u32 s6, $0xB;
	[smem:$0x7FF] =	sst s3;
	s26 =	smul.u32 $0x28000, s6  }
0x8: {  	s9 =	ssub.s32 $0x2, s6;
	s6 =	sshll.u32 s6, $0x4;
	s4 =	sor.u32 s7, s4  }
0x9: {  	_ =	strace $0x8000004A;
	s8 =	sadd.s32 s16, s5;
	s28 =	sshrl.u32 s9, $0x1  }
0xa: {  	s29 =	sor.u32 s1, s6;
	s30 =	sshrl.u32 s11, $0x2;
	s6 =	sor.u32 $0x1C02, s31  }
0xb: {  	s7 =	sshrl.u32 s4, $0x3;
	s4 =	sadd.s32 $0x4A800, s5;
	s12 =	sadd.s32 s26, s5  }
0xc: {  	s9 =	ssub.s32 s9, s28;
	s11 =	sadd.s32 s30, s2;
	p0 =	slt.u32 s29, $0x4  }
0xd: {  	s10 =	sadd.s32 s7, s5;
	s5 =	sadd.s32 $0x22800, s8;
	s7 =	simm.s32 $0x4F  }
0xe: {  	s17 =	sadd.s32 $0x71A00, s12;
	s8 =	smax.u32 s9, $0x1;
	s11 =	sshrl.u32 s11, $0x3  }
0xf: {  	s12 =	simm.s32 $0x2;
	s7 =	simm.s32 @!p0 $0x4E;
	s9 =	sadd.s32 $0x18000, s10  }
0x10: {  	s10 =	sadd.s32 $0xE000, s10;
	s16 =	sadd.s32 s16, s17;
	s17 =	simm.s32 $0x0  }
.LBB2_1:
0x11: {  	[spmem:s11], [sflag:s6] =	dma.local [hbm:s5], $0x2800  }
0x12: {  	_ =	swait.ge [sflag:s12], $0x2800  }
0x13: {  	[sflag:s12] =	ssyncset.done $0x0  }
0x14: {  	[sflag:s12] =	ssyncadd.s32 $0xFFFFD800  }
0x15: {  	[bflag:$0x0] =	sbarrier.arrive $0xFFFF  }
0x16: {  	[tilespmem:s3], [sflag:$0x2] =	stream.linear.gather [hbm4b:s10+s3], $0x80, $0x38;
	[tilespmem:$0x18100] =	vst v63  }
0x17: {  	_ =	swait.ge [sflag:s12], $0x80  }
0x18: {  	[sflag:s12] =	ssyncset.done $0x0  }
0x19: {  	[sflag:s12] =	ssyncadd.s32 $0xFFFFFF80  }
0x1a: {  	[tilespmem:s14], [sflag:$0x1] =	stream.indirect.gather [hbm4b:s4+s13], $0x80, s3, s13, $0xb8;
	[tilespmem:$0x18100] =	vst v63  }
0x1b: {  	_ =	swait.ge [sflag:s15], $0x4000  }
0x1c: {  	[sflag:s15] =	ssyncset.done $0x0  }
0x1d: {  	[sflag:s15] =	ssyncadd.s32 $0xFFFFC000  }
0x1e: {  	[tilespmem:s13], [sflag:$0x2] =	stream.linear.gather [hbm4b:s9+s3], $0x80, $0x38;
	[tilespmem:$0x18100] =	vst v63  }
0x1f: {  	p0 =	sne.s32 s7, $0x1;
	_ =	swait.ge [sflag:s12], $0x80  }
.Ltmp0:
0x20: {  	[sflag:s12] =	ssyncset.done $0x0;
	(pc) =	sbr.rel @!p0 .LBB2_3-.Ltmp0, $4  }
0x21: {  	[sflag:s12] =	ssyncadd.s32 $0xFFFFFF80  }
0x22: {  	[spmem:s2] =	stream.indirect.scatter.add.f32 [tilespmem:s14], [sflag:$0x2], $0x80, s13, s13, $0xb8;
	[tilespmem:$0x18100] =	vst v63  }
0x23: {  	s18 =	sadd.s32 $0xFFFFFFFF, s7;
	_ =	swait.ge [sflag:s12], $0x4000  }
0x24: {  	s19 =	smov.u32 s9;
	s20 =	smov.u32 s10;
	[sflag:s12] =	ssyncset.done $0x0  }
.LBB2_2:
0x25: {  	[sflag:s12] =	ssyncadd.s32 $0xFFFFC000;
	s19 =	sadd.s32 $0x200, s19;
	s20 =	sadd.s32 $0x200, s20  }
0x26: {  	[tilespmem:s3], [sflag:$0x2] =	stream.linear.gather [hbm4b:s20+s3], $0x80, $0x38;
	[tilespmem:$0x18100] =	vst v63  }
0x27: {  	p0 =	sne.s32 s18, $0x1;
	s18 =	sadd.s32 $0xFFFFFFFF, s18;
	_ =	swait.ge [sflag:s12], $0x80  }
0x28: {  	[sflag:s12] =	ssyncset.done $0x0  }
0x29: {  	[sflag:s12] =	ssyncadd.s32 $0xFFFFFF80  }
0x2a: {  	[tilespmem:s14], [sflag:$0x1] =	stream.indirect.gather [hbm4b:s4+s13], $0x80, s3, s13, $0xb8;
	[tilespmem:$0x18100] =	vst v63  }
0x2b: {  	_ =	swait.ge [sflag:s15], $0x4000  }
0x2c: {  	[sflag:s15] =	ssyncset.done $0x0  }
0x2d: {  	[sflag:s15] =	ssyncadd.s32 $0xFFFFC000  }
0x2e: {  	[tilespmem:s13], [sflag:$0x2] =	stream.linear.gather [hbm4b:s19+s3], $0x80, $0x38;
	[tilespmem:$0x18100] =	vst v63  }
0x2f: {  	_ =	swait.ge [sflag:s12], $0x80  }
.Ltmp1:
0x30: {  	[sflag:s12] =	ssyncset.done $0x0;
	(pc) =	sbr.rel @p0 .LBB2_2-.Ltmp1, $4  }
0x31: {  	[sflag:s12] =	ssyncadd.s32 $0xFFFFFF80  }
0x32: {  	[spmem:s2] =	stream.indirect.scatter.add.f32 [tilespmem:s14], [sflag:$0x2], $0x80, s13, s13, $0xb8;
	[tilespmem:$0x18100] =	vst v63  }
0x33: {  	_ =	swait.ge [sflag:s12], $0x4000  }
0x34: {  	[sflag:s12] =	ssyncset.done $0x0  }
.LBB2_3:
0x35: {  	s17 =	sadd.s32 $0x1, s17  }
0x36: {  	[sflag:s12] =	ssyncadd.s32 $0xFFFFC000;
	p0 =	sne.s32 s17, s8  }
.Ltmp2:
0x37: {  	[bflag:$0x0] =	sbarrier.arrive $0xFFFF;
	(pc) =	sbr.rel @p0 .LBB2_1-.Ltmp2, $4  }
0x38: {  	[hbm:s16], [sflag:s6] =	dma.local [spmem:s11], $0x2800  }
0x39: {  	_ =	swait.ge [sflag:s12], $0x2800  }
0x3a: {  	[sflag:s12] =	ssyncset.done $0x0  }
0x3b: {  	[sflag:s12] =	ssyncadd.s32 $0xFFFFD800  }
0x3c: {  	_ =	sfence.sel $0x180000  }
0x3d: {  	[bflag:$0x0] =	sbarrier.arrive $0xFFFF  }
0x3e: {  	p0 =	sne.s32 s1, $0x0;
	_ =	strace $0x9000004A  }
0x3f: {  	s0 =	sadd.s32 @!p0 $0x100000, s0;
	[bflag:$0x2] =	sbarrier.arrive $0xFFFF  }
0x40: {  	[sflag:s0] =	ssyncadd.tile.s32 @!p0 $0x1;
	_ =	shalt  }
.Lfunc_end2:
_tile_overlayer_lowered:
.L_overlay_start_2:
0x41: {  	(tag) =	ssettag $0x2  }
0x42: {  	s0 =	rddreg [dreg:$0x0];
	s2 =	stileid.u32  }
0x43: {  	s1 =	rddreg [dreg:$0x1];
	p0 =	sne.s32 s2, $0x0  }
0x44: {  	s3 =	rddreg [dreg:$0x2];
	[bflag:$0x3] =	sbarrier.arrive $0xFFFF;
	s2 =	simm.s32 @!p0 $0x1C02  }
0x45: {  	[timem:s3], [sflag:s2] =	dma.local @!p0 [hbm:s0], s1  }
0x46: {  	s0 =	simm.s32 @!p0 $0x2  }
0x47: {  	_ =	swait.ge @!p0 [sflag:s0], s1  }
0x48: {  	s1 =	ssub.s32 @!p0 $0x0, s1;
	[sflag:s0] =	ssyncset.done @!p0 $0x0  }
0x49: {  	[sflag:s0] =	ssyncadd.s32 @!p0 s1  }
0x4a: {  	[bflag:$0x3] =	sbarrier.arrive $0xFFFF  }
0x4b: {  	_ =	shalt  }

// kernel: kernel.20.cloned.1.call-start
scs
__scs_entry_jumppad:
0x0: {  	(pc) =	sbr.rel $0x88, $3  }
0x1: {  	(tag) =	ssettag $0x0;
	lr =	simm.s32 $0x1  }
0x2: {  	[smem:$0x3F93] =	sst lr;
	_ =	strace $0xD0000000  }
0x3: {  	_ = 	snop  }
0x4: {  	_ = 	snop  }
0x5: {  	_ = 	snop  }
0x6: {  	_ = 	snop  }
0x7: {  	_ = 	snop  }
__scs_overlays_trampoline_lowered:
0x8: {  	[smem:$0x3FA2] =	sst s0  }
0x9: {  	[smem:$0x3FA3] =	sst s1  }
0xa: {  	[smem:$0x3FA4] =	sst s2  }
0xb: {  	[smem:$0x3FA5] =	sst s3  }
0xc: {  	[smem:$0x3FA6] =	sst s4  }
0xd: {  	[smem:$0x3FA7] =	sst s5  }
0xe: {  	[smem:$0x3FA8] =	sst s6  }
0xf: {  	[smem:$0x3FA9] =	sst s7  }
0x10: {  	[smem:$0x3FAA] =	sst s8  }
0x11: {  	[smem:$0x3FAB] =	sst s9;
	s0 =	simm.s32 @!p0 $0x0  }
0x12: {  	s1 =	sld [smem:$0x3F91];
	s0 =	simm.s32 @p0 $0x1  }
0x13: {  	[smem:$0x3FAC] =	sst s0;
	s0 =	simm.s32 @!p1 $0x0  }
0x14: {  	s2 =	sld [smem:$0x3F90];
	s0 =	simm.s32 @p1 $0x1  }
0x15: {  	[smem:$0x3FAD] =	sst s0;
	s0 =	simm.s32 @!p2 $0x0  }
0x16: {  	s3 =	sld [smem:$0x3FDB];
	s0 =	simm.s32 @p2 $0x1  }
0x17: {  	s4 =	simm.s32 $0x1BF5;
	[smem:$0x3FAF] =	sst s0  }
0x18: {  	s0 =	sld [smem:$0x3F92];
	_ =	swait.ge [sflag:s4], $0x0  }
0x19: {  	s7 =	sld [smem:$0x3F93]  }
0x1a: {  	s8 =	sadd.s32 $0xFFFFE003, lr  }
0x1b: {  	s9 =	sadd.s32 $0xFFFFFEF7, lr;
	s5 =	simm.s32 $0xFFFFFFFF;
	p2 =	slt.u32 s8, $0xFFFFF086  }
0x1c: {  	p1 =	slt.u32 s9, $0xF7A;
	s5 =	simm.s32 @!p2 $0x0  }
0x1d: {  	s5 =	simm.s32 @p1 $0x1;
	p0 =	seq.s32 s7, s2  }
0x1e: {  	s7 =	smul.u32 @!p0 $0xF7A, s2;
	p2 =	seq.s32 @!p0 s5, $0x0  }
0x1f: {  	s9 =	smul.u32 $0xF7A, s1;
	s8 =	simm.s32 @!p0 $0x1BF5;
	p2 =	por !p2, p0  }
0x20: {  	[sflag:s8] =	ssyncset.s32 @!p0 $0xFFFFF086;
	s6 =	sadd.s32 @!p0 s3, s7;
	s7 =	simm.s32 @!p0 $0x108  }
0x21: {  	s3 =	sadd.s32 s3, s9;
	s6 =	sadd.s32 @!p0 $0x88, s6;
	s7 =	simm.s32 @p2 $0x1082  }
0x22: {  	[simem:s7], [sflag:s8] =	dma.local @!p0 [hbm:s6], $0xF7A  }
0x23: {  	s9 =	sor.u32 $0xD0000000, s2;
	s6 =	simm.s32 $0x108;
	_ =	swait.ge @!p0 [sflag:s8], $0x0  }
0x24: {  	s3 =	sadd.s32 $0x88, s3;
	s6 =	simm.s32 @!p1 $0x1082;
	[sflag:s4] =	ssyncset.s32 $0xFFFFF086  }
0x25: {  	[simem:s6], [sflag:s4] =	dma.local [hbm:s3], $0xF7A  }
0x26: {  	[smem:$0x3F93] =	sst s1;
	(tag) =	ssettag s2;
	_ =	strace s9  }
0x27: {  	s1 =	sld [smem:$0x3FA3]  }
0x28: {  	s2 =	sld [smem:$0x3FA4]  }
0x29: {  	s4 =	sld [smem:$0x3FA6]  }
0x2a: {  	p0 =	seq.s32 s5, $0x0;
	s5 =	sld [smem:$0x3FA7]  }
0x2b: {  	s6 =	sld [smem:$0x3FA8]  }
0x2c: {  	s7 =	sld [smem:$0x3FA9]  }
0x2d: {  	s3 =	simm.s32 $0x108;
	s8 =	sld [smem:$0x3FAA]  }
0x2e: {  	s3 =	simm.s32 @!p0 $0x1082;
	s9 =	sld [smem:$0x3FAB]  }
0x2f: {  	lr =	sadd.s32 s0, s3;
	s0 =	sld [smem:$0x3FA2]  }
0x30: {  	s3 =	sld [smem:$0x3FA5]  }
0x31: {  	[smem:$0x3FAE] =	sst s10  }
0x32: {  	s10 =	sld [smem:$0x3FAC];
	_ =	sdelay $0x3  }
0x33: {  	p0 =	seq.s32 s10, $0x1;
	s10 =	sld [smem:$0x3FAE];
	_ =	sdelay $0x3  }
0x34: {  	[smem:$0x3FAE] =	sst s10  }
0x35: {  	s10 =	sld [smem:$0x3FAD];
	_ =	sdelay $0x3  }
0x36: {  	p1 =	seq.s32 s10, $0x1;
	s10 =	sld [smem:$0x3FAE];
	_ =	sdelay $0x3  }
0x37: {  	[smem:$0x3FAE] =	sst s10  }
0x38: {  	s10 =	sld [smem:$0x3FAF]  }
0x39: {  	_ = 	snop;
	(pc) =	sbr.ind lr, $3  }
0x3a: {  	_ = 	snop  }
0x3b: {  	_ = 	snop  }
0x3c: {  	p2 =	seq.s32 s10, $0x1;
	s10 =	sld [smem:$0x3FAE]  }
0x3d: {  	_ =	shalt  }
0x3e: {  	_ =	shalt  }
0x3f: {  	_ =	shalt  }
0x40: {  	_ =	shalt  }
0x41: {  	_ =	shalt  }
0x42: {  	_ =	shalt  }
0x43: {  	_ =	shalt  }
0x44: {  	_ =	shalt  }
0x45: {  	_ =	shalt  }
0x46: {  	_ =	shalt  }
0x47: {  	_ =	shalt  }
0x48: {  	_ =	shalt  }
0x49: {  	_ =	shalt  }
0x4a: {  	_ =	shalt  }
0x4b: {  	_ =	shalt  }
0x4c: {  	_ =	shalt  }
0x4d: {  	_ =	shalt  }
0x4e: {  	_ =	shalt  }
0x4f: {  	_ =	shalt  }
0x50: {  	_ =	shalt  }
0x51: {  	_ =	shalt  }
0x52: {  	_ =	shalt  }
0x53: {  	_ =	shalt  }
0x54: {  	_ =	shalt  }
0x55: {  	_ =	shalt  }
0x56: {  	_ =	shalt  }
0x57: {  	_ =	shalt  }
0x58: {  	_ =	shalt  }
0x59: {  	_ =	shalt  }
0x5a: {  	_ =	shalt  }
0x5b: {  	_ =	shalt  }
0x5c: {  	_ =	shalt  }
0x5d: {  	_ =	shalt  }
0x5e: {  	_ =	shalt  }
0x5f: {  	_ =	shalt  }
0x60: {  	_ =	shalt  }
0x61: {  	_ =	shalt  }
0x62: {  	_ =	shalt  }
0x63: {  	_ =	shalt  }
0x64: {  	_ =	shalt  }
0x65: {  	_ =	shalt  }
0x66: {  	_ =	shalt  }
0x67: {  	_ =	shalt  }
0x68: {  	_ =	shalt  }
0x69: {  	_ =	shalt  }
0x6a: {  	_ =	shalt  }
0x6b: {  	_ =	shalt  }
0x6c: {  	_ =	shalt  }
0x6d: {  	_ =	shalt  }
0x6e: {  	_ =	shalt  }
0x6f: {  	_ =	shalt  }
0x70: {  	_ =	shalt  }
0x71: {  	_ =	shalt  }
0x72: {  	_ =	shalt  }
0x73: {  	_ =	shalt  }
0x74: {  	_ =	shalt  }
0x75: {  	_ =	shalt  }
0x76: {  	_ =	shalt  }
0x77: {  	_ =	shalt  }
0x78: {  	_ =	shalt  }
0x79: {  	_ =	shalt  }
0x7a: {  	_ =	shalt  }
0x7b: {  	_ =	shalt  }
0x7c: {  	_ =	shalt  }
0x7d: {  	_ =	shalt  }
0x7e: {  	_ =	shalt  }
0x7f: {  	_ =	shalt  }
0x80: {  	_ =	shalt  }
0x81: {  	_ =	shalt  }
0x82: {  	_ =	shalt  }
0x83: {  	_ =	shalt  }
0x84: {  	_ =	shalt  }
0x85: {  	_ =	shalt  }
0x86: {  	_ =	shalt  }
0x87: {  	_ =	shalt  }
.Lfunc_end0:
.L_simem_size_0:
called_computation.2_lowered:
.L_overlay_start_0:
0x88: {  	s2 =	sld [smem:$0x3FD9]  }
0x89: {  	s3 =	sld [smem:$0x3FFE];
	_ =	sdelay $0x1  }
0x8a: {  	s1 =	srdreg.scid  }
0x8b: {  	s0 =	sand.u32 $0x1, s1  }
0x8c: {  	s16 =	sshll.u32 s0, $0xA;
	s2 =	sadd.s32 s3, s2  }
0x8d: {  	s2 =	sadd.s32 s2, s16  }
0x8e: {  	[smem:$0x3FBA] =	sst s2  }
0x8f: {  	_ = 	snop  }
0x90: {  	(tm) =	ssettm $0x1  }
0x91: {  	s17 =	sld [smem:$0x3FFB];
	_ =	sdelay $0x3  }
0x92: {  	_ =	strace s17  }
0x93: {  	s2 =	sld [smem:$0x3FFC];
	_ =	sdelay $0x3  }
0x94: {  	_ =	strace s2  }
0x95: {  	s2 =	sld [smem:$0x3FFD];
	_ =	sdelay $0x3  }
0x96: {  	_ =	strace s2  }
0x97: {  	_ =	strace $0x8FFFFFFF  }
0x98: {  	s18 =	sld [smem:$0x3FDB];
	_ =	sdelay $0x1  }
0x99: {  	s19 =	simm.s32 $_scs_section_size  }
0x9a: {  	s4 =	simm.s32 $_size__tile_overlayer_lowered;
	s5 =	simm.s32 $_tile_overlayer_lowered  }
0x9b: {  	s22 =	simm.s32 $0x1BFF;
	s21 =	sshll.u32 s5, $0x1;
	s2 =	sadd.s32 s19, s18  }
0x9c: {  	s6 =	simm.s32 $0x0;
	s20 =	sshll.u32 s4, $0x1;
	s4 =	sadd.s32 s21, s2  }
0x9d: {  	[timem:s6], [sflag:s22] =	dma.local [hbm:s4], s20  }
0x9e: {  	_ =	swait.ge [sflag:s22], s20  }
0x9f: {  	s3 =	ssub.s32 $0x0, s20;
	[sflag:s22] =	ssyncset.done $0x0  }
0xa0: {  	[sflag:s22] =	ssyncadd.s32 s3;
	_ =	sdelay $0x1  }
0xa1: {  	s23 =	simm.s32 $0x1B8B  }
0xa2: {  	_ =	swait.ge [sflag:s23], $0x1  }
0xa3: {  	[sflag:s23] =	ssyncset.done $0x0  }
0xa4: {  	s25 =	simm.s32 $0x1B8E;
	s24 =	sld [smem:$0x3FFE];
	[sflag:s23] =	ssyncadd.s32 $0xFFFFFFFF  }
0xa5: {  	s26 =	simm.s32 $execute0_lowered;
	[smem:$0x3FD2] =	sst s25  }
0xa6: {  	s4 =	sshll.u32 s26, $0x1;
	_ =	strace $0x8000004C;
	[dreg:$0x1] =	wrdreg $0xFFFFFFFF  }
0xa7: {  	s28 =	simm.s32 $_size_execute0_lowered;
	s2 =	sadd.s32 s2, s4;
	[dreg:$0x0] =	wrdreg $0x0  }
0xa8: {  	s4 =	sshll.u32 s28, $0x1;
	[dreg:$0x2] =	wrdreg s2  }
0xa9: {  	[dreg:$0x3] =	wrdreg s4  }
0xaa: {  	[dreg:$0x4] =	wrdreg $0xC0  }
0xab: {  	_ =	task [dreg:s6], $0x5FFFF  }
0xac: {  	[dreg:$0x1] =	wrdreg $0xFFFFFFFF  }
0xad: {  	[dreg:$0x0] =	wrdreg $0x60  }
0xae: {  	[dreg:$0x2] =	wrdreg s24  }
0xaf: {  	[dreg:$0x3] =	wrdreg $0x41000  }
0xb0: {  	[dreg:$0x4] =	wrdreg $0x9  }
0xb1: {  	_ =	task.clear_ibuf [dreg:s6], $0x5FFFF;
	_ =	strace $0x9000004C  }
0xb2: {  	s29 =	simm.s32 $0x9;
	_ =	strace $0x8000004E  }
0xb3: {  	_ =	swait.ge [sflag:s29], $0x1  }
0xb4: {  	[sflag:s29] =	ssyncadd.s32 $0xFFFFFFFF  }
0xb5: {  	_ =	strace $0x9000004E  }
0xb6: {  	_ =	sfence  }
0xb7: {  	s30 =	sld [smem:$0x0];
	_ =	sdelay $0x2  }
0xb8: {  	s31 =	sshll.u32 s1, $0xD;
	s1 =	sshrl.u32 s1, $0x2  }
0xb9: {  	s3 =	sand.u32 $0x4000, s31;
	s1 =	sadd.s32 s1, s30  }
0xba: {  	s0 =	sor.u32 s3, s0;
	s1 =	sshll.u32 s1, $0x11  }
0xbb: {  	s0 =	sor.u32 s1, s0  }
0xbc: {  	s0 =	sadd.s32 $0x8F2B, s0  }
0xbd: {  	[sflag:s0] =	ssyncadd.remote.s32 $0x1  }
0xbe: {  	_ =	sfence.sel $0xFFFF  }
0xbf: {  	[dreg:$0x0] =	wrdreg $0xFFFFFFFF;
	(pc) =	sbr.abs _section_cstart, $3  }
0xc0: {  	[dreg:$0x1] =	wrdreg $0xFFFFFFFF  }
0xc1: {  	_ =	task.clear_ibuf [dreg:s6], $0x2FFFF;
	_ =	strace $0x9FFFFFFF  }
0xc2: {  	(tm) =	ssettm $0x7FFFFFFF  }
0xc3: {  	_ =	shalt  }
tec
execute0_lowered:
.L_overlay_start_1:
0x0: {  	(tag) =	ssettag $0x1  }
0x1: {  	s5 =	rddreg [dreg:$0x0]  }
0x2: {  	s2 =	rddreg [dreg:$0x1];
	s3 =	srdreg.scid  }
0x3: {  	s0 =	rddreg [dreg:$0x2];
	s1 =	stileid.u32  }
0x4: {  	s13 =	simm.s32 $0x80;
	s14 =	simm.s32 $0x100;
	s15 =	simm.s32 $0x1  }
0x5: {  	s6 =	sand.u32 $0x1, s3;
	s3 =	simm.s32 $0x0;
	s16 =	smul.u32 $0x2800, s1  }
0x6: {  	s7 =	sshll.u32 s1, $0x7;
	s11 =	smul.u32 $0x50000, s1;
	s31 =	sshll.u32 s1, $0x6  }
0x7: {  	s4 =	sshll.u32 s6, $0xB;
	[smem:$0x7FF] =	sst s3;
	s26 =	smul.u32 $0x28000, s6  }
0x8: {  	s9 =	ssub.s32 $0x2, s6;
	s6 =	sshll.u32 s6, $0x4;
	s4 =	sor.u32 s7, s4  }
0x9: {  	_ =	strace $0x8000004D;
	s8 =	sadd.s32 s16, s5;
	s28 =	sshrl.u32 s9, $0x1  }
0xa: {  	s29 =	sor.u32 s1, s6;
	s30 =	sshrl.u32 s11, $0x2;
	s6 =	sor.u32 $0x1C02, s31  }
0xb: {  	s7 =	sshrl.u32 s4, $0x3;
	s4 =	sadd.s32 $0x4A800, s5;
	s12 =	sadd.s32 s26, s5  }
0xc: {  	s9 =	ssub.s32 s9, s28;
	s11 =	sadd.s32 s30, s2;
	p0 =	slt.u32 s29, $0x4  }
0xd: {  	s10 =	sadd.s32 s7, s5;
	s5 =	sadd.s32 $0x22800, s8;
	s7 =	simm.s32 $0x4F  }
0xe: {  	s17 =	sadd.s32 $0x71A00, s12;
	s8 =	smax.u32 s9, $0x1;
	s11 =	sshrl.u32 s11, $0x3  }
0xf: {  	s12 =	simm.s32 $0x2;
	s7 =	simm.s32 @!p0 $0x4E;
	s9 =	sadd.s32 $0x18000, s10  }
0x10: {  	s10 =	sadd.s32 $0xE000, s10;
	s16 =	sadd.s32 s16, s17;
	s17 =	simm.s32 $0x0  }
.LBB2_1:
0x11: {  	[spmem:s11], [sflag:s6] =	dma.local [hbm:s5], $0x2800  }
0x12: {  	_ =	swait.ge [sflag:s12], $0x2800  }
0x13: {  	[sflag:s12] =	ssyncset.done $0x0  }
0x14: {  	[sflag:s12] =	ssyncadd.s32 $0xFFFFD800  }
0x15: {  	[bflag:$0x0] =	sbarrier.arrive $0xFFFF  }
0x16: {  	[tilespmem:s3], [sflag:$0x2] =	stream.linear.gather [hbm4b:s10+s3], $0x80, $0x38;
	[tilespmem:$0x18100] =	vst v63  }
0x17: {  	_ =	swait.ge [sflag:s12], $0x80  }
0x18: {  	[sflag:s12] =	ssyncset.done $0x0  }
0x19: {  	[sflag:s12] =	ssyncadd.s32 $0xFFFFFF80  }
0x1a: {  	[tilespmem:s14], [sflag:$0x1] =	stream.indirect.gather [hbm4b:s4+s13], $0x80, s3, s13, $0xb8;
	[tilespmem:$0x18100] =	vst v63  }
0x1b: {  	_ =	swait.ge [sflag:s15], $0x4000  }
0x1c: {  	[sflag:s15] =	ssyncset.done $0x0  }
0x1d: {  	[sflag:s15] =	ssyncadd.s32 $0xFFFFC000  }
0x1e: {  	[tilespmem:s13], [sflag:$0x2] =	stream.linear.gather [hbm4b:s9+s3], $0x80, $0x38;
	[tilespmem:$0x18100] =	vst v63  }
0x1f: {  	p0 =	sne.s32 s7, $0x1;
	_ =	swait.ge [sflag:s12], $0x80  }
.Ltmp0:
0x20: {  	[sflag:s12] =	ssyncset.done $0x0;
	(pc) =	sbr.rel @!p0 .LBB2_3-.Ltmp0, $4  }
0x21: {  	[sflag:s12] =	ssyncadd.s32 $0xFFFFFF80  }
0x22: {  	[spmem:s2] =	stream.indirect.scatter.add.f32 [tilespmem:s14], [sflag:$0x2], $0x80, s13, s13, $0xb8;
	[tilespmem:$0x18100] =	vst v63  }
0x23: {  	s18 =	sadd.s32 $0xFFFFFFFF, s7;
	_ =	swait.ge [sflag:s12], $0x4000  }
0x24: {  	s19 =	smov.u32 s9;
	s20 =	smov.u32 s10;
	[sflag:s12] =	ssyncset.done $0x0  }
.LBB2_2:
0x25: {  	[sflag:s12] =	ssyncadd.s32 $0xFFFFC000;
	s19 =	sadd.s32 $0x200, s19;
	s20 =	sadd.s32 $0x200, s20  }
0x26: {  	[tilespmem:s3], [sflag:$0x2] =	stream.linear.gather [hbm4b:s20+s3], $0x80, $0x38;
	[tilespmem:$0x18100] =	vst v63  }
0x27: {  	p0 =	sne.s32 s18, $0x1;
	s18 =	sadd.s32 $0xFFFFFFFF, s18;
	_ =	swait.ge [sflag:s12], $0x80  }
0x28: {  	[sflag:s12] =	ssyncset.done $0x0  }
0x29: {  	[sflag:s12] =	ssyncadd.s32 $0xFFFFFF80  }
0x2a: {  	[tilespmem:s14], [sflag:$0x1] =	stream.indirect.gather [hbm4b:s4+s13], $0x80, s3, s13, $0xb8;
	[tilespmem:$0x18100] =	vst v63  }
0x2b: {  	_ =	swait.ge [sflag:s15], $0x4000  }
0x2c: {  	[sflag:s15] =	ssyncset.done $0x0  }
0x2d: {  	[sflag:s15] =	ssyncadd.s32 $0xFFFFC000  }
0x2e: {  	[tilespmem:s13], [sflag:$0x2] =	stream.linear.gather [hbm4b:s19+s3], $0x80, $0x38;
	[tilespmem:$0x18100] =	vst v63  }
0x2f: {  	_ =	swait.ge [sflag:s12], $0x80  }
.Ltmp1:
0x30: {  	[sflag:s12] =	ssyncset.done $0x0;
	(pc) =	sbr.rel @p0 .LBB2_2-.Ltmp1, $4  }
0x31: {  	[sflag:s12] =	ssyncadd.s32 $0xFFFFFF80  }
0x32: {  	[spmem:s2] =	stream.indirect.scatter.add.f32 [tilespmem:s14], [sflag:$0x2], $0x80, s13, s13, $0xb8;
	[tilespmem:$0x18100] =	vst v63  }
0x33: {  	_ =	swait.ge [sflag:s12], $0x4000  }
0x34: {  	[sflag:s12] =	ssyncset.done $0x0  }
.LBB2_3:
0x35: {  	s17 =	sadd.s32 $0x1, s17  }
0x36: {  	[sflag:s12] =	ssyncadd.s32 $0xFFFFC000;
	p0 =	sne.s32 s17, s8  }
.Ltmp2:
0x37: {  	[bflag:$0x0] =	sbarrier.arrive $0xFFFF;
	(pc) =	sbr.rel @p0 .LBB2_1-.Ltmp2, $4  }
0x38: {  	[hbm:s16], [sflag:s6] =	dma.local [spmem:s11], $0x2800  }
0x39: {  	_ =	swait.ge [sflag:s12], $0x2800  }
0x3a: {  	[sflag:s12] =	ssyncset.done $0x0  }
0x3b: {  	[sflag:s12] =	ssyncadd.s32 $0xFFFFD800  }
0x3c: {  	_ =	sfence.sel $0x180000  }
0x3d: {  	[bflag:$0x0] =	sbarrier.arrive $0xFFFF  }
0x3e: {  	p0 =	sne.s32 s1, $0x0;
	_ =	strace $0x9000004D  }
0x3f: {  	s0 =	sadd.s32 @!p0 $0x100000, s0;
	[bflag:$0x2] =	sbarrier.arrive $0xFFFF  }
0x40: {  	[sflag:s0] =	ssyncadd.tile.s32 @!p0 $0x1;
	_ =	shalt  }
.Lfunc_end2:
_tile_overlayer_lowered:
.L_overlay_start_2:
0x41: {  	(tag) =	ssettag $0x2  }
0x42: {  	s0 =	rddreg [dreg:$0x0];
	s2 =	stileid.u32  }
0x43: {  	s1 =	rddreg [dreg:$0x1];
	p0 =	sne.s32 s2, $0x0  }
0x44: {  	s3 =	rddreg [dreg:$0x2];
	[bflag:$0x3] =	sbarrier.arrive $0xFFFF;
	s2 =	simm.s32 @!p0 $0x1C02  }
0x45: {  	[timem:s3], [sflag:s2] =	dma.local @!p0 [hbm:s0], s1  }
0x46: {  	s0 =	simm.s32 @!p0 $0x2  }
0x47: {  	_ =	swait.ge @!p0 [sflag:s0], s1  }
0x48: {  	s1 =	ssub.s32 @!p0 $0x0, s1;
	[sflag:s0] =	ssyncset.done @!p0 $0x0  }
0x49: {  	[sflag:s0] =	ssyncadd.s32 @!p0 s1  }
0x4a: {  	[bflag:$0x3] =	sbarrier.arrive $0xFFFF  }
0x4b: {  	_ =	shalt  }

// kernel: kernel.23.cloned.1.call-start
scs
__scs_entry_jumppad:
0x0: {  	(pc) =	sbr.rel $0x88, $3  }
0x1: {  	(tag) =	ssettag $0x0;
	lr =	simm.s32 $0x1  }
0x2: {  	[smem:$0x3F93] =	sst lr;
	_ =	strace $0xD0000000  }
0x3: {  	_ = 	snop  }
0x4: {  	_ = 	snop  }
0x5: {  	_ = 	snop  }
0x6: {  	_ = 	snop  }
0x7: {  	_ = 	snop  }
__scs_overlays_trampoline_lowered:
0x8: {  	[smem:$0x3FA2] =	sst s0  }
0x9: {  	[smem:$0x3FA3] =	sst s1  }
0xa: {  	[smem:$0x3FA4] =	sst s2  }
0xb: {  	[smem:$0x3FA5] =	sst s3  }
0xc: {  	[smem:$0x3FA6] =	sst s4  }
0xd: {  	[smem:$0x3FA7] =	sst s5  }
0xe: {  	[smem:$0x3FA8] =	sst s6  }
0xf: {  	[smem:$0x3FA9] =	sst s7  }
0x10: {  	[smem:$0x3FAA] =	sst s8  }
0x11: {  	[smem:$0x3FAB] =	sst s9;
	s0 =	simm.s32 @!p0 $0x0  }
0x12: {  	s1 =	sld [smem:$0x3F91];
	s0 =	simm.s32 @p0 $0x1  }
0x13: {  	[smem:$0x3FAC] =	sst s0;
	s0 =	simm.s32 @!p1 $0x0  }
0x14: {  	s2 =	sld [smem:$0x3F90];
	s0 =	simm.s32 @p1 $0x1  }
0x15: {  	[smem:$0x3FAD] =	sst s0;
	s0 =	simm.s32 @!p2 $0x0  }
0x16: {  	s3 =	sld [smem:$0x3FDB];
	s0 =	simm.s32 @p2 $0x1  }
0x17: {  	s4 =	simm.s32 $0x1BF5;
	[smem:$0x3FAF] =	sst s0  }
0x18: {  	s0 =	sld [smem:$0x3F92];
	_ =	swait.ge [sflag:s4], $0x0  }
0x19: {  	s7 =	sld [smem:$0x3F93]  }
0x1a: {  	s8 =	sadd.s32 $0xFFFFE003, lr  }
0x1b: {  	s9 =	sadd.s32 $0xFFFFFEF7, lr;
	s5 =	simm.s32 $0xFFFFFFFF;
	p2 =	slt.u32 s8, $0xFFFFF086  }
0x1c: {  	p1 =	slt.u32 s9, $0xF7A;
	s5 =	simm.s32 @!p2 $0x0  }
0x1d: {  	s5 =	simm.s32 @p1 $0x1;
	p0 =	seq.s32 s7, s2  }
0x1e: {  	s7 =	smul.u32 @!p0 $0xF7A, s2;
	p2 =	seq.s32 @!p0 s5, $0x0  }
0x1f: {  	s9 =	smul.u32 $0xF7A, s1;
	s8 =	simm.s32 @!p0 $0x1BF5;
	p2 =	por !p2, p0  }
0x20: {  	[sflag:s8] =	ssyncset.s32 @!p0 $0xFFFFF086;
	s6 =	sadd.s32 @!p0 s3, s7;
	s7 =	simm.s32 @!p0 $0x108  }
0x21: {  	s3 =	sadd.s32 s3, s9;
	s6 =	sadd.s32 @!p0 $0x88, s6;
	s7 =	simm.s32 @p2 $0x1082  }
0x22: {  	[simem:s7], [sflag:s8] =	dma.local @!p0 [hbm:s6], $0xF7A  }
0x23: {  	s9 =	sor.u32 $0xD0000000, s2;
	s6 =	simm.s32 $0x108;
	_ =	swait.ge @!p0 [sflag:s8], $0x0  }
0x24: {  	s3 =	sadd.s32 $0x88, s3;
	s6 =	simm.s32 @!p1 $0x1082;
	[sflag:s4] =	ssyncset.s32 $0xFFFFF086  }
0x25: {  	[simem:s6], [sflag:s4] =	dma.local [hbm:s3], $0xF7A  }
0x26: {  	[smem:$0x3F93] =	sst s1;
	(tag) =	ssettag s2;
	_ =	strace s9  }
0x27: {  	s1 =	sld [smem:$0x3FA3]  }
0x28: {  	s2 =	sld [smem:$0x3FA4]  }
0x29: {  	s4 =	sld [smem:$0x3FA6]  }
0x2a: {  	p0 =	seq.s32 s5, $0x0;
	s5 =	sld [smem:$0x3FA7]  }
0x2b: {  	s6 =	sld [smem:$0x3FA8]  }
0x2c: {  	s7 =	sld [smem:$0x3FA9]  }
0x2d: {  	s3 =	simm.s32 $0x108;
	s8 =	sld [smem:$0x3FAA]  }
0x2e: {  	s3 =	simm.s32 @!p0 $0x1082;
	s9 =	sld [smem:$0x3FAB]  }
0x2f: {  	lr =	sadd.s32 s0, s3;
	s0 =	sld [smem:$0x3FA2]  }
0x30: {  	s3 =	sld [smem:$0x3FA5]  }
0x31: {  	[smem:$0x3FAE] =	sst s10  }
0x32: {  	s10 =	sld [smem:$0x3FAC];
	_ =	sdelay $0x3  }
0x33: {  	p0 =	seq.s32 s10, $0x1;
	s10 =	sld [smem:$0x3FAE];
	_ =	sdelay $0x3  }
0x34: {  	[smem:$0x3FAE] =	sst s10  }
0x35: {  	s10 =	sld [smem:$0x3FAD];
	_ =	sdelay $0x3  }
0x36: {  	p1 =	seq.s32 s10, $0x1;
	s10 =	sld [smem:$0x3FAE];
	_ =	sdelay $0x3  }
0x37: {  	[smem:$0x3FAE] =	sst s10  }
0x38: {  	s10 =	sld [smem:$0x3FAF]  }
0x39: {  	_ = 	snop;
	(pc) =	sbr.ind lr, $3  }
0x3a: {  	_ = 	snop  }
0x3b: {  	_ = 	snop  }
0x3c: {  	p2 =	seq.s32 s10, $0x1;
	s10 =	sld [smem:$0x3FAE]  }
0x3d: {  	_ =	shalt  }
0x3e: {  	_ =	shalt  }
0x3f: {  	_ =	shalt  }
0x40: {  	_ =	shalt  }
0x41: {  	_ =	shalt  }
0x42: {  	_ =	shalt  }
0x43: {  	_ =	shalt  }
0x44: {  	_ =	shalt  }
0x45: {  	_ =	shalt  }
0x46: {  	_ =	shalt  }
0x47: {  	_ =	shalt  }
0x48: {  	_ =	shalt  }
0x49: {  	_ =	shalt  }
0x4a: {  	_ =	shalt  }
0x4b: {  	_ =	shalt  }
0x4c: {  	_ =	shalt  }
0x4d: {  	_ =	shalt  }
0x4e: {  	_ =	shalt  }
0x4f: {  	_ =	shalt  }
0x50: {  	_ =	shalt  }
0x51: {  	_ =	shalt  }
0x52: {  	_ =	shalt  }
0x53: {  	_ =	shalt  }
0x54: {  	_ =	shalt  }
0x55: {  	_ =	shalt  }
0x56: {  	_ =	shalt  }
0x57: {  	_ =	shalt  }
0x58: {  	_ =	shalt  }
0x59: {  	_ =	shalt  }
0x5a: {  	_ =	shalt  }
0x5b: {  	_ =	shalt  }
0x5c: {  	_ =	shalt  }
0x5d: {  	_ =	shalt  }
0x5e: {  	_ =	shalt  }
0x5f: {  	_ =	shalt  }
0x60: {  	_ =	shalt  }
0x61: {  	_ =	shalt  }
0x62: {  	_ =	shalt  }
0x63: {  	_ =	shalt  }
0x64: {  	_ =	shalt  }
0x65: {  	_ =	shalt  }
0x66: {  	_ =	shalt  }
0x67: {  	_ =	shalt  }
0x68: {  	_ =	shalt  }
0x69: {  	_ =	shalt  }
0x6a: {  	_ =	shalt  }
0x6b: {  	_ =	shalt  }
0x6c: {  	_ =	shalt  }
0x6d: {  	_ =	shalt  }
0x6e: {  	_ =	shalt  }
0x6f: {  	_ =	shalt  }
0x70: {  	_ =	shalt  }
0x71: {  	_ =	shalt  }
0x72: {  	_ =	shalt  }
0x73: {  	_ =	shalt  }
0x74: {  	_ =	shalt  }
0x75: {  	_ =	shalt  }
0x76: {  	_ =	shalt  }
0x77: {  	_ =	shalt  }
0x78: {  	_ =	shalt  }
0x79: {  	_ =	shalt  }
0x7a: {  	_ =	shalt  }
0x7b: {  	_ =	shalt  }
0x7c: {  	_ =	shalt  }
0x7d: {  	_ =	shalt  }
0x7e: {  	_ =	shalt  }
0x7f: {  	_ =	shalt  }
0x80: {  	_ =	shalt  }
0x81: {  	_ =	shalt  }
0x82: {  	_ =	shalt  }
0x83: {  	_ =	shalt  }
0x84: {  	_ =	shalt  }
0x85: {  	_ =	shalt  }
0x86: {  	_ =	shalt  }
0x87: {  	_ =	shalt  }
.Lfunc_end0:
.L_simem_size_0:
called_computation.3_lowered:
.L_overlay_start_0:
0x88: {  	s2 =	sld [smem:$0x3FD9]  }
0x89: {  	s3 =	sld [smem:$0x3FFE];
	_ =	sdelay $0x1  }
0x8a: {  	s1 =	srdreg.scid  }
0x8b: {  	s0 =	sand.u32 $0x1, s1  }
0x8c: {  	s16 =	sshll.u32 s0, $0xA;
	s2 =	sadd.s32 s3, s2  }
0x8d: {  	s2 =	sadd.s32 s2, s16  }
0x8e: {  	[smem:$0x3FBA] =	sst s2  }
0x8f: {  	_ = 	snop  }
0x90: {  	(tm) =	ssettm $0x1  }
0x91: {  	s17 =	sld [smem:$0x3FFB];
	_ =	sdelay $0x3  }
0x92: {  	_ =	strace s17  }
0x93: {  	s2 =	sld [smem:$0x3FFC];
	_ =	sdelay $0x3  }
0x94: {  	_ =	strace s2  }
0x95: {  	s2 =	sld [smem:$0x3FFD];
	_ =	sdelay $0x3  }
0x96: {  	_ =	strace s2  }
0x97: {  	_ =	strace $0x8FFFFFFF  }
0x98: {  	s18 =	sld [smem:$0x3FDB];
	_ =	sdelay $0x1  }
0x99: {  	s19 =	simm.s32 $_scs_section_size  }
0x9a: {  	s4 =	simm.s32 $_size__tile_overlayer_lowered;
	s5 =	simm.s32 $_tile_overlayer_lowered  }
0x9b: {  	s22 =	simm.s32 $0x1BFF;
	s21 =	sshll.u32 s5, $0x1;
	s2 =	sadd.s32 s19, s18  }
0x9c: {  	s6 =	simm.s32 $0x0;
	s20 =	sshll.u32 s4, $0x1;
	s4 =	sadd.s32 s21, s2  }
0x9d: {  	[timem:s6], [sflag:s22] =	dma.local [hbm:s4], s20  }
0x9e: {  	_ =	swait.ge [sflag:s22], s20  }
0x9f: {  	s3 =	ssub.s32 $0x0, s20;
	[sflag:s22] =	ssyncset.done $0x0  }
0xa0: {  	[sflag:s22] =	ssyncadd.s32 s3;
	_ =	sdelay $0x1  }
0xa1: {  	s23 =	simm.s32 $0x1B8B  }
0xa2: {  	_ =	swait.ge [sflag:s23], $0x1  }
0xa3: {  	[sflag:s23] =	ssyncset.done $0x0  }
0xa4: {  	s25 =	simm.s32 $0x1B8E;
	s24 =	sld [smem:$0x3FFE];
	[sflag:s23] =	ssyncadd.s32 $0xFFFFFFFF  }
0xa5: {  	s26 =	simm.s32 $execute0_lowered;
	[smem:$0x3FD2] =	sst s25  }
0xa6: {  	s4 =	sshll.u32 s26, $0x1;
	_ =	strace $0x8000004F;
	[dreg:$0x1] =	wrdreg $0xFFFFFFFF  }
0xa7: {  	s28 =	simm.s32 $_size_execute0_lowered;
	s2 =	sadd.s32 s2, s4;
	[dreg:$0x0] =	wrdreg $0x0  }
0xa8: {  	s4 =	sshll.u32 s28, $0x1;
	[dreg:$0x2] =	wrdreg s2  }
0xa9: {  	[dreg:$0x3] =	wrdreg s4  }
0xaa: {  	[dreg:$0x4] =	wrdreg $0xC0  }
0xab: {  	_ =	task [dreg:s6], $0x5FFFF  }
0xac: {  	[dreg:$0x1] =	wrdreg $0xFFFFFFFF  }
0xad: {  	[dreg:$0x0] =	wrdreg $0x60  }
0xae: {  	[dreg:$0x2] =	wrdreg s24  }
0xaf: {  	[dreg:$0x3] =	wrdreg $0x41000  }
0xb0: {  	[dreg:$0x4] =	wrdreg $0x9  }
0xb1: {  	_ =	task.clear_ibuf [dreg:s6], $0x5FFFF;
	_ =	strace $0x9000004F  }
0xb2: {  	s29 =	simm.s32 $0x9;
	_ =	strace $0x80000051  }
0xb3: {  	_ =	swait.ge [sflag:s29], $0x1  }
0xb4: {  	[sflag:s29] =	ssyncadd.s32 $0xFFFFFFFF  }
0xb5: {  	_ =	strace $0x90000051  }
0xb6: {  	_ =	sfence  }
0xb7: {  	s30 =	sld [smem:$0x0];
	_ =	sdelay $0x2  }
0xb8: {  	s31 =	sshll.u32 s1, $0xD;
	s1 =	sshrl.u32 s1, $0x2  }
0xb9: {  	s3 =	sand.u32 $0x4000, s31;
	s1 =	sadd.s32 s1, s30  }
0xba: {  	s0 =	sor.u32 s3, s0;
	s1 =	sshll.u32 s1, $0x11  }
0xbb: {  	s0 =	sor.u32 s1, s0  }
0xbc: {  	s0 =	sadd.s32 $0x8F2B, s0  }
0xbd: {  	[sflag:s0] =	ssyncadd.remote.s32 $0x1  }
0xbe: {  	_ =	sfence.sel $0xFFFF  }
0xbf: {  	[dreg:$0x0] =	wrdreg $0xFFFFFFFF;
	(pc) =	sbr.abs _section_cstart, $3  }
0xc0: {  	[dreg:$0x1] =	wrdreg $0xFFFFFFFF  }
0xc1: {  	_ =	task.clear_ibuf [dreg:s6], $0x2FFFF;
	_ =	strace $0x9FFFFFFF  }
0xc2: {  	(tm) =	ssettm $0x7FFFFFFF  }
0xc3: {  	_ =	shalt  }
tec
execute0_lowered:
.L_overlay_start_1:
0x0: {  	(tag) =	ssettag $0x1  }
0x1: {  	s5 =	rddreg [dreg:$0x0]  }
0x2: {  	s2 =	rddreg [dreg:$0x1];
	s3 =	srdreg.scid  }
0x3: {  	s0 =	rddreg [dreg:$0x2];
	s1 =	stileid.u32  }
0x4: {  	s13 =	simm.s32 $0x80;
	s14 =	simm.s32 $0x100;
	s15 =	simm.s32 $0x1  }
0x5: {  	s6 =	sand.u32 $0x1, s3;
	s3 =	simm.s32 $0x0;
	s16 =	smul.u32 $0x2800, s1  }
0x6: {  	s7 =	sshll.u32 s1, $0x7;
	s11 =	smul.u32 $0x50000, s1;
	s31 =	sshll.u32 s1, $0x6  }
0x7: {  	s4 =	sshll.u32 s6, $0xB;
	[smem:$0x7FF] =	sst s3;
	s26 =	smul.u32 $0x28000, s6  }
0x8: {  	s9 =	ssub.s32 $0x2, s6;
	s6 =	sshll.u32 s6, $0x4;
	s4 =	sor.u32 s7, s4  }
0x9: {  	_ =	strace $0x80000050;
	s8 =	sadd.s32 s16, s5;
	s28 =	sshrl.u32 s9, $0x1  }
0xa: {  	s29 =	sor.u32 s1, s6;
	s30 =	sshrl.u32 s11, $0x2;
	s6 =	sor.u32 $0x1C02, s31  }
0xb: {  	s7 =	sshrl.u32 s4, $0x3;
	s4 =	sadd.s32 $0x4A800, s5;
	s12 =	sadd.s32 s26, s5  }
0xc: {  	s9 =	ssub.s32 s9, s28;
	s11 =	sadd.s32 s30, s2;
	p0 =	slt.u32 s29, $0x4  }
0xd: {  	s10 =	sadd.s32 s7, s5;
	s5 =	sadd.s32 $0x22800, s8;
	s7 =	simm.s32 $0x4F  }
0xe: {  	s17 =	sadd.s32 $0x71A00, s12;
	s8 =	smax.u32 s9, $0x1;
	s11 =	sshrl.u32 s11, $0x3  }
0xf: {  	s12 =	simm.s32 $0x2;
	s7 =	simm.s32 @!p0 $0x4E;
	s9 =	sadd.s32 $0x18000, s10  }
0x10: {  	s10 =	sadd.s32 $0xE000, s10;
	s16 =	sadd.s32 s16, s17;
	s17 =	simm.s32 $0x0  }
.LBB2_1:
0x11: {  	[spmem:s11], [sflag:s6] =	dma.local [hbm:s5], $0x2800  }
0x12: {  	_ =	swait.ge [sflag:s12], $0x2800  }
0x13: {  	[sflag:s12] =	ssyncset.done $0x0  }
0x14: {  	[sflag:s12] =	ssyncadd.s32 $0xFFFFD800  }
0x15: {  	[bflag:$0x0] =	sbarrier.arrive $0xFFFF  }
0x16: {  	[tilespmem:s3], [sflag:$0x2] =	stream.linear.gather [hbm4b:s10+s3], $0x80, $0x38;
	[tilespmem:$0x18100] =	vst v63  }
0x17: {  	_ =	swait.ge [sflag:s12], $0x80  }
0x18: {  	[sflag:s12] =	ssyncset.done $0x0  }
0x19: {  	[sflag:s12] =	ssyncadd.s32 $0xFFFFFF80  }
0x1a: {  	[tilespmem:s14], [sflag:$0x1] =	stream.indirect.gather [hbm4b:s4+s13], $0x80, s3, s13, $0xb8;
	[tilespmem:$0x18100] =	vst v63  }
0x1b: {  	_ =	swait.ge [sflag:s15], $0x4000  }
0x1c: {  	[sflag:s15] =	ssyncset.done $0x0  }
0x1d: {  	[sflag:s15] =	ssyncadd.s32 $0xFFFFC000  }
0x1e: {  	[tilespmem:s13], [sflag:$0x2] =	stream.linear.gather [hbm4b:s9+s3], $0x80, $0x38;
	[tilespmem:$0x18100] =	vst v63  }
0x1f: {  	p0 =	sne.s32 s7, $0x1;
	_ =	swait.ge [sflag:s12], $0x80  }
.Ltmp0:
0x20: {  	[sflag:s12] =	ssyncset.done $0x0;
	(pc) =	sbr.rel @!p0 .LBB2_3-.Ltmp0, $4  }
0x21: {  	[sflag:s12] =	ssyncadd.s32 $0xFFFFFF80  }
0x22: {  	[spmem:s2] =	stream.indirect.scatter.add.f32 [tilespmem:s14], [sflag:$0x2], $0x80, s13, s13, $0xb8;
	[tilespmem:$0x18100] =	vst v63  }
0x23: {  	s18 =	sadd.s32 $0xFFFFFFFF, s7;
	_ =	swait.ge [sflag:s12], $0x4000  }
0x24: {  	s19 =	smov.u32 s9;
	s20 =	smov.u32 s10;
	[sflag:s12] =	ssyncset.done $0x0  }
.LBB2_2:
0x25: {  	[sflag:s12] =	ssyncadd.s32 $0xFFFFC000;
	s19 =	sadd.s32 $0x200, s19;
	s20 =	sadd.s32 $0x200, s20  }
0x26: {  	[tilespmem:s3], [sflag:$0x2] =	stream.linear.gather [hbm4b:s20+s3], $0x80, $0x38;
	[tilespmem:$0x18100] =	vst v63  }
0x27: {  	p0 =	sne.s32 s18, $0x1;
	s18 =	sadd.s32 $0xFFFFFFFF, s18;
	_ =	swait.ge [sflag:s12], $0x80  }
0x28: {  	[sflag:s12] =	ssyncset.done $0x0  }
0x29: {  	[sflag:s12] =	ssyncadd.s32 $0xFFFFFF80  }
0x2a: {  	[tilespmem:s14], [sflag:$0x1] =	stream.indirect.gather [hbm4b:s4+s13], $0x80, s3, s13, $0xb8;
	[tilespmem:$0x18100] =	vst v63  }
0x2b: {  	_ =	swait.ge [sflag:s15], $0x4000  }
0x2c: {  	[sflag:s15] =	ssyncset.done $0x0  }
0x2d: {  	[sflag:s15] =	ssyncadd.s32 $0xFFFFC000  }
0x2e: {  	[tilespmem:s13], [sflag:$0x2] =	stream.linear.gather [hbm4b:s19+s3], $0x80, $0x38;
	[tilespmem:$0x18100] =	vst v63  }
0x2f: {  	_ =	swait.ge [sflag:s12], $0x80  }
.Ltmp1:
0x30: {  	[sflag:s12] =	ssyncset.done $0x0;
	(pc) =	sbr.rel @p0 .LBB2_2-.Ltmp1, $4  }
0x31: {  	[sflag:s12] =	ssyncadd.s32 $0xFFFFFF80  }
0x32: {  	[spmem:s2] =	stream.indirect.scatter.add.f32 [tilespmem:s14], [sflag:$0x2], $0x80, s13, s13, $0xb8;
	[tilespmem:$0x18100] =	vst v63  }
0x33: {  	_ =	swait.ge [sflag:s12], $0x4000  }
0x34: {  	[sflag:s12] =	ssyncset.done $0x0  }
.LBB2_3:
0x35: {  	s17 =	sadd.s32 $0x1, s17  }
0x36: {  	[sflag:s12] =	ssyncadd.s32 $0xFFFFC000;
	p0 =	sne.s32 s17, s8  }
.Ltmp2:
0x37: {  	[bflag:$0x0] =	sbarrier.arrive $0xFFFF;
	(pc) =	sbr.rel @p0 .LBB2_1-.Ltmp2, $4  }
0x38: {  	[hbm:s16], [sflag:s6] =	dma.local [spmem:s11], $0x2800  }
0x39: {  	_ =	swait.ge [sflag:s12], $0x2800  }
0x3a: {  	[sflag:s12] =	ssyncset.done $0x0  }
0x3b: {  	[sflag:s12] =	ssyncadd.s32 $0xFFFFD800  }
0x3c: {  	_ =	sfence.sel $0x180000  }
0x3d: {  	[bflag:$0x0] =	sbarrier.arrive $0xFFFF  }
0x3e: {  	p0 =	sne.s32 s1, $0x0;
	_ =	strace $0x90000050  }
0x3f: {  	s0 =	sadd.s32 @!p0 $0x100000, s0;
	[bflag:$0x2] =	sbarrier.arrive $0xFFFF  }
0x40: {  	[sflag:s0] =	ssyncadd.tile.s32 @!p0 $0x1;
	_ =	shalt  }
.Lfunc_end2:
_tile_overlayer_lowered:
.L_overlay_start_2:
0x41: {  	(tag) =	ssettag $0x2  }
0x42: {  	s0 =	rddreg [dreg:$0x0];
	s2 =	stileid.u32  }
0x43: {  	s1 =	rddreg [dreg:$0x1];
	p0 =	sne.s32 s2, $0x0  }
0x44: {  	s3 =	rddreg [dreg:$0x2];
	[bflag:$0x3] =	sbarrier.arrive $0xFFFF;
	s2 =	simm.s32 @!p0 $0x1C02  }
0x45: {  	[timem:s3], [sflag:s2] =	dma.local @!p0 [hbm:s0], s1  }
0x46: {  	s0 =	simm.s32 @!p0 $0x2  }
0x47: {  	_ =	swait.ge @!p0 [sflag:s0], s1  }
0x48: {  	s1 =	ssub.s32 @!p0 $0x0, s1;
	[sflag:s0] =	ssyncset.done @!p0 $0x0  }
0x49: {  	[sflag:s0] =	ssyncadd.s32 @!p0 s1  }
0x4a: {  	[bflag:$0x3] =	sbarrier.arrive $0xFFFF  }
0x4b: {  	_ =	shalt  }

// kernel: kernel.26.cloned.1.call-start
scs
__scs_entry_jumppad:
0x0: {  	(pc) =	sbr.rel $0x88, $3  }
0x1: {  	(tag) =	ssettag $0x0;
	lr =	simm.s32 $0x1  }
0x2: {  	[smem:$0x3F93] =	sst lr;
	_ =	strace $0xD0000000  }
0x3: {  	_ = 	snop  }
0x4: {  	_ = 	snop  }
0x5: {  	_ = 	snop  }
0x6: {  	_ = 	snop  }
0x7: {  	_ = 	snop  }
__scs_overlays_trampoline_lowered:
0x8: {  	[smem:$0x3FA2] =	sst s0  }
0x9: {  	[smem:$0x3FA3] =	sst s1  }
0xa: {  	[smem:$0x3FA4] =	sst s2  }
0xb: {  	[smem:$0x3FA5] =	sst s3  }
0xc: {  	[smem:$0x3FA6] =	sst s4  }
0xd: {  	[smem:$0x3FA7] =	sst s5  }
0xe: {  	[smem:$0x3FA8] =	sst s6  }
0xf: {  	[smem:$0x3FA9] =	sst s7  }
0x10: {  	[smem:$0x3FAA] =	sst s8  }
0x11: {  	[smem:$0x3FAB] =	sst s9;
	s0 =	simm.s32 @!p0 $0x0  }
0x12: {  	s1 =	sld [smem:$0x3F91];
	s0 =	simm.s32 @p0 $0x1  }
0x13: {  	[smem:$0x3FAC] =	sst s0;
	s0 =	simm.s32 @!p1 $0x0  }
0x14: {  	s2 =	sld [smem:$0x3F90];
	s0 =	simm.s32 @p1 $0x1  }
0x15: {  	[smem:$0x3FAD] =	sst s0;
	s0 =	simm.s32 @!p2 $0x0  }
0x16: {  	s3 =	sld [smem:$0x3FDB];
	s0 =	simm.s32 @p2 $0x1  }
0x17: {  	s4 =	simm.s32 $0x1BF5;
	[smem:$0x3FAF] =	sst s0  }
0x18: {  	s0 =	sld [smem:$0x3F92];
	_ =	swait.ge [sflag:s4], $0x0  }
0x19: {  	s7 =	sld [smem:$0x3F93]  }
0x1a: {  	s8 =	sadd.s32 $0xFFFFE003, lr  }
0x1b: {  	s9 =	sadd.s32 $0xFFFFFEF7, lr;
	s5 =	simm.s32 $0xFFFFFFFF;
	p2 =	slt.u32 s8, $0xFFFFF086  }
0x1c: {  	p1 =	slt.u32 s9, $0xF7A;
	s5 =	simm.s32 @!p2 $0x0  }
0x1d: {  	s5 =	simm.s32 @p1 $0x1;
	p0 =	seq.s32 s7, s2  }
0x1e: {  	s7 =	smul.u32 @!p0 $0xF7A, s2;
	p2 =	seq.s32 @!p0 s5, $0x0  }
0x1f: {  	s9 =	smul.u32 $0xF7A, s1;
	s8 =	simm.s32 @!p0 $0x1BF5;
	p2 =	por !p2, p0  }
0x20: {  	[sflag:s8] =	ssyncset.s32 @!p0 $0xFFFFF086;
	s6 =	sadd.s32 @!p0 s3, s7;
	s7 =	simm.s32 @!p0 $0x108  }
0x21: {  	s3 =	sadd.s32 s3, s9;
	s6 =	sadd.s32 @!p0 $0x88, s6;
	s7 =	simm.s32 @p2 $0x1082  }
0x22: {  	[simem:s7], [sflag:s8] =	dma.local @!p0 [hbm:s6], $0xF7A  }
0x23: {  	s9 =	sor.u32 $0xD0000000, s2;
	s6 =	simm.s32 $0x108;
	_ =	swait.ge @!p0 [sflag:s8], $0x0  }
0x24: {  	s3 =	sadd.s32 $0x88, s3;
	s6 =	simm.s32 @!p1 $0x1082;
	[sflag:s4] =	ssyncset.s32 $0xFFFFF086  }
0x25: {  	[simem:s6], [sflag:s4] =	dma.local [hbm:s3], $0xF7A  }
0x26: {  	[smem:$0x3F93] =	sst s1;
	(tag) =	ssettag s2;
	_ =	strace s9  }
0x27: {  	s1 =	sld [smem:$0x3FA3]  }
0x28: {  	s2 =	sld [smem:$0x3FA4]  }
0x29: {  	s4 =	sld [smem:$0x3FA6]  }
0x2a: {  	p0 =	seq.s32 s5, $0x0;
	s5 =	sld [smem:$0x3FA7]  }
0x2b: {  	s6 =	sld [smem:$0x3FA8]  }
0x2c: {  	s7 =	sld [smem:$0x3FA9]  }
0x2d: {  	s3 =	simm.s32 $0x108;
	s8 =	sld [smem:$0x3FAA]  }
0x2e: {  	s3 =	simm.s32 @!p0 $0x1082;
	s9 =	sld [smem:$0x3FAB]  }
0x2f: {  	lr =	sadd.s32 s0, s3;
	s0 =	sld [smem:$0x3FA2]  }
0x30: {  	s3 =	sld [smem:$0x3FA5]  }
0x31: {  	[smem:$0x3FAE] =	sst s10  }
0x32: {  	s10 =	sld [smem:$0x3FAC];
	_ =	sdelay $0x3  }
0x33: {  	p0 =	seq.s32 s10, $0x1;
	s10 =	sld [smem:$0x3FAE];
	_ =	sdelay $0x3  }
0x34: {  	[smem:$0x3FAE] =	sst s10  }
0x35: {  	s10 =	sld [smem:$0x3FAD];
	_ =	sdelay $0x3  }
0x36: {  	p1 =	seq.s32 s10, $0x1;
	s10 =	sld [smem:$0x3FAE];
	_ =	sdelay $0x3  }
0x37: {  	[smem:$0x3FAE] =	sst s10  }
0x38: {  	s10 =	sld [smem:$0x3FAF]  }
0x39: {  	_ = 	snop;
	(pc) =	sbr.ind lr, $3  }
0x3a: {  	_ = 	snop  }
0x3b: {  	_ = 	snop  }
0x3c: {  	p2 =	seq.s32 s10, $0x1;
	s10 =	sld [smem:$0x3FAE]  }
0x3d: {  	_ =	shalt  }
0x3e: {  	_ =	shalt  }
0x3f: {  	_ =	shalt  }
0x40: {  	_ =	shalt  }
0x41: {  	_ =	shalt  }
0x42: {  	_ =	shalt  }
0x43: {  	_ =	shalt  }
0x44: {  	_ =	shalt  }
0x45: {  	_ =	shalt  }
0x46: {  	_ =	shalt  }
0x47: {  	_ =	shalt  }
0x48: {  	_ =	shalt  }
0x49: {  	_ =	shalt  }
0x4a: {  	_ =	shalt  }
0x4b: {  	_ =	shalt  }
0x4c: {  	_ =	shalt  }
0x4d: {  	_ =	shalt  }
0x4e: {  	_ =	shalt  }
0x4f: {  	_ =	shalt  }
0x50: {  	_ =	shalt  }
0x51: {  	_ =	shalt  }
0x52: {  	_ =	shalt  }
0x53: {  	_ =	shalt  }
0x54: {  	_ =	shalt  }
0x55: {  	_ =	shalt  }
0x56: {  	_ =	shalt  }
0x57: {  	_ =	shalt  }
0x58: {  	_ =	shalt  }
0x59: {  	_ =	shalt  }
0x5a: {  	_ =	shalt  }
0x5b: {  	_ =	shalt  }
0x5c: {  	_ =	shalt  }
0x5d: {  	_ =	shalt  }
0x5e: {  	_ =	shalt  }
0x5f: {  	_ =	shalt  }
0x60: {  	_ =	shalt  }
0x61: {  	_ =	shalt  }
0x62: {  	_ =	shalt  }
0x63: {  	_ =	shalt  }
0x64: {  	_ =	shalt  }
0x65: {  	_ =	shalt  }
0x66: {  	_ =	shalt  }
0x67: {  	_ =	shalt  }
0x68: {  	_ =	shalt  }
0x69: {  	_ =	shalt  }
0x6a: {  	_ =	shalt  }
0x6b: {  	_ =	shalt  }
0x6c: {  	_ =	shalt  }
0x6d: {  	_ =	shalt  }
0x6e: {  	_ =	shalt  }
0x6f: {  	_ =	shalt  }
0x70: {  	_ =	shalt  }
0x71: {  	_ =	shalt  }
0x72: {  	_ =	shalt  }
0x73: {  	_ =	shalt  }
0x74: {  	_ =	shalt  }
0x75: {  	_ =	shalt  }
0x76: {  	_ =	shalt  }
0x77: {  	_ =	shalt  }
0x78: {  	_ =	shalt  }
0x79: {  	_ =	shalt  }
0x7a: {  	_ =	shalt  }
0x7b: {  	_ =	shalt  }
0x7c: {  	_ =	shalt  }
0x7d: {  	_ =	shalt  }
0x7e: {  	_ =	shalt  }
0x7f: {  	_ =	shalt  }
0x80: {  	_ =	shalt  }
0x81: {  	_ =	shalt  }
0x82: {  	_ =	shalt  }
0x83: {  	_ =	shalt  }
0x84: {  	_ =	shalt  }
0x85: {  	_ =	shalt  }
0x86: {  	_ =	shalt  }
0x87: {  	_ =	shalt  }
.Lfunc_end0:
.L_simem_size_0:
called_computation.4_lowered:
.L_overlay_start_0:
0x88: {  	s2 =	sld [smem:$0x3FD9]  }
0x89: {  	s3 =	sld [smem:$0x3FFE];
	_ =	sdelay $0x1  }
0x8a: {  	s1 =	srdreg.scid  }
0x8b: {  	s0 =	sand.u32 $0x1, s1  }
0x8c: {  	s16 =	sshll.u32 s0, $0xA;
	s2 =	sadd.s32 s3, s2  }
0x8d: {  	s2 =	sadd.s32 s2, s16  }
0x8e: {  	[smem:$0x3FBA] =	sst s2  }
0x8f: {  	_ = 	snop  }
0x90: {  	(tm) =	ssettm $0x1  }
0x91: {  	s17 =	sld [smem:$0x3FFB];
	_ =	sdelay $0x3  }
0x92: {  	_ =	strace s17  }
0x93: {  	s2 =	sld [smem:$0x3FFC];
	_ =	sdelay $0x3  }
0x94: {  	_ =	strace s2  }
0x95: {  	s2 =	sld [smem:$0x3FFD];
	_ =	sdelay $0x3  }
0x96: {  	_ =	strace s2  }
0x97: {  	_ =	strace $0x8FFFFFFF  }
0x98: {  	s18 =	sld [smem:$0x3FDB];
	_ =	sdelay $0x1  }
0x99: {  	s19 =	simm.s32 $_scs_section_size  }
0x9a: {  	s4 =	simm.s32 $_size__tile_overlayer_lowered;
	s5 =	simm.s32 $_tile_overlayer_lowered  }
0x9b: {  	s22 =	simm.s32 $0x1BFF;
	s21 =	sshll.u32 s5, $0x1;
	s2 =	sadd.s32 s19, s18  }
0x9c: {  	s6 =	simm.s32 $0x0;
	s20 =	sshll.u32 s4, $0x1;
	s4 =	sadd.s32 s21, s2  }
0x9d: {  	[timem:s6], [sflag:s22] =	dma.local [hbm:s4], s20  }
0x9e: {  	_ =	swait.ge [sflag:s22], s20  }
0x9f: {  	s3 =	ssub.s32 $0x0, s20;
	[sflag:s22] =	ssyncset.done $0x0  }
0xa0: {  	[sflag:s22] =	ssyncadd.s32 s3;
	_ =	sdelay $0x1  }
0xa1: {  	s23 =	simm.s32 $0x1B8B  }
0xa2: {  	_ =	swait.ge [sflag:s23], $0x1  }
0xa3: {  	[sflag:s23] =	ssyncset.done $0x0  }
0xa4: {  	s25 =	simm.s32 $0x1B8E;
	s24 =	sld [smem:$0x3FFE];
	[sflag:s23] =	ssyncadd.s32 $0xFFFFFFFF  }
0xa5: {  	s26 =	simm.s32 $execute0_lowered;
	[smem:$0x3FD2] =	sst s25  }
0xa6: {  	s4 =	sshll.u32 s26, $0x1;
	_ =	strace $0x80000052;
	[dreg:$0x1] =	wrdreg $0xFFFFFFFF  }
0xa7: {  	s28 =	simm.s32 $_size_execute0_lowered;
	s2 =	sadd.s32 s2, s4;
	[dreg:$0x0] =	wrdreg $0x0  }
0xa8: {  	s4 =	sshll.u32 s28, $0x1;
	[dreg:$0x2] =	wrdreg s2  }
0xa9: {  	[dreg:$0x3] =	wrdreg s4  }
0xaa: {  	[dreg:$0x4] =	wrdreg $0xC0  }
0xab: {  	_ =	task [dreg:s6], $0x5FFFF  }
0xac: {  	[dreg:$0x1] =	wrdreg $0xFFFFFFFF  }
0xad: {  	[dreg:$0x0] =	wrdreg $0x60  }
0xae: {  	[dreg:$0x2] =	wrdreg s24  }
0xaf: {  	[dreg:$0x3] =	wrdreg $0x41000  }
0xb0: {  	[dreg:$0x4] =	wrdreg $0x9  }
0xb1: {  	_ =	task.clear_ibuf [dreg:s6], $0x5FFFF;
	_ =	strace $0x90000052  }
0xb2: {  	s29 =	simm.s32 $0x9;
	_ =	strace $0x80000054  }
0xb3: {  	_ =	swait.ge [sflag:s29], $0x1  }
0xb4: {  	[sflag:s29] =	ssyncadd.s32 $0xFFFFFFFF  }
0xb5: {  	_ =	strace $0x90000054  }
0xb6: {  	_ =	sfence  }
0xb7: {  	s30 =	sld [smem:$0x0];
	_ =	sdelay $0x2  }
0xb8: {  	s31 =	sshll.u32 s1, $0xD;
	s1 =	sshrl.u32 s1, $0x2  }
0xb9: {  	s3 =	sand.u32 $0x4000, s31;
	s1 =	sadd.s32 s1, s30  }
0xba: {  	s0 =	sor.u32 s3, s0;
	s1 =	sshll.u32 s1, $0x11  }
0xbb: {  	s0 =	sor.u32 s1, s0  }
0xbc: {  	s0 =	sadd.s32 $0x8F2B, s0  }
0xbd: {  	[sflag:s0] =	ssyncadd.remote.s32 $0x1  }
0xbe: {  	_ =	sfence.sel $0xFFFF  }
0xbf: {  	[dreg:$0x0] =	wrdreg $0xFFFFFFFF;
	(pc) =	sbr.abs _section_cstart, $3  }
0xc0: {  	[dreg:$0x1] =	wrdreg $0xFFFFFFFF  }
0xc1: {  	_ =	task.clear_ibuf [dreg:s6], $0x2FFFF;
	_ =	strace $0x9FFFFFFF  }
0xc2: {  	(tm) =	ssettm $0x7FFFFFFF  }
0xc3: {  	_ =	shalt  }
tec
execute0_lowered:
.L_overlay_start_1:
0x0: {  	(tag) =	ssettag $0x1  }
0x1: {  	s5 =	rddreg [dreg:$0x0]  }
0x2: {  	s2 =	rddreg [dreg:$0x1];
	s3 =	srdreg.scid  }
0x3: {  	s0 =	rddreg [dreg:$0x2];
	s1 =	stileid.u32  }
0x4: {  	s13 =	simm.s32 $0x80;
	s14 =	simm.s32 $0x100;
	s15 =	simm.s32 $0x1  }
0x5: {  	s6 =	sand.u32 $0x1, s3;
	s3 =	simm.s32 $0x0;
	s16 =	smul.u32 $0x2800, s1  }
0x6: {  	s7 =	sshll.u32 s1, $0x7;
	s11 =	smul.u32 $0x50000, s1;
	s31 =	sshll.u32 s1, $0x6  }
0x7: {  	s4 =	sshll.u32 s6, $0xB;
	[smem:$0x7FF] =	sst s3;
	s26 =	smul.u32 $0x28000, s6  }
0x8: {  	s9 =	ssub.s32 $0x2, s6;
	s6 =	sshll.u32 s6, $0x4;
	s4 =	sor.u32 s7, s4  }
0x9: {  	_ =	strace $0x80000053;
	s8 =	sadd.s32 s16, s5;
	s28 =	sshrl.u32 s9, $0x1  }
0xa: {  	s29 =	sor.u32 s1, s6;
	s30 =	sshrl.u32 s11, $0x2;
	s6 =	sor.u32 $0x1C02, s31  }
0xb: {  	s7 =	sshrl.u32 s4, $0x3;
	s4 =	sadd.s32 $0x4A800, s5;
	s12 =	sadd.s32 s26, s5  }
0xc: {  	s9 =	ssub.s32 s9, s28;
	s11 =	sadd.s32 s30, s2;
	p0 =	slt.u32 s29, $0x4  }
0xd: {  	s10 =	sadd.s32 s7, s5;
	s5 =	sadd.s32 $0x22800, s8;
	s7 =	simm.s32 $0x4F  }
0xe: {  	s17 =	sadd.s32 $0x71A00, s12;
	s8 =	smax.u32 s9, $0x1;
	s11 =	sshrl.u32 s11, $0x3  }
0xf: {  	s12 =	simm.s32 $0x2;
	s7 =	simm.s32 @!p0 $0x4E;
	s9 =	sadd.s32 $0x18000, s10  }
0x10: {  	s10 =	sadd.s32 $0xE000, s10;
	s16 =	sadd.s32 s16, s17;
	s17 =	simm.s32 $0x0  }
.LBB2_1:
0x11: {  	[spmem:s11], [sflag:s6] =	dma.local [hbm:s5], $0x2800  }
0x12: {  	_ =	swait.ge [sflag:s12], $0x2800  }
0x13: {  	[sflag:s12] =	ssyncset.done $0x0  }
0x14: {  	[sflag:s12] =	ssyncadd.s32 $0xFFFFD800  }
0x15: {  	[bflag:$0x0] =	sbarrier.arrive $0xFFFF  }
0x16: {  	[tilespmem:s3], [sflag:$0x2] =	stream.linear.gather [hbm4b:s10+s3], $0x80, $0x38;
	[tilespmem:$0x18100] =	vst v63  }
0x17: {  	_ =	swait.ge [sflag:s12], $0x80  }
0x18: {  	[sflag:s12] =	ssyncset.done $0x0  }
0x19: {  	[sflag:s12] =	ssyncadd.s32 $0xFFFFFF80  }
0x1a: {  	[tilespmem:s14], [sflag:$0x1] =	stream.indirect.gather [hbm4b:s4+s13], $0x80, s3, s13, $0xb8;
	[tilespmem:$0x18100] =	vst v63  }
0x1b: {  	_ =	swait.ge [sflag:s15], $0x4000  }
0x1c: {  	[sflag:s15] =	ssyncset.done $0x0  }
0x1d: {  	[sflag:s15] =	ssyncadd.s32 $0xFFFFC000  }
0x1e: {  	[tilespmem:s13], [sflag:$0x2] =	stream.linear.gather [hbm4b:s9+s3], $0x80, $0x38;
	[tilespmem:$0x18100] =	vst v63  }
0x1f: {  	p0 =	sne.s32 s7, $0x1;
	_ =	swait.ge [sflag:s12], $0x80  }
.Ltmp0:
0x20: {  	[sflag:s12] =	ssyncset.done $0x0;
	(pc) =	sbr.rel @!p0 .LBB2_3-.Ltmp0, $4  }
0x21: {  	[sflag:s12] =	ssyncadd.s32 $0xFFFFFF80  }
0x22: {  	[spmem:s2] =	stream.indirect.scatter.add.f32 [tilespmem:s14], [sflag:$0x2], $0x80, s13, s13, $0xb8;
	[tilespmem:$0x18100] =	vst v63  }
0x23: {  	s18 =	sadd.s32 $0xFFFFFFFF, s7;
	_ =	swait.ge [sflag:s12], $0x4000  }
0x24: {  	s19 =	smov.u32 s9;
	s20 =	smov.u32 s10;
	[sflag:s12] =	ssyncset.done $0x0  }
.LBB2_2:
0x25: {  	[sflag:s12] =	ssyncadd.s32 $0xFFFFC000;
	s19 =	sadd.s32 $0x200, s19;
	s20 =	sadd.s32 $0x200, s20  }
0x26: {  	[tilespmem:s3], [sflag:$0x2] =	stream.linear.gather [hbm4b:s20+s3], $0x80, $0x38;
	[tilespmem:$0x18100] =	vst v63  }
0x27: {  	p0 =	sne.s32 s18, $0x1;
	s18 =	sadd.s32 $0xFFFFFFFF, s18;
	_ =	swait.ge [sflag:s12], $0x80  }
0x28: {  	[sflag:s12] =	ssyncset.done $0x0  }
0x29: {  	[sflag:s12] =	ssyncadd.s32 $0xFFFFFF80  }
0x2a: {  	[tilespmem:s14], [sflag:$0x1] =	stream.indirect.gather [hbm4b:s4+s13], $0x80, s3, s13, $0xb8;
	[tilespmem:$0x18100] =	vst v63  }
0x2b: {  	_ =	swait.ge [sflag:s15], $0x4000  }
0x2c: {  	[sflag:s15] =	ssyncset.done $0x0  }
0x2d: {  	[sflag:s15] =	ssyncadd.s32 $0xFFFFC000  }
0x2e: {  	[tilespmem:s13], [sflag:$0x2] =	stream.linear.gather [hbm4b:s19+s3], $0x80, $0x38;
	[tilespmem:$0x18100] =	vst v63  }
0x2f: {  	_ =	swait.ge [sflag:s12], $0x80  }
.Ltmp1:
0x30: {  	[sflag:s12] =	ssyncset.done $0x0;
	(pc) =	sbr.rel @p0 .LBB2_2-.Ltmp1, $4  }
0x31: {  	[sflag:s12] =	ssyncadd.s32 $0xFFFFFF80  }
0x32: {  	[spmem:s2] =	stream.indirect.scatter.add.f32 [tilespmem:s14], [sflag:$0x2], $0x80, s13, s13, $0xb8;
	[tilespmem:$0x18100] =	vst v63  }
0x33: {  	_ =	swait.ge [sflag:s12], $0x4000  }
0x34: {  	[sflag:s12] =	ssyncset.done $0x0  }
.LBB2_3:
0x35: {  	s17 =	sadd.s32 $0x1, s17  }
0x36: {  	[sflag:s12] =	ssyncadd.s32 $0xFFFFC000;
	p0 =	sne.s32 s17, s8  }
.Ltmp2:
0x37: {  	[bflag:$0x0] =	sbarrier.arrive $0xFFFF;
	(pc) =	sbr.rel @p0 .LBB2_1-.Ltmp2, $4  }
0x38: {  	[hbm:s16], [sflag:s6] =	dma.local [spmem:s11], $0x2800  }
0x39: {  	_ =	swait.ge [sflag:s12], $0x2800  }
0x3a: {  	[sflag:s12] =	ssyncset.done $0x0  }
0x3b: {  	[sflag:s12] =	ssyncadd.s32 $0xFFFFD800  }
0x3c: {  	_ =	sfence.sel $0x180000  }
0x3d: {  	[bflag:$0x0] =	sbarrier.arrive $0xFFFF  }
0x3e: {  	p0 =	sne.s32 s1, $0x0;
	_ =	strace $0x90000053  }
0x3f: {  	s0 =	sadd.s32 @!p0 $0x100000, s0;
	[bflag:$0x2] =	sbarrier.arrive $0xFFFF  }
0x40: {  	[sflag:s0] =	ssyncadd.tile.s32 @!p0 $0x1;
	_ =	shalt  }
.Lfunc_end2:
_tile_overlayer_lowered:
.L_overlay_start_2:
0x41: {  	(tag) =	ssettag $0x2  }
0x42: {  	s0 =	rddreg [dreg:$0x0];
	s2 =	stileid.u32  }
0x43: {  	s1 =	rddreg [dreg:$0x1];
	p0 =	sne.s32 s2, $0x0  }
0x44: {  	s3 =	rddreg [dreg:$0x2];
	[bflag:$0x3] =	sbarrier.arrive $0xFFFF;
	s2 =	simm.s32 @!p0 $0x1C02  }
0x45: {  	[timem:s3], [sflag:s2] =	dma.local @!p0 [hbm:s0], s1  }
0x46: {  	s0 =	simm.s32 @!p0 $0x2  }
0x47: {  	_ =	swait.ge @!p0 [sflag:s0], s1  }
0x48: {  	s1 =	ssub.s32 @!p0 $0x0, s1;
	[sflag:s0] =	ssyncset.done @!p0 $0x0  }
0x49: {  	[sflag:s0] =	ssyncadd.s32 @!p0 s1  }
0x4a: {  	[bflag:$0x3] =	sbarrier.arrive $0xFFFF  }
0x4b: {  	_ =	shalt  }

// kernel: kernel.29.cloned.1.call-start
scs
__scs_entry_jumppad:
0x0: {  	(pc) =	sbr.rel $0x88, $3  }
0x1: {  	(tag) =	ssettag $0x0;
	lr =	simm.s32 $0x1  }
0x2: {  	[smem:$0x3F93] =	sst lr;
	_ =	strace $0xD0000000  }
0x3: {  	_ = 	snop  }
0x4: {  	_ = 	snop  }
0x5: {  	_ = 	snop  }
0x6: {  	_ = 	snop  }
0x7: {  	_ = 	snop  }
__scs_overlays_trampoline_lowered:
0x8: {  	[smem:$0x3FA2] =	sst s0  }
0x9: {  	[smem:$0x3FA3] =	sst s1  }
0xa: {  	[smem:$0x3FA4] =	sst s2  }
0xb: {  	[smem:$0x3FA5] =	sst s3  }
0xc: {  	[smem:$0x3FA6] =	sst s4  }
0xd: {  	[smem:$0x3FA7] =	sst s5  }
0xe: {  	[smem:$0x3FA8] =	sst s6  }
0xf: {  	[smem:$0x3FA9] =	sst s7  }
0x10: {  	[smem:$0x3FAA] =	sst s8  }
0x11: {  	[smem:$0x3FAB] =	sst s9;
	s0 =	simm.s32 @!p0 $0x0  }
0x12: {  	s1 =	sld [smem:$0x3F91];
	s0 =	simm.s32 @p0 $0x1  }
0x13: {  	[smem:$0x3FAC] =	sst s0;
	s0 =	simm.s32 @!p1 $0x0  }
0x14: {  	s2 =	sld [smem:$0x3F90];
	s0 =	simm.s32 @p1 $0x1  }
0x15: {  	[smem:$0x3FAD] =	sst s0;
	s0 =	simm.s32 @!p2 $0x0  }
0x16: {  	s3 =	sld [smem:$0x3FDB];
	s0 =	simm.s32 @p2 $0x1  }
0x17: {  	s4 =	simm.s32 $0x1BF5;
	[smem:$0x3FAF] =	sst s0  }
0x18: {  	s0 =	sld [smem:$0x3F92];
	_ =	swait.ge [sflag:s4], $0x0  }
0x19: {  	s7 =	sld [smem:$0x3F93]  }
0x1a: {  	s8 =	sadd.s32 $0xFFFFE003, lr  }
0x1b: {  	s9 =	sadd.s32 $0xFFFFFEF7, lr;
	s5 =	simm.s32 $0xFFFFFFFF;
	p2 =	slt.u32 s8, $0xFFFFF086  }
0x1c: {  	p1 =	slt.u32 s9, $0xF7A;
	s5 =	simm.s32 @!p2 $0x0  }
0x1d: {  	s5 =	simm.s32 @p1 $0x1;
	p0 =	seq.s32 s7, s2  }
0x1e: {  	s7 =	smul.u32 @!p0 $0xF7A, s2;
	p2 =	seq.s32 @!p0 s5, $0x0  }
0x1f: {  	s9 =	smul.u32 $0xF7A, s1;
	s8 =	simm.s32 @!p0 $0x1BF5;
	p2 =	por !p2, p0  }
0x20: {  	[sflag:s8] =	ssyncset.s32 @!p0 $0xFFFFF086;
	s6 =	sadd.s32 @!p0 s3, s7;
	s7 =	simm.s32 @!p0 $0x108  }
0x21: {  	s3 =	sadd.s32 s3, s9;
	s6 =	sadd.s32 @!p0 $0x88, s6;
	s7 =	simm.s32 @p2 $0x1082  }
0x22: {  	[simem:s7], [sflag:s8] =	dma.local @!p0 [hbm:s6], $0xF7A  }
0x23: {  	s9 =	sor.u32 $0xD0000000, s2;
	s6 =	simm.s32 $0x108;
	_ =	swait.ge @!p0 [sflag:s8], $0x0  }
0x24: {  	s3 =	sadd.s32 $0x88, s3;
	s6 =	simm.s32 @!p1 $0x1082;
	[sflag:s4] =	ssyncset.s32 $0xFFFFF086  }
0x25: {  	[simem:s6], [sflag:s4] =	dma.local [hbm:s3], $0xF7A  }
0x26: {  	[smem:$0x3F93] =	sst s1;
	(tag) =	ssettag s2;
	_ =	strace s9  }
0x27: {  	s1 =	sld [smem:$0x3FA3]  }
0x28: {  	s2 =	sld [smem:$0x3FA4]  }
0x29: {  	s4 =	sld [smem:$0x3FA6]  }
0x2a: {  	p0 =	seq.s32 s5, $0x0;
	s5 =	sld [smem:$0x3FA7]  }
0x2b: {  	s6 =	sld [smem:$0x3FA8]  }
0x2c: {  	s7 =	sld [smem:$0x3FA9]  }
0x2d: {  	s3 =	simm.s32 $0x108;
	s8 =	sld [smem:$0x3FAA]  }
0x2e: {  	s3 =	simm.s32 @!p0 $0x1082;
	s9 =	sld [smem:$0x3FAB]  }
0x2f: {  	lr =	sadd.s32 s0, s3;
	s0 =	sld [smem:$0x3FA2]  }
0x30: {  	s3 =	sld [smem:$0x3FA5]  }
0x31: {  	[smem:$0x3FAE] =	sst s10  }
0x32: {  	s10 =	sld [smem:$0x3FAC];
	_ =	sdelay $0x3  }
0x33: {  	p0 =	seq.s32 s10, $0x1;
	s10 =	sld [smem:$0x3FAE];
	_ =	sdelay $0x3  }
0x34: {  	[smem:$0x3FAE] =	sst s10  }
0x35: {  	s10 =	sld [smem:$0x3FAD];
	_ =	sdelay $0x3  }
0x36: {  	p1 =	seq.s32 s10, $0x1;
	s10 =	sld [smem:$0x3FAE];
	_ =	sdelay $0x3  }
0x37: {  	[smem:$0x3FAE] =	sst s10  }
0x38: {  	s10 =	sld [smem:$0x3FAF]  }
0x39: {  	_ = 	snop;
	(pc) =	sbr.ind lr, $3  }
0x3a: {  	_ = 	snop  }
0x3b: {  	_ = 	snop  }
0x3c: {  	p2 =	seq.s32 s10, $0x1;
	s10 =	sld [smem:$0x3FAE]  }
0x3d: {  	_ =	shalt  }
0x3e: {  	_ =	shalt  }
0x3f: {  	_ =	shalt  }
0x40: {  	_ =	shalt  }
0x41: {  	_ =	shalt  }
0x42: {  	_ =	shalt  }
0x43: {  	_ =	shalt  }
0x44: {  	_ =	shalt  }
0x45: {  	_ =	shalt  }
0x46: {  	_ =	shalt  }
0x47: {  	_ =	shalt  }
0x48: {  	_ =	shalt  }
0x49: {  	_ =	shalt  }
0x4a: {  	_ =	shalt  }
0x4b: {  	_ =	shalt  }
0x4c: {  	_ =	shalt  }
0x4d: {  	_ =	shalt  }
0x4e: {  	_ =	shalt  }
0x4f: {  	_ =	shalt  }
0x50: {  	_ =	shalt  }
0x51: {  	_ =	shalt  }
0x52: {  	_ =	shalt  }
0x53: {  	_ =	shalt  }
0x54: {  	_ =	shalt  }
0x55: {  	_ =	shalt  }
0x56: {  	_ =	shalt  }
0x57: {  	_ =	shalt  }
0x58: {  	_ =	shalt  }
0x59: {  	_ =	shalt  }
0x5a: {  	_ =	shalt  }
0x5b: {  	_ =	shalt  }
0x5c: {  	_ =	shalt  }
0x5d: {  	_ =	shalt  }
0x5e: {  	_ =	shalt  }
0x5f: {  	_ =	shalt  }
0x60: {  	_ =	shalt  }
0x61: {  	_ =	shalt  }
0x62: {  	_ =	shalt  }
0x63: {  	_ =	shalt  }
0x64: {  	_ =	shalt  }
0x65: {  	_ =	shalt  }
0x66: {  	_ =	shalt  }
0x67: {  	_ =	shalt  }
0x68: {  	_ =	shalt  }
0x69: {  	_ =	shalt  }
0x6a: {  	_ =	shalt  }
0x6b: {  	_ =	shalt  }
0x6c: {  	_ =	shalt  }
0x6d: {  	_ =	shalt  }
0x6e: {  	_ =	shalt  }
0x6f: {  	_ =	shalt  }
0x70: {  	_ =	shalt  }
0x71: {  	_ =	shalt  }
0x72: {  	_ =	shalt  }
0x73: {  	_ =	shalt  }
0x74: {  	_ =	shalt  }
0x75: {  	_ =	shalt  }
0x76: {  	_ =	shalt  }
0x77: {  	_ =	shalt  }
0x78: {  	_ =	shalt  }
0x79: {  	_ =	shalt  }
0x7a: {  	_ =	shalt  }
0x7b: {  	_ =	shalt  }
0x7c: {  	_ =	shalt  }
0x7d: {  	_ =	shalt  }
0x7e: {  	_ =	shalt  }
0x7f: {  	_ =	shalt  }
0x80: {  	_ =	shalt  }
0x81: {  	_ =	shalt  }
0x82: {  	_ =	shalt  }
0x83: {  	_ =	shalt  }
0x84: {  	_ =	shalt  }
0x85: {  	_ =	shalt  }
0x86: {  	_ =	shalt  }
0x87: {  	_ =	shalt  }
.Lfunc_end0:
.L_simem_size_0:
called_computation.5_lowered:
.L_overlay_start_0:
0x88: {  	s2 =	sld [smem:$0x3FD9]  }
0x89: {  	s3 =	sld [smem:$0x3FFE];
	_ =	sdelay $0x1  }
0x8a: {  	s1 =	srdreg.scid  }
0x8b: {  	s0 =	sand.u32 $0x1, s1  }
0x8c: {  	s16 =	sshll.u32 s0, $0xA;
	s2 =	sadd.s32 s3, s2  }
0x8d: {  	s2 =	sadd.s32 s2, s16  }
0x8e: {  	[smem:$0x3FBA] =	sst s2  }
0x8f: {  	_ = 	snop  }
0x90: {  	(tm) =	ssettm $0x1  }
0x91: {  	s17 =	sld [smem:$0x3FFB];
	_ =	sdelay $0x3  }
0x92: {  	_ =	strace s17  }
0x93: {  	s2 =	sld [smem:$0x3FFC];
	_ =	sdelay $0x3  }
0x94: {  	_ =	strace s2  }
0x95: {  	s2 =	sld [smem:$0x3FFD];
	_ =	sdelay $0x3  }
0x96: {  	_ =	strace s2  }
0x97: {  	_ =	strace $0x8FFFFFFF  }
0x98: {  	s18 =	sld [smem:$0x3FDB];
	_ =	sdelay $0x1  }
0x99: {  	s19 =	simm.s32 $_scs_section_size  }
0x9a: {  	s4 =	simm.s32 $_size__tile_overlayer_lowered;
	s5 =	simm.s32 $_tile_overlayer_lowered  }
0x9b: {  	s22 =	simm.s32 $0x1BFF;
	s21 =	sshll.u32 s5, $0x1;
	s2 =	sadd.s32 s19, s18  }
0x9c: {  	s6 =	simm.s32 $0x0;
	s20 =	sshll.u32 s4, $0x1;
	s4 =	sadd.s32 s21, s2  }
0x9d: {  	[timem:s6], [sflag:s22] =	dma.local [hbm:s4], s20  }
0x9e: {  	_ =	swait.ge [sflag:s22], s20  }
0x9f: {  	s3 =	ssub.s32 $0x0, s20;
	[sflag:s22] =	ssyncset.done $0x0  }
0xa0: {  	[sflag:s22] =	ssyncadd.s32 s3;
	_ =	sdelay $0x1  }
0xa1: {  	s23 =	simm.s32 $0x1B8B  }
0xa2: {  	_ =	swait.ge [sflag:s23], $0x1  }
0xa3: {  	[sflag:s23] =	ssyncset.done $0x0  }
0xa4: {  	s25 =	simm.s32 $0x1B8E;
	s24 =	sld [smem:$0x3FFE];
	[sflag:s23] =	ssyncadd.s32 $0xFFFFFFFF  }
0xa5: {  	s26 =	simm.s32 $execute0_lowered;
	[smem:$0x3FD2] =	sst s25  }
0xa6: {  	s4 =	sshll.u32 s26, $0x1;
	_ =	strace $0x80000055;
	[dreg:$0x1] =	wrdreg $0xFFFFFFFF  }
0xa7: {  	s28 =	simm.s32 $_size_execute0_lowered;
	s2 =	sadd.s32 s2, s4;
	[dreg:$0x0] =	wrdreg $0x0  }
0xa8: {  	s4 =	sshll.u32 s28, $0x1;
	[dreg:$0x2] =	wrdreg s2  }
0xa9: {  	[dreg:$0x3] =	wrdreg s4  }
0xaa: {  	[dreg:$0x4] =	wrdreg $0xC0  }
0xab: {  	_ =	task [dreg:s6], $0x5FFFF  }
0xac: {  	[dreg:$0x1] =	wrdreg $0xFFFFFFFF  }
0xad: {  	[dreg:$0x0] =	wrdreg $0x60  }
0xae: {  	[dreg:$0x2] =	wrdreg s24  }
0xaf: {  	[dreg:$0x3] =	wrdreg $0x41000  }
0xb0: {  	[dreg:$0x4] =	wrdreg $0x9  }
0xb1: {  	_ =	task.clear_ibuf [dreg:s6], $0x5FFFF;
	_ =	strace $0x90000055  }
0xb2: {  	s29 =	simm.s32 $0x9;
	_ =	strace $0x80000057  }
0xb3: {  	_ =	swait.ge [sflag:s29], $0x1  }
0xb4: {  	[sflag:s29] =	ssyncadd.s32 $0xFFFFFFFF  }
0xb5: {  	_ =	strace $0x90000057  }
0xb6: {  	_ =	sfence  }
0xb7: {  	s30 =	sld [smem:$0x0];
	_ =	sdelay $0x2  }
0xb8: {  	s31 =	sshll.u32 s1, $0xD;
	s1 =	sshrl.u32 s1, $0x2  }
0xb9: {  	s3 =	sand.u32 $0x4000, s31;
	s1 =	sadd.s32 s1, s30  }
0xba: {  	s0 =	sor.u32 s3, s0;
	s1 =	sshll.u32 s1, $0x11  }
0xbb: {  	s0 =	sor.u32 s1, s0  }
0xbc: {  	s0 =	sadd.s32 $0x8F2B, s0  }
0xbd: {  	[sflag:s0] =	ssyncadd.remote.s32 $0x1  }
0xbe: {  	_ =	sfence.sel $0xFFFF  }
0xbf: {  	[dreg:$0x0] =	wrdreg $0xFFFFFFFF;
	(pc) =	sbr.abs _section_cstart, $3  }
0xc0: {  	[dreg:$0x1] =	wrdreg $0xFFFFFFFF  }
0xc1: {  	_ =	task.clear_ibuf [dreg:s6], $0x2FFFF;
	_ =	strace $0x9FFFFFFF  }
0xc2: {  	(tm) =	ssettm $0x7FFFFFFF  }
0xc3: {  	_ =	shalt  }
tec
execute0_lowered:
.L_overlay_start_1:
0x0: {  	(tag) =	ssettag $0x1  }
0x1: {  	s5 =	rddreg [dreg:$0x0]  }
0x2: {  	s2 =	rddreg [dreg:$0x1];
	s3 =	srdreg.scid  }
0x3: {  	s0 =	rddreg [dreg:$0x2];
	s1 =	stileid.u32  }
0x4: {  	s13 =	simm.s32 $0x80;
	s14 =	simm.s32 $0x100;
	s15 =	simm.s32 $0x1  }
0x5: {  	s6 =	sand.u32 $0x1, s3;
	s3 =	simm.s32 $0x0;
	s16 =	smul.u32 $0x2800, s1  }
0x6: {  	s7 =	sshll.u32 s1, $0x7;
	s11 =	smul.u32 $0x50000, s1;
	s31 =	sshll.u32 s1, $0x6  }
0x7: {  	s4 =	sshll.u32 s6, $0xB;
	[smem:$0x7FF] =	sst s3;
	s26 =	smul.u32 $0x28000, s6  }
0x8: {  	s9 =	ssub.s32 $0x2, s6;
	s6 =	sshll.u32 s6, $0x4;
	s4 =	sor.u32 s7, s4  }
0x9: {  	_ =	strace $0x80000056;
	s8 =	sadd.s32 s16, s5;
	s28 =	sshrl.u32 s9, $0x1  }
0xa: {  	s29 =	sor.u32 s1, s6;
	s30 =	sshrl.u32 s11, $0x2;
	s6 =	sor.u32 $0x1C02, s31  }
0xb: {  	s7 =	sshrl.u32 s4, $0x3;
	s4 =	sadd.s32 $0x4A800, s5;
	s12 =	sadd.s32 s26, s5  }
0xc: {  	s9 =	ssub.s32 s9, s28;
	s11 =	sadd.s32 s30, s2;
	p0 =	slt.u32 s29, $0x4  }
0xd: {  	s10 =	sadd.s32 s7, s5;
	s5 =	sadd.s32 $0x22800, s8;
	s7 =	simm.s32 $0x4F  }
0xe: {  	s17 =	sadd.s32 $0x71A00, s12;
	s8 =	smax.u32 s9, $0x1;
	s11 =	sshrl.u32 s11, $0x3  }
0xf: {  	s12 =	simm.s32 $0x2;
	s7 =	simm.s32 @!p0 $0x4E;
	s9 =	sadd.s32 $0x18000, s10  }
0x10: {  	s10 =	sadd.s32 $0xE000, s10;
	s16 =	sadd.s32 s16, s17;
	s17 =	simm.s32 $0x0  }
.LBB2_1:
0x11: {  	[spmem:s11], [sflag:s6] =	dma.local [hbm:s5], $0x2800  }
0x12: {  	_ =	swait.ge [sflag:s12], $0x2800  }
0x13: {  	[sflag:s12] =	ssyncset.done $0x0  }
0x14: {  	[sflag:s12] =	ssyncadd.s32 $0xFFFFD800  }
0x15: {  	[bflag:$0x0] =	sbarrier.arrive $0xFFFF  }
0x16: {  	[tilespmem:s3], [sflag:$0x2] =	stream.linear.gather [hbm4b:s10+s3], $0x80, $0x38;
	[tilespmem:$0x18100] =	vst v63  }
0x17: {  	_ =	swait.ge [sflag:s12], $0x80  }
0x18: {  	[sflag:s12] =	ssyncset.done $0x0  }
0x19: {  	[sflag:s12] =	ssyncadd.s32 $0xFFFFFF80  }
0x1a: {  	[tilespmem:s14], [sflag:$0x1] =	stream.indirect.gather [hbm4b:s4+s13], $0x80, s3, s13, $0xb8;
	[tilespmem:$0x18100] =	vst v63  }
0x1b: {  	_ =	swait.ge [sflag:s15], $0x4000  }
0x1c: {  	[sflag:s15] =	ssyncset.done $0x0  }
0x1d: {  	[sflag:s15] =	ssyncadd.s32 $0xFFFFC000  }
0x1e: {  	[tilespmem:s13], [sflag:$0x2] =	stream.linear.gather [hbm4b:s9+s3], $0x80, $0x38;
	[tilespmem:$0x18100] =	vst v63  }
0x1f: {  	p0 =	sne.s32 s7, $0x1;
	_ =	swait.ge [sflag:s12], $0x80  }
.Ltmp0:
0x20: {  	[sflag:s12] =	ssyncset.done $0x0;
	(pc) =	sbr.rel @!p0 .LBB2_3-.Ltmp0, $4  }
0x21: {  	[sflag:s12] =	ssyncadd.s32 $0xFFFFFF80  }
0x22: {  	[spmem:s2] =	stream.indirect.scatter.add.f32 [tilespmem:s14], [sflag:$0x2], $0x80, s13, s13, $0xb8;
	[tilespmem:$0x18100] =	vst v63  }
0x23: {  	s18 =	sadd.s32 $0xFFFFFFFF, s7;
	_ =	swait.ge [sflag:s12], $0x4000  }
0x24: {  	s19 =	smov.u32 s9;
	s20 =	smov.u32 s10;
	[sflag:s12] =	ssyncset.done $0x0  }
.LBB2_2:
0x25: {  	[sflag:s12] =	ssyncadd.s32 $0xFFFFC000;
	s19 =	sadd.s32 $0x200, s19;
	s20 =	sadd.s32 $0x200, s20  }
0x26: {  	[tilespmem:s3], [sflag:$0x2] =	stream.linear.gather [hbm4b:s20+s3], $0x80, $0x38;
	[tilespmem:$0x18100] =	vst v63  }
0x27: {  	p0 =	sne.s32 s18, $0x1;
	s18 =	sadd.s32 $0xFFFFFFFF, s18;
	_ =	swait.ge [sflag:s12], $0x80  }
0x28: {  	[sflag:s12] =	ssyncset.done $0x0  }
0x29: {  	[sflag:s12] =	ssyncadd.s32 $0xFFFFFF80  }
0x2a: {  	[tilespmem:s14], [sflag:$0x1] =	stream.indirect.gather [hbm4b:s4+s13], $0x80, s3, s13, $0xb8;
	[tilespmem:$0x18100] =	vst v63  }
0x2b: {  	_ =	swait.ge [sflag:s15], $0x4000  }
0x2c: {  	[sflag:s15] =	ssyncset.done $0x0  }
0x2d: {  	[sflag:s15] =	ssyncadd.s32 $0xFFFFC000  }
0x2e: {  	[tilespmem:s13], [sflag:$0x2] =	stream.linear.gather [hbm4b:s19+s3], $0x80, $0x38;
	[tilespmem:$0x18100] =	vst v63  }
0x2f: {  	_ =	swait.ge [sflag:s12], $0x80  }
.Ltmp1:
0x30: {  	[sflag:s12] =	ssyncset.done $0x0;
	(pc) =	sbr.rel @p0 .LBB2_2-.Ltmp1, $4  }
0x31: {  	[sflag:s12] =	ssyncadd.s32 $0xFFFFFF80  }
0x32: {  	[spmem:s2] =	stream.indirect.scatter.add.f32 [tilespmem:s14], [sflag:$0x2], $0x80, s13, s13, $0xb8;
	[tilespmem:$0x18100] =	vst v63  }
0x33: {  	_ =	swait.ge [sflag:s12], $0x4000  }
0x34: {  	[sflag:s12] =	ssyncset.done $0x0  }
.LBB2_3:
0x35: {  	s17 =	sadd.s32 $0x1, s17  }
0x36: {  	[sflag:s12] =	ssyncadd.s32 $0xFFFFC000;
	p0 =	sne.s32 s17, s8  }
.Ltmp2:
0x37: {  	[bflag:$0x0] =	sbarrier.arrive $0xFFFF;
	(pc) =	sbr.rel @p0 .LBB2_1-.Ltmp2, $4  }
0x38: {  	[hbm:s16], [sflag:s6] =	dma.local [spmem:s11], $0x2800  }
0x39: {  	_ =	swait.ge [sflag:s12], $0x2800  }
0x3a: {  	[sflag:s12] =	ssyncset.done $0x0  }
0x3b: {  	[sflag:s12] =	ssyncadd.s32 $0xFFFFD800  }
0x3c: {  	_ =	sfence.sel $0x180000  }
0x3d: {  	[bflag:$0x0] =	sbarrier.arrive $0xFFFF  }
0x3e: {  	p0 =	sne.s32 s1, $0x0;
	_ =	strace $0x90000056  }
0x3f: {  	s0 =	sadd.s32 @!p0 $0x100000, s0;
	[bflag:$0x2] =	sbarrier.arrive $0xFFFF  }
0x40: {  	[sflag:s0] =	ssyncadd.tile.s32 @!p0 $0x1;
	_ =	shalt  }
.Lfunc_end2:
_tile_overlayer_lowered:
.L_overlay_start_2:
0x41: {  	(tag) =	ssettag $0x2  }
0x42: {  	s0 =	rddreg [dreg:$0x0];
	s2 =	stileid.u32  }
0x43: {  	s1 =	rddreg [dreg:$0x1];
	p0 =	sne.s32 s2, $0x0  }
0x44: {  	s3 =	rddreg [dreg:$0x2];
	[bflag:$0x3] =	sbarrier.arrive $0xFFFF;
	s2 =	simm.s32 @!p0 $0x1C02  }
0x45: {  	[timem:s3], [sflag:s2] =	dma.local @!p0 [hbm:s0], s1  }
0x46: {  	s0 =	simm.s32 @!p0 $0x2  }
0x47: {  	_ =	swait.ge @!p0 [sflag:s0], s1  }
0x48: {  	s1 =	ssub.s32 @!p0 $0x0, s1;
	[sflag:s0] =	ssyncset.done @!p0 $0x0  }
0x49: {  	[sflag:s0] =	ssyncadd.s32 @!p0 s1  }
0x4a: {  	[bflag:$0x3] =	sbarrier.arrive $0xFFFF  }
0x4b: {  	_ =	shalt  }

</sc_bundles>
